<compile_context>
chip_gen: v7x
topology: tpu7x:2x2x1
jax: 0.10.2.dev20260603
libtpu: 0.0.44.dev20260713+nightly
codegen_flags: <defaults>
</compile_context>

<pallas_src>
import jax
import jax.numpy as jnp
from jax.experimental import pallas as pl
from jax.experimental.pallas import tpu as pltpu
from jax.experimental.pallas import tpu_sc as plsc

_WINDOW = 800
_PCHUNK = 2048


def _pack_body(xa_ref, xb_ref, o_ref):
    o_ref[...] = jnp.concatenate([xa_ref[...].T, xb_ref[...].T], axis=1)


def _pack_table(wt, npairs):
    h, v = wt.shape
    maxb = -(-v // _PCHUNK) - 1
    return pl.pallas_call(
        _pack_body,
        grid=(npairs,),
        in_specs=[
            pl.BlockSpec((h, _PCHUNK), lambda i: (0, 2 * i)),
            pl.BlockSpec(
                (h, _PCHUNK), lambda i: (0, jnp.minimum(2 * i + 1, maxb))
            ),
        ],
        out_specs=pl.BlockSpec((_PCHUNK, 2 * h), lambda i: (i, 0)),
        out_shape=jax.ShapeDtypeStruct((npairs * _PCHUNK, 2 * h), wt.dtype),
        compiler_params=pltpu.CompilerParams(
            dimension_semantics=("parallel",)
        ),
    )(wt, wt)


def _make_untranspose_body(h, half_b):
    def body(*refs):
        x_ref, o_ref = refs[0], refs[-1]
        x = x_ref[...]
        o_ref[0, :, :half_b] = x[:, :h].T
        o_ref[0, :, half_b:] = x[:, h:].T

    return body


def _rows_to_out(rows2, prev, ll, b, h, l_off):
    hb = b // 2
    grid_l = (2 * rows2.shape[0]) // b
    in_specs = [pl.BlockSpec((hb, 2 * h), lambda l: (l, 0))]
    operands = [rows2]
    aliases = {}
    if prev is not None:
        in_specs.append(pl.BlockSpec(memory_space=pltpu.MemorySpace.HBM))
        operands.append(prev)
        aliases = {1: 0}
    return pl.pallas_call(
        _make_untranspose_body(h, hb),
        grid=(grid_l,),
        in_specs=in_specs,
        out_specs=pl.BlockSpec((1, h, b), lambda l: (l + l_off, 0, 0)),
        out_shape=jax.ShapeDtypeStruct((ll, h, b), rows2.dtype),
        input_output_aliases=aliases,
        compiler_params=pltpu.CompilerParams(
            dimension_semantics=("arbitrary",)
        ),
    )(*operands)


def _sc_gather(table, idx, n, h):
    mesh = plsc.VectorSubcoreMesh(
        core_axis_name="core", subcore_axis_name="subcore"
    )

    @pl.kernel(
        out_type=jax.ShapeDtypeStruct((n, h), table.dtype),
        mesh=mesh,
        compiler_params=pltpu.CompilerParams(use_tc_tiling_on_sc=False),
    )
    def run(table_hbm, idx_hbm, out_hbm):
        def body(i_vmem, o_vmem):
            pltpu.sync_copy(table_hbm.at[i_vmem.at[0]], o_vmem)

        pltpu.emit_pipeline(
            body,
            grid=(n // _WINDOW,),
            in_specs=[
                pl.BlockSpec((1, _WINDOW), index_map=lambda i: (0, i))
            ],
            out_specs=[
                pl.BlockSpec((_WINDOW, h), index_map=lambda i: (i, 0))
            ],
            core_axis_name=("core", "subcore"),
            dimension_semantics=(pltpu.PARALLEL,),
        )(idx_hbm, out_hbm)

    return run(table, idx)


def kernel(inputs, weight):
    b, ll = inputs.shape
    v, h = weight.shape
    n = b * ll
    npairs = -(-v // (2 * _PCHUNK))
    vpad = npairs * 2 * _PCHUNK

    wt = weight.T

    packed = _pack_table(wt, npairs)
    table_lin = packed.reshape(vpad, h)

    s = jnp.arange(b, dtype=jnp.int32)
    perm = (s % 2) * (b // 2) + s // 2
    idx_t = inputs.T.astype(jnp.int32)
    be = idx_t // _PCHUNK
    j_t = ((be // 2) * _PCHUNK + (idx_t % _PCHUNK)) * 2 + (be % 2)
    j = jnp.take(j_t, perm, axis=1).reshape(1, n)

    k = 8
    nh = n // k
    lh = ll // k
    out_t = None
    for i in range(k):
        rows_i = _sc_gather(table_lin, j[:, i * nh : (i + 1) * nh], nh, h)
        out_t = _rows_to_out(
            rows_i.reshape(nh // 2, 2 * h), out_t, ll, b, h, i * lh
        )
    return jnp.transpose(out_t, (2, 0, 1))

# --- scband reference (transcript-rebuilt; emitter-appended) ---
"""Pipeline reference for scband-flax-bert-embedding-14559939133921 (READ-ONLY COPY).

The authoritative reference and input builder live on the scoring server;
editing this copy changes nothing except your own understanding.
"""

import jax, jax.numpy as jnp
import numpy as np

VOCAB = 1000000
HIDDEN = 64
B = 4096
L = 200

def setup_inputs(seed: int = 0) -> dict:
    key = jax.random.key(seed)
    k_idx, k_w = jax.random.split(key)
    inputs = jax.random.randint(k_idx, (B, L), 0, VOCAB, dtype=jnp.int64 if jax.config.jax_enable_x64 else jnp.int32)
    weight = jax.random.normal(k_w, (VOCAB, HIDDEN), dtype=jnp.float32) * 0.2
    return {"inputs": inputs, "weight": weight}

def reference(inputs, weight):
    # FlaxBertEmbedding.__call__: jnp.take(embedding, inputs, axis=0)
    return jnp.take(weight, inputs, axis=0)

if __name__ == "__main__":
    import jax
    _d = setup_inputs()
    print(jax.jit(kernel)(*tuple(_d.values())))

</pallas_src>

<mosaic_0001>
#map = affine_map<(d0, d1) -> (0, 0)>
module attributes {stable_mosaic.version = 14 : i64} {
  func.func @run(%arg0: i32, %arg1: i32, %arg2: memref<1003520x64xf32, #tpu.memory_space<hbm>>, %arg3: memref<1x102400xi32, #tpu.memory_space<hbm>>, %arg4: memref<102400x64xf32, #tpu.memory_space<hbm>>) attributes {dimension_semantics = [#tpu.dimension_semantics<core_parallel>, #tpu.dimension_semantics<subcore_parallel>], iteration_bounds = array<i64: 2, 16>, scalar_prefetch = 0 : i64, scratch_operands = 0 : i64, tpu.core_type = #tpu.core_type<sc_vector_subcore>, window_params = [{transform_indices = #map}, {transform_indices = #map}, {transform_indices = #map}]} {
    %mul3A = arith.constant 1 : i32
    %mul3A_0 = arith.muli %arg1, %mul3A : i32
    %add3A = arith.constant 0 : i32
    %add3A_1 = arith.addi %add3A, %mul3A_0 : i32
    %mul3A_2 = arith.constant 16 : i32
    %mul3A_3 = arith.muli %arg0, %mul3A_2 : i32
    %add3A_4 = arith.addi %add3A_1, %mul3A_3 : i32
    %mul3A_5 = arith.constant 4 : i32
    %mul3A_6 = arith.muli %add3A_4, %mul3A_5 : i32
    "tpu.region"() ({
      %run_scoped3A = memref.alloca() : memref<2x1x800xi32, #tpu.memory_space<vmem>>
      %run_scoped3A_7 = tpu.sem_alloc : memref<2x!tpu.dma_semaphore, #tpu.memory_space<semaphore_mem>>
      %run_scoped3A_8 = memref.alloca() : memref<2x800x64xf32, #tpu.memory_space<vmem>>
      %run_scoped3A_9 = tpu.sem_alloc : memref<2x!tpu.dma_semaphore, #tpu.memory_space<semaphore_mem>>
      %add3A_10 = arith.constant 0 : i32
      %add3A_11 = arith.addi %add3A_10, %mul3A_6 : i32
      %select_n3A = arith.constant true
      %select_n3A_12 = arith.constant 0 : i32
      %select_n3A_13 = arith.constant -1 : i32
      %select_n3A_14 = arith.select %select_n3A, %select_n3A_13, %select_n3A_12 : i32
      %eq3A = arith.constant -1 : i32
      %eq3A_15 = arith.cmpi eq, %select_n3A_14, %eq3A : i32
      %select_n3A_16 = arith.constant 3 : i32
      %select_n3A_17 = arith.select %eq3A_15, %select_n3A_16, %select_n3A_14 : i32
      %add3A_18 = arith.addi %select_n3A_17, %mul3A_6 : i32
      %select_n3A_19 = arith.constant true
      %select_n3A_20 = arith.constant 0 : i32
      %select_n3A_21 = arith.constant 1 : i32
      %select_n3A_22 = arith.select %select_n3A_19, %select_n3A_21, %select_n3A_20 : i32
      %eq3A_23 = arith.constant 4 : i32
      %eq3A_24 = arith.cmpi eq, %select_n3A_22, %eq3A_23 : i32
      %select_n3A_25 = arith.constant 0 : i32
      %select_n3A_26 = arith.select %eq3A_24, %select_n3A_25, %select_n3A_22 : i32
      %add3A_27 = arith.addi %select_n3A_26, %mul3A_6 : i32
      %add3A_28 = arith.constant 1 : i32
      %add3A_29 = arith.addi %select_n3A_26, %add3A_28 : i32
      %select_n3A_30 = arith.constant true
      %select_n3A_31 = arith.select %select_n3A_30, %add3A_29, %select_n3A_26 : i32
      %eq3A_32 = arith.constant 4 : i32
      %eq3A_33 = arith.cmpi eq, %select_n3A_31, %eq3A_32 : i32
      %select_n3A_34 = arith.constant 0 : i32
      %select_n3A_35 = arith.select %eq3A_33, %select_n3A_34, %select_n3A_31 : i32
      %add3A_36 = arith.addi %select_n3A_35, %mul3A_6 : i32
      "tpu.trace_start"() <{level = 10 : i32, message = "ep_initialize_0"}> : () -> ()
      %rem3A = arith.constant 0 : i32
      %rem3A_37 = arith.constant 2 : i32
      %rem3A_38 = arith.remui %rem3A, %rem3A_37 : i32
      %mul3A_39 = arith.constant 800 : i32
      %mul3A_40 = arith.muli %mul3A_39, %add3A_11 : i32
      %dma_start3A = arith.constant 0 : i32
      %dma_start3A_41 = arith.constant 0 : i32
      %dma_start3A_42 = tpu.memref_slice %run_scoped3A[%rem3A_38, %dma_start3A, %dma_start3A_41] : memref<2x1x800xi32, #tpu.memory_space<vmem>> -> memref<1x1x800xi32, #tpu.memory_space<vmem>>
      %dma_start3A_43 = tpu.memref_squeeze %dma_start3A_42 : memref<1x1x800xi32, #tpu.memory_space<vmem>> -> memref<1x800xi32, #tpu.memory_space<vmem>>
      %dma_start3A_44 = arith.constant 0 : i32
      %dma_start3A_45 = tpu.memref_slice %arg3[%dma_start3A_44, %mul3A_40] : memref<1x102400xi32, #tpu.memory_space<hbm>> -> memref<1x800xi32, #tpu.memory_space<hbm>>
      %dma_start3A_46 = tpu.memref_slice %run_scoped3A_7[%rem3A_38] : memref<2x!tpu.dma_semaphore, #tpu.memory_space<semaphore_mem>> -> memref<1x!tpu.dma_semaphore, #tpu.memory_space<semaphore_mem>>
      %dma_start3A_47 = tpu.memref_squeeze %dma_start3A_46 : memref<1x!tpu.dma_semaphore, #tpu.memory_space<semaphore_mem>> -> memref<!tpu.dma_semaphore, #tpu.memory_space<semaphore_mem>>
      %dma_start3A_48 = arith.constant 0 : i32
      %dma_start3A_49 = arith.constant 0 : i32
      %dma_start3A_50 = tpu.memref_slice %run_scoped3A[%rem3A_38, %dma_start3A_48, %dma_start3A_49] : memref<2x1x800xi32, #tpu.memory_space<vmem>> -> memref<1x1x800xi32, #tpu.memory_space<vmem>>
      %dma_start3A_51 = tpu.memref_squeeze %dma_start3A_50 : memref<1x1x800xi32, #tpu.memory_space<vmem>> -> memref<1x800xi32, #tpu.memory_space<vmem>>
      %dma_start3A_52 = arith.constant 0 : i32
      %dma_start3A_53 = tpu.memref_slice %arg3[%dma_start3A_52, %mul3A_40] : memref<1x102400xi32, #tpu.memory_space<hbm>> -> memref<1x800xi32, #tpu.memory_space<hbm>>
      tpu.enqueue_dma source(%dma_start3A_53 : memref<1x800xi32, #tpu.memory_space<hbm>>) target(%dma_start3A_51 : memref<1x800xi32, #tpu.memory_space<vmem>>) target_semaphore(%dma_start3A_47 : memref<!tpu.dma_semaphore, #tpu.memory_space<semaphore_mem>>)
      %add3A_54 = arith.constant 0 : i32
      %add3A_55 = arith.constant 1 : i32
      %add3A_56 = arith.addi %add3A_54, %add3A_55 : i32
      %select_n3A_57 = arith.constant true
      %select_n3A_58 = arith.constant 0 : i32
      %select_n3A_59 = arith.select %select_n3A_57, %add3A_56, %select_n3A_58 : i32
      "tpu.trace_stop"() : () -> ()
      %scan3A = arith.constant 0 : i32
      %scan3A_60 = arith.constant 0 : i32
      %scan3A_61 = arith.constant 0 : i32
      %scan3A_62 = arith.constant 0 : i32
      %scan3A_63 = arith.constant 0 : i32
      %scan3A_64 = arith.constant 4 : i32
      %scan3A_65 = arith.addi %scan3A_63, %scan3A_64 : i32
      %scan3A_66 = arith.constant 1 : i32
      %scan3A_67:5 = scf.for %scan3A_121 = %scan3A_63 to %scan3A_65 step %scan3A_66 iter_args(%scan3A_122 = %select_n3A_59, %scan3A_123 = %scan3A, %scan3A_124 = %scan3A_60, %scan3A_125 = %scan3A_61, %scan3A_126 = %scan3A_62) -> (i32, i32, i32, i32, i32)  : i32 {
        %eq3A_127 = arith.constant 0 : i32
        %eq3A_128 = arith.cmpi eq, %scan3A_121, %eq3A_127 : i32
        %eq3A_129 = arith.constant 3 : i32
        %eq3A_130 = arith.cmpi eq, %scan3A_121, %eq3A_129 : i32
        %add3A_131 = arith.addi %scan3A_126, %mul3A_6 : i32
        %sub3A_132 = arith.constant 1 : i32
        %sub3A_133 = arith.subi %scan3A_126, %sub3A_132 : i32
        %select_n3A_134 = arith.constant true
        %select_n3A_135 = arith.select %select_n3A_134, %sub3A_133, %scan3A_126 : i32
        %eq3A_136 = arith.constant -1 : i32
        %eq3A_137 = arith.cmpi eq, %select_n3A_135, %eq3A_136 : i32
        %select_n3A_138 = arith.constant 3 : i32
        %select_n3A_139 = arith.select %eq3A_137, %select_n3A_138, %select_n3A_135 : i32
        %add3A_140 = arith.addi %select_n3A_139, %mul3A_6 : i32
        %add3A_141 = arith.constant 1 : i32
        %add3A_142 = arith.addi %scan3A_126, %add3A_141 : i32
        %select_n3A_143 = arith.constant true
        %select_n3A_144 = arith.select %select_n3A_143, %add3A_142, %scan3A_126 : i32
        %eq3A_145 = arith.constant 4 : i32
        %eq3A_146 = arith.cmpi eq, %select_n3A_144, %eq3A_145 : i32
        %select_n3A_147 = arith.constant 0 : i32
        %select_n3A_148 = arith.select %eq3A_146, %select_n3A_147, %select_n3A_144 : i32
        %add3A_149 = arith.addi %select_n3A_148, %mul3A_6 : i32
        %add3A_150 = arith.constant 1 : i32
        %add3A_151 = arith.addi %select_n3A_148, %add3A_150 : i32
        %select_n3A_152 = arith.constant true
        %select_n3A_153 = arith.select %select_n3A_152, %add3A_151, %select_n3A_148 : i32
        %eq3A_154 = arith.constant 4 : i32
        %eq3A_155 = arith.cmpi eq, %select_n3A_153, %eq3A_154 : i32
        %select_n3A_156 = arith.constant 0 : i32
        %select_n3A_157 = arith.select %eq3A_155, %select_n3A_156, %select_n3A_153 : i32
        %add3A_158 = arith.addi %select_n3A_157, %mul3A_6 : i32
        %ne3A = arith.cmpi ne, %add3A_131, %add3A_149 : i32
        %or3A = arith.constant false
        %or3A_159 = arith.ori %or3A, %ne3A : i1
        %ge3A = arith.constant 3 : i32
        %ge3A_160 = arith.cmpi sge, %scan3A_121, %ge3A : i32
        %not3A = arith.constant true
        %not3A_161 = arith.xori %ge3A_160, %not3A : i1
        %and3A = arith.andi %or3A_159, %not3A_161 : i1
        %convert_element_type3A = arith.extui %and3A : i1 to i32
        %cond3A = arith.constant 0 : i32
        %cond3A_162 = arith.cmpi ne, %convert_element_type3A, %cond3A : i32
        scf.if %cond3A_162 {
          "tpu.trace_start"() <{level = 10 : i32, message = "ep_copy_in"}> : () -> ()
          %rem3A_264 = arith.constant 2 : i32
          %rem3A_265 = arith.remui %scan3A_122, %rem3A_264 : i32
          %mul3A_266 = arith.constant 800 : i32
          %mul3A_267 = arith.muli %mul3A_266, %add3A_149 : i32
          %dma_start3A_268 = arith.constant 0 : i32
          %dma_start3A_269 = arith.constant 0 : i32
          %dma_start3A_270 = tpu.memref_slice %run_scoped3A[%rem3A_265, %dma_start3A_268, %dma_start3A_269] : memref<2x1x800xi32, #tpu.memory_space<vmem>> -> memref<1x1x800xi32, #tpu.memory_space<vmem>>
          %dma_start3A_271 = tpu.memref_squeeze %dma_start3A_270 : memref<1x1x800xi32, #tpu.memory_space<vmem>> -> memref<1x800xi32, #tpu.memory_space<vmem>>
          %dma_start3A_272 = arith.constant 0 : i32
          %dma_start3A_273 = tpu.memref_slice %arg3[%dma_start3A_272, %mul3A_267] : memref<1x102400xi32, #tpu.memory_space<hbm>> -> memref<1x800xi32, #tpu.memory_space<hbm>>
          %dma_start3A_274 = tpu.memref_slice %run_scoped3A_7[%rem3A_265] : memref<2x!tpu.dma_semaphore, #tpu.memory_space<semaphore_mem>> -> memref<1x!tpu.dma_semaphore, #tpu.memory_space<semaphore_mem>>
          %dma_start3A_275 = tpu.memref_squeeze %dma_start3A_274 : memref<1x!tpu.dma_semaphore, #tpu.memory_space<semaphore_mem>> -> memref<!tpu.dma_semaphore, #tpu.memory_space<semaphore_mem>>
          %dma_start3A_276 = arith.constant 0 : i32
          %dma_start3A_277 = arith.constant 0 : i32
          %dma_start3A_278 = tpu.memref_slice %run_scoped3A[%rem3A_265, %dma_start3A_276, %dma_start3A_277] : memref<2x1x800xi32, #tpu.memory_space<vmem>> -> memref<1x1x800xi32, #tpu.memory_space<vmem>>
          %dma_start3A_279 = tpu.memref_squeeze %dma_start3A_278 : memref<1x1x800xi32, #tpu.memory_space<vmem>> -> memref<1x800xi32, #tpu.memory_space<vmem>>
          %dma_start3A_280 = arith.constant 0 : i32
          %dma_start3A_281 = tpu.memref_slice %arg3[%dma_start3A_280, %mul3A_267] : memref<1x102400xi32, #tpu.memory_space<hbm>> -> memref<1x800xi32, #tpu.memory_space<hbm>>
          tpu.enqueue_dma source(%dma_start3A_281 : memref<1x800xi32, #tpu.memory_space<hbm>>) target(%dma_start3A_279 : memref<1x800xi32, #tpu.memory_space<vmem>>) target_semaphore(%dma_start3A_275 : memref<!tpu.dma_semaphore, #tpu.memory_space<semaphore_mem>>)
          "tpu.trace_stop"() : () -> ()
        } else {
        }
        %and3A_163 = arith.constant true
        %and3A_164 = arith.andi %and3A, %and3A_163 : i1
        %add3A_165 = arith.constant 1 : i32
        %add3A_166 = arith.addi %scan3A_122, %add3A_165 : i32
        %select_n3A_167 = arith.select %and3A_164, %add3A_166, %scan3A_122 : i32
        %ne3A_168 = arith.cmpi ne, %add3A_131, %add3A_149 : i32
        %or3A_169 = arith.constant false
        %or3A_170 = arith.ori %or3A_169, %ne3A_168 : i1
        %or3A_171 = arith.constant false
        %or3A_172 = arith.ori %or3A_170, %or3A_171 : i1
        %ge3A_173 = arith.constant 3 : i32
        %ge3A_174 = arith.cmpi sge, %scan3A_121, %ge3A_173 : i32
        %not3A_175 = arith.constant true
        %not3A_176 = arith.xori %ge3A_174, %not3A_175 : i1
        %and3A_177 = arith.andi %or3A_172, %not3A_176 : i1
        %ne3A_178 = arith.cmpi ne, %add3A_131, %add3A_140 : i32
        %or3A_179 = arith.constant false
        %or3A_180 = arith.ori %or3A_179, %ne3A_178 : i1
        %or3A_181 = arith.ori %or3A_180, %eq3A_128 : i1
        %convert_element_type3A_182 = arith.extui %or3A_181 : i1 to i32
        %cond3A_183 = arith.constant 0 : i32
        %cond3A_184 = arith.cmpi ne, %convert_element_type3A_182, %cond3A_183 : i32
        scf.if %cond3A_184 {
          "tpu.trace_start"() <{level = 10 : i32, message = "ep_wait_in"}> : () -> ()
          %mul3A_264 = arith.constant 800 : i32
          %mul3A_265 = arith.muli %mul3A_264, %add3A_131 : i32
          %rem3A_266 = arith.constant 2 : i32
          %rem3A_267 = arith.remui %scan3A_123, %rem3A_266 : i32
          %dma_wait3A_268 = arith.constant 0 : i32
          %dma_wait3A_269 = arith.constant 0 : i32
          %dma_wait3A_270 = tpu.memref_slice %run_scoped3A[%rem3A_267, %dma_wait3A_268, %dma_wait3A_269] : memref<2x1x800xi32, #tpu.memory_space<vmem>> -> memref<1x1x800xi32, #tpu.memory_space<vmem>>
          %dma_wait3A_271 = tpu.memref_squeeze %dma_wait3A_270 : memref<1x1x800xi32, #tpu.memory_space<vmem>> -> memref<1x800xi32, #tpu.memory_space<vmem>>
          %dma_wait3A_272 = arith.constant 0 : i32
          %dma_wait3A_273 = tpu.memref_slice %arg3[%dma_wait3A_272, %mul3A_265] : memref<1x102400xi32, #tpu.memory_space<hbm>> -> memref<1x800xi32, #tpu.memory_space<hbm>>
          %dma_wait3A_274 = tpu.memref_slice %run_scoped3A_7[%rem3A_267] : memref<2x!tpu.dma_semaphore, #tpu.memory_space<semaphore_mem>> -> memref<1x!tpu.dma_semaphore, #tpu.memory_space<semaphore_mem>>
          %dma_wait3A_275 = tpu.memref_squeeze %dma_wait3A_274 : memref<1x!tpu.dma_semaphore, #tpu.memory_space<semaphore_mem>> -> memref<!tpu.dma_semaphore, #tpu.memory_space<semaphore_mem>>
          %dma_wait3A_276 = arith.constant 0 : i32
          %dma_wait3A_277 = arith.constant 0 : i32
          %dma_wait3A_278 = tpu.memref_slice %run_scoped3A[%rem3A_267, %dma_wait3A_276, %dma_wait3A_277] : memref<2x1x800xi32, #tpu.memory_space<vmem>> -> memref<1x1x800xi32, #tpu.memory_space<vmem>>
          %dma_wait3A_279 = tpu.memref_squeeze %dma_wait3A_278 : memref<1x1x800xi32, #tpu.memory_space<vmem>> -> memref<1x800xi32, #tpu.memory_space<vmem>>
          %dma_wait3A_280 = arith.constant 0 : i32
          %dma_wait3A_281 = tpu.memref_slice %arg3[%dma_wait3A_280, %mul3A_265] : memref<1x102400xi32, #tpu.memory_space<hbm>> -> memref<1x800xi32, #tpu.memory_space<hbm>>
          tpu.wait_dma2 semaphore(%dma_wait3A_275 : memref<!tpu.dma_semaphore, #tpu.memory_space<semaphore_mem>>) src(%dma_wait3A_281 : memref<1x800xi32, #tpu.memory_space<hbm>>) dst(%dma_wait3A_279 : memref<1x800xi32, #tpu.memory_space<vmem>>)
          "tpu.trace_stop"() : () -> ()
        } else {
        }
        %ne3A_185 = arith.cmpi ne, %add3A_131, %add3A_140 : i32
        %or3A_186 = arith.constant false
        %or3A_187 = arith.ori %or3A_186, %ne3A_185 : i1
        %or3A_188 = arith.constant false
        %or3A_189 = arith.ori %or3A_187, %or3A_188 : i1
        %or3A_190 = arith.ori %or3A_189, %eq3A_128 : i1
        %convert_element_type3A_191 = arith.extui %or3A_190 : i1 to i32
        %cond3A_192 = arith.constant 0 : i32
        %cond3A_193 = arith.cmpi ne, %convert_element_type3A_191, %cond3A_192 : i32
        scf.if %cond3A_193 {
        } else {
        }
        %rem3A_194 = arith.constant 2 : i32
        %rem3A_195 = arith.remui %scan3A_123, %rem3A_194 : i32
        %rem3A_196 = arith.constant 2 : i32
        %rem3A_197 = arith.remui %scan3A_124, %rem3A_196 : i32
        %run_scoped3A_198 = arith.constant 0 : i32
        "tpu.trace_start"() <{level = 10 : i32, message = "ep_run_kernel"}> : () -> ()
        "tpu.region"() ({
          %run_scoped3A_264 = tpu.sem_alloc : memref<!tpu.dma_semaphore, #tpu.memory_space<semaphore_mem>>
          %dma_start3A_265 = arith.constant 0 : i32
          %dma_start3A_266 = arith.constant 0 : i32
          %dma_start3A_267 = tpu.memref_slice %run_scoped3A_8[%rem3A_197, %dma_start3A_265, %dma_start3A_266] : memref<2x800x64xf32, #tpu.memory_space<vmem>> -> memref<1x800x64xf32, #tpu.memory_space<vmem>>
          %dma_start3A_268 = tpu.memref_squeeze %dma_start3A_267 : memref<1x800x64xf32, #tpu.memory_space<vmem>> -> memref<800x64xf32, #tpu.memory_space<vmem>>
          %dma_start3A_269 = arith.constant 0 : i32
          %dma_start3A_270 = arith.constant 0 : i32
          %dma_start3A_271 = tpu.memref_slice %run_scoped3A[%rem3A_195, %dma_start3A_269, %dma_start3A_270] : memref<2x1x800xi32, #tpu.memory_space<vmem>> -> memref<1x1x800xi32, #tpu.memory_space<vmem>>
          %dma_start3A_272 = tpu.memref_squeeze %dma_start3A_271 : memref<1x1x800xi32, #tpu.memory_space<vmem>> -> memref<1x800xi32, #tpu.memory_space<vmem>>
          %dma_start3A_273 = arith.constant 0 : i32
          %dma_start3A_274 = tpu.memref_slice %dma_start3A_272[%run_scoped3A_198, %dma_start3A_273] : memref<1x800xi32, #tpu.memory_space<vmem>> -> memref<1x800xi32, #tpu.memory_space<vmem>>
          %dma_start3A_275 = tpu.memref_squeeze %dma_start3A_274 : memref<1x800xi32, #tpu.memory_space<vmem>> -> memref<800xi32, #tpu.memory_space<vmem>>
          %dma_start3A_276 = arith.constant 0 : i32
          %dma_start3A_277 = arith.constant 0 : i32
          %dma_start3A_278 = tpu.memref_slice %arg2[%dma_start3A_276, %dma_start3A_277] : memref<1003520x64xf32, #tpu.memory_space<hbm>> -> memref<1003520x64xf32, #tpu.memory_space<hbm>>
          tpu.enqueue_indirect_dma source(%dma_start3A_278 : memref<1003520x64xf32, #tpu.memory_space<hbm>>) target(%dma_start3A_268 : memref<800x64xf32, #tpu.memory_space<vmem>>) offsets(%dma_start3A_275 : memref<800xi32, #tpu.memory_space<vmem>>) semaphore(%run_scoped3A_264 : memref<!tpu.dma_semaphore, #tpu.memory_space<semaphore_mem>>)
          %dma_wait3A_279 = arith.constant 0 : i32
          %dma_wait3A_280 = arith.constant 0 : i32
          %dma_wait3A_281 = tpu.memref_slice %run_scoped3A_8[%rem3A_197, %dma_wait3A_279, %dma_wait3A_280] : memref<2x800x64xf32, #tpu.memory_space<vmem>> -> memref<1x800x64xf32, #tpu.memory_space<vmem>>
          %dma_wait3A_282 = tpu.memref_squeeze %dma_wait3A_281 : memref<1x800x64xf32, #tpu.memory_space<vmem>> -> memref<800x64xf32, #tpu.memory_space<vmem>>
          %dma_wait3A_283 = arith.constant 0 : i32
          %dma_wait3A_284 = arith.constant 0 : i32
          %dma_wait3A_285 = tpu.memref_slice %run_scoped3A[%rem3A_195, %dma_wait3A_283, %dma_wait3A_284] : memref<2x1x800xi32, #tpu.memory_space<vmem>> -> memref<1x1x800xi32, #tpu.memory_space<vmem>>
          %dma_wait3A_286 = tpu.memref_squeeze %dma_wait3A_285 : memref<1x1x800xi32, #tpu.memory_space<vmem>> -> memref<1x800xi32, #tpu.memory_space<vmem>>
          %dma_wait3A_287 = arith.constant 0 : i32
          %dma_wait3A_288 = tpu.memref_slice %dma_wait3A_286[%run_scoped3A_198, %dma_wait3A_287] : memref<1x800xi32, #tpu.memory_space<vmem>> -> memref<1x800xi32, #tpu.memory_space<vmem>>
          %dma_wait3A_289 = tpu.memref_squeeze %dma_wait3A_288 : memref<1x800xi32, #tpu.memory_space<vmem>> -> memref<800xi32, #tpu.memory_space<vmem>>
          %dma_wait3A_290 = arith.constant 0 : i32
          %dma_wait3A_291 = arith.constant 0 : i32
          %dma_wait3A_292 = tpu.memref_slice %arg2[%dma_wait3A_290, %dma_wait3A_291] : memref<1003520x64xf32, #tpu.memory_space<hbm>> -> memref<1003520x64xf32, #tpu.memory_space<hbm>>
          tpu.wait_indirect_dma semaphore(%run_scoped3A_264 : memref<!tpu.dma_semaphore, #tpu.memory_space<semaphore_mem>>) src(%dma_wait3A_292 : memref<1003520x64xf32, #tpu.memory_space<hbm>>) dst(%dma_wait3A_282 : memref<800x64xf32, #tpu.memory_space<vmem>>)
          tpu.yield
        }) : () -> ()
        "tpu.trace_stop"() : () -> ()
        %ne3A_199 = arith.cmpi ne, %add3A_131, %add3A_149 : i32
        %or3A_200 = arith.constant false
        %or3A_201 = arith.ori %or3A_200, %ne3A_199 : i1
        %or3A_202 = arith.ori %or3A_201, %eq3A_130 : i1
        %convert_element_type3A_203 = arith.extui %or3A_202 : i1 to i32
        %cond3A_204 = arith.constant 0 : i32
        %cond3A_205 = arith.cmpi ne, %convert_element_type3A_203, %cond3A_204 : i32
        scf.if %cond3A_205 {
        } else {
        }
        %and3A_206 = arith.constant false
        %and3A_207 = arith.andi %or3A_202, %and3A_206 : i1
        %ne3A_208 = arith.cmpi ne, %add3A_131, %add3A_149 : i32
        %or3A_209 = arith.constant false
        %or3A_210 = arith.ori %or3A_209, %ne3A_208 : i1
        %or3A_211 = arith.constant false
        %or3A_212 = arith.ori %or3A_210, %or3A_211 : i1
        %or3A_213 = arith.ori %or3A_212, %eq3A_130 : i1
        %convert_element_type3A_214 = arith.extui %or3A_213 : i1 to i32
        %cond3A_215 = arith.constant 0 : i32
        %cond3A_216 = arith.cmpi ne, %convert_element_type3A_214, %cond3A_215 : i32
        scf.if %cond3A_216 {
          "tpu.trace_start"() <{level = 10 : i32, message = "ep_copy_out"}> : () -> ()
          %rem3A_264 = arith.constant 2 : i32
          %rem3A_265 = arith.remui %scan3A_124, %rem3A_264 : i32
          %mul3A_266 = arith.constant 800 : i32
          %mul3A_267 = arith.muli %mul3A_266, %add3A_131 : i32
          %dma_start3A_268 = arith.constant 0 : i32
          %dma_start3A_269 = arith.constant 0 : i32
          %dma_start3A_270 = tpu.memref_slice %run_scoped3A_8[%rem3A_265, %dma_start3A_268, %dma_start3A_269] : memref<2x800x64xf32, #tpu.memory_space<vmem>> -> memref<1x800x64xf32, #tpu.memory_space<vmem>>
          %dma_start3A_271 = tpu.memref_squeeze %dma_start3A_270 : memref<1x800x64xf32, #tpu.memory_space<vmem>> -> memref<800x64xf32, #tpu.memory_space<vmem>>
          %dma_start3A_272 = arith.constant 0 : i32
          %dma_start3A_273 = tpu.memref_slice %arg4[%mul3A_267, %dma_start3A_272] : memref<102400x64xf32, #tpu.memory_space<hbm>> -> memref<800x64xf32, #tpu.memory_space<hbm>>
          %dma_start3A_274 = tpu.memref_slice %run_scoped3A_9[%rem3A_265] : memref<2x!tpu.dma_semaphore, #tpu.memory_space<semaphore_mem>> -> memref<1x!tpu.dma_semaphore, #tpu.memory_space<semaphore_mem>>
          %dma_start3A_275 = tpu.memref_squeeze %dma_start3A_274 : memref<1x!tpu.dma_semaphore, #tpu.memory_space<semaphore_mem>> -> memref<!tpu.dma_semaphore, #tpu.memory_space<semaphore_mem>>
          %dma_start3A_276 = arith.constant 0 : i32
          %dma_start3A_277 = tpu.memref_slice %arg4[%mul3A_267, %dma_start3A_276] : memref<102400x64xf32, #tpu.memory_space<hbm>> -> memref<800x64xf32, #tpu.memory_space<hbm>>
          %dma_start3A_278 = arith.constant 0 : i32
          %dma_start3A_279 = arith.constant 0 : i32
          %dma_start3A_280 = tpu.memref_slice %run_scoped3A_8[%rem3A_265, %dma_start3A_278, %dma_start3A_279] : memref<2x800x64xf32, #tpu.memory_space<vmem>> -> memref<1x800x64xf32, #tpu.memory_space<vmem>>
          %dma_start3A_281 = tpu.memref_squeeze %dma_start3A_280 : memref<1x800x64xf32, #tpu.memory_space<vmem>> -> memref<800x64xf32, #tpu.memory_space<vmem>>
          tpu.enqueue_dma source(%dma_start3A_281 : memref<800x64xf32, #tpu.memory_space<vmem>>) target(%dma_start3A_277 : memref<800x64xf32, #tpu.memory_space<hbm>>) target_semaphore(%dma_start3A_275 : memref<!tpu.dma_semaphore, #tpu.memory_space<semaphore_mem>>)
          "tpu.trace_stop"() : () -> ()
        } else {
        }
        %and3A_217 = arith.constant true
        %and3A_218 = arith.andi %or3A_213, %and3A_217 : i1
        %add3A_219 = arith.constant 1 : i32
        %add3A_220 = arith.addi %scan3A_124, %add3A_219 : i32
        %select_n3A_221 = arith.select %and3A_218, %add3A_220, %scan3A_124 : i32
        %ne3A_222 = arith.cmpi ne, %add3A_131, %add3A_140 : i32
        %or3A_223 = arith.constant false
        %or3A_224 = arith.ori %or3A_223, %ne3A_222 : i1
        %not3A_225 = arith.constant true
        %not3A_226 = arith.xori %eq3A_128, %not3A_225 : i1
        %and3A_227 = arith.andi %or3A_224, %not3A_226 : i1
        %convert_element_type3A_228 = arith.extui %and3A_227 : i1 to i32
        %cond3A_229 = arith.constant 0 : i32
        %cond3A_230 = arith.cmpi ne, %convert_element_type3A_228, %cond3A_229 : i32
        scf.if %cond3A_230 {
        } else {
        }
        %and3A_231 = arith.constant false
        %and3A_232 = arith.andi %and3A_227, %and3A_231 : i1
        %ne3A_233 = arith.cmpi ne, %add3A_131, %add3A_140 : i32
        %or3A_234 = arith.constant false
        %or3A_235 = arith.ori %or3A_234, %ne3A_233 : i1
        %or3A_236 = arith.constant false
        %or3A_237 = arith.ori %or3A_235, %or3A_236 : i1
        %not3A_238 = arith.constant true
        %not3A_239 = arith.xori %eq3A_128, %not3A_238 : i1
        %and3A_240 = arith.andi %or3A_237, %not3A_239 : i1
        %convert_element_type3A_241 = arith.extui %and3A_240 : i1 to i32
        %cond3A_242 = arith.constant 0 : i32
        %cond3A_243 = arith.cmpi ne, %convert_element_type3A_241, %cond3A_242 : i32
        scf.if %cond3A_243 {
          "tpu.trace_start"() <{level = 10 : i32, message = "ep_wait_out"}> : () -> ()
          %rem3A_264 = arith.constant 2 : i32
          %rem3A_265 = arith.remui %scan3A_125, %rem3A_264 : i32
          %mul3A_266 = arith.constant 800 : i32
          %mul3A_267 = arith.muli %mul3A_266, %add3A_140 : i32
          %dma_wait3A_268 = arith.constant 0 : i32
          %dma_wait3A_269 = arith.constant 0 : i32
          %dma_wait3A_270 = tpu.memref_slice %run_scoped3A_8[%rem3A_265, %dma_wait3A_268, %dma_wait3A_269] : memref<2x800x64xf32, #tpu.memory_space<vmem>> -> memref<1x800x64xf32, #tpu.memory_space<vmem>>
          %dma_wait3A_271 = tpu.memref_squeeze %dma_wait3A_270 : memref<1x800x64xf32, #tpu.memory_space<vmem>> -> memref<800x64xf32, #tpu.memory_space<vmem>>
          %dma_wait3A_272 = arith.constant 0 : i32
          %dma_wait3A_273 = tpu.memref_slice %arg4[%mul3A_267, %dma_wait3A_272] : memref<102400x64xf32, #tpu.memory_space<hbm>> -> memref<800x64xf32, #tpu.memory_space<hbm>>
          %dma_wait3A_274 = tpu.memref_slice %run_scoped3A_9[%rem3A_265] : memref<2x!tpu.dma_semaphore, #tpu.memory_space<semaphore_mem>> -> memref<1x!tpu.dma_semaphore, #tpu.memory_space<semaphore_mem>>
          %dma_wait3A_275 = tpu.memref_squeeze %dma_wait3A_274 : memref<1x!tpu.dma_semaphore, #tpu.memory_space<semaphore_mem>> -> memref<!tpu.dma_semaphore, #tpu.memory_space<semaphore_mem>>
          %dma_wait3A_276 = arith.constant 0 : i32
          %dma_wait3A_277 = tpu.memref_slice %arg4[%mul3A_267, %dma_wait3A_276] : memref<102400x64xf32, #tpu.memory_space<hbm>> -> memref<800x64xf32, #tpu.memory_space<hbm>>
          %dma_wait3A_278 = arith.constant 0 : i32
          %dma_wait3A_279 = arith.constant 0 : i32
          %dma_wait3A_280 = tpu.memref_slice %run_scoped3A_8[%rem3A_265, %dma_wait3A_278, %dma_wait3A_279] : memref<2x800x64xf32, #tpu.memory_space<vmem>> -> memref<1x800x64xf32, #tpu.memory_space<vmem>>
          %dma_wait3A_281 = tpu.memref_squeeze %dma_wait3A_280 : memref<1x800x64xf32, #tpu.memory_space<vmem>> -> memref<800x64xf32, #tpu.memory_space<vmem>>
          tpu.wait_dma2 semaphore(%dma_wait3A_275 : memref<!tpu.dma_semaphore, #tpu.memory_space<semaphore_mem>>) src(%dma_wait3A_281 : memref<800x64xf32, #tpu.memory_space<vmem>>) dst(%dma_wait3A_277 : memref<800x64xf32, #tpu.memory_space<hbm>>)
          "tpu.trace_stop"() : () -> ()
        } else {
        }
        %and3A_244 = arith.constant true
        %and3A_245 = arith.andi %and3A_240, %and3A_244 : i1
        %add3A_246 = arith.constant 1 : i32
        %add3A_247 = arith.addi %scan3A_125, %add3A_246 : i32
        %select_n3A_248 = arith.select %and3A_245, %add3A_247, %scan3A_125 : i32
        %ne3A_249 = arith.cmpi ne, %add3A_131, %add3A_149 : i32
        %or3A_250 = arith.constant false
        %or3A_251 = arith.ori %or3A_250, %ne3A_249 : i1
        %or3A_252 = arith.ori %or3A_251, %eq3A_130 : i1
        %add3A_253 = arith.constant 1 : i32
        %add3A_254 = arith.addi %scan3A_123, %add3A_253 : i32
        %select_n3A_255 = arith.select %or3A_252, %add3A_254, %scan3A_123 : i32
        %add3A_256 = arith.constant 1 : i32
        %add3A_257 = arith.addi %scan3A_126, %add3A_256 : i32
        %select_n3A_258 = arith.constant true
        %select_n3A_259 = arith.select %select_n3A_258, %add3A_257, %scan3A_126 : i32
        %eq3A_260 = arith.constant 4 : i32
        %eq3A_261 = arith.cmpi eq, %select_n3A_259, %eq3A_260 : i32
        %select_n3A_262 = arith.constant 0 : i32
        %select_n3A_263 = arith.select %eq3A_261, %select_n3A_262, %select_n3A_259 : i32
        scf.yield %select_n3A_167, %select_n3A_255, %select_n3A_221, %select_n3A_248, %select_n3A_263 : i32, i32, i32, i32, i32
      }
      %scan3A_68 = arith.constant 4 : i32
      %sub3A = arith.constant 1 : i32
      %sub3A_69 = arith.subi %scan3A_67#4, %sub3A : i32
      %select_n3A_70 = arith.constant true
      %select_n3A_71 = arith.select %select_n3A_70, %sub3A_69, %scan3A_67#4 : i32
      %eq3A_72 = arith.constant -1 : i32
      %eq3A_73 = arith.cmpi eq, %select_n3A_71, %eq3A_72 : i32
      %select_n3A_74 = arith.constant 3 : i32
      %select_n3A_75 = arith.select %eq3A_73, %select_n3A_74, %select_n3A_71 : i32
      %add3A_76 = arith.addi %select_n3A_75, %mul3A_6 : i32
      %sub3A_77 = arith.constant 1 : i32
      %sub3A_78 = arith.subi %select_n3A_75, %sub3A_77 : i32
      %select_n3A_79 = arith.constant true
      %select_n3A_80 = arith.select %select_n3A_79, %sub3A_78, %select_n3A_75 : i32
      %eq3A_81 = arith.constant -1 : i32
      %eq3A_82 = arith.cmpi eq, %select_n3A_80, %eq3A_81 : i32
      %select_n3A_83 = arith.constant 3 : i32
      %select_n3A_84 = arith.select %eq3A_82, %select_n3A_83, %select_n3A_80 : i32
      %add3A_85 = arith.addi %select_n3A_84, %mul3A_6 : i32
      %add3A_86 = arith.constant 1 : i32
      %add3A_87 = arith.addi %select_n3A_75, %add3A_86 : i32
      %select_n3A_88 = arith.constant true
      %select_n3A_89 = arith.select %select_n3A_88, %add3A_87, %select_n3A_75 : i32
      %eq3A_90 = arith.constant 4 : i32
      %eq3A_91 = arith.cmpi eq, %select_n3A_89, %eq3A_90 : i32
      %select_n3A_92 = arith.constant 0 : i32
      %select_n3A_93 = arith.select %eq3A_91, %select_n3A_92, %select_n3A_89 : i32
      %add3A_94 = arith.addi %select_n3A_93, %mul3A_6 : i32
      %add3A_95 = arith.constant 1 : i32
      %add3A_96 = arith.addi %select_n3A_93, %add3A_95 : i32
      %select_n3A_97 = arith.constant true
      %select_n3A_98 = arith.select %select_n3A_97, %add3A_96, %select_n3A_93 : i32
      %eq3A_99 = arith.constant 4 : i32
      %eq3A_100 = arith.cmpi eq, %select_n3A_98, %eq3A_99 : i32
      %select_n3A_101 = arith.constant 0 : i32
      %select_n3A_102 = arith.select %eq3A_100, %select_n3A_101, %select_n3A_98 : i32
      %add3A_103 = arith.addi %select_n3A_102, %mul3A_6 : i32
      "tpu.trace_start"() <{level = 10 : i32, message = "ep_finalize"}> : () -> ()
      %rem3A_104 = arith.constant 2 : i32
      %rem3A_105 = arith.remui %scan3A_67#3, %rem3A_104 : i32
      %mul3A_106 = arith.constant 800 : i32
      %mul3A_107 = arith.muli %mul3A_106, %add3A_76 : i32
      %dma_wait3A = arith.constant 0 : i32
      %dma_wait3A_108 = arith.constant 0 : i32
      %dma_wait3A_109 = tpu.memref_slice %run_scoped3A_8[%rem3A_105, %dma_wait3A, %dma_wait3A_108] : memref<2x800x64xf32, #tpu.memory_space<vmem>> -> memref<1x800x64xf32, #tpu.memory_space<vmem>>
      %dma_wait3A_110 = tpu.memref_squeeze %dma_wait3A_109 : memref<1x800x64xf32, #tpu.memory_space<vmem>> -> memref<800x64xf32, #tpu.memory_space<vmem>>
      %dma_wait3A_111 = arith.constant 0 : i32
      %dma_wait3A_112 = tpu.memref_slice %arg4[%mul3A_107, %dma_wait3A_111] : memref<102400x64xf32, #tpu.memory_space<hbm>> -> memref<800x64xf32, #tpu.memory_space<hbm>>
      %dma_wait3A_113 = tpu.memref_slice %run_scoped3A_9[%rem3A_105] : memref<2x!tpu.dma_semaphore, #tpu.memory_space<semaphore_mem>> -> memref<1x!tpu.dma_semaphore, #tpu.memory_space<semaphore_mem>>
      %dma_wait3A_114 = tpu.memref_squeeze %dma_wait3A_113 : memref<1x!tpu.dma_semaphore, #tpu.memory_space<semaphore_mem>> -> memref<!tpu.dma_semaphore, #tpu.memory_space<semaphore_mem>>
      %dma_wait3A_115 = arith.constant 0 : i32
      %dma_wait3A_116 = tpu.memref_slice %arg4[%mul3A_107, %dma_wait3A_115] : memref<102400x64xf32, #tpu.memory_space<hbm>> -> memref<800x64xf32, #tpu.memory_space<hbm>>
      %dma_wait3A_117 = arith.constant 0 : i32
      %dma_wait3A_118 = arith.constant 0 : i32
      %dma_wait3A_119 = tpu.memref_slice %run_scoped3A_8[%rem3A_105, %dma_wait3A_117, %dma_wait3A_118] : memref<2x800x64xf32, #tpu.memory_space<vmem>> -> memref<1x800x64xf32, #tpu.memory_space<vmem>>
      %dma_wait3A_120 = tpu.memref_squeeze %dma_wait3A_119 : memref<1x800x64xf32, #tpu.memory_space<vmem>> -> memref<800x64xf32, #tpu.memory_space<vmem>>
      tpu.wait_dma2 semaphore(%dma_wait3A_114 : memref<!tpu.dma_semaphore, #tpu.memory_space<semaphore_mem>>) src(%dma_wait3A_120 : memref<800x64xf32, #tpu.memory_space<vmem>>) dst(%dma_wait3A_116 : memref<800x64xf32, #tpu.memory_space<hbm>>)
      "tpu.trace_stop"() : () -> ()
      tpu.yield
    }) : () -> ()
    return
  }
}

#map = affine_map<(d0, d1) -> (0, 0)>
module attributes {stable_mosaic.version = 14 : i64} {
  func.func @run(%arg0: i32, %arg1: i32, %arg2: memref<1003520x64xf32, #tpu.memory_space<hbm>>, %arg3: memref<1x102400xi32, #tpu.memory_space<hbm>>, %arg4: memref<102400x64xf32, #tpu.memory_space<hbm>>) attributes {dimension_semantics = [#tpu.dimension_semantics<core_parallel>, #tpu.dimension_semantics<subcore_parallel>], iteration_bounds = array<i64: 2, 16>, scalar_prefetch = 0 : i64, scratch_operands = 0 : i64, tpu.core_type = #tpu.core_type<sc_vector_subcore>, window_params = [{transform_indices = #map}, {transform_indices = #map}, {transform_indices = #map}]} {
    %mul3A = arith.constant 1 : i32
    %mul3A_0 = arith.muli %arg1, %mul3A : i32
    %add3A = arith.constant 0 : i32
    %add3A_1 = arith.addi %add3A, %mul3A_0 : i32
    %mul3A_2 = arith.constant 16 : i32
    %mul3A_3 = arith.muli %arg0, %mul3A_2 : i32
    %add3A_4 = arith.addi %add3A_1, %mul3A_3 : i32
    %mul3A_5 = arith.constant 4 : i32
    %mul3A_6 = arith.muli %add3A_4, %mul3A_5 : i32
    "tpu.region"() ({
      %run_scoped3A = memref.alloca() : memref<2x1x800xi32, #tpu.memory_space<vmem>>
      %run_scoped3A_7 = tpu.sem_alloc : memref<2x!tpu.dma_semaphore, #tpu.memory_space<semaphore_mem>>
      %run_scoped3A_8 = memref.alloca() : memref<2x800x64xf32, #tpu.memory_space<vmem>>
      %run_scoped3A_9 = tpu.sem_alloc : memref<2x!tpu.dma_semaphore, #tpu.memory_space<semaphore_mem>>
      %add3A_10 = arith.constant 0 : i32
      %add3A_11 = arith.addi %add3A_10, %mul3A_6 : i32
      %select_n3A = arith.constant true
      %select_n3A_12 = arith.constant 0 : i32
      %select_n3A_13 = arith.constant -1 : i32
      %select_n3A_14 = arith.select %select_n3A, %select_n3A_13, %select_n3A_12 : i32
      %eq3A = arith.constant -1 : i32
      %eq3A_15 = arith.cmpi eq, %select_n3A_14, %eq3A : i32
      %select_n3A_16 = arith.constant 3 : i32
      %select_n3A_17 = arith.select %eq3A_15, %select_n3A_16, %select_n3A_14 : i32
      %add3A_18 = arith.addi %select_n3A_17, %mul3A_6 : i32
      %select_n3A_19 = arith.constant true
      %select_n3A_20 = arith.constant 0 : i32
      %select_n3A_21 = arith.constant 1 : i32
      %select_n3A_22 = arith.select %select_n3A_19, %select_n3A_21, %select_n3A_20 : i32
      %eq3A_23 = arith.constant 4 : i32
      %eq3A_24 = arith.cmpi eq, %select_n3A_22, %eq3A_23 : i32
      %select_n3A_25 = arith.constant 0 : i32
      %select_n3A_26 = arith.select %eq3A_24, %select_n3A_25, %select_n3A_22 : i32
      %add3A_27 = arith.addi %select_n3A_26, %mul3A_6 : i32
      %add3A_28 = arith.constant 1 : i32
      %add3A_29 = arith.addi %select_n3A_26, %add3A_28 : i32
      %select_n3A_30 = arith.constant true
      %select_n3A_31 = arith.select %select_n3A_30, %add3A_29, %select_n3A_26 : i32
      %eq3A_32 = arith.constant 4 : i32
      %eq3A_33 = arith.cmpi eq, %select_n3A_31, %eq3A_32 : i32
      %select_n3A_34 = arith.constant 0 : i32
      %select_n3A_35 = arith.select %eq3A_33, %select_n3A_34, %select_n3A_31 : i32
      %add3A_36 = arith.addi %select_n3A_35, %mul3A_6 : i32
      "tpu.trace_start"() <{level = 10 : i32, message = "ep_initialize_0"}> : () -> ()
      %rem3A = arith.constant 0 : i32
      %rem3A_37 = arith.constant 2 : i32
      %rem3A_38 = arith.remui %rem3A, %rem3A_37 : i32
      %mul3A_39 = arith.constant 800 : i32
      %mul3A_40 = arith.muli %mul3A_39, %add3A_11 : i32
      %dma_start3A = arith.constant 0 : i32
      %dma_start3A_41 = arith.constant 0 : i32
      %dma_start3A_42 = tpu.memref_slice %run_scoped3A[%rem3A_38, %dma_start3A, %dma_start3A_41] : memref<2x1x800xi32, #tpu.memory_space<vmem>> -> memref<1x1x800xi32, #tpu.memory_space<vmem>>
      %dma_start3A_43 = tpu.memref_squeeze %dma_start3A_42 : memref<1x1x800xi32, #tpu.memory_space<vmem>> -> memref<1x800xi32, #tpu.memory_space<vmem>>
      %dma_start3A_44 = arith.constant 0 : i32
      %dma_start3A_45 = tpu.memref_slice %arg3[%dma_start3A_44, %mul3A_40] : memref<1x102400xi32, #tpu.memory_space<hbm>> -> memref<1x800xi32, #tpu.memory_space<hbm>>
      %dma_start3A_46 = tpu.memref_slice %run_scoped3A_7[%rem3A_38] : memref<2x!tpu.dma_semaphore, #tpu.memory_space<semaphore_mem>> -> memref<1x!tpu.dma_semaphore, #tpu.memory_space<semaphore_mem>>
      %dma_start3A_47 = tpu.memref_squeeze %dma_start3A_46 : memref<1x!tpu.dma_semaphore, #tpu.memory_space<semaphore_mem>> -> memref<!tpu.dma_semaphore, #tpu.memory_space<semaphore_mem>>
      %dma_start3A_48 = arith.constant 0 : i32
      %dma_start3A_49 = arith.constant 0 : i32
      %dma_start3A_50 = tpu.memref_slice %run_scoped3A[%rem3A_38, %dma_start3A_48, %dma_start3A_49] : memref<2x1x800xi32, #tpu.memory_space<vmem>> -> memref<1x1x800xi32, #tpu.memory_space<vmem>>
      %dma_start3A_51 = tpu.memref_squeeze %dma_start3A_50 : memref<1x1x800xi32, #tpu.memory_space<vmem>> -> memref<1x800xi32, #tpu.memory_space<vmem>>
      %dma_start3A_52 = arith.constant 0 : i32
      %dma_start3A_53 = tpu.memref_slice %arg3[%dma_start3A_52, %mul3A_40] : memref<1x102400xi32, #tpu.memory_space<hbm>> -> memref<1x800xi32, #tpu.memory_space<hbm>>
      tpu.enqueue_dma source(%dma_start3A_53 : memref<1x800xi32, #tpu.memory_space<hbm>>) target(%dma_start3A_51 : memref<1x800xi32, #tpu.memory_space<vmem>>) target_semaphore(%dma_start3A_47 : memref<!tpu.dma_semaphore, #tpu.memory_space<semaphore_mem>>)
      %add3A_54 = arith.constant 0 : i32
      %add3A_55 = arith.constant 1 : i32
      %add3A_56 = arith.addi %add3A_54, %add3A_55 : i32
      %select_n3A_57 = arith.constant true
      %select_n3A_58 = arith.constant 0 : i32
      %select_n3A_59 = arith.select %select_n3A_57, %add3A_56, %select_n3A_58 : i32
      "tpu.trace_stop"() : () -> ()
      %scan3A = arith.constant 0 : i32
      %scan3A_60 = arith.constant 0 : i32
      %scan3A_61 = arith.constant 0 : i32
      %scan3A_62 = arith.constant 0 : i32
      %scan3A_63 = arith.constant 0 : i32
      %scan3A_64 = arith.constant 4 : i32
      %scan3A_65 = arith.addi %scan3A_63, %scan3A_64 : i32
      %scan3A_66 = arith.constant 1 : i32
      %scan3A_67:5 = scf.for %scan3A_121 = %scan3A_63 to %scan3A_65 step %scan3A_66 iter_args(%scan3A_122 = %select_n3A_59, %scan3A_123 = %scan3A, %scan3A_124 = %scan3A_60, %scan3A_125 = %scan3A_61, %scan3A_126 = %scan3A_62) -> (i32, i32, i32, i32, i32)  : i32 {
        %eq3A_127 = arith.constant 0 : i32
        %eq3A_128 = arith.cmpi eq, %scan3A_121, %eq3A_127 : i32
        %eq3A_129 = arith.constant 3 : i32
        %eq3A_130 = arith.cmpi eq, %scan3A_121, %eq3A_129 : i32
        %add3A_131 = arith.addi %scan3A_126, %mul3A_6 : i32
        %sub3A_132 = arith.constant 1 : i32
        %sub3A_133 = arith.subi %scan3A_126, %sub3A_132 : i32
        %select_n3A_134 = arith.constant true
        %select_n3A_135 = arith.select %select_n3A_134, %sub3A_133, %scan3A_126 : i32
        %eq3A_136 = arith.constant -1 : i32
        %eq3A_137 = arith.cmpi eq, %select_n3A_135, %eq3A_136 : i32
        %select_n3A_138 = arith.constant 3 : i32
        %select_n3A_139 = arith.select %eq3A_137, %select_n3A_138, %select_n3A_135 : i32
        %add3A_140 = arith.addi %select_n3A_139, %mul3A_6 : i32
        %add3A_141 = arith.constant 1 : i32
        %add3A_142 = arith.addi %scan3A_126, %add3A_141 : i32
        %select_n3A_143 = arith.constant true
        %select_n3A_144 = arith.select %select_n3A_143, %add3A_142, %scan3A_126 : i32
        %eq3A_145 = arith.constant 4 : i32
        %eq3A_146 = arith.cmpi eq, %select_n3A_144, %eq3A_145 : i32
        %select_n3A_147 = arith.constant 0 : i32
        %select_n3A_148 = arith.select %eq3A_146, %select_n3A_147, %select_n3A_144 : i32
        %add3A_149 = arith.addi %select_n3A_148, %mul3A_6 : i32
        %add3A_150 = arith.constant 1 : i32
        %add3A_151 = arith.addi %select_n3A_148, %add3A_150 : i32
        %select_n3A_152 = arith.constant true
        %select_n3A_153 = arith.select %select_n3A_152, %add3A_151, %select_n3A_148 : i32
        %eq3A_154 = arith.constant 4 : i32
        %eq3A_155 = arith.cmpi eq, %select_n3A_153, %eq3A_154 : i32
        %select_n3A_156 = arith.constant 0 : i32
        %select_n3A_157 = arith.select %eq3A_155, %select_n3A_156, %select_n3A_153 : i32
        %add3A_158 = arith.addi %select_n3A_157, %mul3A_6 : i32
        %ne3A = arith.cmpi ne, %add3A_131, %add3A_149 : i32
        %or3A = arith.constant false
        %or3A_159 = arith.ori %or3A, %ne3A : i1
        %ge3A = arith.constant 3 : i32
        %ge3A_160 = arith.cmpi sge, %scan3A_121, %ge3A : i32
        %not3A = arith.constant true
        %not3A_161 = arith.xori %ge3A_160, %not3A : i1
        %and3A = arith.andi %or3A_159, %not3A_161 : i1
        %convert_element_type3A = arith.extui %and3A : i1 to i32
        %cond3A = arith.constant 0 : i32
        %cond3A_162 = arith.cmpi ne, %convert_element_type3A, %cond3A : i32
        scf.if %cond3A_162 {
          "tpu.trace_start"() <{level = 10 : i32, message = "ep_copy_in"}> : () -> ()
          %rem3A_264 = arith.constant 2 : i32
          %rem3A_265 = arith.remui %scan3A_122, %rem3A_264 : i32
          %mul3A_266 = arith.constant 800 : i32
          %mul3A_267 = arith.muli %mul3A_266, %add3A_149 : i32
          %dma_start3A_268 = arith.constant 0 : i32
          %dma_start3A_269 = arith.constant 0 : i32
          %dma_start3A_270 = tpu.memref_slice %run_scoped3A[%rem3A_265, %dma_start3A_268, %dma_start3A_269] : memref<2x1x800xi32, #tpu.memory_space<vmem>> -> memref<1x1x800xi32, #tpu.memory_space<vmem>>
          %dma_start3A_271 = tpu.memref_squeeze %dma_start3A_270 : memref<1x1x800xi32, #tpu.memory_space<vmem>> -> memref<1x800xi32, #tpu.memory_space<vmem>>
          %dma_start3A_272 = arith.constant 0 : i32
          %dma_start3A_273 = tpu.memref_slice %arg3[%dma_start3A_272, %mul3A_267] : memref<1x102400xi32, #tpu.memory_space<hbm>> -> memref<1x800xi32, #tpu.memory_space<hbm>>
          %dma_start3A_274 = tpu.memref_slice %run_scoped3A_7[%rem3A_265] : memref<2x!tpu.dma_semaphore, #tpu.memory_space<semaphore_mem>> -> memref<1x!tpu.dma_semaphore, #tpu.memory_space<semaphore_mem>>
          %dma_start3A_275 = tpu.memref_squeeze %dma_start3A_274 : memref<1x!tpu.dma_semaphore, #tpu.memory_space<semaphore_mem>> -> memref<!tpu.dma_semaphore, #tpu.memory_space<semaphore_mem>>
          %dma_start3A_276 = arith.constant 0 : i32
          %dma_start3A_277 = arith.constant 0 : i32
          %dma_start3A_278 = tpu.memref_slice %run_scoped3A[%rem3A_265, %dma_start3A_276, %dma_start3A_277] : memref<2x1x800xi32, #tpu.memory_space<vmem>> -> memref<1x1x800xi32, #tpu.memory_space<vmem>>
          %dma_start3A_279 = tpu.memref_squeeze %dma_start3A_278 : memref<1x1x800xi32, #tpu.memory_space<vmem>> -> memref<1x800xi32, #tpu.memory_space<vmem>>
          %dma_start3A_280 = arith.constant 0 : i32
          %dma_start3A_281 = tpu.memref_slice %arg3[%dma_start3A_280, %mul3A_267] : memref<1x102400xi32, #tpu.memory_space<hbm>> -> memref<1x800xi32, #tpu.memory_space<hbm>>
          tpu.enqueue_dma source(%dma_start3A_281 : memref<1x800xi32, #tpu.memory_space<hbm>>) target(%dma_start3A_279 : memref<1x800xi32, #tpu.memory_space<vmem>>) target_semaphore(%dma_start3A_275 : memref<!tpu.dma_semaphore, #tpu.memory_space<semaphore_mem>>)
          "tpu.trace_stop"() : () -> ()
        } else {
        }
        %and3A_163 = arith.constant true
        %and3A_164 = arith.andi %and3A, %and3A_163 : i1
        %add3A_165 = arith.constant 1 : i32
        %add3A_166 = arith.addi %scan3A_122, %add3A_165 : i32
        %select_n3A_167 = arith.select %and3A_164, %add3A_166, %scan3A_122 : i32
        %ne3A_168 = arith.cmpi ne, %add3A_131, %add3A_149 : i32
        %or3A_169 = arith.constant false
        %or3A_170 = arith.ori %or3A_169, %ne3A_168 : i1
        %or3A_171 = arith.constant false
        %or3A_172 = arith.ori %or3A_170, %or3A_171 : i1
        %ge3A_173 = arith.constant 3 : i32
        %ge3A_174 = arith.cmpi sge, %scan3A_121, %ge3A_173 : i32
        %not3A_175 = arith.constant true
        %not3A_176 = arith.xori %ge3A_174, %not3A_175 : i1
        %and3A_177 = arith.andi %or3A_172, %not3A_176 : i1
        %ne3A_178 = arith.cmpi ne, %add3A_131, %add3A_140 : i32
        %or3A_179 = arith.constant false
        %or3A_180 = arith.ori %or3A_179, %ne3A_178 : i1
        %or3A_181 = arith.ori %or3A_180, %eq3A_128 : i1
        %convert_element_type3A_182 = arith.extui %or3A_181 : i1 to i32
        %cond3A_183 = arith.constant 0 : i32
        %cond3A_184 = arith.cmpi ne, %convert_element_type3A_182, %cond3A_183 : i32
        scf.if %cond3A_184 {
          "tpu.trace_start"() <{level = 10 : i32, message = "ep_wait_in"}> : () -> ()
          %mul3A_264 = arith.constant 800 : i32
          %mul3A_265 = arith.muli %mul3A_264, %add3A_131 : i32
          %rem3A_266 = arith.constant 2 : i32
          %rem3A_267 = arith.remui %scan3A_123, %rem3A_266 : i32
          %dma_wait3A_268 = arith.constant 0 : i32
          %dma_wait3A_269 = arith.constant 0 : i32
          %dma_wait3A_270 = tpu.memref_slice %run_scoped3A[%rem3A_267, %dma_wait3A_268, %dma_wait3A_269] : memref<2x1x800xi32, #tpu.memory_space<vmem>> -> memref<1x1x800xi32, #tpu.memory_space<vmem>>
          %dma_wait3A_271 = tpu.memref_squeeze %dma_wait3A_270 : memref<1x1x800xi32, #tpu.memory_space<vmem>> -> memref<1x800xi32, #tpu.memory_space<vmem>>
          %dma_wait3A_272 = arith.constant 0 : i32
          %dma_wait3A_273 = tpu.memref_slice %arg3[%dma_wait3A_272, %mul3A_265] : memref<1x102400xi32, #tpu.memory_space<hbm>> -> memref<1x800xi32, #tpu.memory_space<hbm>>
          %dma_wait3A_274 = tpu.memref_slice %run_scoped3A_7[%rem3A_267] : memref<2x!tpu.dma_semaphore, #tpu.memory_space<semaphore_mem>> -> memref<1x!tpu.dma_semaphore, #tpu.memory_space<semaphore_mem>>
          %dma_wait3A_275 = tpu.memref_squeeze %dma_wait3A_274 : memref<1x!tpu.dma_semaphore, #tpu.memory_space<semaphore_mem>> -> memref<!tpu.dma_semaphore, #tpu.memory_space<semaphore_mem>>
          %dma_wait3A_276 = arith.constant 0 : i32
          %dma_wait3A_277 = arith.constant 0 : i32
          %dma_wait3A_278 = tpu.memref_slice %run_scoped3A[%rem3A_267, %dma_wait3A_276, %dma_wait3A_277] : memref<2x1x800xi32, #tpu.memory_space<vmem>> -> memref<1x1x800xi32, #tpu.memory_space<vmem>>
          %dma_wait3A_279 = tpu.memref_squeeze %dma_wait3A_278 : memref<1x1x800xi32, #tpu.memory_space<vmem>> -> memref<1x800xi32, #tpu.memory_space<vmem>>
          %dma_wait3A_280 = arith.constant 0 : i32
          %dma_wait3A_281 = tpu.memref_slice %arg3[%dma_wait3A_280, %mul3A_265] : memref<1x102400xi32, #tpu.memory_space<hbm>> -> memref<1x800xi32, #tpu.memory_space<hbm>>
          tpu.wait_dma2 semaphore(%dma_wait3A_275 : memref<!tpu.dma_semaphore, #tpu.memory_space<semaphore_mem>>) src(%dma_wait3A_281 : memref<1x800xi32, #tpu.memory_space<hbm>>) dst(%dma_wait3A_279 : memref<1x800xi32, #tpu.memory_space<vmem>>)
          "tpu.trace_stop"() : () -> ()
        } else {
        }
        %ne3A_185 = arith.cmpi ne, %add3A_131, %add3A_140 : i32
        %or3A_186 = arith.constant false
        %or3A_187 = arith.ori %or3A_186, %ne3A_185 : i1
        %or3A_188 = arith.constant false
        %or3A_189 = arith.ori %or3A_187, %or3A_188 : i1
        %or3A_190 = arith.ori %or3A_189, %eq3A_128 : i1
        %convert_element_type3A_191 = arith.extui %or3A_190 : i1 to i32
        %cond3A_192 = arith.constant 0 : i32
        %cond3A_193 = arith.cmpi ne, %convert_element_type3A_191, %cond3A_192 : i32
        scf.if %cond3A_193 {
        } else {
        }
        %rem3A_194 = arith.constant 2 : i32
        %rem3A_195 = arith.remui %scan3A_123, %rem3A_194 : i32
        %rem3A_196 = arith.constant 2 : i32
        %rem3A_197 = arith.remui %scan3A_124, %rem3A_196 : i32
        %run_scoped3A_198 = arith.constant 0 : i32
        "tpu.trace_start"() <{level = 10 : i32, message = "ep_run_kernel"}> : () -> ()
        "tpu.region"() ({
          %run_scoped3A_264 = tpu.sem_alloc : memref<!tpu.dma_semaphore, #tpu.memory_space<semaphore_mem>>
          %dma_start3A_265 = arith.constant 0 : i32
          %dma_start3A_266 = arith.constant 0 : i32
          %dma_start3A_267 = tpu.memref_slice %run_scoped3A_8[%rem3A_197, %dma_start3A_265, %dma_start3A_266] : memref<2x800x64xf32, #tpu.memory_space<vmem>> -> memref<1x800x64xf32, #tpu.memory_space<vmem>>
          %dma_start3A_268 = tpu.memref_squeeze %dma_start3A_267 : memref<1x800x64xf32, #tpu.memory_space<vmem>> -> memref<800x64xf32, #tpu.memory_space<vmem>>
          %dma_start3A_269 = arith.constant 0 : i32
          %dma_start3A_270 = arith.constant 0 : i32
          %dma_start3A_271 = tpu.memref_slice %run_scoped3A[%rem3A_195, %dma_start3A_269, %dma_start3A_270] : memref<2x1x800xi32, #tpu.memory_space<vmem>> -> memref<1x1x800xi32, #tpu.memory_space<vmem>>
          %dma_start3A_272 = tpu.memref_squeeze %dma_start3A_271 : memref<1x1x800xi32, #tpu.memory_space<vmem>> -> memref<1x800xi32, #tpu.memory_space<vmem>>
          %dma_start3A_273 = arith.constant 0 : i32
          %dma_start3A_274 = tpu.memref_slice %dma_start3A_272[%run_scoped3A_198, %dma_start3A_273] : memref<1x800xi32, #tpu.memory_space<vmem>> -> memref<1x800xi32, #tpu.memory_space<vmem>>
          %dma_start3A_275 = tpu.memref_squeeze %dma_start3A_274 : memref<1x800xi32, #tpu.memory_space<vmem>> -> memref<800xi32, #tpu.memory_space<vmem>>
          %dma_start3A_276 = arith.constant 0 : i32
          %dma_start3A_277 = arith.constant 0 : i32
          %dma_start3A_278 = tpu.memref_slice %arg2[%dma_start3A_276, %dma_start3A_277] : memref<1003520x64xf32, #tpu.memory_space<hbm>> -> memref<1003520x64xf32, #tpu.memory_space<hbm>>
          tpu.enqueue_indirect_dma source(%dma_start3A_278 : memref<1003520x64xf32, #tpu.memory_space<hbm>>) target(%dma_start3A_268 : memref<800x64xf32, #tpu.memory_space<vmem>>) offsets(%dma_start3A_275 : memref<800xi32, #tpu.memory_space<vmem>>) semaphore(%run_scoped3A_264 : memref<!tpu.dma_semaphore, #tpu.memory_space<semaphore_mem>>)
          %dma_wait3A_279 = arith.constant 0 : i32
          %dma_wait3A_280 = arith.constant 0 : i32
          %dma_wait3A_281 = tpu.memref_slice %run_scoped3A_8[%rem3A_197, %dma_wait3A_279, %dma_wait3A_280] : memref<2x800x64xf32, #tpu.memory_space<vmem>> -> memref<1x800x64xf32, #tpu.memory_space<vmem>>
          %dma_wait3A_282 = tpu.memref_squeeze %dma_wait3A_281 : memref<1x800x64xf32, #tpu.memory_space<vmem>> -> memref<800x64xf32, #tpu.memory_space<vmem>>
          %dma_wait3A_283 = arith.constant 0 : i32
          %dma_wait3A_284 = arith.constant 0 : i32
          %dma_wait3A_285 = tpu.memref_slice %run_scoped3A[%rem3A_195, %dma_wait3A_283, %dma_wait3A_284] : memref<2x1x800xi32, #tpu.memory_space<vmem>> -> memref<1x1x800xi32, #tpu.memory_space<vmem>>
          %dma_wait3A_286 = tpu.memref_squeeze %dma_wait3A_285 : memref<1x1x800xi32, #tpu.memory_space<vmem>> -> memref<1x800xi32, #tpu.memory_space<vmem>>
          %dma_wait3A_287 = arith.constant 0 : i32
          %dma_wait3A_288 = tpu.memref_slice %dma_wait3A_286[%run_scoped3A_198, %dma_wait3A_287] : memref<1x800xi32, #tpu.memory_space<vmem>> -> memref<1x800xi32, #tpu.memory_space<vmem>>
          %dma_wait3A_289 = tpu.memref_squeeze %dma_wait3A_288 : memref<1x800xi32, #tpu.memory_space<vmem>> -> memref<800xi32, #tpu.memory_space<vmem>>
          %dma_wait3A_290 = arith.constant 0 : i32
          %dma_wait3A_291 = arith.constant 0 : i32
          %dma_wait3A_292 = tpu.memref_slice %arg2[%dma_wait3A_290, %dma_wait3A_291] : memref<1003520x64xf32, #tpu.memory_space<hbm>> -> memref<1003520x64xf32, #tpu.memory_space<hbm>>
          tpu.wait_indirect_dma semaphore(%run_scoped3A_264 : memref<!tpu.dma_semaphore, #tpu.memory_space<semaphore_mem>>) src(%dma_wait3A_292 : memref<1003520x64xf32, #tpu.memory_space<hbm>>) dst(%dma_wait3A_282 : memref<800x64xf32, #tpu.memory_space<vmem>>)
          tpu.yield
        }) : () -> ()
        "tpu.trace_stop"() : () -> ()
        %ne3A_199 = arith.cmpi ne, %add3A_131, %add3A_149 : i32
        %or3A_200 = arith.constant false
        %or3A_201 = arith.ori %or3A_200, %ne3A_199 : i1
        %or3A_202 = arith.ori %or3A_201, %eq3A_130 : i1
        %convert_element_type3A_203 = arith.extui %or3A_202 : i1 to i32
        %cond3A_204 = arith.constant 0 : i32
        %cond3A_205 = arith.cmpi ne, %convert_element_type3A_203, %cond3A_204 : i32
        scf.if %cond3A_205 {
        } else {
        }
        %and3A_206 = arith.constant false
        %and3A_207 = arith.andi %or3A_202, %and3A_206 : i1
        %ne3A_208 = arith.cmpi ne, %add3A_131, %add3A_149 : i32
        %or3A_209 = arith.constant false
        %or3A_210 = arith.ori %or3A_209, %ne3A_208 : i1
        %or3A_211 = arith.constant false
        %or3A_212 = arith.ori %or3A_210, %or3A_211 : i1
        %or3A_213 = arith.ori %or3A_212, %eq3A_130 : i1
        %convert_element_type3A_214 = arith.extui %or3A_213 : i1 to i32
        %cond3A_215 = arith.constant 0 : i32
        %cond3A_216 = arith.cmpi ne, %convert_element_type3A_214, %cond3A_215 : i32
        scf.if %cond3A_216 {
          "tpu.trace_start"() <{level = 10 : i32, message = "ep_copy_out"}> : () -> ()
          %rem3A_264 = arith.constant 2 : i32
          %rem3A_265 = arith.remui %scan3A_124, %rem3A_264 : i32
          %mul3A_266 = arith.constant 800 : i32
          %mul3A_267 = arith.muli %mul3A_266, %add3A_131 : i32
          %dma_start3A_268 = arith.constant 0 : i32
          %dma_start3A_269 = arith.constant 0 : i32
          %dma_start3A_270 = tpu.memref_slice %run_scoped3A_8[%rem3A_265, %dma_start3A_268, %dma_start3A_269] : memref<2x800x64xf32, #tpu.memory_space<vmem>> -> memref<1x800x64xf32, #tpu.memory_space<vmem>>
          %dma_start3A_271 = tpu.memref_squeeze %dma_start3A_270 : memref<1x800x64xf32, #tpu.memory_space<vmem>> -> memref<800x64xf32, #tpu.memory_space<vmem>>
          %dma_start3A_272 = arith.constant 0 : i32
          %dma_start3A_273 = tpu.memref_slice %arg4[%mul3A_267, %dma_start3A_272] : memref<102400x64xf32, #tpu.memory_space<hbm>> -> memref<800x64xf32, #tpu.memory_space<hbm>>
          %dma_start3A_274 = tpu.memref_slice %run_scoped3A_9[%rem3A_265] : memref<2x!tpu.dma_semaphore, #tpu.memory_space<semaphore_mem>> -> memref<1x!tpu.dma_semaphore, #tpu.memory_space<semaphore_mem>>
          %dma_start3A_275 = tpu.memref_squeeze %dma_start3A_274 : memref<1x!tpu.dma_semaphore, #tpu.memory_space<semaphore_mem>> -> memref<!tpu.dma_semaphore, #tpu.memory_space<semaphore_mem>>
          %dma_start3A_276 = arith.constant 0 : i32
          %dma_start3A_277 = tpu.memref_slice %arg4[%mul3A_267, %dma_start3A_276] : memref<102400x64xf32, #tpu.memory_space<hbm>> -> memref<800x64xf32, #tpu.memory_space<hbm>>
          %dma_start3A_278 = arith.constant 0 : i32
          %dma_start3A_279 = arith.constant 0 : i32
          %dma_start3A_280 = tpu.memref_slice %run_scoped3A_8[%rem3A_265, %dma_start3A_278, %dma_start3A_279] : memref<2x800x64xf32, #tpu.memory_space<vmem>> -> memref<1x800x64xf32, #tpu.memory_space<vmem>>
          %dma_start3A_281 = tpu.memref_squeeze %dma_start3A_280 : memref<1x800x64xf32, #tpu.memory_space<vmem>> -> memref<800x64xf32, #tpu.memory_space<vmem>>
          tpu.enqueue_dma source(%dma_start3A_281 : memref<800x64xf32, #tpu.memory_space<vmem>>) target(%dma_start3A_277 : memref<800x64xf32, #tpu.memory_space<hbm>>) target_semaphore(%dma_start3A_275 : memref<!tpu.dma_semaphore, #tpu.memory_space<semaphore_mem>>)
          "tpu.trace_stop"() : () -> ()
        } else {
        }
        %and3A_217 = arith.constant true
        %and3A_218 = arith.andi %or3A_213, %and3A_217 : i1
        %add3A_219 = arith.constant 1 : i32
        %add3A_220 = arith.addi %scan3A_124, %add3A_219 : i32
        %select_n3A_221 = arith.select %and3A_218, %add3A_220, %scan3A_124 : i32
        %ne3A_222 = arith.cmpi ne, %add3A_131, %add3A_140 : i32
        %or3A_223 = arith.constant false
        %or3A_224 = arith.ori %or3A_223, %ne3A_222 : i1
        %not3A_225 = arith.constant true
        %not3A_226 = arith.xori %eq3A_128, %not3A_225 : i1
        %and3A_227 = arith.andi %or3A_224, %not3A_226 : i1
        %convert_element_type3A_228 = arith.extui %and3A_227 : i1 to i32
        %cond3A_229 = arith.constant 0 : i32
        %cond3A_230 = arith.cmpi ne, %convert_element_type3A_228, %cond3A_229 : i32
        scf.if %cond3A_230 {
        } else {
        }
        %and3A_231 = arith.constant false
        %and3A_232 = arith.andi %and3A_227, %and3A_231 : i1
        %ne3A_233 = arith.cmpi ne, %add3A_131, %add3A_140 : i32
        %or3A_234 = arith.constant false
        %or3A_235 = arith.ori %or3A_234, %ne3A_233 : i1
        %or3A_236 = arith.constant false
        %or3A_237 = arith.ori %or3A_235, %or3A_236 : i1
        %not3A_238 = arith.constant true
        %not3A_239 = arith.xori %eq3A_128, %not3A_238 : i1
        %and3A_240 = arith.andi %or3A_237, %not3A_239 : i1
        %convert_element_type3A_241 = arith.extui %and3A_240 : i1 to i32
        %cond3A_242 = arith.constant 0 : i32
        %cond3A_243 = arith.cmpi ne, %convert_element_type3A_241, %cond3A_242 : i32
        scf.if %cond3A_243 {
          "tpu.trace_start"() <{level = 10 : i32, message = "ep_wait_out"}> : () -> ()
          %rem3A_264 = arith.constant 2 : i32
          %rem3A_265 = arith.remui %scan3A_125, %rem3A_264 : i32
          %mul3A_266 = arith.constant 800 : i32
          %mul3A_267 = arith.muli %mul3A_266, %add3A_140 : i32
          %dma_wait3A_268 = arith.constant 0 : i32
          %dma_wait3A_269 = arith.constant 0 : i32
          %dma_wait3A_270 = tpu.memref_slice %run_scoped3A_8[%rem3A_265, %dma_wait3A_268, %dma_wait3A_269] : memref<2x800x64xf32, #tpu.memory_space<vmem>> -> memref<1x800x64xf32, #tpu.memory_space<vmem>>
          %dma_wait3A_271 = tpu.memref_squeeze %dma_wait3A_270 : memref<1x800x64xf32, #tpu.memory_space<vmem>> -> memref<800x64xf32, #tpu.memory_space<vmem>>
          %dma_wait3A_272 = arith.constant 0 : i32
          %dma_wait3A_273 = tpu.memref_slice %arg4[%mul3A_267, %dma_wait3A_272] : memref<102400x64xf32, #tpu.memory_space<hbm>> -> memref<800x64xf32, #tpu.memory_space<hbm>>
          %dma_wait3A_274 = tpu.memref_slice %run_scoped3A_9[%rem3A_265] : memref<2x!tpu.dma_semaphore, #tpu.memory_space<semaphore_mem>> -> memref<1x!tpu.dma_semaphore, #tpu.memory_space<semaphore_mem>>
          %dma_wait3A_275 = tpu.memref_squeeze %dma_wait3A_274 : memref<1x!tpu.dma_semaphore, #tpu.memory_space<semaphore_mem>> -> memref<!tpu.dma_semaphore, #tpu.memory_space<semaphore_mem>>
          %dma_wait3A_276 = arith.constant 0 : i32
          %dma_wait3A_277 = tpu.memref_slice %arg4[%mul3A_267, %dma_wait3A_276] : memref<102400x64xf32, #tpu.memory_space<hbm>> -> memref<800x64xf32, #tpu.memory_space<hbm>>
          %dma_wait3A_278 = arith.constant 0 : i32
          %dma_wait3A_279 = arith.constant 0 : i32
          %dma_wait3A_280 = tpu.memref_slice %run_scoped3A_8[%rem3A_265, %dma_wait3A_278, %dma_wait3A_279] : memref<2x800x64xf32, #tpu.memory_space<vmem>> -> memref<1x800x64xf32, #tpu.memory_space<vmem>>
          %dma_wait3A_281 = tpu.memref_squeeze %dma_wait3A_280 : memref<1x800x64xf32, #tpu.memory_space<vmem>> -> memref<800x64xf32, #tpu.memory_space<vmem>>
          tpu.wait_dma2 semaphore(%dma_wait3A_275 : memref<!tpu.dma_semaphore, #tpu.memory_space<semaphore_mem>>) src(%dma_wait3A_281 : memref<800x64xf32, #tpu.memory_space<vmem>>) dst(%dma_wait3A_277 : memref<800x64xf32, #tpu.memory_space<hbm>>)
          "tpu.trace_stop"() : () -> ()
        } else {
        }
        %and3A_244 = arith.constant true
        %and3A_245 = arith.andi %and3A_240, %and3A_244 : i1
        %add3A_246 = arith.constant 1 : i32
        %add3A_247 = arith.addi %scan3A_125, %add3A_246 : i32
        %select_n3A_248 = arith.select %and3A_245, %add3A_247, %scan3A_125 : i32
        %ne3A_249 = arith.cmpi ne, %add3A_131, %add3A_149 : i32
        %or3A_250 = arith.constant false
        %or3A_251 = arith.ori %or3A_250, %ne3A_249 : i1
        %or3A_252 = arith.ori %or3A_251, %eq3A_130 : i1
        %add3A_253 = arith.constant 1 : i32
        %add3A_254 = arith.addi %scan3A_123, %add3A_253 : i32
        %select_n3A_255 = arith.select %or3A_252, %add3A_254, %scan3A_123 : i32
        %add3A_256 = arith.constant 1 : i32
        %add3A_257 = arith.addi %scan3A_126, %add3A_256 : i32
        %select_n3A_258 = arith.constant true
        %select_n3A_259 = arith.select %select_n3A_258, %add3A_257, %scan3A_126 : i32
        %eq3A_260 = arith.constant 4 : i32
        %eq3A_261 = arith.cmpi eq, %select_n3A_259, %eq3A_260 : i32
        %select_n3A_262 = arith.constant 0 : i32
        %select_n3A_263 = arith.select %eq3A_261, %select_n3A_262, %select_n3A_259 : i32
        scf.yield %select_n3A_167, %select_n3A_255, %select_n3A_221, %select_n3A_248, %select_n3A_263 : i32, i32, i32, i32, i32
      }
      %scan3A_68 = arith.constant 4 : i32
      %sub3A = arith.constant 1 : i32
      %sub3A_69 = arith.subi %scan3A_67#4, %sub3A : i32
      %select_n3A_70 = arith.constant true
      %select_n3A_71 = arith.select %select_n3A_70, %sub3A_69, %scan3A_67#4 : i32
      %eq3A_72 = arith.constant -1 : i32
      %eq3A_73 = arith.cmpi eq, %select_n3A_71, %eq3A_72 : i32
      %select_n3A_74 = arith.constant 3 : i32
      %select_n3A_75 = arith.select %eq3A_73, %select_n3A_74, %select_n3A_71 : i32
      %add3A_76 = arith.addi %select_n3A_75, %mul3A_6 : i32
      %sub3A_77 = arith.constant 1 : i32
      %sub3A_78 = arith.subi %select_n3A_75, %sub3A_77 : i32
      %select_n3A_79 = arith.constant true
      %select_n3A_80 = arith.select %select_n3A_79, %sub3A_78, %select_n3A_75 : i32
      %eq3A_81 = arith.constant -1 : i32
      %eq3A_82 = arith.cmpi eq, %select_n3A_80, %eq3A_81 : i32
      %select_n3A_83 = arith.constant 3 : i32
      %select_n3A_84 = arith.select %eq3A_82, %select_n3A_83, %select_n3A_80 : i32
      %add3A_85 = arith.addi %select_n3A_84, %mul3A_6 : i32
      %add3A_86 = arith.constant 1 : i32
      %add3A_87 = arith.addi %select_n3A_75, %add3A_86 : i32
      %select_n3A_88 = arith.constant true
      %select_n3A_89 = arith.select %select_n3A_88, %add3A_87, %select_n3A_75 : i32
      %eq3A_90 = arith.constant 4 : i32
      %eq3A_91 = arith.cmpi eq, %select_n3A_89, %eq3A_90 : i32
      %select_n3A_92 = arith.constant 0 : i32
      %select_n3A_93 = arith.select %eq3A_91, %select_n3A_92, %select_n3A_89 : i32
      %add3A_94 = arith.addi %select_n3A_93, %mul3A_6 : i32
      %add3A_95 = arith.constant 1 : i32
      %add3A_96 = arith.addi %select_n3A_93, %add3A_95 : i32
      %select_n3A_97 = arith.constant true
      %select_n3A_98 = arith.select %select_n3A_97, %add3A_96, %select_n3A_93 : i32
      %eq3A_99 = arith.constant 4 : i32
      %eq3A_100 = arith.cmpi eq, %select_n3A_98, %eq3A_99 : i32
      %select_n3A_101 = arith.constant 0 : i32
      %select_n3A_102 = arith.select %eq3A_100, %select_n3A_101, %select_n3A_98 : i32
      %add3A_103 = arith.addi %select_n3A_102, %mul3A_6 : i32
      "tpu.trace_start"() <{level = 10 : i32, message = "ep_finalize"}> : () -> ()
      %rem3A_104 = arith.constant 2 : i32
      %rem3A_105 = arith.remui %scan3A_67#3, %rem3A_104 : i32
      %mul3A_106 = arith.constant 800 : i32
      %mul3A_107 = arith.muli %mul3A_106, %add3A_76 : i32
      %dma_wait3A = arith.constant 0 : i32
      %dma_wait3A_108 = arith.constant 0 : i32
      %dma_wait3A_109 = tpu.memref_slice %run_scoped3A_8[%rem3A_105, %dma_wait3A, %dma_wait3A_108] : memref<2x800x64xf32, #tpu.memory_space<vmem>> -> memref<1x800x64xf32, #tpu.memory_space<vmem>>
      %dma_wait3A_110 = tpu.memref_squeeze %dma_wait3A_109 : memref<1x800x64xf32, #tpu.memory_space<vmem>> -> memref<800x64xf32, #tpu.memory_space<vmem>>
      %dma_wait3A_111 = arith.constant 0 : i32
      %dma_wait3A_112 = tpu.memref_slice %arg4[%mul3A_107, %dma_wait3A_111] : memref<102400x64xf32, #tpu.memory_space<hbm>> -> memref<800x64xf32, #tpu.memory_space<hbm>>
      %dma_wait3A_113 = tpu.memref_slice %run_scoped3A_9[%rem3A_105] : memref<2x!tpu.dma_semaphore, #tpu.memory_space<semaphore_mem>> -> memref<1x!tpu.dma_semaphore, #tpu.memory_space<semaphore_mem>>
      %dma_wait3A_114 = tpu.memref_squeeze %dma_wait3A_113 : memref<1x!tpu.dma_semaphore, #tpu.memory_space<semaphore_mem>> -> memref<!tpu.dma_semaphore, #tpu.memory_space<semaphore_mem>>
      %dma_wait3A_115 = arith.constant 0 : i32
      %dma_wait3A_116 = tpu.memref_slice %arg4[%mul3A_107, %dma_wait3A_115] : memref<102400x64xf32, #tpu.memory_space<hbm>> -> memref<800x64xf32, #tpu.memory_space<hbm>>
      %dma_wait3A_117 = arith.constant 0 : i32
      %dma_wait3A_118 = arith.constant 0 : i32
      %dma_wait3A_119 = tpu.memref_slice %run_scoped3A_8[%rem3A_105, %dma_wait3A_117, %dma_wait3A_118] : memref<2x800x64xf32, #tpu.memory_space<vmem>> -> memref<1x800x64xf32, #tpu.memory_space<vmem>>
      %dma_wait3A_120 = tpu.memref_squeeze %dma_wait3A_119 : memref<1x800x64xf32, #tpu.memory_space<vmem>> -> memref<800x64xf32, #tpu.memory_space<vmem>>
      tpu.wait_dma2 semaphore(%dma_wait3A_114 : memref<!tpu.dma_semaphore, #tpu.memory_space<semaphore_mem>>) src(%dma_wait3A_120 : memref<800x64xf32, #tpu.memory_space<vmem>>) dst(%dma_wait3A_116 : memref<800x64xf32, #tpu.memory_space<hbm>>)
      "tpu.trace_stop"() : () -> ()
      tpu.yield
    }) : () -> ()
    return
  }
}

#map = affine_map<(d0, d1) -> (0, 0)>
module attributes {stable_mosaic.version = 14 : i64} {
  func.func @run(%arg0: i32, %arg1: i32, %arg2: memref<1003520x64xf32, #tpu.memory_space<hbm>>, %arg3: memref<1x102400xi32, #tpu.memory_space<hbm>>, %arg4: memref<102400x64xf32, #tpu.memory_space<hbm>>) attributes {dimension_semantics = [#tpu.dimension_semantics<core_parallel>, #tpu.dimension_semantics<subcore_parallel>], iteration_bounds = array<i64: 2, 16>, scalar_prefetch = 0 : i64, scratch_operands = 0 : i64, tpu.core_type = #tpu.core_type<sc_vector_subcore>, window_params = [{transform_indices = #map}, {transform_indices = #map}, {transform_indices = #map}]} {
    %mul3A = arith.constant 1 : i32
    %mul3A_0 = arith.muli %arg1, %mul3A : i32
    %add3A = arith.constant 0 : i32
    %add3A_1 = arith.addi %add3A, %mul3A_0 : i32
    %mul3A_2 = arith.constant 16 : i32
    %mul3A_3 = arith.muli %arg0, %mul3A_2 : i32
    %add3A_4 = arith.addi %add3A_1, %mul3A_3 : i32
    %mul3A_5 = arith.constant 4 : i32
    %mul3A_6 = arith.muli %add3A_4, %mul3A_5 : i32
    "tpu.region"() ({
      %run_scoped3A = memref.alloca() : memref<2x1x800xi32, #tpu.memory_space<vmem>>
      %run_scoped3A_7 = tpu.sem_alloc : memref<2x!tpu.dma_semaphore, #tpu.memory_space<semaphore_mem>>
      %run_scoped3A_8 = memref.alloca() : memref<2x800x64xf32, #tpu.memory_space<vmem>>
      %run_scoped3A_9 = tpu.sem_alloc : memref<2x!tpu.dma_semaphore, #tpu.memory_space<semaphore_mem>>
      %add3A_10 = arith.constant 0 : i32
      %add3A_11 = arith.addi %add3A_10, %mul3A_6 : i32
      %select_n3A = arith.constant true
      %select_n3A_12 = arith.constant 0 : i32
      %select_n3A_13 = arith.constant -1 : i32
      %select_n3A_14 = arith.select %select_n3A, %select_n3A_13, %select_n3A_12 : i32
      %eq3A = arith.constant -1 : i32
      %eq3A_15 = arith.cmpi eq, %select_n3A_14, %eq3A : i32
      %select_n3A_16 = arith.constant 3 : i32
      %select_n3A_17 = arith.select %eq3A_15, %select_n3A_16, %select_n3A_14 : i32
      %add3A_18 = arith.addi %select_n3A_17, %mul3A_6 : i32
      %select_n3A_19 = arith.constant true
      %select_n3A_20 = arith.constant 0 : i32
      %select_n3A_21 = arith.constant 1 : i32
      %select_n3A_22 = arith.select %select_n3A_19, %select_n3A_21, %select_n3A_20 : i32
      %eq3A_23 = arith.constant 4 : i32
      %eq3A_24 = arith.cmpi eq, %select_n3A_22, %eq3A_23 : i32
      %select_n3A_25 = arith.constant 0 : i32
      %select_n3A_26 = arith.select %eq3A_24, %select_n3A_25, %select_n3A_22 : i32
      %add3A_27 = arith.addi %select_n3A_26, %mul3A_6 : i32
      %add3A_28 = arith.constant 1 : i32
      %add3A_29 = arith.addi %select_n3A_26, %add3A_28 : i32
      %select_n3A_30 = arith.constant true
      %select_n3A_31 = arith.select %select_n3A_30, %add3A_29, %select_n3A_26 : i32
      %eq3A_32 = arith.constant 4 : i32
      %eq3A_33 = arith.cmpi eq, %select_n3A_31, %eq3A_32 : i32
      %select_n3A_34 = arith.constant 0 : i32
      %select_n3A_35 = arith.select %eq3A_33, %select_n3A_34, %select_n3A_31 : i32
      %add3A_36 = arith.addi %select_n3A_35, %mul3A_6 : i32
      "tpu.trace_start"() <{level = 10 : i32, message = "ep_initialize_0"}> : () -> ()
      %rem3A = arith.constant 0 : i32
      %rem3A_37 = arith.constant 2 : i32
      %rem3A_38 = arith.remui %rem3A, %rem3A_37 : i32
      %mul3A_39 = arith.constant 800 : i32
      %mul3A_40 = arith.muli %mul3A_39, %add3A_11 : i32
      %dma_start3A = arith.constant 0 : i32
      %dma_start3A_41 = arith.constant 0 : i32
      %dma_start3A_42 = tpu.memref_slice %run_scoped3A[%rem3A_38, %dma_start3A, %dma_start3A_41] : memref<2x1x800xi32, #tpu.memory_space<vmem>> -> memref<1x1x800xi32, #tpu.memory_space<vmem>>
      %dma_start3A_43 = tpu.memref_squeeze %dma_start3A_42 : memref<1x1x800xi32, #tpu.memory_space<vmem>> -> memref<1x800xi32, #tpu.memory_space<vmem>>
      %dma_start3A_44 = arith.constant 0 : i32
      %dma_start3A_45 = tpu.memref_slice %arg3[%dma_start3A_44, %mul3A_40] : memref<1x102400xi32, #tpu.memory_space<hbm>> -> memref<1x800xi32, #tpu.memory_space<hbm>>
      %dma_start3A_46 = tpu.memref_slice %run_scoped3A_7[%rem3A_38] : memref<2x!tpu.dma_semaphore, #tpu.memory_space<semaphore_mem>> -> memref<1x!tpu.dma_semaphore, #tpu.memory_space<semaphore_mem>>
      %dma_start3A_47 = tpu.memref_squeeze %dma_start3A_46 : memref<1x!tpu.dma_semaphore, #tpu.memory_space<semaphore_mem>> -> memref<!tpu.dma_semaphore, #tpu.memory_space<semaphore_mem>>
      %dma_start3A_48 = arith.constant 0 : i32
      %dma_start3A_49 = arith.constant 0 : i32
      %dma_start3A_50 = tpu.memref_slice %run_scoped3A[%rem3A_38, %dma_start3A_48, %dma_start3A_49] : memref<2x1x800xi32, #tpu.memory_space<vmem>> -> memref<1x1x800xi32, #tpu.memory_space<vmem>>
      %dma_start3A_51 = tpu.memref_squeeze %dma_start3A_50 : memref<1x1x800xi32, #tpu.memory_space<vmem>> -> memref<1x800xi32, #tpu.memory_space<vmem>>
      %dma_start3A_52 = arith.constant 0 : i32
      %dma_start3A_53 = tpu.memref_slice %arg3[%dma_start3A_52, %mul3A_40] : memref<1x102400xi32, #tpu.memory_space<hbm>> -> memref<1x800xi32, #tpu.memory_space<hbm>>
      tpu.enqueue_dma source(%dma_start3A_53 : memref<1x800xi32, #tpu.memory_space<hbm>>) target(%dma_start3A_51 : memref<1x800xi32, #tpu.memory_space<vmem>>) target_semaphore(%dma_start3A_47 : memref<!tpu.dma_semaphore, #tpu.memory_space<semaphore_mem>>)
      %add3A_54 = arith.constant 0 : i32
      %add3A_55 = arith.constant 1 : i32
      %add3A_56 = arith.addi %add3A_54, %add3A_55 : i32
      %select_n3A_57 = arith.constant true
      %select_n3A_58 = arith.constant 0 : i32
      %select_n3A_59 = arith.select %select_n3A_57, %add3A_56, %select_n3A_58 : i32
      "tpu.trace_stop"() : () -> ()
      %scan3A = arith.constant 0 : i32
      %scan3A_60 = arith.constant 0 : i32
      %scan3A_61 = arith.constant 0 : i32
      %scan3A_62 = arith.constant 0 : i32
      %scan3A_63 = arith.constant 0 : i32
      %scan3A_64 = arith.constant 4 : i32
      %scan3A_65 = arith.addi %scan3A_63, %scan3A_64 : i32
      %scan3A_66 = arith.constant 1 : i32
      %scan3A_67:5 = scf.for %scan3A_121 = %scan3A_63 to %scan3A_65 step %scan3A_66 iter_args(%scan3A_122 = %select_n3A_59, %scan3A_123 = %scan3A, %scan3A_124 = %scan3A_60, %scan3A_125 = %scan3A_61, %scan3A_126 = %scan3A_62) -> (i32, i32, i32, i32, i32)  : i32 {
        %eq3A_127 = arith.constant 0 : i32
        %eq3A_128 = arith.cmpi eq, %scan3A_121, %eq3A_127 : i32
        %eq3A_129 = arith.constant 3 : i32
        %eq3A_130 = arith.cmpi eq, %scan3A_121, %eq3A_129 : i32
        %add3A_131 = arith.addi %scan3A_126, %mul3A_6 : i32
        %sub3A_132 = arith.constant 1 : i32
        %sub3A_133 = arith.subi %scan3A_126, %sub3A_132 : i32
        %select_n3A_134 = arith.constant true
        %select_n3A_135 = arith.select %select_n3A_134, %sub3A_133, %scan3A_126 : i32
        %eq3A_136 = arith.constant -1 : i32
        %eq3A_137 = arith.cmpi eq, %select_n3A_135, %eq3A_136 : i32
        %select_n3A_138 = arith.constant 3 : i32
        %select_n3A_139 = arith.select %eq3A_137, %select_n3A_138, %select_n3A_135 : i32
        %add3A_140 = arith.addi %select_n3A_139, %mul3A_6 : i32
        %add3A_141 = arith.constant 1 : i32
        %add3A_142 = arith.addi %scan3A_126, %add3A_141 : i32
        %select_n3A_143 = arith.constant true
        %select_n3A_144 = arith.select %select_n3A_143, %add3A_142, %scan3A_126 : i32
        %eq3A_145 = arith.constant 4 : i32
        %eq3A_146 = arith.cmpi eq, %select_n3A_144, %eq3A_145 : i32
        %select_n3A_147 = arith.constant 0 : i32
        %select_n3A_148 = arith.select %eq3A_146, %select_n3A_147, %select_n3A_144 : i32
        %add3A_149 = arith.addi %select_n3A_148, %mul3A_6 : i32
        %add3A_150 = arith.constant 1 : i32
        %add3A_151 = arith.addi %select_n3A_148, %add3A_150 : i32
        %select_n3A_152 = arith.constant true
        %select_n3A_153 = arith.select %select_n3A_152, %add3A_151, %select_n3A_148 : i32
        %eq3A_154 = arith.constant 4 : i32
        %eq3A_155 = arith.cmpi eq, %select_n3A_153, %eq3A_154 : i32
        %select_n3A_156 = arith.constant 0 : i32
        %select_n3A_157 = arith.select %eq3A_155, %select_n3A_156, %select_n3A_153 : i32
        %add3A_158 = arith.addi %select_n3A_157, %mul3A_6 : i32
        %ne3A = arith.cmpi ne, %add3A_131, %add3A_149 : i32
        %or3A = arith.constant false
        %or3A_159 = arith.ori %or3A, %ne3A : i1
        %ge3A = arith.constant 3 : i32
        %ge3A_160 = arith.cmpi sge, %scan3A_121, %ge3A : i32
        %not3A = arith.constant true
        %not3A_161 = arith.xori %ge3A_160, %not3A : i1
        %and3A = arith.andi %or3A_159, %not3A_161 : i1
        %convert_element_type3A = arith.extui %and3A : i1 to i32
        %cond3A = arith.constant 0 : i32
        %cond3A_162 = arith.cmpi ne, %convert_element_type3A, %cond3A : i32
        scf.if %cond3A_162 {
          "tpu.trace_start"() <{level = 10 : i32, message = "ep_copy_in"}> : () -> ()
          %rem3A_264 = arith.constant 2 : i32
          %rem3A_265 = arith.remui %scan3A_122, %rem3A_264 : i32
          %mul3A_266 = arith.constant 800 : i32
          %mul3A_267 = arith.muli %mul3A_266, %add3A_149 : i32
          %dma_start3A_268 = arith.constant 0 : i32
          %dma_start3A_269 = arith.constant 0 : i32
          %dma_start3A_270 = tpu.memref_slice %run_scoped3A[%rem3A_265, %dma_start3A_268, %dma_start3A_269] : memref<2x1x800xi32, #tpu.memory_space<vmem>> -> memref<1x1x800xi32, #tpu.memory_space<vmem>>
          %dma_start3A_271 = tpu.memref_squeeze %dma_start3A_270 : memref<1x1x800xi32, #tpu.memory_space<vmem>> -> memref<1x800xi32, #tpu.memory_space<vmem>>
          %dma_start3A_272 = arith.constant 0 : i32
          %dma_start3A_273 = tpu.memref_slice %arg3[%dma_start3A_272, %mul3A_267] : memref<1x102400xi32, #tpu.memory_space<hbm>> -> memref<1x800xi32, #tpu.memory_space<hbm>>
          %dma_start3A_274 = tpu.memref_slice %run_scoped3A_7[%rem3A_265] : memref<2x!tpu.dma_semaphore, #tpu.memory_space<semaphore_mem>> -> memref<1x!tpu.dma_semaphore, #tpu.memory_space<semaphore_mem>>
          %dma_start3A_275 = tpu.memref_squeeze %dma_start3A_274 : memref<1x!tpu.dma_semaphore, #tpu.memory_space<semaphore_mem>> -> memref<!tpu.dma_semaphore, #tpu.memory_space<semaphore_mem>>
          %dma_start3A_276 = arith.constant 0 : i32
          %dma_start3A_277 = arith.constant 0 : i32
          %dma_start3A_278 = tpu.memref_slice %run_scoped3A[%rem3A_265, %dma_start3A_276, %dma_start3A_277] : memref<2x1x800xi32, #tpu.memory_space<vmem>> -> memref<1x1x800xi32, #tpu.memory_space<vmem>>
          %dma_start3A_279 = tpu.memref_squeeze %dma_start3A_278 : memref<1x1x800xi32, #tpu.memory_space<vmem>> -> memref<1x800xi32, #tpu.memory_space<vmem>>
          %dma_start3A_280 = arith.constant 0 : i32
          %dma_start3A_281 = tpu.memref_slice %arg3[%dma_start3A_280, %mul3A_267] : memref<1x102400xi32, #tpu.memory_space<hbm>> -> memref<1x800xi32, #tpu.memory_space<hbm>>
          tpu.enqueue_dma source(%dma_start3A_281 : memref<1x800xi32, #tpu.memory_space<hbm>>) target(%dma_start3A_279 : memref<1x800xi32, #tpu.memory_space<vmem>>) target_semaphore(%dma_start3A_275 : memref<!tpu.dma_semaphore, #tpu.memory_space<semaphore_mem>>)
          "tpu.trace_stop"() : () -> ()
        } else {
        }
        %and3A_163 = arith.constant true
        %and3A_164 = arith.andi %and3A, %and3A_163 : i1
        %add3A_165 = arith.constant 1 : i32
        %add3A_166 = arith.addi %scan3A_122, %add3A_165 : i32
        %select_n3A_167 = arith.select %and3A_164, %add3A_166, %scan3A_122 : i32
        %ne3A_168 = arith.cmpi ne, %add3A_131, %add3A_149 : i32
        %or3A_169 = arith.constant false
        %or3A_170 = arith.ori %or3A_169, %ne3A_168 : i1
        %or3A_171 = arith.constant false
        %or3A_172 = arith.ori %or3A_170, %or3A_171 : i1
        %ge3A_173 = arith.constant 3 : i32
        %ge3A_174 = arith.cmpi sge, %scan3A_121, %ge3A_173 : i32
        %not3A_175 = arith.constant true
        %not3A_176 = arith.xori %ge3A_174, %not3A_175 : i1
        %and3A_177 = arith.andi %or3A_172, %not3A_176 : i1
        %ne3A_178 = arith.cmpi ne, %add3A_131, %add3A_140 : i32
        %or3A_179 = arith.constant false
        %or3A_180 = arith.ori %or3A_179, %ne3A_178 : i1
        %or3A_181 = arith.ori %or3A_180, %eq3A_128 : i1
        %convert_element_type3A_182 = arith.extui %or3A_181 : i1 to i32
        %cond3A_183 = arith.constant 0 : i32
        %cond3A_184 = arith.cmpi ne, %convert_element_type3A_182, %cond3A_183 : i32
        scf.if %cond3A_184 {
          "tpu.trace_start"() <{level = 10 : i32, message = "ep_wait_in"}> : () -> ()
          %mul3A_264 = arith.constant 800 : i32
          %mul3A_265 = arith.muli %mul3A_264, %add3A_131 : i32
          %rem3A_266 = arith.constant 2 : i32
          %rem3A_267 = arith.remui %scan3A_123, %rem3A_266 : i32
          %dma_wait3A_268 = arith.constant 0 : i32
          %dma_wait3A_269 = arith.constant 0 : i32
          %dma_wait3A_270 = tpu.memref_slice %run_scoped3A[%rem3A_267, %dma_wait3A_268, %dma_wait3A_269] : memref<2x1x800xi32, #tpu.memory_space<vmem>> -> memref<1x1x800xi32, #tpu.memory_space<vmem>>
          %dma_wait3A_271 = tpu.memref_squeeze %dma_wait3A_270 : memref<1x1x800xi32, #tpu.memory_space<vmem>> -> memref<1x800xi32, #tpu.memory_space<vmem>>
          %dma_wait3A_272 = arith.constant 0 : i32
          %dma_wait3A_273 = tpu.memref_slice %arg3[%dma_wait3A_272, %mul3A_265] : memref<1x102400xi32, #tpu.memory_space<hbm>> -> memref<1x800xi32, #tpu.memory_space<hbm>>
          %dma_wait3A_274 = tpu.memref_slice %run_scoped3A_7[%rem3A_267] : memref<2x!tpu.dma_semaphore, #tpu.memory_space<semaphore_mem>> -> memref<1x!tpu.dma_semaphore, #tpu.memory_space<semaphore_mem>>
          %dma_wait3A_275 = tpu.memref_squeeze %dma_wait3A_274 : memref<1x!tpu.dma_semaphore, #tpu.memory_space<semaphore_mem>> -> memref<!tpu.dma_semaphore, #tpu.memory_space<semaphore_mem>>
          %dma_wait3A_276 = arith.constant 0 : i32
          %dma_wait3A_277 = arith.constant 0 : i32
          %dma_wait3A_278 = tpu.memref_slice %run_scoped3A[%rem3A_267, %dma_wait3A_276, %dma_wait3A_277] : memref<2x1x800xi32, #tpu.memory_space<vmem>> -> memref<1x1x800xi32, #tpu.memory_space<vmem>>
          %dma_wait3A_279 = tpu.memref_squeeze %dma_wait3A_278 : memref<1x1x800xi32, #tpu.memory_space<vmem>> -> memref<1x800xi32, #tpu.memory_space<vmem>>
          %dma_wait3A_280 = arith.constant 0 : i32
          %dma_wait3A_281 = tpu.memref_slice %arg3[%dma_wait3A_280, %mul3A_265] : memref<1x102400xi32, #tpu.memory_space<hbm>> -> memref<1x800xi32, #tpu.memory_space<hbm>>
          tpu.wait_dma2 semaphore(%dma_wait3A_275 : memref<!tpu.dma_semaphore, #tpu.memory_space<semaphore_mem>>) src(%dma_wait3A_281 : memref<1x800xi32, #tpu.memory_space<hbm>>) dst(%dma_wait3A_279 : memref<1x800xi32, #tpu.memory_space<vmem>>)
          "tpu.trace_stop"() : () -> ()
        } else {
        }
        %ne3A_185 = arith.cmpi ne, %add3A_131, %add3A_140 : i32
        %or3A_186 = arith.constant false
        %or3A_187 = arith.ori %or3A_186, %ne3A_185 : i1
        %or3A_188 = arith.constant false
        %or3A_189 = arith.ori %or3A_187, %or3A_188 : i1
        %or3A_190 = arith.ori %or3A_189, %eq3A_128 : i1
        %convert_element_type3A_191 = arith.extui %or3A_190 : i1 to i32
        %cond3A_192 = arith.constant 0 : i32
        %cond3A_193 = arith.cmpi ne, %convert_element_type3A_191, %cond3A_192 : i32
        scf.if %cond3A_193 {
        } else {
        }
        %rem3A_194 = arith.constant 2 : i32
        %rem3A_195 = arith.remui %scan3A_123, %rem3A_194 : i32
        %rem3A_196 = arith.constant 2 : i32
        %rem3A_197 = arith.remui %scan3A_124, %rem3A_196 : i32
        %run_scoped3A_198 = arith.constant 0 : i32
        "tpu.trace_start"() <{level = 10 : i32, message = "ep_run_kernel"}> : () -> ()
        "tpu.region"() ({
          %run_scoped3A_264 = tpu.sem_alloc : memref<!tpu.dma_semaphore, #tpu.memory_space<semaphore_mem>>
          %dma_start3A_265 = arith.constant 0 : i32
          %dma_start3A_266 = arith.constant 0 : i32
          %dma_start3A_267 = tpu.memref_slice %run_scoped3A_8[%rem3A_197, %dma_start3A_265, %dma_start3A_266] : memref<2x800x64xf32, #tpu.memory_space<vmem>> -> memref<1x800x64xf32, #tpu.memory_space<vmem>>
          %dma_start3A_268 = tpu.memref_squeeze %dma_start3A_267 : memref<1x800x64xf32, #tpu.memory_space<vmem>> -> memref<800x64xf32, #tpu.memory_space<vmem>>
          %dma_start3A_269 = arith.constant 0 : i32
          %dma_start3A_270 = arith.constant 0 : i32
          %dma_start3A_271 = tpu.memref_slice %run_scoped3A[%rem3A_195, %dma_start3A_269, %dma_start3A_270] : memref<2x1x800xi32, #tpu.memory_space<vmem>> -> memref<1x1x800xi32, #tpu.memory_space<vmem>>
          %dma_start3A_272 = tpu.memref_squeeze %dma_start3A_271 : memref<1x1x800xi32, #tpu.memory_space<vmem>> -> memref<1x800xi32, #tpu.memory_space<vmem>>
          %dma_start3A_273 = arith.constant 0 : i32
          %dma_start3A_274 = tpu.memref_slice %dma_start3A_272[%run_scoped3A_198, %dma_start3A_273] : memref<1x800xi32, #tpu.memory_space<vmem>> -> memref<1x800xi32, #tpu.memory_space<vmem>>
          %dma_start3A_275 = tpu.memref_squeeze %dma_start3A_274 : memref<1x800xi32, #tpu.memory_space<vmem>> -> memref<800xi32, #tpu.memory_space<vmem>>
          %dma_start3A_276 = arith.constant 0 : i32
          %dma_start3A_277 = arith.constant 0 : i32
          %dma_start3A_278 = tpu.memref_slice %arg2[%dma_start3A_276, %dma_start3A_277] : memref<1003520x64xf32, #tpu.memory_space<hbm>> -> memref<1003520x64xf32, #tpu.memory_space<hbm>>
          tpu.enqueue_indirect_dma source(%dma_start3A_278 : memref<1003520x64xf32, #tpu.memory_space<hbm>>) target(%dma_start3A_268 : memref<800x64xf32, #tpu.memory_space<vmem>>) offsets(%dma_start3A_275 : memref<800xi32, #tpu.memory_space<vmem>>) semaphore(%run_scoped3A_264 : memref<!tpu.dma_semaphore, #tpu.memory_space<semaphore_mem>>)
          %dma_wait3A_279 = arith.constant 0 : i32
          %dma_wait3A_280 = arith.constant 0 : i32
          %dma_wait3A_281 = tpu.memref_slice %run_scoped3A_8[%rem3A_197, %dma_wait3A_279, %dma_wait3A_280] : memref<2x800x64xf32, #tpu.memory_space<vmem>> -> memref<1x800x64xf32, #tpu.memory_space<vmem>>
          %dma_wait3A_282 = tpu.memref_squeeze %dma_wait3A_281 : memref<1x800x64xf32, #tpu.memory_space<vmem>> -> memref<800x64xf32, #tpu.memory_space<vmem>>
          %dma_wait3A_283 = arith.constant 0 : i32
          %dma_wait3A_284 = arith.constant 0 : i32
          %dma_wait3A_285 = tpu.memref_slice %run_scoped3A[%rem3A_195, %dma_wait3A_283, %dma_wait3A_284] : memref<2x1x800xi32, #tpu.memory_space<vmem>> -> memref<1x1x800xi32, #tpu.memory_space<vmem>>
          %dma_wait3A_286 = tpu.memref_squeeze %dma_wait3A_285 : memref<1x1x800xi32, #tpu.memory_space<vmem>> -> memref<1x800xi32, #tpu.memory_space<vmem>>
          %dma_wait3A_287 = arith.constant 0 : i32
          %dma_wait3A_288 = tpu.memref_slice %dma_wait3A_286[%run_scoped3A_198, %dma_wait3A_287] : memref<1x800xi32, #tpu.memory_space<vmem>> -> memref<1x800xi32, #tpu.memory_space<vmem>>
          %dma_wait3A_289 = tpu.memref_squeeze %dma_wait3A_288 : memref<1x800xi32, #tpu.memory_space<vmem>> -> memref<800xi32, #tpu.memory_space<vmem>>
          %dma_wait3A_290 = arith.constant 0 : i32
          %dma_wait3A_291 = arith.constant 0 : i32
          %dma_wait3A_292 = tpu.memref_slice %arg2[%dma_wait3A_290, %dma_wait3A_291] : memref<1003520x64xf32, #tpu.memory_space<hbm>> -> memref<1003520x64xf32, #tpu.memory_space<hbm>>
          tpu.wait_indirect_dma semaphore(%run_scoped3A_264 : memref<!tpu.dma_semaphore, #tpu.memory_space<semaphore_mem>>) src(%dma_wait3A_292 : memref<1003520x64xf32, #tpu.memory_space<hbm>>) dst(%dma_wait3A_282 : memref<800x64xf32, #tpu.memory_space<vmem>>)
          tpu.yield
        }) : () -> ()
        "tpu.trace_stop"() : () -> ()
        %ne3A_199 = arith.cmpi ne, %add3A_131, %add3A_149 : i32
        %or3A_200 = arith.constant false
        %or3A_201 = arith.ori %or3A_200, %ne3A_199 : i1
        %or3A_202 = arith.ori %or3A_201, %eq3A_130 : i1
        %convert_element_type3A_203 = arith.extui %or3A_202 : i1 to i32
        %cond3A_204 = arith.constant 0 : i32
        %cond3A_205 = arith.cmpi ne, %convert_element_type3A_203, %cond3A_204 : i32
        scf.if %cond3A_205 {
        } else {
        }
        %and3A_206 = arith.constant false
        %and3A_207 = arith.andi %or3A_202, %and3A_206 : i1
        %ne3A_208 = arith.cmpi ne, %add3A_131, %add3A_149 : i32
        %or3A_209 = arith.constant false
        %or3A_210 = arith.ori %or3A_209, %ne3A_208 : i1
        %or3A_211 = arith.constant false
        %or3A_212 = arith.ori %or3A_210, %or3A_211 : i1
        %or3A_213 = arith.ori %or3A_212, %eq3A_130 : i1
        %convert_element_type3A_214 = arith.extui %or3A_213 : i1 to i32
        %cond3A_215 = arith.constant 0 : i32
        %cond3A_216 = arith.cmpi ne, %convert_element_type3A_214, %cond3A_215 : i32
        scf.if %cond3A_216 {
          "tpu.trace_start"() <{level = 10 : i32, message = "ep_copy_out"}> : () -> ()
          %rem3A_264 = arith.constant 2 : i32
          %rem3A_265 = arith.remui %scan3A_124, %rem3A_264 : i32
          %mul3A_266 = arith.constant 800 : i32
          %mul3A_267 = arith.muli %mul3A_266, %add3A_131 : i32
          %dma_start3A_268 = arith.constant 0 : i32
          %dma_start3A_269 = arith.constant 0 : i32
          %dma_start3A_270 = tpu.memref_slice %run_scoped3A_8[%rem3A_265, %dma_start3A_268, %dma_start3A_269] : memref<2x800x64xf32, #tpu.memory_space<vmem>> -> memref<1x800x64xf32, #tpu.memory_space<vmem>>
          %dma_start3A_271 = tpu.memref_squeeze %dma_start3A_270 : memref<1x800x64xf32, #tpu.memory_space<vmem>> -> memref<800x64xf32, #tpu.memory_space<vmem>>
          %dma_start3A_272 = arith.constant 0 : i32
          %dma_start3A_273 = tpu.memref_slice %arg4[%mul3A_267, %dma_start3A_272] : memref<102400x64xf32, #tpu.memory_space<hbm>> -> memref<800x64xf32, #tpu.memory_space<hbm>>
          %dma_start3A_274 = tpu.memref_slice %run_scoped3A_9[%rem3A_265] : memref<2x!tpu.dma_semaphore, #tpu.memory_space<semaphore_mem>> -> memref<1x!tpu.dma_semaphore, #tpu.memory_space<semaphore_mem>>
          %dma_start3A_275 = tpu.memref_squeeze %dma_start3A_274 : memref<1x!tpu.dma_semaphore, #tpu.memory_space<semaphore_mem>> -> memref<!tpu.dma_semaphore, #tpu.memory_space<semaphore_mem>>
          %dma_start3A_276 = arith.constant 0 : i32
          %dma_start3A_277 = tpu.memref_slice %arg4[%mul3A_267, %dma_start3A_276] : memref<102400x64xf32, #tpu.memory_space<hbm>> -> memref<800x64xf32, #tpu.memory_space<hbm>>
          %dma_start3A_278 = arith.constant 0 : i32
          %dma_start3A_279 = arith.constant 0 : i32
          %dma_start3A_280 = tpu.memref_slice %run_scoped3A_8[%rem3A_265, %dma_start3A_278, %dma_start3A_279] : memref<2x800x64xf32, #tpu.memory_space<vmem>> -> memref<1x800x64xf32, #tpu.memory_space<vmem>>
          %dma_start3A_281 = tpu.memref_squeeze %dma_start3A_280 : memref<1x800x64xf32, #tpu.memory_space<vmem>> -> memref<800x64xf32, #tpu.memory_space<vmem>>
          tpu.enqueue_dma source(%dma_start3A_281 : memref<800x64xf32, #tpu.memory_space<vmem>>) target(%dma_start3A_277 : memref<800x64xf32, #tpu.memory_space<hbm>>) target_semaphore(%dma_start3A_275 : memref<!tpu.dma_semaphore, #tpu.memory_space<semaphore_mem>>)
          "tpu.trace_stop"() : () -> ()
        } else {
        }
        %and3A_217 = arith.constant true
        %and3A_218 = arith.andi %or3A_213, %and3A_217 : i1
        %add3A_219 = arith.constant 1 : i32
        %add3A_220 = arith.addi %scan3A_124, %add3A_219 : i32
        %select_n3A_221 = arith.select %and3A_218, %add3A_220, %scan3A_124 : i32
        %ne3A_222 = arith.cmpi ne, %add3A_131, %add3A_140 : i32
        %or3A_223 = arith.constant false
        %or3A_224 = arith.ori %or3A_223, %ne3A_222 : i1
        %not3A_225 = arith.constant true
        %not3A_226 = arith.xori %eq3A_128, %not3A_225 : i1
        %and3A_227 = arith.andi %or3A_224, %not3A_226 : i1
        %convert_element_type3A_228 = arith.extui %and3A_227 : i1 to i32
        %cond3A_229 = arith.constant 0 : i32
        %cond3A_230 = arith.cmpi ne, %convert_element_type3A_228, %cond3A_229 : i32
        scf.if %cond3A_230 {
        } else {
        }
        %and3A_231 = arith.constant false
        %and3A_232 = arith.andi %and3A_227, %and3A_231 : i1
        %ne3A_233 = arith.cmpi ne, %add3A_131, %add3A_140 : i32
        %or3A_234 = arith.constant false
        %or3A_235 = arith.ori %or3A_234, %ne3A_233 : i1
        %or3A_236 = arith.constant false
        %or3A_237 = arith.ori %or3A_235, %or3A_236 : i1
        %not3A_238 = arith.constant true
        %not3A_239 = arith.xori %eq3A_128, %not3A_238 : i1
        %and3A_240 = arith.andi %or3A_237, %not3A_239 : i1
        %convert_element_type3A_241 = arith.extui %and3A_240 : i1 to i32
        %cond3A_242 = arith.constant 0 : i32
        %cond3A_243 = arith.cmpi ne, %convert_element_type3A_241, %cond3A_242 : i32
        scf.if %cond3A_243 {
          "tpu.trace_start"() <{level = 10 : i32, message = "ep_wait_out"}> : () -> ()
          %rem3A_264 = arith.constant 2 : i32
          %rem3A_265 = arith.remui %scan3A_125, %rem3A_264 : i32
          %mul3A_266 = arith.constant 800 : i32
          %mul3A_267 = arith.muli %mul3A_266, %add3A_140 : i32
          %dma_wait3A_268 = arith.constant 0 : i32
          %dma_wait3A_269 = arith.constant 0 : i32
          %dma_wait3A_270 = tpu.memref_slice %run_scoped3A_8[%rem3A_265, %dma_wait3A_268, %dma_wait3A_269] : memref<2x800x64xf32, #tpu.memory_space<vmem>> -> memref<1x800x64xf32, #tpu.memory_space<vmem>>
          %dma_wait3A_271 = tpu.memref_squeeze %dma_wait3A_270 : memref<1x800x64xf32, #tpu.memory_space<vmem>> -> memref<800x64xf32, #tpu.memory_space<vmem>>
          %dma_wait3A_272 = arith.constant 0 : i32
          %dma_wait3A_273 = tpu.memref_slice %arg4[%mul3A_267, %dma_wait3A_272] : memref<102400x64xf32, #tpu.memory_space<hbm>> -> memref<800x64xf32, #tpu.memory_space<hbm>>
          %dma_wait3A_274 = tpu.memref_slice %run_scoped3A_9[%rem3A_265] : memref<2x!tpu.dma_semaphore, #tpu.memory_space<semaphore_mem>> -> memref<1x!tpu.dma_semaphore, #tpu.memory_space<semaphore_mem>>
          %dma_wait3A_275 = tpu.memref_squeeze %dma_wait3A_274 : memref<1x!tpu.dma_semaphore, #tpu.memory_space<semaphore_mem>> -> memref<!tpu.dma_semaphore, #tpu.memory_space<semaphore_mem>>
          %dma_wait3A_276 = arith.constant 0 : i32
          %dma_wait3A_277 = tpu.memref_slice %arg4[%mul3A_267, %dma_wait3A_276] : memref<102400x64xf32, #tpu.memory_space<hbm>> -> memref<800x64xf32, #tpu.memory_space<hbm>>
          %dma_wait3A_278 = arith.constant 0 : i32
          %dma_wait3A_279 = arith.constant 0 : i32
          %dma_wait3A_280 = tpu.memref_slice %run_scoped3A_8[%rem3A_265, %dma_wait3A_278, %dma_wait3A_279] : memref<2x800x64xf32, #tpu.memory_space<vmem>> -> memref<1x800x64xf32, #tpu.memory_space<vmem>>
          %dma_wait3A_281 = tpu.memref_squeeze %dma_wait3A_280 : memref<1x800x64xf32, #tpu.memory_space<vmem>> -> memref<800x64xf32, #tpu.memory_space<vmem>>
          tpu.wait_dma2 semaphore(%dma_wait3A_275 : memref<!tpu.dma_semaphore, #tpu.memory_space<semaphore_mem>>) src(%dma_wait3A_281 : memref<800x64xf32, #tpu.memory_space<vmem>>) dst(%dma_wait3A_277 : memref<800x64xf32, #tpu.memory_space<hbm>>)
          "tpu.trace_stop"() : () -> ()
        } else {
        }
        %and3A_244 = arith.constant true
        %and3A_245 = arith.andi %and3A_240, %and3A_244 : i1
        %add3A_246 = arith.constant 1 : i32
        %add3A_247 = arith.addi %scan3A_125, %add3A_246 : i32
        %select_n3A_248 = arith.select %and3A_245, %add3A_247, %scan3A_125 : i32
        %ne3A_249 = arith.cmpi ne, %add3A_131, %add3A_149 : i32
        %or3A_250 = arith.constant false
        %or3A_251 = arith.ori %or3A_250, %ne3A_249 : i1
        %or3A_252 = arith.ori %or3A_251, %eq3A_130 : i1
        %add3A_253 = arith.constant 1 : i32
        %add3A_254 = arith.addi %scan3A_123, %add3A_253 : i32
        %select_n3A_255 = arith.select %or3A_252, %add3A_254, %scan3A_123 : i32
        %add3A_256 = arith.constant 1 : i32
        %add3A_257 = arith.addi %scan3A_126, %add3A_256 : i32
        %select_n3A_258 = arith.constant true
        %select_n3A_259 = arith.select %select_n3A_258, %add3A_257, %scan3A_126 : i32
        %eq3A_260 = arith.constant 4 : i32
        %eq3A_261 = arith.cmpi eq, %select_n3A_259, %eq3A_260 : i32
        %select_n3A_262 = arith.constant 0 : i32
        %select_n3A_263 = arith.select %eq3A_261, %select_n3A_262, %select_n3A_259 : i32
        scf.yield %select_n3A_167, %select_n3A_255, %select_n3A_221, %select_n3A_248, %select_n3A_263 : i32, i32, i32, i32, i32
      }
      %scan3A_68 = arith.constant 4 : i32
      %sub3A = arith.constant 1 : i32
      %sub3A_69 = arith.subi %scan3A_67#4, %sub3A : i32
      %select_n3A_70 = arith.constant true
      %select_n3A_71 = arith.select %select_n3A_70, %sub3A_69, %scan3A_67#4 : i32
      %eq3A_72 = arith.constant -1 : i32
      %eq3A_73 = arith.cmpi eq, %select_n3A_71, %eq3A_72 : i32
      %select_n3A_74 = arith.constant 3 : i32
      %select_n3A_75 = arith.select %eq3A_73, %select_n3A_74, %select_n3A_71 : i32
      %add3A_76 = arith.addi %select_n3A_75, %mul3A_6 : i32
      %sub3A_77 = arith.constant 1 : i32
      %sub3A_78 = arith.subi %select_n3A_75, %sub3A_77 : i32
      %select_n3A_79 = arith.constant true
      %select_n3A_80 = arith.select %select_n3A_79, %sub3A_78, %select_n3A_75 : i32
      %eq3A_81 = arith.constant -1 : i32
      %eq3A_82 = arith.cmpi eq, %select_n3A_80, %eq3A_81 : i32
      %select_n3A_83 = arith.constant 3 : i32
      %select_n3A_84 = arith.select %eq3A_82, %select_n3A_83, %select_n3A_80 : i32
      %add3A_85 = arith.addi %select_n3A_84, %mul3A_6 : i32
      %add3A_86 = arith.constant 1 : i32
      %add3A_87 = arith.addi %select_n3A_75, %add3A_86 : i32
      %select_n3A_88 = arith.constant true
      %select_n3A_89 = arith.select %select_n3A_88, %add3A_87, %select_n3A_75 : i32
      %eq3A_90 = arith.constant 4 : i32
      %eq3A_91 = arith.cmpi eq, %select_n3A_89, %eq3A_90 : i32
      %select_n3A_92 = arith.constant 0 : i32
      %select_n3A_93 = arith.select %eq3A_91, %select_n3A_92, %select_n3A_89 : i32
      %add3A_94 = arith.addi %select_n3A_93, %mul3A_6 : i32
      %add3A_95 = arith.constant 1 : i32
      %add3A_96 = arith.addi %select_n3A_93, %add3A_95 : i32
      %select_n3A_97 = arith.constant true
      %select_n3A_98 = arith.select %select_n3A_97, %add3A_96, %select_n3A_93 : i32
      %eq3A_99 = arith.constant 4 : i32
      %eq3A_100 = arith.cmpi eq, %select_n3A_98, %eq3A_99 : i32
      %select_n3A_101 = arith.constant 0 : i32
      %select_n3A_102 = arith.select %eq3A_100, %select_n3A_101, %select_n3A_98 : i32
      %add3A_103 = arith.addi %select_n3A_102, %mul3A_6 : i32
      "tpu.trace_start"() <{level = 10 : i32, message = "ep_finalize"}> : () -> ()
      %rem3A_104 = arith.constant 2 : i32
      %rem3A_105 = arith.remui %scan3A_67#3, %rem3A_104 : i32
      %mul3A_106 = arith.constant 800 : i32
      %mul3A_107 = arith.muli %mul3A_106, %add3A_76 : i32
      %dma_wait3A = arith.constant 0 : i32
      %dma_wait3A_108 = arith.constant 0 : i32
      %dma_wait3A_109 = tpu.memref_slice %run_scoped3A_8[%rem3A_105, %dma_wait3A, %dma_wait3A_108] : memref<2x800x64xf32, #tpu.memory_space<vmem>> -> memref<1x800x64xf32, #tpu.memory_space<vmem>>
      %dma_wait3A_110 = tpu.memref_squeeze %dma_wait3A_109 : memref<1x800x64xf32, #tpu.memory_space<vmem>> -> memref<800x64xf32, #tpu.memory_space<vmem>>
      %dma_wait3A_111 = arith.constant 0 : i32
      %dma_wait3A_112 = tpu.memref_slice %arg4[%mul3A_107, %dma_wait3A_111] : memref<102400x64xf32, #tpu.memory_space<hbm>> -> memref<800x64xf32, #tpu.memory_space<hbm>>
      %dma_wait3A_113 = tpu.memref_slice %run_scoped3A_9[%rem3A_105] : memref<2x!tpu.dma_semaphore, #tpu.memory_space<semaphore_mem>> -> memref<1x!tpu.dma_semaphore, #tpu.memory_space<semaphore_mem>>
      %dma_wait3A_114 = tpu.memref_squeeze %dma_wait3A_113 : memref<1x!tpu.dma_semaphore, #tpu.memory_space<semaphore_mem>> -> memref<!tpu.dma_semaphore, #tpu.memory_space<semaphore_mem>>
      %dma_wait3A_115 = arith.constant 0 : i32
      %dma_wait3A_116 = tpu.memref_slice %arg4[%mul3A_107, %dma_wait3A_115] : memref<102400x64xf32, #tpu.memory_space<hbm>> -> memref<800x64xf32, #tpu.memory_space<hbm>>
      %dma_wait3A_117 = arith.constant 0 : i32
      %dma_wait3A_118 = arith.constant 0 : i32
      %dma_wait3A_119 = tpu.memref_slice %run_scoped3A_8[%rem3A_105, %dma_wait3A_117, %dma_wait3A_118] : memref<2x800x64xf32, #tpu.memory_space<vmem>> -> memref<1x800x64xf32, #tpu.memory_space<vmem>>
      %dma_wait3A_120 = tpu.memref_squeeze %dma_wait3A_119 : memref<1x800x64xf32, #tpu.memory_space<vmem>> -> memref<800x64xf32, #tpu.memory_space<vmem>>
      tpu.wait_dma2 semaphore(%dma_wait3A_114 : memref<!tpu.dma_semaphore, #tpu.memory_space<semaphore_mem>>) src(%dma_wait3A_120 : memref<800x64xf32, #tpu.memory_space<vmem>>) dst(%dma_wait3A_116 : memref<800x64xf32, #tpu.memory_space<hbm>>)
      "tpu.trace_stop"() : () -> ()
      tpu.yield
    }) : () -> ()
    return
  }
}

#map = affine_map<(d0, d1) -> (0, 0)>
module attributes {stable_mosaic.version = 14 : i64} {
  func.func @run(%arg0: i32, %arg1: i32, %arg2: memref<1003520x64xf32, #tpu.memory_space<hbm>>, %arg3: memref<1x102400xi32, #tpu.memory_space<hbm>>, %arg4: memref<102400x64xf32, #tpu.memory_space<hbm>>) attributes {dimension_semantics = [#tpu.dimension_semantics<core_parallel>, #tpu.dimension_semantics<subcore_parallel>], iteration_bounds = array<i64: 2, 16>, scalar_prefetch = 0 : i64, scratch_operands = 0 : i64, tpu.core_type = #tpu.core_type<sc_vector_subcore>, window_params = [{transform_indices = #map}, {transform_indices = #map}, {transform_indices = #map}]} {
    %mul3A = arith.constant 1 : i32
    %mul3A_0 = arith.muli %arg1, %mul3A : i32
    %add3A = arith.constant 0 : i32
    %add3A_1 = arith.addi %add3A, %mul3A_0 : i32
    %mul3A_2 = arith.constant 16 : i32
    %mul3A_3 = arith.muli %arg0, %mul3A_2 : i32
    %add3A_4 = arith.addi %add3A_1, %mul3A_3 : i32
    %mul3A_5 = arith.constant 4 : i32
    %mul3A_6 = arith.muli %add3A_4, %mul3A_5 : i32
    "tpu.region"() ({
      %run_scoped3A = memref.alloca() : memref<2x1x800xi32, #tpu.memory_space<vmem>>
      %run_scoped3A_7 = tpu.sem_alloc : memref<2x!tpu.dma_semaphore, #tpu.memory_space<semaphore_mem>>
      %run_scoped3A_8 = memref.alloca() : memref<2x800x64xf32, #tpu.memory_space<vmem>>
      %run_scoped3A_9 = tpu.sem_alloc : memref<2x!tpu.dma_semaphore, #tpu.memory_space<semaphore_mem>>
      %add3A_10 = arith.constant 0 : i32
      %add3A_11 = arith.addi %add3A_10, %mul3A_6 : i32
      %select_n3A = arith.constant true
      %select_n3A_12 = arith.constant 0 : i32
      %select_n3A_13 = arith.constant -1 : i32
      %select_n3A_14 = arith.select %select_n3A, %select_n3A_13, %select_n3A_12 : i32
      %eq3A = arith.constant -1 : i32
      %eq3A_15 = arith.cmpi eq, %select_n3A_14, %eq3A : i32
      %select_n3A_16 = arith.constant 3 : i32
      %select_n3A_17 = arith.select %eq3A_15, %select_n3A_16, %select_n3A_14 : i32
      %add3A_18 = arith.addi %select_n3A_17, %mul3A_6 : i32
      %select_n3A_19 = arith.constant true
      %select_n3A_20 = arith.constant 0 : i32
      %select_n3A_21 = arith.constant 1 : i32
      %select_n3A_22 = arith.select %select_n3A_19, %select_n3A_21, %select_n3A_20 : i32
      %eq3A_23 = arith.constant 4 : i32
      %eq3A_24 = arith.cmpi eq, %select_n3A_22, %eq3A_23 : i32
      %select_n3A_25 = arith.constant 0 : i32
      %select_n3A_26 = arith.select %eq3A_24, %select_n3A_25, %select_n3A_22 : i32
      %add3A_27 = arith.addi %select_n3A_26, %mul3A_6 : i32
      %add3A_28 = arith.constant 1 : i32
      %add3A_29 = arith.addi %select_n3A_26, %add3A_28 : i32
      %select_n3A_30 = arith.constant true
      %select_n3A_31 = arith.select %select_n3A_30, %add3A_29, %select_n3A_26 : i32
      %eq3A_32 = arith.constant 4 : i32
      %eq3A_33 = arith.cmpi eq, %select_n3A_31, %eq3A_32 : i32
      %select_n3A_34 = arith.constant 0 : i32
      %select_n3A_35 = arith.select %eq3A_33, %select_n3A_34, %select_n3A_31 : i32
      %add3A_36 = arith.addi %select_n3A_35, %mul3A_6 : i32
      "tpu.trace_start"() <{level = 10 : i32, message = "ep_initialize_0"}> : () -> ()
      %rem3A = arith.constant 0 : i32
      %rem3A_37 = arith.constant 2 : i32
      %rem3A_38 = arith.remui %rem3A, %rem3A_37 : i32
      %mul3A_39 = arith.constant 800 : i32
      %mul3A_40 = arith.muli %mul3A_39, %add3A_11 : i32
      %dma_start3A = arith.constant 0 : i32
      %dma_start3A_41 = arith.constant 0 : i32
      %dma_start3A_42 = tpu.memref_slice %run_scoped3A[%rem3A_38, %dma_start3A, %dma_start3A_41] : memref<2x1x800xi32, #tpu.memory_space<vmem>> -> memref<1x1x800xi32, #tpu.memory_space<vmem>>
      %dma_start3A_43 = tpu.memref_squeeze %dma_start3A_42 : memref<1x1x800xi32, #tpu.memory_space<vmem>> -> memref<1x800xi32, #tpu.memory_space<vmem>>
      %dma_start3A_44 = arith.constant 0 : i32
      %dma_start3A_45 = tpu.memref_slice %arg3[%dma_start3A_44, %mul3A_40] : memref<1x102400xi32, #tpu.memory_space<hbm>> -> memref<1x800xi32, #tpu.memory_space<hbm>>
      %dma_start3A_46 = tpu.memref_slice %run_scoped3A_7[%rem3A_38] : memref<2x!tpu.dma_semaphore, #tpu.memory_space<semaphore_mem>> -> memref<1x!tpu.dma_semaphore, #tpu.memory_space<semaphore_mem>>
      %dma_start3A_47 = tpu.memref_squeeze %dma_start3A_46 : memref<1x!tpu.dma_semaphore, #tpu.memory_space<semaphore_mem>> -> memref<!tpu.dma_semaphore, #tpu.memory_space<semaphore_mem>>
      %dma_start3A_48 = arith.constant 0 : i32
      %dma_start3A_49 = arith.constant 0 : i32
      %dma_start3A_50 = tpu.memref_slice %run_scoped3A[%rem3A_38, %dma_start3A_48, %dma_start3A_49] : memref<2x1x800xi32, #tpu.memory_space<vmem>> -> memref<1x1x800xi32, #tpu.memory_space<vmem>>
      %dma_start3A_51 = tpu.memref_squeeze %dma_start3A_50 : memref<1x1x800xi32, #tpu.memory_space<vmem>> -> memref<1x800xi32, #tpu.memory_space<vmem>>
      %dma_start3A_52 = arith.constant 0 : i32
      %dma_start3A_53 = tpu.memref_slice %arg3[%dma_start3A_52, %mul3A_40] : memref<1x102400xi32, #tpu.memory_space<hbm>> -> memref<1x800xi32, #tpu.memory_space<hbm>>
      tpu.enqueue_dma source(%dma_start3A_53 : memref<1x800xi32, #tpu.memory_space<hbm>>) target(%dma_start3A_51 : memref<1x800xi32, #tpu.memory_space<vmem>>) target_semaphore(%dma_start3A_47 : memref<!tpu.dma_semaphore, #tpu.memory_space<semaphore_mem>>)
      %add3A_54 = arith.constant 0 : i32
      %add3A_55 = arith.constant 1 : i32
      %add3A_56 = arith.addi %add3A_54, %add3A_55 : i32
      %select_n3A_57 = arith.constant true
      %select_n3A_58 = arith.constant 0 : i32
      %select_n3A_59 = arith.select %select_n3A_57, %add3A_56, %select_n3A_58 : i32
      "tpu.trace_stop"() : () -> ()
      %scan3A = arith.constant 0 : i32
      %scan3A_60 = arith.constant 0 : i32
      %scan3A_61 = arith.constant 0 : i32
      %scan3A_62 = arith.constant 0 : i32
      %scan3A_63 = arith.constant 0 : i32
      %scan3A_64 = arith.constant 4 : i32
      %scan3A_65 = arith.addi %scan3A_63, %scan3A_64 : i32
      %scan3A_66 = arith.constant 1 : i32
      %scan3A_67:5 = scf.for %scan3A_121 = %scan3A_63 to %scan3A_65 step %scan3A_66 iter_args(%scan3A_122 = %select_n3A_59, %scan3A_123 = %scan3A, %scan3A_124 = %scan3A_60, %scan3A_125 = %scan3A_61, %scan3A_126 = %scan3A_62) -> (i32, i32, i32, i32, i32)  : i32 {
        %eq3A_127 = arith.constant 0 : i32
        %eq3A_128 = arith.cmpi eq, %scan3A_121, %eq3A_127 : i32
        %eq3A_129 = arith.constant 3 : i32
        %eq3A_130 = arith.cmpi eq, %scan3A_121, %eq3A_129 : i32
        %add3A_131 = arith.addi %scan3A_126, %mul3A_6 : i32
        %sub3A_132 = arith.constant 1 : i32
        %sub3A_133 = arith.subi %scan3A_126, %sub3A_132 : i32
        %select_n3A_134 = arith.constant true
        %select_n3A_135 = arith.select %select_n3A_134, %sub3A_133, %scan3A_126 : i32
        %eq3A_136 = arith.constant -1 : i32
        %eq3A_137 = arith.cmpi eq, %select_n3A_135, %eq3A_136 : i32
        %select_n3A_138 = arith.constant 3 : i32
        %select_n3A_139 = arith.select %eq3A_137, %select_n3A_138, %select_n3A_135 : i32
        %add3A_140 = arith.addi %select_n3A_139, %mul3A_6 : i32
        %add3A_141 = arith.constant 1 : i32
        %add3A_142 = arith.addi %scan3A_126, %add3A_141 : i32
        %select_n3A_143 = arith.constant true
        %select_n3A_144 = arith.select %select_n3A_143, %add3A_142, %scan3A_126 : i32
        %eq3A_145 = arith.constant 4 : i32
        %eq3A_146 = arith.cmpi eq, %select_n3A_144, %eq3A_145 : i32
        %select_n3A_147 = arith.constant 0 : i32
        %select_n3A_148 = arith.select %eq3A_146, %select_n3A_147, %select_n3A_144 : i32
        %add3A_149 = arith.addi %select_n3A_148, %mul3A_6 : i32
        %add3A_150 = arith.constant 1 : i32
        %add3A_151 = arith.addi %select_n3A_148, %add3A_150 : i32
        %select_n3A_152 = arith.constant true
        %select_n3A_153 = arith.select %select_n3A_152, %add3A_151, %select_n3A_148 : i32
        %eq3A_154 = arith.constant 4 : i32
        %eq3A_155 = arith.cmpi eq, %select_n3A_153, %eq3A_154 : i32
        %select_n3A_156 = arith.constant 0 : i32
        %select_n3A_157 = arith.select %eq3A_155, %select_n3A_156, %select_n3A_153 : i32
        %add3A_158 = arith.addi %select_n3A_157, %mul3A_6 : i32
        %ne3A = arith.cmpi ne, %add3A_131, %add3A_149 : i32
        %or3A = arith.constant false
        %or3A_159 = arith.ori %or3A, %ne3A : i1
        %ge3A = arith.constant 3 : i32
        %ge3A_160 = arith.cmpi sge, %scan3A_121, %ge3A : i32
        %not3A = arith.constant true
        %not3A_161 = arith.xori %ge3A_160, %not3A : i1
        %and3A = arith.andi %or3A_159, %not3A_161 : i1
        %convert_element_type3A = arith.extui %and3A : i1 to i32
        %cond3A = arith.constant 0 : i32
        %cond3A_162 = arith.cmpi ne, %convert_element_type3A, %cond3A : i32
        scf.if %cond3A_162 {
          "tpu.trace_start"() <{level = 10 : i32, message = "ep_copy_in"}> : () -> ()
          %rem3A_264 = arith.constant 2 : i32
          %rem3A_265 = arith.remui %scan3A_122, %rem3A_264 : i32
          %mul3A_266 = arith.constant 800 : i32
          %mul3A_267 = arith.muli %mul3A_266, %add3A_149 : i32
          %dma_start3A_268 = arith.constant 0 : i32
          %dma_start3A_269 = arith.constant 0 : i32
          %dma_start3A_270 = tpu.memref_slice %run_scoped3A[%rem3A_265, %dma_start3A_268, %dma_start3A_269] : memref<2x1x800xi32, #tpu.memory_space<vmem>> -> memref<1x1x800xi32, #tpu.memory_space<vmem>>
          %dma_start3A_271 = tpu.memref_squeeze %dma_start3A_270 : memref<1x1x800xi32, #tpu.memory_space<vmem>> -> memref<1x800xi32, #tpu.memory_space<vmem>>
          %dma_start3A_272 = arith.constant 0 : i32
          %dma_start3A_273 = tpu.memref_slice %arg3[%dma_start3A_272, %mul3A_267] : memref<1x102400xi32, #tpu.memory_space<hbm>> -> memref<1x800xi32, #tpu.memory_space<hbm>>
          %dma_start3A_274 = tpu.memref_slice %run_scoped3A_7[%rem3A_265] : memref<2x!tpu.dma_semaphore, #tpu.memory_space<semaphore_mem>> -> memref<1x!tpu.dma_semaphore, #tpu.memory_space<semaphore_mem>>
          %dma_start3A_275 = tpu.memref_squeeze %dma_start3A_274 : memref<1x!tpu.dma_semaphore, #tpu.memory_space<semaphore_mem>> -> memref<!tpu.dma_semaphore, #tpu.memory_space<semaphore_mem>>
          %dma_start3A_276 = arith.constant 0 : i32
          %dma_start3A_277 = arith.constant 0 : i32
          %dma_start3A_278 = tpu.memref_slice %run_scoped3A[%rem3A_265, %dma_start3A_276, %dma_start3A_277] : memref<2x1x800xi32, #tpu.memory_space<vmem>> -> memref<1x1x800xi32, #tpu.memory_space<vmem>>
          %dma_start3A_279 = tpu.memref_squeeze %dma_start3A_278 : memref<1x1x800xi32, #tpu.memory_space<vmem>> -> memref<1x800xi32, #tpu.memory_space<vmem>>
          %dma_start3A_280 = arith.constant 0 : i32
          %dma_start3A_281 = tpu.memref_slice %arg3[%dma_start3A_280, %mul3A_267] : memref<1x102400xi32, #tpu.memory_space<hbm>> -> memref<1x800xi32, #tpu.memory_space<hbm>>
          tpu.enqueue_dma source(%dma_start3A_281 : memref<1x800xi32, #tpu.memory_space<hbm>>) target(%dma_start3A_279 : memref<1x800xi32, #tpu.memory_space<vmem>>) target_semaphore(%dma_start3A_275 : memref<!tpu.dma_semaphore, #tpu.memory_space<semaphore_mem>>)
          "tpu.trace_stop"() : () -> ()
        } else {
        }
        %and3A_163 = arith.constant true
        %and3A_164 = arith.andi %and3A, %and3A_163 : i1
        %add3A_165 = arith.constant 1 : i32
        %add3A_166 = arith.addi %scan3A_122, %add3A_165 : i32
        %select_n3A_167 = arith.select %and3A_164, %add3A_166, %scan3A_122 : i32
        %ne3A_168 = arith.cmpi ne, %add3A_131, %add3A_149 : i32
        %or3A_169 = arith.constant false
        %or3A_170 = arith.ori %or3A_169, %ne3A_168 : i1
        %or3A_171 = arith.constant false
        %or3A_172 = arith.ori %or3A_170, %or3A_171 : i1
        %ge3A_173 = arith.constant 3 : i32
        %ge3A_174 = arith.cmpi sge, %scan3A_121, %ge3A_173 : i32
        %not3A_175 = arith.constant true
        %not3A_176 = arith.xori %ge3A_174, %not3A_175 : i1
        %and3A_177 = arith.andi %or3A_172, %not3A_176 : i1
        %ne3A_178 = arith.cmpi ne, %add3A_131, %add3A_140 : i32
        %or3A_179 = arith.constant false
        %or3A_180 = arith.ori %or3A_179, %ne3A_178 : i1
        %or3A_181 = arith.ori %or3A_180, %eq3A_128 : i1
        %convert_element_type3A_182 = arith.extui %or3A_181 : i1 to i32
        %cond3A_183 = arith.constant 0 : i32
        %cond3A_184 = arith.cmpi ne, %convert_element_type3A_182, %cond3A_183 : i32
        scf.if %cond3A_184 {
          "tpu.trace_start"() <{level = 10 : i32, message = "ep_wait_in"}> : () -> ()
          %mul3A_264 = arith.constant 800 : i32
          %mul3A_265 = arith.muli %mul3A_264, %add3A_131 : i32
          %rem3A_266 = arith.constant 2 : i32
          %rem3A_267 = arith.remui %scan3A_123, %rem3A_266 : i32
          %dma_wait3A_268 = arith.constant 0 : i32
          %dma_wait3A_269 = arith.constant 0 : i32
          %dma_wait3A_270 = tpu.memref_slice %run_scoped3A[%rem3A_267, %dma_wait3A_268, %dma_wait3A_269] : memref<2x1x800xi32, #tpu.memory_space<vmem>> -> memref<1x1x800xi32, #tpu.memory_space<vmem>>
          %dma_wait3A_271 = tpu.memref_squeeze %dma_wait3A_270 : memref<1x1x800xi32, #tpu.memory_space<vmem>> -> memref<1x800xi32, #tpu.memory_space<vmem>>
          %dma_wait3A_272 = arith.constant 0 : i32
          %dma_wait3A_273 = tpu.memref_slice %arg3[%dma_wait3A_272, %mul3A_265] : memref<1x102400xi32, #tpu.memory_space<hbm>> -> memref<1x800xi32, #tpu.memory_space<hbm>>
          %dma_wait3A_274 = tpu.memref_slice %run_scoped3A_7[%rem3A_267] : memref<2x!tpu.dma_semaphore, #tpu.memory_space<semaphore_mem>> -> memref<1x!tpu.dma_semaphore, #tpu.memory_space<semaphore_mem>>
          %dma_wait3A_275 = tpu.memref_squeeze %dma_wait3A_274 : memref<1x!tpu.dma_semaphore, #tpu.memory_space<semaphore_mem>> -> memref<!tpu.dma_semaphore, #tpu.memory_space<semaphore_mem>>
          %dma_wait3A_276 = arith.constant 0 : i32
          %dma_wait3A_277 = arith.constant 0 : i32
          %dma_wait3A_278 = tpu.memref_slice %run_scoped3A[%rem3A_267, %dma_wait3A_276, %dma_wait3A_277] : memref<2x1x800xi32, #tpu.memory_space<vmem>> -> memref<1x1x800xi32, #tpu.memory_space<vmem>>
          %dma_wait3A_279 = tpu.memref_squeeze %dma_wait3A_278 : memref<1x1x800xi32, #tpu.memory_space<vmem>> -> memref<1x800xi32, #tpu.memory_space<vmem>>
          %dma_wait3A_280 = arith.constant 0 : i32
          %dma_wait3A_281 = tpu.memref_slice %arg3[%dma_wait3A_280, %mul3A_265] : memref<1x102400xi32, #tpu.memory_space<hbm>> -> memref<1x800xi32, #tpu.memory_space<hbm>>
          tpu.wait_dma2 semaphore(%dma_wait3A_275 : memref<!tpu.dma_semaphore, #tpu.memory_space<semaphore_mem>>) src(%dma_wait3A_281 : memref<1x800xi32, #tpu.memory_space<hbm>>) dst(%dma_wait3A_279 : memref<1x800xi32, #tpu.memory_space<vmem>>)
          "tpu.trace_stop"() : () -> ()
        } else {
        }
        %ne3A_185 = arith.cmpi ne, %add3A_131, %add3A_140 : i32
        %or3A_186 = arith.constant false
        %or3A_187 = arith.ori %or3A_186, %ne3A_185 : i1
        %or3A_188 = arith.constant false
        %or3A_189 = arith.ori %or3A_187, %or3A_188 : i1
        %or3A_190 = arith.ori %or3A_189, %eq3A_128 : i1
        %convert_element_type3A_191 = arith.extui %or3A_190 : i1 to i32
        %cond3A_192 = arith.constant 0 : i32
        %cond3A_193 = arith.cmpi ne, %convert_element_type3A_191, %cond3A_192 : i32
        scf.if %cond3A_193 {
        } else {
        }
        %rem3A_194 = arith.constant 2 : i32
        %rem3A_195 = arith.remui %scan3A_123, %rem3A_194 : i32
        %rem3A_196 = arith.constant 2 : i32
        %rem3A_197 = arith.remui %scan3A_124, %rem3A_196 : i32
        %run_scoped3A_198 = arith.constant 0 : i32
        "tpu.trace_start"() <{level = 10 : i32, message = "ep_run_kernel"}> : () -> ()
        "tpu.region"() ({
          %run_scoped3A_264 = tpu.sem_alloc : memref<!tpu.dma_semaphore, #tpu.memory_space<semaphore_mem>>
          %dma_start3A_265 = arith.constant 0 : i32
          %dma_start3A_266 = arith.constant 0 : i32
          %dma_start3A_267 = tpu.memref_slice %run_scoped3A_8[%rem3A_197, %dma_start3A_265, %dma_start3A_266] : memref<2x800x64xf32, #tpu.memory_space<vmem>> -> memref<1x800x64xf32, #tpu.memory_space<vmem>>
          %dma_start3A_268 = tpu.memref_squeeze %dma_start3A_267 : memref<1x800x64xf32, #tpu.memory_space<vmem>> -> memref<800x64xf32, #tpu.memory_space<vmem>>
          %dma_start3A_269 = arith.constant 0 : i32
          %dma_start3A_270 = arith.constant 0 : i32
          %dma_start3A_271 = tpu.memref_slice %run_scoped3A[%rem3A_195, %dma_start3A_269, %dma_start3A_270] : memref<2x1x800xi32, #tpu.memory_space<vmem>> -> memref<1x1x800xi32, #tpu.memory_space<vmem>>
          %dma_start3A_272 = tpu.memref_squeeze %dma_start3A_271 : memref<1x1x800xi32, #tpu.memory_space<vmem>> -> memref<1x800xi32, #tpu.memory_space<vmem>>
          %dma_start3A_273 = arith.constant 0 : i32
          %dma_start3A_274 = tpu.memref_slice %dma_start3A_272[%run_scoped3A_198, %dma_start3A_273] : memref<1x800xi32, #tpu.memory_space<vmem>> -> memref<1x800xi32, #tpu.memory_space<vmem>>
          %dma_start3A_275 = tpu.memref_squeeze %dma_start3A_274 : memref<1x800xi32, #tpu.memory_space<vmem>> -> memref<800xi32, #tpu.memory_space<vmem>>
          %dma_start3A_276 = arith.constant 0 : i32
          %dma_start3A_277 = arith.constant 0 : i32
          %dma_start3A_278 = tpu.memref_slice %arg2[%dma_start3A_276, %dma_start3A_277] : memref<1003520x64xf32, #tpu.memory_space<hbm>> -> memref<1003520x64xf32, #tpu.memory_space<hbm>>
          tpu.enqueue_indirect_dma source(%dma_start3A_278 : memref<1003520x64xf32, #tpu.memory_space<hbm>>) target(%dma_start3A_268 : memref<800x64xf32, #tpu.memory_space<vmem>>) offsets(%dma_start3A_275 : memref<800xi32, #tpu.memory_space<vmem>>) semaphore(%run_scoped3A_264 : memref<!tpu.dma_semaphore, #tpu.memory_space<semaphore_mem>>)
          %dma_wait3A_279 = arith.constant 0 : i32
          %dma_wait3A_280 = arith.constant 0 : i32
          %dma_wait3A_281 = tpu.memref_slice %run_scoped3A_8[%rem3A_197, %dma_wait3A_279, %dma_wait3A_280] : memref<2x800x64xf32, #tpu.memory_space<vmem>> -> memref<1x800x64xf32, #tpu.memory_space<vmem>>
          %dma_wait3A_282 = tpu.memref_squeeze %dma_wait3A_281 : memref<1x800x64xf32, #tpu.memory_space<vmem>> -> memref<800x64xf32, #tpu.memory_space<vmem>>
          %dma_wait3A_283 = arith.constant 0 : i32
          %dma_wait3A_284 = arith.constant 0 : i32
          %dma_wait3A_285 = tpu.memref_slice %run_scoped3A[%rem3A_195, %dma_wait3A_283, %dma_wait3A_284] : memref<2x1x800xi32, #tpu.memory_space<vmem>> -> memref<1x1x800xi32, #tpu.memory_space<vmem>>
          %dma_wait3A_286 = tpu.memref_squeeze %dma_wait3A_285 : memref<1x1x800xi32, #tpu.memory_space<vmem>> -> memref<1x800xi32, #tpu.memory_space<vmem>>
          %dma_wait3A_287 = arith.constant 0 : i32
          %dma_wait3A_288 = tpu.memref_slice %dma_wait3A_286[%run_scoped3A_198, %dma_wait3A_287] : memref<1x800xi32, #tpu.memory_space<vmem>> -> memref<1x800xi32, #tpu.memory_space<vmem>>
          %dma_wait3A_289 = tpu.memref_squeeze %dma_wait3A_288 : memref<1x800xi32, #tpu.memory_space<vmem>> -> memref<800xi32, #tpu.memory_space<vmem>>
          %dma_wait3A_290 = arith.constant 0 : i32
          %dma_wait3A_291 = arith.constant 0 : i32
          %dma_wait3A_292 = tpu.memref_slice %arg2[%dma_wait3A_290, %dma_wait3A_291] : memref<1003520x64xf32, #tpu.memory_space<hbm>> -> memref<1003520x64xf32, #tpu.memory_space<hbm>>
          tpu.wait_indirect_dma semaphore(%run_scoped3A_264 : memref<!tpu.dma_semaphore, #tpu.memory_space<semaphore_mem>>) src(%dma_wait3A_292 : memref<1003520x64xf32, #tpu.memory_space<hbm>>) dst(%dma_wait3A_282 : memref<800x64xf32, #tpu.memory_space<vmem>>)
          tpu.yield
        }) : () -> ()
        "tpu.trace_stop"() : () -> ()
        %ne3A_199 = arith.cmpi ne, %add3A_131, %add3A_149 : i32
        %or3A_200 = arith.constant false
        %or3A_201 = arith.ori %or3A_200, %ne3A_199 : i1
        %or3A_202 = arith.ori %or3A_201, %eq3A_130 : i1
        %convert_element_type3A_203 = arith.extui %or3A_202 : i1 to i32
        %cond3A_204 = arith.constant 0 : i32
        %cond3A_205 = arith.cmpi ne, %convert_element_type3A_203, %cond3A_204 : i32
        scf.if %cond3A_205 {
        } else {
        }
        %and3A_206 = arith.constant false
        %and3A_207 = arith.andi %or3A_202, %and3A_206 : i1
        %ne3A_208 = arith.cmpi ne, %add3A_131, %add3A_149 : i32
        %or3A_209 = arith.constant false
        %or3A_210 = arith.ori %or3A_209, %ne3A_208 : i1
        %or3A_211 = arith.constant false
        %or3A_212 = arith.ori %or3A_210, %or3A_211 : i1
        %or3A_213 = arith.ori %or3A_212, %eq3A_130 : i1
        %convert_element_type3A_214 = arith.extui %or3A_213 : i1 to i32
        %cond3A_215 = arith.constant 0 : i32
        %cond3A_216 = arith.cmpi ne, %convert_element_type3A_214, %cond3A_215 : i32
        scf.if %cond3A_216 {
          "tpu.trace_start"() <{level = 10 : i32, message = "ep_copy_out"}> : () -> ()
          %rem3A_264 = arith.constant 2 : i32
          %rem3A_265 = arith.remui %scan3A_124, %rem3A_264 : i32
          %mul3A_266 = arith.constant 800 : i32
          %mul3A_267 = arith.muli %mul3A_266, %add3A_131 : i32
          %dma_start3A_268 = arith.constant 0 : i32
          %dma_start3A_269 = arith.constant 0 : i32
          %dma_start3A_270 = tpu.memref_slice %run_scoped3A_8[%rem3A_265, %dma_start3A_268, %dma_start3A_269] : memref<2x800x64xf32, #tpu.memory_space<vmem>> -> memref<1x800x64xf32, #tpu.memory_space<vmem>>
          %dma_start3A_271 = tpu.memref_squeeze %dma_start3A_270 : memref<1x800x64xf32, #tpu.memory_space<vmem>> -> memref<800x64xf32, #tpu.memory_space<vmem>>
          %dma_start3A_272 = arith.constant 0 : i32
          %dma_start3A_273 = tpu.memref_slice %arg4[%mul3A_267, %dma_start3A_272] : memref<102400x64xf32, #tpu.memory_space<hbm>> -> memref<800x64xf32, #tpu.memory_space<hbm>>
          %dma_start3A_274 = tpu.memref_slice %run_scoped3A_9[%rem3A_265] : memref<2x!tpu.dma_semaphore, #tpu.memory_space<semaphore_mem>> -> memref<1x!tpu.dma_semaphore, #tpu.memory_space<semaphore_mem>>
          %dma_start3A_275 = tpu.memref_squeeze %dma_start3A_274 : memref<1x!tpu.dma_semaphore, #tpu.memory_space<semaphore_mem>> -> memref<!tpu.dma_semaphore, #tpu.memory_space<semaphore_mem>>
          %dma_start3A_276 = arith.constant 0 : i32
          %dma_start3A_277 = tpu.memref_slice %arg4[%mul3A_267, %dma_start3A_276] : memref<102400x64xf32, #tpu.memory_space<hbm>> -> memref<800x64xf32, #tpu.memory_space<hbm>>
          %dma_start3A_278 = arith.constant 0 : i32
          %dma_start3A_279 = arith.constant 0 : i32
          %dma_start3A_280 = tpu.memref_slice %run_scoped3A_8[%rem3A_265, %dma_start3A_278, %dma_start3A_279] : memref<2x800x64xf32, #tpu.memory_space<vmem>> -> memref<1x800x64xf32, #tpu.memory_space<vmem>>
          %dma_start3A_281 = tpu.memref_squeeze %dma_start3A_280 : memref<1x800x64xf32, #tpu.memory_space<vmem>> -> memref<800x64xf32, #tpu.memory_space<vmem>>
          tpu.enqueue_dma source(%dma_start3A_281 : memref<800x64xf32, #tpu.memory_space<vmem>>) target(%dma_start3A_277 : memref<800x64xf32, #tpu.memory_space<hbm>>) target_semaphore(%dma_start3A_275 : memref<!tpu.dma_semaphore, #tpu.memory_space<semaphore_mem>>)
          "tpu.trace_stop"() : () -> ()
        } else {
        }
        %and3A_217 = arith.constant true
        %and3A_218 = arith.andi %or3A_213, %and3A_217 : i1
        %add3A_219 = arith.constant 1 : i32
        %add3A_220 = arith.addi %scan3A_124, %add3A_219 : i32
        %select_n3A_221 = arith.select %and3A_218, %add3A_220, %scan3A_124 : i32
        %ne3A_222 = arith.cmpi ne, %add3A_131, %add3A_140 : i32
        %or3A_223 = arith.constant false
        %or3A_224 = arith.ori %or3A_223, %ne3A_222 : i1
        %not3A_225 = arith.constant true
        %not3A_226 = arith.xori %eq3A_128, %not3A_225 : i1
        %and3A_227 = arith.andi %or3A_224, %not3A_226 : i1
        %convert_element_type3A_228 = arith.extui %and3A_227 : i1 to i32
        %cond3A_229 = arith.constant 0 : i32
        %cond3A_230 = arith.cmpi ne, %convert_element_type3A_228, %cond3A_229 : i32
        scf.if %cond3A_230 {
        } else {
        }
        %and3A_231 = arith.constant false
        %and3A_232 = arith.andi %and3A_227, %and3A_231 : i1
        %ne3A_233 = arith.cmpi ne, %add3A_131, %add3A_140 : i32
        %or3A_234 = arith.constant false
        %or3A_235 = arith.ori %or3A_234, %ne3A_233 : i1
        %or3A_236 = arith.constant false
        %or3A_237 = arith.ori %or3A_235, %or3A_236 : i1
        %not3A_238 = arith.constant true
        %not3A_239 = arith.xori %eq3A_128, %not3A_238 : i1
        %and3A_240 = arith.andi %or3A_237, %not3A_239 : i1
        %convert_element_type3A_241 = arith.extui %and3A_240 : i1 to i32
        %cond3A_242 = arith.constant 0 : i32
        %cond3A_243 = arith.cmpi ne, %convert_element_type3A_241, %cond3A_242 : i32
        scf.if %cond3A_243 {
          "tpu.trace_start"() <{level = 10 : i32, message = "ep_wait_out"}> : () -> ()
          %rem3A_264 = arith.constant 2 : i32
          %rem3A_265 = arith.remui %scan3A_125, %rem3A_264 : i32
          %mul3A_266 = arith.constant 800 : i32
          %mul3A_267 = arith.muli %mul3A_266, %add3A_140 : i32
          %dma_wait3A_268 = arith.constant 0 : i32
          %dma_wait3A_269 = arith.constant 0 : i32
          %dma_wait3A_270 = tpu.memref_slice %run_scoped3A_8[%rem3A_265, %dma_wait3A_268, %dma_wait3A_269] : memref<2x800x64xf32, #tpu.memory_space<vmem>> -> memref<1x800x64xf32, #tpu.memory_space<vmem>>
          %dma_wait3A_271 = tpu.memref_squeeze %dma_wait3A_270 : memref<1x800x64xf32, #tpu.memory_space<vmem>> -> memref<800x64xf32, #tpu.memory_space<vmem>>
          %dma_wait3A_272 = arith.constant 0 : i32
          %dma_wait3A_273 = tpu.memref_slice %arg4[%mul3A_267, %dma_wait3A_272] : memref<102400x64xf32, #tpu.memory_space<hbm>> -> memref<800x64xf32, #tpu.memory_space<hbm>>
          %dma_wait3A_274 = tpu.memref_slice %run_scoped3A_9[%rem3A_265] : memref<2x!tpu.dma_semaphore, #tpu.memory_space<semaphore_mem>> -> memref<1x!tpu.dma_semaphore, #tpu.memory_space<semaphore_mem>>
          %dma_wait3A_275 = tpu.memref_squeeze %dma_wait3A_274 : memref<1x!tpu.dma_semaphore, #tpu.memory_space<semaphore_mem>> -> memref<!tpu.dma_semaphore, #tpu.memory_space<semaphore_mem>>
          %dma_wait3A_276 = arith.constant 0 : i32
          %dma_wait3A_277 = tpu.memref_slice %arg4[%mul3A_267, %dma_wait3A_276] : memref<102400x64xf32, #tpu.memory_space<hbm>> -> memref<800x64xf32, #tpu.memory_space<hbm>>
          %dma_wait3A_278 = arith.constant 0 : i32
          %dma_wait3A_279 = arith.constant 0 : i32
          %dma_wait3A_280 = tpu.memref_slice %run_scoped3A_8[%rem3A_265, %dma_wait3A_278, %dma_wait3A_279] : memref<2x800x64xf32, #tpu.memory_space<vmem>> -> memref<1x800x64xf32, #tpu.memory_space<vmem>>
          %dma_wait3A_281 = tpu.memref_squeeze %dma_wait3A_280 : memref<1x800x64xf32, #tpu.memory_space<vmem>> -> memref<800x64xf32, #tpu.memory_space<vmem>>
          tpu.wait_dma2 semaphore(%dma_wait3A_275 : memref<!tpu.dma_semaphore, #tpu.memory_space<semaphore_mem>>) src(%dma_wait3A_281 : memref<800x64xf32, #tpu.memory_space<vmem>>) dst(%dma_wait3A_277 : memref<800x64xf32, #tpu.memory_space<hbm>>)
          "tpu.trace_stop"() : () -> ()
        } else {
        }
        %and3A_244 = arith.constant true
        %and3A_245 = arith.andi %and3A_240, %and3A_244 : i1
        %add3A_246 = arith.constant 1 : i32
        %add3A_247 = arith.addi %scan3A_125, %add3A_246 : i32
        %select_n3A_248 = arith.select %and3A_245, %add3A_247, %scan3A_125 : i32
        %ne3A_249 = arith.cmpi ne, %add3A_131, %add3A_149 : i32
        %or3A_250 = arith.constant false
        %or3A_251 = arith.ori %or3A_250, %ne3A_249 : i1
        %or3A_252 = arith.ori %or3A_251, %eq3A_130 : i1
        %add3A_253 = arith.constant 1 : i32
        %add3A_254 = arith.addi %scan3A_123, %add3A_253 : i32
        %select_n3A_255 = arith.select %or3A_252, %add3A_254, %scan3A_123 : i32
        %add3A_256 = arith.constant 1 : i32
        %add3A_257 = arith.addi %scan3A_126, %add3A_256 : i32
        %select_n3A_258 = arith.constant true
        %select_n3A_259 = arith.select %select_n3A_258, %add3A_257, %scan3A_126 : i32
        %eq3A_260 = arith.constant 4 : i32
        %eq3A_261 = arith.cmpi eq, %select_n3A_259, %eq3A_260 : i32
        %select_n3A_262 = arith.constant 0 : i32
        %select_n3A_263 = arith.select %eq3A_261, %select_n3A_262, %select_n3A_259 : i32
        scf.yield %select_n3A_167, %select_n3A_255, %select_n3A_221, %select_n3A_248, %select_n3A_263 : i32, i32, i32, i32, i32
      }
      %scan3A_68 = arith.constant 4 : i32
      %sub3A = arith.constant 1 : i32
      %sub3A_69 = arith.subi %scan3A_67#4, %sub3A : i32
      %select_n3A_70 = arith.constant true
      %select_n3A_71 = arith.select %select_n3A_70, %sub3A_69, %scan3A_67#4 : i32
      %eq3A_72 = arith.constant -1 : i32
      %eq3A_73 = arith.cmpi eq, %select_n3A_71, %eq3A_72 : i32
      %select_n3A_74 = arith.constant 3 : i32
      %select_n3A_75 = arith.select %eq3A_73, %select_n3A_74, %select_n3A_71 : i32
      %add3A_76 = arith.addi %select_n3A_75, %mul3A_6 : i32
      %sub3A_77 = arith.constant 1 : i32
      %sub3A_78 = arith.subi %select_n3A_75, %sub3A_77 : i32
      %select_n3A_79 = arith.constant true
      %select_n3A_80 = arith.select %select_n3A_79, %sub3A_78, %select_n3A_75 : i32
      %eq3A_81 = arith.constant -1 : i32
      %eq3A_82 = arith.cmpi eq, %select_n3A_80, %eq3A_81 : i32
      %select_n3A_83 = arith.constant 3 : i32
      %select_n3A_84 = arith.select %eq3A_82, %select_n3A_83, %select_n3A_80 : i32
      %add3A_85 = arith.addi %select_n3A_84, %mul3A_6 : i32
      %add3A_86 = arith.constant 1 : i32
      %add3A_87 = arith.addi %select_n3A_75, %add3A_86 : i32
      %select_n3A_88 = arith.constant true
      %select_n3A_89 = arith.select %select_n3A_88, %add3A_87, %select_n3A_75 : i32
      %eq3A_90 = arith.constant 4 : i32
      %eq3A_91 = arith.cmpi eq, %select_n3A_89, %eq3A_90 : i32
      %select_n3A_92 = arith.constant 0 : i32
      %select_n3A_93 = arith.select %eq3A_91, %select_n3A_92, %select_n3A_89 : i32
      %add3A_94 = arith.addi %select_n3A_93, %mul3A_6 : i32
      %add3A_95 = arith.constant 1 : i32
      %add3A_96 = arith.addi %select_n3A_93, %add3A_95 : i32
      %select_n3A_97 = arith.constant true
      %select_n3A_98 = arith.select %select_n3A_97, %add3A_96, %select_n3A_93 : i32
      %eq3A_99 = arith.constant 4 : i32
      %eq3A_100 = arith.cmpi eq, %select_n3A_98, %eq3A_99 : i32
      %select_n3A_101 = arith.constant 0 : i32
      %select_n3A_102 = arith.select %eq3A_100, %select_n3A_101, %select_n3A_98 : i32
      %add3A_103 = arith.addi %select_n3A_102, %mul3A_6 : i32
      "tpu.trace_start"() <{level = 10 : i32, message = "ep_finalize"}> : () -> ()
      %rem3A_104 = arith.constant 2 : i32
      %rem3A_105 = arith.remui %scan3A_67#3, %rem3A_104 : i32
      %mul3A_106 = arith.constant 800 : i32
      %mul3A_107 = arith.muli %mul3A_106, %add3A_76 : i32
      %dma_wait3A = arith.constant 0 : i32
      %dma_wait3A_108 = arith.constant 0 : i32
      %dma_wait3A_109 = tpu.memref_slice %run_scoped3A_8[%rem3A_105, %dma_wait3A, %dma_wait3A_108] : memref<2x800x64xf32, #tpu.memory_space<vmem>> -> memref<1x800x64xf32, #tpu.memory_space<vmem>>
      %dma_wait3A_110 = tpu.memref_squeeze %dma_wait3A_109 : memref<1x800x64xf32, #tpu.memory_space<vmem>> -> memref<800x64xf32, #tpu.memory_space<vmem>>
      %dma_wait3A_111 = arith.constant 0 : i32
      %dma_wait3A_112 = tpu.memref_slice %arg4[%mul3A_107, %dma_wait3A_111] : memref<102400x64xf32, #tpu.memory_space<hbm>> -> memref<800x64xf32, #tpu.memory_space<hbm>>
      %dma_wait3A_113 = tpu.memref_slice %run_scoped3A_9[%rem3A_105] : memref<2x!tpu.dma_semaphore, #tpu.memory_space<semaphore_mem>> -> memref<1x!tpu.dma_semaphore, #tpu.memory_space<semaphore_mem>>
      %dma_wait3A_114 = tpu.memref_squeeze %dma_wait3A_113 : memref<1x!tpu.dma_semaphore, #tpu.memory_space<semaphore_mem>> -> memref<!tpu.dma_semaphore, #tpu.memory_space<semaphore_mem>>
      %dma_wait3A_115 = arith.constant 0 : i32
      %dma_wait3A_116 = tpu.memref_slice %arg4[%mul3A_107, %dma_wait3A_115] : memref<102400x64xf32, #tpu.memory_space<hbm>> -> memref<800x64xf32, #tpu.memory_space<hbm>>
      %dma_wait3A_117 = arith.constant 0 : i32
      %dma_wait3A_118 = arith.constant 0 : i32
      %dma_wait3A_119 = tpu.memref_slice %run_scoped3A_8[%rem3A_105, %dma_wait3A_117, %dma_wait3A_118] : memref<2x800x64xf32, #tpu.memory_space<vmem>> -> memref<1x800x64xf32, #tpu.memory_space<vmem>>
      %dma_wait3A_120 = tpu.memref_squeeze %dma_wait3A_119 : memref<1x800x64xf32, #tpu.memory_space<vmem>> -> memref<800x64xf32, #tpu.memory_space<vmem>>
      tpu.wait_dma2 semaphore(%dma_wait3A_114 : memref<!tpu.dma_semaphore, #tpu.memory_space<semaphore_mem>>) src(%dma_wait3A_120 : memref<800x64xf32, #tpu.memory_space<vmem>>) dst(%dma_wait3A_116 : memref<800x64xf32, #tpu.memory_space<hbm>>)
      "tpu.trace_stop"() : () -> ()
      tpu.yield
    }) : () -> ()
    return
  }
}

#map = affine_map<(d0, d1) -> (0, 0)>
module attributes {stable_mosaic.version = 14 : i64} {
  func.func @run(%arg0: i32, %arg1: i32, %arg2: memref<1003520x64xf32, #tpu.memory_space<hbm>>, %arg3: memref<1x102400xi32, #tpu.memory_space<hbm>>, %arg4: memref<102400x64xf32, #tpu.memory_space<hbm>>) attributes {dimension_semantics = [#tpu.dimension_semantics<core_parallel>, #tpu.dimension_semantics<subcore_parallel>], iteration_bounds = array<i64: 2, 16>, scalar_prefetch = 0 : i64, scratch_operands = 0 : i64, tpu.core_type = #tpu.core_type<sc_vector_subcore>, window_params = [{transform_indices = #map}, {transform_indices = #map}, {transform_indices = #map}]} {
    %mul3A = arith.constant 1 : i32
    %mul3A_0 = arith.muli %arg1, %mul3A : i32
    %add3A = arith.constant 0 : i32
    %add3A_1 = arith.addi %add3A, %mul3A_0 : i32
    %mul3A_2 = arith.constant 16 : i32
    %mul3A_3 = arith.muli %arg0, %mul3A_2 : i32
    %add3A_4 = arith.addi %add3A_1, %mul3A_3 : i32
    %mul3A_5 = arith.constant 4 : i32
    %mul3A_6 = arith.muli %add3A_4, %mul3A_5 : i32
    "tpu.region"() ({
      %run_scoped3A = memref.alloca() : memref<2x1x800xi32, #tpu.memory_space<vmem>>
      %run_scoped3A_7 = tpu.sem_alloc : memref<2x!tpu.dma_semaphore, #tpu.memory_space<semaphore_mem>>
      %run_scoped3A_8 = memref.alloca() : memref<2x800x64xf32, #tpu.memory_space<vmem>>
      %run_scoped3A_9 = tpu.sem_alloc : memref<2x!tpu.dma_semaphore, #tpu.memory_space<semaphore_mem>>
      %add3A_10 = arith.constant 0 : i32
      %add3A_11 = arith.addi %add3A_10, %mul3A_6 : i32
      %select_n3A = arith.constant true
      %select_n3A_12 = arith.constant 0 : i32
      %select_n3A_13 = arith.constant -1 : i32
      %select_n3A_14 = arith.select %select_n3A, %select_n3A_13, %select_n3A_12 : i32
      %eq3A = arith.constant -1 : i32
      %eq3A_15 = arith.cmpi eq, %select_n3A_14, %eq3A : i32
      %select_n3A_16 = arith.constant 3 : i32
      %select_n3A_17 = arith.select %eq3A_15, %select_n3A_16, %select_n3A_14 : i32
      %add3A_18 = arith.addi %select_n3A_17, %mul3A_6 : i32
      %select_n3A_19 = arith.constant true
      %select_n3A_20 = arith.constant 0 : i32
      %select_n3A_21 = arith.constant 1 : i32
      %select_n3A_22 = arith.select %select_n3A_19, %select_n3A_21, %select_n3A_20 : i32
      %eq3A_23 = arith.constant 4 : i32
      %eq3A_24 = arith.cmpi eq, %select_n3A_22, %eq3A_23 : i32
      %select_n3A_25 = arith.constant 0 : i32
      %select_n3A_26 = arith.select %eq3A_24, %select_n3A_25, %select_n3A_22 : i32
      %add3A_27 = arith.addi %select_n3A_26, %mul3A_6 : i32
      %add3A_28 = arith.constant 1 : i32
      %add3A_29 = arith.addi %select_n3A_26, %add3A_28 : i32
      %select_n3A_30 = arith.constant true
      %select_n3A_31 = arith.select %select_n3A_30, %add3A_29, %select_n3A_26 : i32
      %eq3A_32 = arith.constant 4 : i32
      %eq3A_33 = arith.cmpi eq, %select_n3A_31, %eq3A_32 : i32
      %select_n3A_34 = arith.constant 0 : i32
      %select_n3A_35 = arith.select %eq3A_33, %select_n3A_34, %select_n3A_31 : i32
      %add3A_36 = arith.addi %select_n3A_35, %mul3A_6 : i32
      "tpu.trace_start"() <{level = 10 : i32, message = "ep_initialize_0"}> : () -> ()
      %rem3A = arith.constant 0 : i32
      %rem3A_37 = arith.constant 2 : i32
      %rem3A_38 = arith.remui %rem3A, %rem3A_37 : i32
      %mul3A_39 = arith.constant 800 : i32
      %mul3A_40 = arith.muli %mul3A_39, %add3A_11 : i32
      %dma_start3A = arith.constant 0 : i32
      %dma_start3A_41 = arith.constant 0 : i32
      %dma_start3A_42 = tpu.memref_slice %run_scoped3A[%rem3A_38, %dma_start3A, %dma_start3A_41] : memref<2x1x800xi32, #tpu.memory_space<vmem>> -> memref<1x1x800xi32, #tpu.memory_space<vmem>>
      %dma_start3A_43 = tpu.memref_squeeze %dma_start3A_42 : memref<1x1x800xi32, #tpu.memory_space<vmem>> -> memref<1x800xi32, #tpu.memory_space<vmem>>
      %dma_start3A_44 = arith.constant 0 : i32
      %dma_start3A_45 = tpu.memref_slice %arg3[%dma_start3A_44, %mul3A_40] : memref<1x102400xi32, #tpu.memory_space<hbm>> -> memref<1x800xi32, #tpu.memory_space<hbm>>
      %dma_start3A_46 = tpu.memref_slice %run_scoped3A_7[%rem3A_38] : memref<2x!tpu.dma_semaphore, #tpu.memory_space<semaphore_mem>> -> memref<1x!tpu.dma_semaphore, #tpu.memory_space<semaphore_mem>>
      %dma_start3A_47 = tpu.memref_squeeze %dma_start3A_46 : memref<1x!tpu.dma_semaphore, #tpu.memory_space<semaphore_mem>> -> memref<!tpu.dma_semaphore, #tpu.memory_space<semaphore_mem>>
      %dma_start3A_48 = arith.constant 0 : i32
      %dma_start3A_49 = arith.constant 0 : i32
      %dma_start3A_50 = tpu.memref_slice %run_scoped3A[%rem3A_38, %dma_start3A_48, %dma_start3A_49] : memref<2x1x800xi32, #tpu.memory_space<vmem>> -> memref<1x1x800xi32, #tpu.memory_space<vmem>>
      %dma_start3A_51 = tpu.memref_squeeze %dma_start3A_50 : memref<1x1x800xi32, #tpu.memory_space<vmem>> -> memref<1x800xi32, #tpu.memory_space<vmem>>
      %dma_start3A_52 = arith.constant 0 : i32
      %dma_start3A_53 = tpu.memref_slice %arg3[%dma_start3A_52, %mul3A_40] : memref<1x102400xi32, #tpu.memory_space<hbm>> -> memref<1x800xi32, #tpu.memory_space<hbm>>
      tpu.enqueue_dma source(%dma_start3A_53 : memref<1x800xi32, #tpu.memory_space<hbm>>) target(%dma_start3A_51 : memref<1x800xi32, #tpu.memory_space<vmem>>) target_semaphore(%dma_start3A_47 : memref<!tpu.dma_semaphore, #tpu.memory_space<semaphore_mem>>)
      %add3A_54 = arith.constant 0 : i32
      %add3A_55 = arith.constant 1 : i32
      %add3A_56 = arith.addi %add3A_54, %add3A_55 : i32
      %select_n3A_57 = arith.constant true
      %select_n3A_58 = arith.constant 0 : i32
      %select_n3A_59 = arith.select %select_n3A_57, %add3A_56, %select_n3A_58 : i32
      "tpu.trace_stop"() : () -> ()
      %scan3A = arith.constant 0 : i32
      %scan3A_60 = arith.constant 0 : i32
      %scan3A_61 = arith.constant 0 : i32
      %scan3A_62 = arith.constant 0 : i32
      %scan3A_63 = arith.constant 0 : i32
      %scan3A_64 = arith.constant 4 : i32
      %scan3A_65 = arith.addi %scan3A_63, %scan3A_64 : i32
      %scan3A_66 = arith.constant 1 : i32
      %scan3A_67:5 = scf.for %scan3A_121 = %scan3A_63 to %scan3A_65 step %scan3A_66 iter_args(%scan3A_122 = %select_n3A_59, %scan3A_123 = %scan3A, %scan3A_124 = %scan3A_60, %scan3A_125 = %scan3A_61, %scan3A_126 = %scan3A_62) -> (i32, i32, i32, i32, i32)  : i32 {
        %eq3A_127 = arith.constant 0 : i32
        %eq3A_128 = arith.cmpi eq, %scan3A_121, %eq3A_127 : i32
        %eq3A_129 = arith.constant 3 : i32
        %eq3A_130 = arith.cmpi eq, %scan3A_121, %eq3A_129 : i32
        %add3A_131 = arith.addi %scan3A_126, %mul3A_6 : i32
        %sub3A_132 = arith.constant 1 : i32
        %sub3A_133 = arith.subi %scan3A_126, %sub3A_132 : i32
        %select_n3A_134 = arith.constant true
        %select_n3A_135 = arith.select %select_n3A_134, %sub3A_133, %scan3A_126 : i32
        %eq3A_136 = arith.constant -1 : i32
        %eq3A_137 = arith.cmpi eq, %select_n3A_135, %eq3A_136 : i32
        %select_n3A_138 = arith.constant 3 : i32
        %select_n3A_139 = arith.select %eq3A_137, %select_n3A_138, %select_n3A_135 : i32
        %add3A_140 = arith.addi %select_n3A_139, %mul3A_6 : i32
        %add3A_141 = arith.constant 1 : i32
        %add3A_142 = arith.addi %scan3A_126, %add3A_141 : i32
        %select_n3A_143 = arith.constant true
        %select_n3A_144 = arith.select %select_n3A_143, %add3A_142, %scan3A_126 : i32
        %eq3A_145 = arith.constant 4 : i32
        %eq3A_146 = arith.cmpi eq, %select_n3A_144, %eq3A_145 : i32
        %select_n3A_147 = arith.constant 0 : i32
        %select_n3A_148 = arith.select %eq3A_146, %select_n3A_147, %select_n3A_144 : i32
        %add3A_149 = arith.addi %select_n3A_148, %mul3A_6 : i32
        %add3A_150 = arith.constant 1 : i32
        %add3A_151 = arith.addi %select_n3A_148, %add3A_150 : i32
        %select_n3A_152 = arith.constant true
        %select_n3A_153 = arith.select %select_n3A_152, %add3A_151, %select_n3A_148 : i32
        %eq3A_154 = arith.constant 4 : i32
        %eq3A_155 = arith.cmpi eq, %select_n3A_153, %eq3A_154 : i32
        %select_n3A_156 = arith.constant 0 : i32
        %select_n3A_157 = arith.select %eq3A_155, %select_n3A_156, %select_n3A_153 : i32
        %add3A_158 = arith.addi %select_n3A_157, %mul3A_6 : i32
        %ne3A = arith.cmpi ne, %add3A_131, %add3A_149 : i32
        %or3A = arith.constant false
        %or3A_159 = arith.ori %or3A, %ne3A : i1
        %ge3A = arith.constant 3 : i32
        %ge3A_160 = arith.cmpi sge, %scan3A_121, %ge3A : i32
        %not3A = arith.constant true
        %not3A_161 = arith.xori %ge3A_160, %not3A : i1
        %and3A = arith.andi %or3A_159, %not3A_161 : i1
        %convert_element_type3A = arith.extui %and3A : i1 to i32
        %cond3A = arith.constant 0 : i32
        %cond3A_162 = arith.cmpi ne, %convert_element_type3A, %cond3A : i32
        scf.if %cond3A_162 {
          "tpu.trace_start"() <{level = 10 : i32, message = "ep_copy_in"}> : () -> ()
          %rem3A_264 = arith.constant 2 : i32
          %rem3A_265 = arith.remui %scan3A_122, %rem3A_264 : i32
          %mul3A_266 = arith.constant 800 : i32
          %mul3A_267 = arith.muli %mul3A_266, %add3A_149 : i32
          %dma_start3A_268 = arith.constant 0 : i32
          %dma_start3A_269 = arith.constant 0 : i32
          %dma_start3A_270 = tpu.memref_slice %run_scoped3A[%rem3A_265, %dma_start3A_268, %dma_start3A_269] : memref<2x1x800xi32, #tpu.memory_space<vmem>> -> memref<1x1x800xi32, #tpu.memory_space<vmem>>
          %dma_start3A_271 = tpu.memref_squeeze %dma_start3A_270 : memref<1x1x800xi32, #tpu.memory_space<vmem>> -> memref<1x800xi32, #tpu.memory_space<vmem>>
          %dma_start3A_272 = arith.constant 0 : i32
          %dma_start3A_273 = tpu.memref_slice %arg3[%dma_start3A_272, %mul3A_267] : memref<1x102400xi32, #tpu.memory_space<hbm>> -> memref<1x800xi32, #tpu.memory_space<hbm>>
          %dma_start3A_274 = tpu.memref_slice %run_scoped3A_7[%rem3A_265] : memref<2x!tpu.dma_semaphore, #tpu.memory_space<semaphore_mem>> -> memref<1x!tpu.dma_semaphore, #tpu.memory_space<semaphore_mem>>
          %dma_start3A_275 = tpu.memref_squeeze %dma_start3A_274 : memref<1x!tpu.dma_semaphore, #tpu.memory_space<semaphore_mem>> -> memref<!tpu.dma_semaphore, #tpu.memory_space<semaphore_mem>>
          %dma_start3A_276 = arith.constant 0 : i32
          %dma_start3A_277 = arith.constant 0 : i32
          %dma_start3A_278 = tpu.memref_slice %run_scoped3A[%rem3A_265, %dma_start3A_276, %dma_start3A_277] : memref<2x1x800xi32, #tpu.memory_space<vmem>> -> memref<1x1x800xi32, #tpu.memory_space<vmem>>
          %dma_start3A_279 = tpu.memref_squeeze %dma_start3A_278 : memref<1x1x800xi32, #tpu.memory_space<vmem>> -> memref<1x800xi32, #tpu.memory_space<vmem>>
          %dma_start3A_280 = arith.constant 0 : i32
          %dma_start3A_281 = tpu.memref_slice %arg3[%dma_start3A_280, %mul3A_267] : memref<1x102400xi32, #tpu.memory_space<hbm>> -> memref<1x800xi32, #tpu.memory_space<hbm>>
          tpu.enqueue_dma source(%dma_start3A_281 : memref<1x800xi32, #tpu.memory_space<hbm>>) target(%dma_start3A_279 : memref<1x800xi32, #tpu.memory_space<vmem>>) target_semaphore(%dma_start3A_275 : memref<!tpu.dma_semaphore, #tpu.memory_space<semaphore_mem>>)
          "tpu.trace_stop"() : () -> ()
        } else {
        }
        %and3A_163 = arith.constant true
        %and3A_164 = arith.andi %and3A, %and3A_163 : i1
        %add3A_165 = arith.constant 1 : i32
        %add3A_166 = arith.addi %scan3A_122, %add3A_165 : i32
        %select_n3A_167 = arith.select %and3A_164, %add3A_166, %scan3A_122 : i32
        %ne3A_168 = arith.cmpi ne, %add3A_131, %add3A_149 : i32
        %or3A_169 = arith.constant false
        %or3A_170 = arith.ori %or3A_169, %ne3A_168 : i1
        %or3A_171 = arith.constant false
        %or3A_172 = arith.ori %or3A_170, %or3A_171 : i1
        %ge3A_173 = arith.constant 3 : i32
        %ge3A_174 = arith.cmpi sge, %scan3A_121, %ge3A_173 : i32
        %not3A_175 = arith.constant true
        %not3A_176 = arith.xori %ge3A_174, %not3A_175 : i1
        %and3A_177 = arith.andi %or3A_172, %not3A_176 : i1
        %ne3A_178 = arith.cmpi ne, %add3A_131, %add3A_140 : i32
        %or3A_179 = arith.constant false
        %or3A_180 = arith.ori %or3A_179, %ne3A_178 : i1
        %or3A_181 = arith.ori %or3A_180, %eq3A_128 : i1
        %convert_element_type3A_182 = arith.extui %or3A_181 : i1 to i32
        %cond3A_183 = arith.constant 0 : i32
        %cond3A_184 = arith.cmpi ne, %convert_element_type3A_182, %cond3A_183 : i32
        scf.if %cond3A_184 {
          "tpu.trace_start"() <{level = 10 : i32, message = "ep_wait_in"}> : () -> ()
          %mul3A_264 = arith.constant 800 : i32
          %mul3A_265 = arith.muli %mul3A_264, %add3A_131 : i32
          %rem3A_266 = arith.constant 2 : i32
          %rem3A_267 = arith.remui %scan3A_123, %rem3A_266 : i32
          %dma_wait3A_268 = arith.constant 0 : i32
          %dma_wait3A_269 = arith.constant 0 : i32
          %dma_wait3A_270 = tpu.memref_slice %run_scoped3A[%rem3A_267, %dma_wait3A_268, %dma_wait3A_269] : memref<2x1x800xi32, #tpu.memory_space<vmem>> -> memref<1x1x800xi32, #tpu.memory_space<vmem>>
          %dma_wait3A_271 = tpu.memref_squeeze %dma_wait3A_270 : memref<1x1x800xi32, #tpu.memory_space<vmem>> -> memref<1x800xi32, #tpu.memory_space<vmem>>
          %dma_wait3A_272 = arith.constant 0 : i32
          %dma_wait3A_273 = tpu.memref_slice %arg3[%dma_wait3A_272, %mul3A_265] : memref<1x102400xi32, #tpu.memory_space<hbm>> -> memref<1x800xi32, #tpu.memory_space<hbm>>
          %dma_wait3A_274 = tpu.memref_slice %run_scoped3A_7[%rem3A_267] : memref<2x!tpu.dma_semaphore, #tpu.memory_space<semaphore_mem>> -> memref<1x!tpu.dma_semaphore, #tpu.memory_space<semaphore_mem>>
          %dma_wait3A_275 = tpu.memref_squeeze %dma_wait3A_274 : memref<1x!tpu.dma_semaphore, #tpu.memory_space<semaphore_mem>> -> memref<!tpu.dma_semaphore, #tpu.memory_space<semaphore_mem>>
          %dma_wait3A_276 = arith.constant 0 : i32
          %dma_wait3A_277 = arith.constant 0 : i32
          %dma_wait3A_278 = tpu.memref_slice %run_scoped3A[%rem3A_267, %dma_wait3A_276, %dma_wait3A_277] : memref<2x1x800xi32, #tpu.memory_space<vmem>> -> memref<1x1x800xi32, #tpu.memory_space<vmem>>
          %dma_wait3A_279 = tpu.memref_squeeze %dma_wait3A_278 : memref<1x1x800xi32, #tpu.memory_space<vmem>> -> memref<1x800xi32, #tpu.memory_space<vmem>>
          %dma_wait3A_280 = arith.constant 0 : i32
          %dma_wait3A_281 = tpu.memref_slice %arg3[%dma_wait3A_280, %mul3A_265] : memref<1x102400xi32, #tpu.memory_space<hbm>> -> memref<1x800xi32, #tpu.memory_space<hbm>>
          tpu.wait_dma2 semaphore(%dma_wait3A_275 : memref<!tpu.dma_semaphore, #tpu.memory_space<semaphore_mem>>) src(%dma_wait3A_281 : memref<1x800xi32, #tpu.memory_space<hbm>>) dst(%dma_wait3A_279 : memref<1x800xi32, #tpu.memory_space<vmem>>)
          "tpu.trace_stop"() : () -> ()
        } else {
        }
        %ne3A_185 = arith.cmpi ne, %add3A_131, %add3A_140 : i32
        %or3A_186 = arith.constant false
        %or3A_187 = arith.ori %or3A_186, %ne3A_185 : i1
        %or3A_188 = arith.constant false
        %or3A_189 = arith.ori %or3A_187, %or3A_188 : i1
        %or3A_190 = arith.ori %or3A_189, %eq3A_128 : i1
        %convert_element_type3A_191 = arith.extui %or3A_190 : i1 to i32
        %cond3A_192 = arith.constant 0 : i32
        %cond3A_193 = arith.cmpi ne, %convert_element_type3A_191, %cond3A_192 : i32
        scf.if %cond3A_193 {
        } else {
        }
        %rem3A_194 = arith.constant 2 : i32
        %rem3A_195 = arith.remui %scan3A_123, %rem3A_194 : i32
        %rem3A_196 = arith.constant 2 : i32
        %rem3A_197 = arith.remui %scan3A_124, %rem3A_196 : i32
        %run_scoped3A_198 = arith.constant 0 : i32
        "tpu.trace_start"() <{level = 10 : i32, message = "ep_run_kernel"}> : () -> ()
        "tpu.region"() ({
          %run_scoped3A_264 = tpu.sem_alloc : memref<!tpu.dma_semaphore, #tpu.memory_space<semaphore_mem>>
          %dma_start3A_265 = arith.constant 0 : i32
          %dma_start3A_266 = arith.constant 0 : i32
          %dma_start3A_267 = tpu.memref_slice %run_scoped3A_8[%rem3A_197, %dma_start3A_265, %dma_start3A_266] : memref<2x800x64xf32, #tpu.memory_space<vmem>> -> memref<1x800x64xf32, #tpu.memory_space<vmem>>
          %dma_start3A_268 = tpu.memref_squeeze %dma_start3A_267 : memref<1x800x64xf32, #tpu.memory_space<vmem>> -> memref<800x64xf32, #tpu.memory_space<vmem>>
          %dma_start3A_269 = arith.constant 0 : i32
          %dma_start3A_270 = arith.constant 0 : i32
          %dma_start3A_271 = tpu.memref_slice %run_scoped3A[%rem3A_195, %dma_start3A_269, %dma_start3A_270] : memref<2x1x800xi32, #tpu.memory_space<vmem>> -> memref<1x1x800xi32, #tpu.memory_space<vmem>>
          %dma_start3A_272 = tpu.memref_squeeze %dma_start3A_271 : memref<1x1x800xi32, #tpu.memory_space<vmem>> -> memref<1x800xi32, #tpu.memory_space<vmem>>
          %dma_start3A_273 = arith.constant 0 : i32
          %dma_start3A_274 = tpu.memref_slice %dma_start3A_272[%run_scoped3A_198, %dma_start3A_273] : memref<1x800xi32, #tpu.memory_space<vmem>> -> memref<1x800xi32, #tpu.memory_space<vmem>>
          %dma_start3A_275 = tpu.memref_squeeze %dma_start3A_274 : memref<1x800xi32, #tpu.memory_space<vmem>> -> memref<800xi32, #tpu.memory_space<vmem>>
          %dma_start3A_276 = arith.constant 0 : i32
          %dma_start3A_277 = arith.constant 0 : i32
          %dma_start3A_278 = tpu.memref_slice %arg2[%dma_start3A_276, %dma_start3A_277] : memref<1003520x64xf32, #tpu.memory_space<hbm>> -> memref<1003520x64xf32, #tpu.memory_space<hbm>>
          tpu.enqueue_indirect_dma source(%dma_start3A_278 : memref<1003520x64xf32, #tpu.memory_space<hbm>>) target(%dma_start3A_268 : memref<800x64xf32, #tpu.memory_space<vmem>>) offsets(%dma_start3A_275 : memref<800xi32, #tpu.memory_space<vmem>>) semaphore(%run_scoped3A_264 : memref<!tpu.dma_semaphore, #tpu.memory_space<semaphore_mem>>)
          %dma_wait3A_279 = arith.constant 0 : i32
          %dma_wait3A_280 = arith.constant 0 : i32
          %dma_wait3A_281 = tpu.memref_slice %run_scoped3A_8[%rem3A_197, %dma_wait3A_279, %dma_wait3A_280] : memref<2x800x64xf32, #tpu.memory_space<vmem>> -> memref<1x800x64xf32, #tpu.memory_space<vmem>>
          %dma_wait3A_282 = tpu.memref_squeeze %dma_wait3A_281 : memref<1x800x64xf32, #tpu.memory_space<vmem>> -> memref<800x64xf32, #tpu.memory_space<vmem>>
          %dma_wait3A_283 = arith.constant 0 : i32
          %dma_wait3A_284 = arith.constant 0 : i32
          %dma_wait3A_285 = tpu.memref_slice %run_scoped3A[%rem3A_195, %dma_wait3A_283, %dma_wait3A_284] : memref<2x1x800xi32, #tpu.memory_space<vmem>> -> memref<1x1x800xi32, #tpu.memory_space<vmem>>
          %dma_wait3A_286 = tpu.memref_squeeze %dma_wait3A_285 : memref<1x1x800xi32, #tpu.memory_space<vmem>> -> memref<1x800xi32, #tpu.memory_space<vmem>>
          %dma_wait3A_287 = arith.constant 0 : i32
          %dma_wait3A_288 = tpu.memref_slice %dma_wait3A_286[%run_scoped3A_198, %dma_wait3A_287] : memref<1x800xi32, #tpu.memory_space<vmem>> -> memref<1x800xi32, #tpu.memory_space<vmem>>
          %dma_wait3A_289 = tpu.memref_squeeze %dma_wait3A_288 : memref<1x800xi32, #tpu.memory_space<vmem>> -> memref<800xi32, #tpu.memory_space<vmem>>
          %dma_wait3A_290 = arith.constant 0 : i32
          %dma_wait3A_291 = arith.constant 0 : i32
          %dma_wait3A_292 = tpu.memref_slice %arg2[%dma_wait3A_290, %dma_wait3A_291] : memref<1003520x64xf32, #tpu.memory_space<hbm>> -> memref<1003520x64xf32, #tpu.memory_space<hbm>>
          tpu.wait_indirect_dma semaphore(%run_scoped3A_264 : memref<!tpu.dma_semaphore, #tpu.memory_space<semaphore_mem>>) src(%dma_wait3A_292 : memref<1003520x64xf32, #tpu.memory_space<hbm>>) dst(%dma_wait3A_282 : memref<800x64xf32, #tpu.memory_space<vmem>>)
          tpu.yield
        }) : () -> ()
        "tpu.trace_stop"() : () -> ()
        %ne3A_199 = arith.cmpi ne, %add3A_131, %add3A_149 : i32
        %or3A_200 = arith.constant false
        %or3A_201 = arith.ori %or3A_200, %ne3A_199 : i1
        %or3A_202 = arith.ori %or3A_201, %eq3A_130 : i1
        %convert_element_type3A_203 = arith.extui %or3A_202 : i1 to i32
        %cond3A_204 = arith.constant 0 : i32
        %cond3A_205 = arith.cmpi ne, %convert_element_type3A_203, %cond3A_204 : i32
        scf.if %cond3A_205 {
        } else {
        }
        %and3A_206 = arith.constant false
        %and3A_207 = arith.andi %or3A_202, %and3A_206 : i1
        %ne3A_208 = arith.cmpi ne, %add3A_131, %add3A_149 : i32
        %or3A_209 = arith.constant false
        %or3A_210 = arith.ori %or3A_209, %ne3A_208 : i1
        %or3A_211 = arith.constant false
        %or3A_212 = arith.ori %or3A_210, %or3A_211 : i1
        %or3A_213 = arith.ori %or3A_212, %eq3A_130 : i1
        %convert_element_type3A_214 = arith.extui %or3A_213 : i1 to i32
        %cond3A_215 = arith.constant 0 : i32
        %cond3A_216 = arith.cmpi ne, %convert_element_type3A_214, %cond3A_215 : i32
        scf.if %cond3A_216 {
          "tpu.trace_start"() <{level = 10 : i32, message = "ep_copy_out"}> : () -> ()
          %rem3A_264 = arith.constant 2 : i32
          %rem3A_265 = arith.remui %scan3A_124, %rem3A_264 : i32
          %mul3A_266 = arith.constant 800 : i32
          %mul3A_267 = arith.muli %mul3A_266, %add3A_131 : i32
          %dma_start3A_268 = arith.constant 0 : i32
          %dma_start3A_269 = arith.constant 0 : i32
          %dma_start3A_270 = tpu.memref_slice %run_scoped3A_8[%rem3A_265, %dma_start3A_268, %dma_start3A_269] : memref<2x800x64xf32, #tpu.memory_space<vmem>> -> memref<1x800x64xf32, #tpu.memory_space<vmem>>
          %dma_start3A_271 = tpu.memref_squeeze %dma_start3A_270 : memref<1x800x64xf32, #tpu.memory_space<vmem>> -> memref<800x64xf32, #tpu.memory_space<vmem>>
          %dma_start3A_272 = arith.constant 0 : i32
          %dma_start3A_273 = tpu.memref_slice %arg4[%mul3A_267, %dma_start3A_272] : memref<102400x64xf32, #tpu.memory_space<hbm>> -> memref<800x64xf32, #tpu.memory_space<hbm>>
          %dma_start3A_274 = tpu.memref_slice %run_scoped3A_9[%rem3A_265] : memref<2x!tpu.dma_semaphore, #tpu.memory_space<semaphore_mem>> -> memref<1x!tpu.dma_semaphore, #tpu.memory_space<semaphore_mem>>
          %dma_start3A_275 = tpu.memref_squeeze %dma_start3A_274 : memref<1x!tpu.dma_semaphore, #tpu.memory_space<semaphore_mem>> -> memref<!tpu.dma_semaphore, #tpu.memory_space<semaphore_mem>>
          %dma_start3A_276 = arith.constant 0 : i32
          %dma_start3A_277 = tpu.memref_slice %arg4[%mul3A_267, %dma_start3A_276] : memref<102400x64xf32, #tpu.memory_space<hbm>> -> memref<800x64xf32, #tpu.memory_space<hbm>>
          %dma_start3A_278 = arith.constant 0 : i32
          %dma_start3A_279 = arith.constant 0 : i32
          %dma_start3A_280 = tpu.memref_slice %run_scoped3A_8[%rem3A_265, %dma_start3A_278, %dma_start3A_279] : memref<2x800x64xf32, #tpu.memory_space<vmem>> -> memref<1x800x64xf32, #tpu.memory_space<vmem>>
          %dma_start3A_281 = tpu.memref_squeeze %dma_start3A_280 : memref<1x800x64xf32, #tpu.memory_space<vmem>> -> memref<800x64xf32, #tpu.memory_space<vmem>>
          tpu.enqueue_dma source(%dma_start3A_281 : memref<800x64xf32, #tpu.memory_space<vmem>>) target(%dma_start3A_277 : memref<800x64xf32, #tpu.memory_space<hbm>>) target_semaphore(%dma_start3A_275 : memref<!tpu.dma_semaphore, #tpu.memory_space<semaphore_mem>>)
          "tpu.trace_stop"() : () -> ()
        } else {
        }
        %and3A_217 = arith.constant true
        %and3A_218 = arith.andi %or3A_213, %and3A_217 : i1
        %add3A_219 = arith.constant 1 : i32
        %add3A_220 = arith.addi %scan3A_124, %add3A_219 : i32
        %select_n3A_221 = arith.select %and3A_218, %add3A_220, %scan3A_124 : i32
        %ne3A_222 = arith.cmpi ne, %add3A_131, %add3A_140 : i32
        %or3A_223 = arith.constant false
        %or3A_224 = arith.ori %or3A_223, %ne3A_222 : i1
        %not3A_225 = arith.constant true
        %not3A_226 = arith.xori %eq3A_128, %not3A_225 : i1
        %and3A_227 = arith.andi %or3A_224, %not3A_226 : i1
        %convert_element_type3A_228 = arith.extui %and3A_227 : i1 to i32
        %cond3A_229 = arith.constant 0 : i32
        %cond3A_230 = arith.cmpi ne, %convert_element_type3A_228, %cond3A_229 : i32
        scf.if %cond3A_230 {
        } else {
        }
        %and3A_231 = arith.constant false
        %and3A_232 = arith.andi %and3A_227, %and3A_231 : i1
        %ne3A_233 = arith.cmpi ne, %add3A_131, %add3A_140 : i32
        %or3A_234 = arith.constant false
        %or3A_235 = arith.ori %or3A_234, %ne3A_233 : i1
        %or3A_236 = arith.constant false
        %or3A_237 = arith.ori %or3A_235, %or3A_236 : i1
        %not3A_238 = arith.constant true
        %not3A_239 = arith.xori %eq3A_128, %not3A_238 : i1
        %and3A_240 = arith.andi %or3A_237, %not3A_239 : i1
        %convert_element_type3A_241 = arith.extui %and3A_240 : i1 to i32
        %cond3A_242 = arith.constant 0 : i32
        %cond3A_243 = arith.cmpi ne, %convert_element_type3A_241, %cond3A_242 : i32
        scf.if %cond3A_243 {
          "tpu.trace_start"() <{level = 10 : i32, message = "ep_wait_out"}> : () -> ()
          %rem3A_264 = arith.constant 2 : i32
          %rem3A_265 = arith.remui %scan3A_125, %rem3A_264 : i32
          %mul3A_266 = arith.constant 800 : i32
          %mul3A_267 = arith.muli %mul3A_266, %add3A_140 : i32
          %dma_wait3A_268 = arith.constant 0 : i32
          %dma_wait3A_269 = arith.constant 0 : i32
          %dma_wait3A_270 = tpu.memref_slice %run_scoped3A_8[%rem3A_265, %dma_wait3A_268, %dma_wait3A_269] : memref<2x800x64xf32, #tpu.memory_space<vmem>> -> memref<1x800x64xf32, #tpu.memory_space<vmem>>
          %dma_wait3A_271 = tpu.memref_squeeze %dma_wait3A_270 : memref<1x800x64xf32, #tpu.memory_space<vmem>> -> memref<800x64xf32, #tpu.memory_space<vmem>>
          %dma_wait3A_272 = arith.constant 0 : i32
          %dma_wait3A_273 = tpu.memref_slice %arg4[%mul3A_267, %dma_wait3A_272] : memref<102400x64xf32, #tpu.memory_space<hbm>> -> memref<800x64xf32, #tpu.memory_space<hbm>>
          %dma_wait3A_274 = tpu.memref_slice %run_scoped3A_9[%rem3A_265] : memref<2x!tpu.dma_semaphore, #tpu.memory_space<semaphore_mem>> -> memref<1x!tpu.dma_semaphore, #tpu.memory_space<semaphore_mem>>
          %dma_wait3A_275 = tpu.memref_squeeze %dma_wait3A_274 : memref<1x!tpu.dma_semaphore, #tpu.memory_space<semaphore_mem>> -> memref<!tpu.dma_semaphore, #tpu.memory_space<semaphore_mem>>
          %dma_wait3A_276 = arith.constant 0 : i32
          %dma_wait3A_277 = tpu.memref_slice %arg4[%mul3A_267, %dma_wait3A_276] : memref<102400x64xf32, #tpu.memory_space<hbm>> -> memref<800x64xf32, #tpu.memory_space<hbm>>
          %dma_wait3A_278 = arith.constant 0 : i32
          %dma_wait3A_279 = arith.constant 0 : i32
          %dma_wait3A_280 = tpu.memref_slice %run_scoped3A_8[%rem3A_265, %dma_wait3A_278, %dma_wait3A_279] : memref<2x800x64xf32, #tpu.memory_space<vmem>> -> memref<1x800x64xf32, #tpu.memory_space<vmem>>
          %dma_wait3A_281 = tpu.memref_squeeze %dma_wait3A_280 : memref<1x800x64xf32, #tpu.memory_space<vmem>> -> memref<800x64xf32, #tpu.memory_space<vmem>>
          tpu.wait_dma2 semaphore(%dma_wait3A_275 : memref<!tpu.dma_semaphore, #tpu.memory_space<semaphore_mem>>) src(%dma_wait3A_281 : memref<800x64xf32, #tpu.memory_space<vmem>>) dst(%dma_wait3A_277 : memref<800x64xf32, #tpu.memory_space<hbm>>)
          "tpu.trace_stop"() : () -> ()
        } else {
        }
        %and3A_244 = arith.constant true
        %and3A_245 = arith.andi %and3A_240, %and3A_244 : i1
        %add3A_246 = arith.constant 1 : i32
        %add3A_247 = arith.addi %scan3A_125, %add3A_246 : i32
        %select_n3A_248 = arith.select %and3A_245, %add3A_247, %scan3A_125 : i32
        %ne3A_249 = arith.cmpi ne, %add3A_131, %add3A_149 : i32
        %or3A_250 = arith.constant false
        %or3A_251 = arith.ori %or3A_250, %ne3A_249 : i1
        %or3A_252 = arith.ori %or3A_251, %eq3A_130 : i1
        %add3A_253 = arith.constant 1 : i32
        %add3A_254 = arith.addi %scan3A_123, %add3A_253 : i32
        %select_n3A_255 = arith.select %or3A_252, %add3A_254, %scan3A_123 : i32
        %add3A_256 = arith.constant 1 : i32
        %add3A_257 = arith.addi %scan3A_126, %add3A_256 : i32
        %select_n3A_258 = arith.constant true
        %select_n3A_259 = arith.select %select_n3A_258, %add3A_257, %scan3A_126 : i32
        %eq3A_260 = arith.constant 4 : i32
        %eq3A_261 = arith.cmpi eq, %select_n3A_259, %eq3A_260 : i32
        %select_n3A_262 = arith.constant 0 : i32
        %select_n3A_263 = arith.select %eq3A_261, %select_n3A_262, %select_n3A_259 : i32
        scf.yield %select_n3A_167, %select_n3A_255, %select_n3A_221, %select_n3A_248, %select_n3A_263 : i32, i32, i32, i32, i32
      }
      %scan3A_68 = arith.constant 4 : i32
      %sub3A = arith.constant 1 : i32
      %sub3A_69 = arith.subi %scan3A_67#4, %sub3A : i32
      %select_n3A_70 = arith.constant true
      %select_n3A_71 = arith.select %select_n3A_70, %sub3A_69, %scan3A_67#4 : i32
      %eq3A_72 = arith.constant -1 : i32
      %eq3A_73 = arith.cmpi eq, %select_n3A_71, %eq3A_72 : i32
      %select_n3A_74 = arith.constant 3 : i32
      %select_n3A_75 = arith.select %eq3A_73, %select_n3A_74, %select_n3A_71 : i32
      %add3A_76 = arith.addi %select_n3A_75, %mul3A_6 : i32
      %sub3A_77 = arith.constant 1 : i32
      %sub3A_78 = arith.subi %select_n3A_75, %sub3A_77 : i32
      %select_n3A_79 = arith.constant true
      %select_n3A_80 = arith.select %select_n3A_79, %sub3A_78, %select_n3A_75 : i32
      %eq3A_81 = arith.constant -1 : i32
      %eq3A_82 = arith.cmpi eq, %select_n3A_80, %eq3A_81 : i32
      %select_n3A_83 = arith.constant 3 : i32
      %select_n3A_84 = arith.select %eq3A_82, %select_n3A_83, %select_n3A_80 : i32
      %add3A_85 = arith.addi %select_n3A_84, %mul3A_6 : i32
      %add3A_86 = arith.constant 1 : i32
      %add3A_87 = arith.addi %select_n3A_75, %add3A_86 : i32
      %select_n3A_88 = arith.constant true
      %select_n3A_89 = arith.select %select_n3A_88, %add3A_87, %select_n3A_75 : i32
      %eq3A_90 = arith.constant 4 : i32
      %eq3A_91 = arith.cmpi eq, %select_n3A_89, %eq3A_90 : i32
      %select_n3A_92 = arith.constant 0 : i32
      %select_n3A_93 = arith.select %eq3A_91, %select_n3A_92, %select_n3A_89 : i32
      %add3A_94 = arith.addi %select_n3A_93, %mul3A_6 : i32
      %add3A_95 = arith.constant 1 : i32
      %add3A_96 = arith.addi %select_n3A_93, %add3A_95 : i32
      %select_n3A_97 = arith.constant true
      %select_n3A_98 = arith.select %select_n3A_97, %add3A_96, %select_n3A_93 : i32
      %eq3A_99 = arith.constant 4 : i32
      %eq3A_100 = arith.cmpi eq, %select_n3A_98, %eq3A_99 : i32
      %select_n3A_101 = arith.constant 0 : i32
      %select_n3A_102 = arith.select %eq3A_100, %select_n3A_101, %select_n3A_98 : i32
      %add3A_103 = arith.addi %select_n3A_102, %mul3A_6 : i32
      "tpu.trace_start"() <{level = 10 : i32, message = "ep_finalize"}> : () -> ()
      %rem3A_104 = arith.constant 2 : i32
      %rem3A_105 = arith.remui %scan3A_67#3, %rem3A_104 : i32
      %mul3A_106 = arith.constant 800 : i32
      %mul3A_107 = arith.muli %mul3A_106, %add3A_76 : i32
      %dma_wait3A = arith.constant 0 : i32
      %dma_wait3A_108 = arith.constant 0 : i32
      %dma_wait3A_109 = tpu.memref_slice %run_scoped3A_8[%rem3A_105, %dma_wait3A, %dma_wait3A_108] : memref<2x800x64xf32, #tpu.memory_space<vmem>> -> memref<1x800x64xf32, #tpu.memory_space<vmem>>
      %dma_wait3A_110 = tpu.memref_squeeze %dma_wait3A_109 : memref<1x800x64xf32, #tpu.memory_space<vmem>> -> memref<800x64xf32, #tpu.memory_space<vmem>>
      %dma_wait3A_111 = arith.constant 0 : i32
      %dma_wait3A_112 = tpu.memref_slice %arg4[%mul3A_107, %dma_wait3A_111] : memref<102400x64xf32, #tpu.memory_space<hbm>> -> memref<800x64xf32, #tpu.memory_space<hbm>>
      %dma_wait3A_113 = tpu.memref_slice %run_scoped3A_9[%rem3A_105] : memref<2x!tpu.dma_semaphore, #tpu.memory_space<semaphore_mem>> -> memref<1x!tpu.dma_semaphore, #tpu.memory_space<semaphore_mem>>
      %dma_wait3A_114 = tpu.memref_squeeze %dma_wait3A_113 : memref<1x!tpu.dma_semaphore, #tpu.memory_space<semaphore_mem>> -> memref<!tpu.dma_semaphore, #tpu.memory_space<semaphore_mem>>
      %dma_wait3A_115 = arith.constant 0 : i32
      %dma_wait3A_116 = tpu.memref_slice %arg4[%mul3A_107, %dma_wait3A_115] : memref<102400x64xf32, #tpu.memory_space<hbm>> -> memref<800x64xf32, #tpu.memory_space<hbm>>
      %dma_wait3A_117 = arith.constant 0 : i32
      %dma_wait3A_118 = arith.constant 0 : i32
      %dma_wait3A_119 = tpu.memref_slice %run_scoped3A_8[%rem3A_105, %dma_wait3A_117, %dma_wait3A_118] : memref<2x800x64xf32, #tpu.memory_space<vmem>> -> memref<1x800x64xf32, #tpu.memory_space<vmem>>
      %dma_wait3A_120 = tpu.memref_squeeze %dma_wait3A_119 : memref<1x800x64xf32, #tpu.memory_space<vmem>> -> memref<800x64xf32, #tpu.memory_space<vmem>>
      tpu.wait_dma2 semaphore(%dma_wait3A_114 : memref<!tpu.dma_semaphore, #tpu.memory_space<semaphore_mem>>) src(%dma_wait3A_120 : memref<800x64xf32, #tpu.memory_space<vmem>>) dst(%dma_wait3A_116 : memref<800x64xf32, #tpu.memory_space<hbm>>)
      "tpu.trace_stop"() : () -> ()
      tpu.yield
    }) : () -> ()
    return
  }
}

#map = affine_map<(d0, d1) -> (0, 0)>
module attributes {stable_mosaic.version = 14 : i64} {
  func.func @run(%arg0: i32, %arg1: i32, %arg2: memref<1003520x64xf32, #tpu.memory_space<hbm>>, %arg3: memref<1x102400xi32, #tpu.memory_space<hbm>>, %arg4: memref<102400x64xf32, #tpu.memory_space<hbm>>) attributes {dimension_semantics = [#tpu.dimension_semantics<core_parallel>, #tpu.dimension_semantics<subcore_parallel>], iteration_bounds = array<i64: 2, 16>, scalar_prefetch = 0 : i64, scratch_operands = 0 : i64, tpu.core_type = #tpu.core_type<sc_vector_subcore>, window_params = [{transform_indices = #map}, {transform_indices = #map}, {transform_indices = #map}]} {
    %mul3A = arith.constant 1 : i32
    %mul3A_0 = arith.muli %arg1, %mul3A : i32
    %add3A = arith.constant 0 : i32
    %add3A_1 = arith.addi %add3A, %mul3A_0 : i32
    %mul3A_2 = arith.constant 16 : i32
    %mul3A_3 = arith.muli %arg0, %mul3A_2 : i32
    %add3A_4 = arith.addi %add3A_1, %mul3A_3 : i32
    %mul3A_5 = arith.constant 4 : i32
    %mul3A_6 = arith.muli %add3A_4, %mul3A_5 : i32
    "tpu.region"() ({
      %run_scoped3A = memref.alloca() : memref<2x1x800xi32, #tpu.memory_space<vmem>>
      %run_scoped3A_7 = tpu.sem_alloc : memref<2x!tpu.dma_semaphore, #tpu.memory_space<semaphore_mem>>
      %run_scoped3A_8 = memref.alloca() : memref<2x800x64xf32, #tpu.memory_space<vmem>>
      %run_scoped3A_9 = tpu.sem_alloc : memref<2x!tpu.dma_semaphore, #tpu.memory_space<semaphore_mem>>
      %add3A_10 = arith.constant 0 : i32
      %add3A_11 = arith.addi %add3A_10, %mul3A_6 : i32
      %select_n3A = arith.constant true
      %select_n3A_12 = arith.constant 0 : i32
      %select_n3A_13 = arith.constant -1 : i32
      %select_n3A_14 = arith.select %select_n3A, %select_n3A_13, %select_n3A_12 : i32
      %eq3A = arith.constant -1 : i32
      %eq3A_15 = arith.cmpi eq, %select_n3A_14, %eq3A : i32
      %select_n3A_16 = arith.constant 3 : i32
      %select_n3A_17 = arith.select %eq3A_15, %select_n3A_16, %select_n3A_14 : i32
      %add3A_18 = arith.addi %select_n3A_17, %mul3A_6 : i32
      %select_n3A_19 = arith.constant true
      %select_n3A_20 = arith.constant 0 : i32
      %select_n3A_21 = arith.constant 1 : i32
      %select_n3A_22 = arith.select %select_n3A_19, %select_n3A_21, %select_n3A_20 : i32
      %eq3A_23 = arith.constant 4 : i32
      %eq3A_24 = arith.cmpi eq, %select_n3A_22, %eq3A_23 : i32
      %select_n3A_25 = arith.constant 0 : i32
      %select_n3A_26 = arith.select %eq3A_24, %select_n3A_25, %select_n3A_22 : i32
      %add3A_27 = arith.addi %select_n3A_26, %mul3A_6 : i32
      %add3A_28 = arith.constant 1 : i32
      %add3A_29 = arith.addi %select_n3A_26, %add3A_28 : i32
      %select_n3A_30 = arith.constant true
      %select_n3A_31 = arith.select %select_n3A_30, %add3A_29, %select_n3A_26 : i32
      %eq3A_32 = arith.constant 4 : i32
      %eq3A_33 = arith.cmpi eq, %select_n3A_31, %eq3A_32 : i32
      %select_n3A_34 = arith.constant 0 : i32
      %select_n3A_35 = arith.select %eq3A_33, %select_n3A_34, %select_n3A_31 : i32
      %add3A_36 = arith.addi %select_n3A_35, %mul3A_6 : i32
      "tpu.trace_start"() <{level = 10 : i32, message = "ep_initialize_0"}> : () -> ()
      %rem3A = arith.constant 0 : i32
      %rem3A_37 = arith.constant 2 : i32
      %rem3A_38 = arith.remui %rem3A, %rem3A_37 : i32
      %mul3A_39 = arith.constant 800 : i32
      %mul3A_40 = arith.muli %mul3A_39, %add3A_11 : i32
      %dma_start3A = arith.constant 0 : i32
      %dma_start3A_41 = arith.constant 0 : i32
      %dma_start3A_42 = tpu.memref_slice %run_scoped3A[%rem3A_38, %dma_start3A, %dma_start3A_41] : memref<2x1x800xi32, #tpu.memory_space<vmem>> -> memref<1x1x800xi32, #tpu.memory_space<vmem>>
      %dma_start3A_43 = tpu.memref_squeeze %dma_start3A_42 : memref<1x1x800xi32, #tpu.memory_space<vmem>> -> memref<1x800xi32, #tpu.memory_space<vmem>>
      %dma_start3A_44 = arith.constant 0 : i32
      %dma_start3A_45 = tpu.memref_slice %arg3[%dma_start3A_44, %mul3A_40] : memref<1x102400xi32, #tpu.memory_space<hbm>> -> memref<1x800xi32, #tpu.memory_space<hbm>>
      %dma_start3A_46 = tpu.memref_slice %run_scoped3A_7[%rem3A_38] : memref<2x!tpu.dma_semaphore, #tpu.memory_space<semaphore_mem>> -> memref<1x!tpu.dma_semaphore, #tpu.memory_space<semaphore_mem>>
      %dma_start3A_47 = tpu.memref_squeeze %dma_start3A_46 : memref<1x!tpu.dma_semaphore, #tpu.memory_space<semaphore_mem>> -> memref<!tpu.dma_semaphore, #tpu.memory_space<semaphore_mem>>
      %dma_start3A_48 = arith.constant 0 : i32
      %dma_start3A_49 = arith.constant 0 : i32
      %dma_start3A_50 = tpu.memref_slice %run_scoped3A[%rem3A_38, %dma_start3A_48, %dma_start3A_49] : memref<2x1x800xi32, #tpu.memory_space<vmem>> -> memref<1x1x800xi32, #tpu.memory_space<vmem>>
      %dma_start3A_51 = tpu.memref_squeeze %dma_start3A_50 : memref<1x1x800xi32, #tpu.memory_space<vmem>> -> memref<1x800xi32, #tpu.memory_space<vmem>>
      %dma_start3A_52 = arith.constant 0 : i32
      %dma_start3A_53 = tpu.memref_slice %arg3[%dma_start3A_52, %mul3A_40] : memref<1x102400xi32, #tpu.memory_space<hbm>> -> memref<1x800xi32, #tpu.memory_space<hbm>>
      tpu.enqueue_dma source(%dma_start3A_53 : memref<1x800xi32, #tpu.memory_space<hbm>>) target(%dma_start3A_51 : memref<1x800xi32, #tpu.memory_space<vmem>>) target_semaphore(%dma_start3A_47 : memref<!tpu.dma_semaphore, #tpu.memory_space<semaphore_mem>>)
      %add3A_54 = arith.constant 0 : i32
      %add3A_55 = arith.constant 1 : i32
      %add3A_56 = arith.addi %add3A_54, %add3A_55 : i32
      %select_n3A_57 = arith.constant true
      %select_n3A_58 = arith.constant 0 : i32
      %select_n3A_59 = arith.select %select_n3A_57, %add3A_56, %select_n3A_58 : i32
      "tpu.trace_stop"() : () -> ()
      %scan3A = arith.constant 0 : i32
      %scan3A_60 = arith.constant 0 : i32
      %scan3A_61 = arith.constant 0 : i32
      %scan3A_62 = arith.constant 0 : i32
      %scan3A_63 = arith.constant 0 : i32
      %scan3A_64 = arith.constant 4 : i32
      %scan3A_65 = arith.addi %scan3A_63, %scan3A_64 : i32
      %scan3A_66 = arith.constant 1 : i32
      %scan3A_67:5 = scf.for %scan3A_121 = %scan3A_63 to %scan3A_65 step %scan3A_66 iter_args(%scan3A_122 = %select_n3A_59, %scan3A_123 = %scan3A, %scan3A_124 = %scan3A_60, %scan3A_125 = %scan3A_61, %scan3A_126 = %scan3A_62) -> (i32, i32, i32, i32, i32)  : i32 {
        %eq3A_127 = arith.constant 0 : i32
        %eq3A_128 = arith.cmpi eq, %scan3A_121, %eq3A_127 : i32
        %eq3A_129 = arith.constant 3 : i32
        %eq3A_130 = arith.cmpi eq, %scan3A_121, %eq3A_129 : i32
        %add3A_131 = arith.addi %scan3A_126, %mul3A_6 : i32
        %sub3A_132 = arith.constant 1 : i32
        %sub3A_133 = arith.subi %scan3A_126, %sub3A_132 : i32
        %select_n3A_134 = arith.constant true
        %select_n3A_135 = arith.select %select_n3A_134, %sub3A_133, %scan3A_126 : i32
        %eq3A_136 = arith.constant -1 : i32
        %eq3A_137 = arith.cmpi eq, %select_n3A_135, %eq3A_136 : i32
        %select_n3A_138 = arith.constant 3 : i32
        %select_n3A_139 = arith.select %eq3A_137, %select_n3A_138, %select_n3A_135 : i32
        %add3A_140 = arith.addi %select_n3A_139, %mul3A_6 : i32
        %add3A_141 = arith.constant 1 : i32
        %add3A_142 = arith.addi %scan3A_126, %add3A_141 : i32
        %select_n3A_143 = arith.constant true
        %select_n3A_144 = arith.select %select_n3A_143, %add3A_142, %scan3A_126 : i32
        %eq3A_145 = arith.constant 4 : i32
        %eq3A_146 = arith.cmpi eq, %select_n3A_144, %eq3A_145 : i32
        %select_n3A_147 = arith.constant 0 : i32
        %select_n3A_148 = arith.select %eq3A_146, %select_n3A_147, %select_n3A_144 : i32
        %add3A_149 = arith.addi %select_n3A_148, %mul3A_6 : i32
        %add3A_150 = arith.constant 1 : i32
        %add3A_151 = arith.addi %select_n3A_148, %add3A_150 : i32
        %select_n3A_152 = arith.constant true
        %select_n3A_153 = arith.select %select_n3A_152, %add3A_151, %select_n3A_148 : i32
        %eq3A_154 = arith.constant 4 : i32
        %eq3A_155 = arith.cmpi eq, %select_n3A_153, %eq3A_154 : i32
        %select_n3A_156 = arith.constant 0 : i32
        %select_n3A_157 = arith.select %eq3A_155, %select_n3A_156, %select_n3A_153 : i32
        %add3A_158 = arith.addi %select_n3A_157, %mul3A_6 : i32
        %ne3A = arith.cmpi ne, %add3A_131, %add3A_149 : i32
        %or3A = arith.constant false
        %or3A_159 = arith.ori %or3A, %ne3A : i1
        %ge3A = arith.constant 3 : i32
        %ge3A_160 = arith.cmpi sge, %scan3A_121, %ge3A : i32
        %not3A = arith.constant true
        %not3A_161 = arith.xori %ge3A_160, %not3A : i1
        %and3A = arith.andi %or3A_159, %not3A_161 : i1
        %convert_element_type3A = arith.extui %and3A : i1 to i32
        %cond3A = arith.constant 0 : i32
        %cond3A_162 = arith.cmpi ne, %convert_element_type3A, %cond3A : i32
        scf.if %cond3A_162 {
          "tpu.trace_start"() <{level = 10 : i32, message = "ep_copy_in"}> : () -> ()
          %rem3A_264 = arith.constant 2 : i32
          %rem3A_265 = arith.remui %scan3A_122, %rem3A_264 : i32
          %mul3A_266 = arith.constant 800 : i32
          %mul3A_267 = arith.muli %mul3A_266, %add3A_149 : i32
          %dma_start3A_268 = arith.constant 0 : i32
          %dma_start3A_269 = arith.constant 0 : i32
          %dma_start3A_270 = tpu.memref_slice %run_scoped3A[%rem3A_265, %dma_start3A_268, %dma_start3A_269] : memref<2x1x800xi32, #tpu.memory_space<vmem>> -> memref<1x1x800xi32, #tpu.memory_space<vmem>>
          %dma_start3A_271 = tpu.memref_squeeze %dma_start3A_270 : memref<1x1x800xi32, #tpu.memory_space<vmem>> -> memref<1x800xi32, #tpu.memory_space<vmem>>
          %dma_start3A_272 = arith.constant 0 : i32
          %dma_start3A_273 = tpu.memref_slice %arg3[%dma_start3A_272, %mul3A_267] : memref<1x102400xi32, #tpu.memory_space<hbm>> -> memref<1x800xi32, #tpu.memory_space<hbm>>
          %dma_start3A_274 = tpu.memref_slice %run_scoped3A_7[%rem3A_265] : memref<2x!tpu.dma_semaphore, #tpu.memory_space<semaphore_mem>> -> memref<1x!tpu.dma_semaphore, #tpu.memory_space<semaphore_mem>>
          %dma_start3A_275 = tpu.memref_squeeze %dma_start3A_274 : memref<1x!tpu.dma_semaphore, #tpu.memory_space<semaphore_mem>> -> memref<!tpu.dma_semaphore, #tpu.memory_space<semaphore_mem>>
          %dma_start3A_276 = arith.constant 0 : i32
          %dma_start3A_277 = arith.constant 0 : i32
          %dma_start3A_278 = tpu.memref_slice %run_scoped3A[%rem3A_265, %dma_start3A_276, %dma_start3A_277] : memref<2x1x800xi32, #tpu.memory_space<vmem>> -> memref<1x1x800xi32, #tpu.memory_space<vmem>>
          %dma_start3A_279 = tpu.memref_squeeze %dma_start3A_278 : memref<1x1x800xi32, #tpu.memory_space<vmem>> -> memref<1x800xi32, #tpu.memory_space<vmem>>
          %dma_start3A_280 = arith.constant 0 : i32
          %dma_start3A_281 = tpu.memref_slice %arg3[%dma_start3A_280, %mul3A_267] : memref<1x102400xi32, #tpu.memory_space<hbm>> -> memref<1x800xi32, #tpu.memory_space<hbm>>
          tpu.enqueue_dma source(%dma_start3A_281 : memref<1x800xi32, #tpu.memory_space<hbm>>) target(%dma_start3A_279 : memref<1x800xi32, #tpu.memory_space<vmem>>) target_semaphore(%dma_start3A_275 : memref<!tpu.dma_semaphore, #tpu.memory_space<semaphore_mem>>)
          "tpu.trace_stop"() : () -> ()
        } else {
        }
        %and3A_163 = arith.constant true
        %and3A_164 = arith.andi %and3A, %and3A_163 : i1
        %add3A_165 = arith.constant 1 : i32
        %add3A_166 = arith.addi %scan3A_122, %add3A_165 : i32
        %select_n3A_167 = arith.select %and3A_164, %add3A_166, %scan3A_122 : i32
        %ne3A_168 = arith.cmpi ne, %add3A_131, %add3A_149 : i32
        %or3A_169 = arith.constant false
        %or3A_170 = arith.ori %or3A_169, %ne3A_168 : i1
        %or3A_171 = arith.constant false
        %or3A_172 = arith.ori %or3A_170, %or3A_171 : i1
        %ge3A_173 = arith.constant 3 : i32
        %ge3A_174 = arith.cmpi sge, %scan3A_121, %ge3A_173 : i32
        %not3A_175 = arith.constant true
        %not3A_176 = arith.xori %ge3A_174, %not3A_175 : i1
        %and3A_177 = arith.andi %or3A_172, %not3A_176 : i1
        %ne3A_178 = arith.cmpi ne, %add3A_131, %add3A_140 : i32
        %or3A_179 = arith.constant false
        %or3A_180 = arith.ori %or3A_179, %ne3A_178 : i1
        %or3A_181 = arith.ori %or3A_180, %eq3A_128 : i1
        %convert_element_type3A_182 = arith.extui %or3A_181 : i1 to i32
        %cond3A_183 = arith.constant 0 : i32
        %cond3A_184 = arith.cmpi ne, %convert_element_type3A_182, %cond3A_183 : i32
        scf.if %cond3A_184 {
          "tpu.trace_start"() <{level = 10 : i32, message = "ep_wait_in"}> : () -> ()
          %mul3A_264 = arith.constant 800 : i32
          %mul3A_265 = arith.muli %mul3A_264, %add3A_131 : i32
          %rem3A_266 = arith.constant 2 : i32
          %rem3A_267 = arith.remui %scan3A_123, %rem3A_266 : i32
          %dma_wait3A_268 = arith.constant 0 : i32
          %dma_wait3A_269 = arith.constant 0 : i32
          %dma_wait3A_270 = tpu.memref_slice %run_scoped3A[%rem3A_267, %dma_wait3A_268, %dma_wait3A_269] : memref<2x1x800xi32, #tpu.memory_space<vmem>> -> memref<1x1x800xi32, #tpu.memory_space<vmem>>
          %dma_wait3A_271 = tpu.memref_squeeze %dma_wait3A_270 : memref<1x1x800xi32, #tpu.memory_space<vmem>> -> memref<1x800xi32, #tpu.memory_space<vmem>>
          %dma_wait3A_272 = arith.constant 0 : i32
          %dma_wait3A_273 = tpu.memref_slice %arg3[%dma_wait3A_272, %mul3A_265] : memref<1x102400xi32, #tpu.memory_space<hbm>> -> memref<1x800xi32, #tpu.memory_space<hbm>>
          %dma_wait3A_274 = tpu.memref_slice %run_scoped3A_7[%rem3A_267] : memref<2x!tpu.dma_semaphore, #tpu.memory_space<semaphore_mem>> -> memref<1x!tpu.dma_semaphore, #tpu.memory_space<semaphore_mem>>
          %dma_wait3A_275 = tpu.memref_squeeze %dma_wait3A_274 : memref<1x!tpu.dma_semaphore, #tpu.memory_space<semaphore_mem>> -> memref<!tpu.dma_semaphore, #tpu.memory_space<semaphore_mem>>
          %dma_wait3A_276 = arith.constant 0 : i32
          %dma_wait3A_277 = arith.constant 0 : i32
          %dma_wait3A_278 = tpu.memref_slice %run_scoped3A[%rem3A_267, %dma_wait3A_276, %dma_wait3A_277] : memref<2x1x800xi32, #tpu.memory_space<vmem>> -> memref<1x1x800xi32, #tpu.memory_space<vmem>>
          %dma_wait3A_279 = tpu.memref_squeeze %dma_wait3A_278 : memref<1x1x800xi32, #tpu.memory_space<vmem>> -> memref<1x800xi32, #tpu.memory_space<vmem>>
          %dma_wait3A_280 = arith.constant 0 : i32
          %dma_wait3A_281 = tpu.memref_slice %arg3[%dma_wait3A_280, %mul3A_265] : memref<1x102400xi32, #tpu.memory_space<hbm>> -> memref<1x800xi32, #tpu.memory_space<hbm>>
          tpu.wait_dma2 semaphore(%dma_wait3A_275 : memref<!tpu.dma_semaphore, #tpu.memory_space<semaphore_mem>>) src(%dma_wait3A_281 : memref<1x800xi32, #tpu.memory_space<hbm>>) dst(%dma_wait3A_279 : memref<1x800xi32, #tpu.memory_space<vmem>>)
          "tpu.trace_stop"() : () -> ()
        } else {
        }
        %ne3A_185 = arith.cmpi ne, %add3A_131, %add3A_140 : i32
        %or3A_186 = arith.constant false
        %or3A_187 = arith.ori %or3A_186, %ne3A_185 : i1
        %or3A_188 = arith.constant false
        %or3A_189 = arith.ori %or3A_187, %or3A_188 : i1
        %or3A_190 = arith.ori %or3A_189, %eq3A_128 : i1
        %convert_element_type3A_191 = arith.extui %or3A_190 : i1 to i32
        %cond3A_192 = arith.constant 0 : i32
        %cond3A_193 = arith.cmpi ne, %convert_element_type3A_191, %cond3A_192 : i32
        scf.if %cond3A_193 {
        } else {
        }
        %rem3A_194 = arith.constant 2 : i32
        %rem3A_195 = arith.remui %scan3A_123, %rem3A_194 : i32
        %rem3A_196 = arith.constant 2 : i32
        %rem3A_197 = arith.remui %scan3A_124, %rem3A_196 : i32
        %run_scoped3A_198 = arith.constant 0 : i32
        "tpu.trace_start"() <{level = 10 : i32, message = "ep_run_kernel"}> : () -> ()
        "tpu.region"() ({
          %run_scoped3A_264 = tpu.sem_alloc : memref<!tpu.dma_semaphore, #tpu.memory_space<semaphore_mem>>
          %dma_start3A_265 = arith.constant 0 : i32
          %dma_start3A_266 = arith.constant 0 : i32
          %dma_start3A_267 = tpu.memref_slice %run_scoped3A_8[%rem3A_197, %dma_start3A_265, %dma_start3A_266] : memref<2x800x64xf32, #tpu.memory_space<vmem>> -> memref<1x800x64xf32, #tpu.memory_space<vmem>>
          %dma_start3A_268 = tpu.memref_squeeze %dma_start3A_267 : memref<1x800x64xf32, #tpu.memory_space<vmem>> -> memref<800x64xf32, #tpu.memory_space<vmem>>
          %dma_start3A_269 = arith.constant 0 : i32
          %dma_start3A_270 = arith.constant 0 : i32
          %dma_start3A_271 = tpu.memref_slice %run_scoped3A[%rem3A_195, %dma_start3A_269, %dma_start3A_270] : memref<2x1x800xi32, #tpu.memory_space<vmem>> -> memref<1x1x800xi32, #tpu.memory_space<vmem>>
          %dma_start3A_272 = tpu.memref_squeeze %dma_start3A_271 : memref<1x1x800xi32, #tpu.memory_space<vmem>> -> memref<1x800xi32, #tpu.memory_space<vmem>>
          %dma_start3A_273 = arith.constant 0 : i32
          %dma_start3A_274 = tpu.memref_slice %dma_start3A_272[%run_scoped3A_198, %dma_start3A_273] : memref<1x800xi32, #tpu.memory_space<vmem>> -> memref<1x800xi32, #tpu.memory_space<vmem>>
          %dma_start3A_275 = tpu.memref_squeeze %dma_start3A_274 : memref<1x800xi32, #tpu.memory_space<vmem>> -> memref<800xi32, #tpu.memory_space<vmem>>
          %dma_start3A_276 = arith.constant 0 : i32
          %dma_start3A_277 = arith.constant 0 : i32
          %dma_start3A_278 = tpu.memref_slice %arg2[%dma_start3A_276, %dma_start3A_277] : memref<1003520x64xf32, #tpu.memory_space<hbm>> -> memref<1003520x64xf32, #tpu.memory_space<hbm>>
          tpu.enqueue_indirect_dma source(%dma_start3A_278 : memref<1003520x64xf32, #tpu.memory_space<hbm>>) target(%dma_start3A_268 : memref<800x64xf32, #tpu.memory_space<vmem>>) offsets(%dma_start3A_275 : memref<800xi32, #tpu.memory_space<vmem>>) semaphore(%run_scoped3A_264 : memref<!tpu.dma_semaphore, #tpu.memory_space<semaphore_mem>>)
          %dma_wait3A_279 = arith.constant 0 : i32
          %dma_wait3A_280 = arith.constant 0 : i32
          %dma_wait3A_281 = tpu.memref_slice %run_scoped3A_8[%rem3A_197, %dma_wait3A_279, %dma_wait3A_280] : memref<2x800x64xf32, #tpu.memory_space<vmem>> -> memref<1x800x64xf32, #tpu.memory_space<vmem>>
          %dma_wait3A_282 = tpu.memref_squeeze %dma_wait3A_281 : memref<1x800x64xf32, #tpu.memory_space<vmem>> -> memref<800x64xf32, #tpu.memory_space<vmem>>
          %dma_wait3A_283 = arith.constant 0 : i32
          %dma_wait3A_284 = arith.constant 0 : i32
          %dma_wait3A_285 = tpu.memref_slice %run_scoped3A[%rem3A_195, %dma_wait3A_283, %dma_wait3A_284] : memref<2x1x800xi32, #tpu.memory_space<vmem>> -> memref<1x1x800xi32, #tpu.memory_space<vmem>>
          %dma_wait3A_286 = tpu.memref_squeeze %dma_wait3A_285 : memref<1x1x800xi32, #tpu.memory_space<vmem>> -> memref<1x800xi32, #tpu.memory_space<vmem>>
          %dma_wait3A_287 = arith.constant 0 : i32
          %dma_wait3A_288 = tpu.memref_slice %dma_wait3A_286[%run_scoped3A_198, %dma_wait3A_287] : memref<1x800xi32, #tpu.memory_space<vmem>> -> memref<1x800xi32, #tpu.memory_space<vmem>>
          %dma_wait3A_289 = tpu.memref_squeeze %dma_wait3A_288 : memref<1x800xi32, #tpu.memory_space<vmem>> -> memref<800xi32, #tpu.memory_space<vmem>>
          %dma_wait3A_290 = arith.constant 0 : i32
          %dma_wait3A_291 = arith.constant 0 : i32
          %dma_wait3A_292 = tpu.memref_slice %arg2[%dma_wait3A_290, %dma_wait3A_291] : memref<1003520x64xf32, #tpu.memory_space<hbm>> -> memref<1003520x64xf32, #tpu.memory_space<hbm>>
          tpu.wait_indirect_dma semaphore(%run_scoped3A_264 : memref<!tpu.dma_semaphore, #tpu.memory_space<semaphore_mem>>) src(%dma_wait3A_292 : memref<1003520x64xf32, #tpu.memory_space<hbm>>) dst(%dma_wait3A_282 : memref<800x64xf32, #tpu.memory_space<vmem>>)
          tpu.yield
        }) : () -> ()
        "tpu.trace_stop"() : () -> ()
        %ne3A_199 = arith.cmpi ne, %add3A_131, %add3A_149 : i32
        %or3A_200 = arith.constant false
        %or3A_201 = arith.ori %or3A_200, %ne3A_199 : i1
        %or3A_202 = arith.ori %or3A_201, %eq3A_130 : i1
        %convert_element_type3A_203 = arith.extui %or3A_202 : i1 to i32
        %cond3A_204 = arith.constant 0 : i32
        %cond3A_205 = arith.cmpi ne, %convert_element_type3A_203, %cond3A_204 : i32
        scf.if %cond3A_205 {
        } else {
        }
        %and3A_206 = arith.constant false
        %and3A_207 = arith.andi %or3A_202, %and3A_206 : i1
        %ne3A_208 = arith.cmpi ne, %add3A_131, %add3A_149 : i32
        %or3A_209 = arith.constant false
        %or3A_210 = arith.ori %or3A_209, %ne3A_208 : i1
        %or3A_211 = arith.constant false
        %or3A_212 = arith.ori %or3A_210, %or3A_211 : i1
        %or3A_213 = arith.ori %or3A_212, %eq3A_130 : i1
        %convert_element_type3A_214 = arith.extui %or3A_213 : i1 to i32
        %cond3A_215 = arith.constant 0 : i32
        %cond3A_216 = arith.cmpi ne, %convert_element_type3A_214, %cond3A_215 : i32
        scf.if %cond3A_216 {
          "tpu.trace_start"() <{level = 10 : i32, message = "ep_copy_out"}> : () -> ()
          %rem3A_264 = arith.constant 2 : i32
          %rem3A_265 = arith.remui %scan3A_124, %rem3A_264 : i32
          %mul3A_266 = arith.constant 800 : i32
          %mul3A_267 = arith.muli %mul3A_266, %add3A_131 : i32
          %dma_start3A_268 = arith.constant 0 : i32
          %dma_start3A_269 = arith.constant 0 : i32
          %dma_start3A_270 = tpu.memref_slice %run_scoped3A_8[%rem3A_265, %dma_start3A_268, %dma_start3A_269] : memref<2x800x64xf32, #tpu.memory_space<vmem>> -> memref<1x800x64xf32, #tpu.memory_space<vmem>>
          %dma_start3A_271 = tpu.memref_squeeze %dma_start3A_270 : memref<1x800x64xf32, #tpu.memory_space<vmem>> -> memref<800x64xf32, #tpu.memory_space<vmem>>
          %dma_start3A_272 = arith.constant 0 : i32
          %dma_start3A_273 = tpu.memref_slice %arg4[%mul3A_267, %dma_start3A_272] : memref<102400x64xf32, #tpu.memory_space<hbm>> -> memref<800x64xf32, #tpu.memory_space<hbm>>
          %dma_start3A_274 = tpu.memref_slice %run_scoped3A_9[%rem3A_265] : memref<2x!tpu.dma_semaphore, #tpu.memory_space<semaphore_mem>> -> memref<1x!tpu.dma_semaphore, #tpu.memory_space<semaphore_mem>>
          %dma_start3A_275 = tpu.memref_squeeze %dma_start3A_274 : memref<1x!tpu.dma_semaphore, #tpu.memory_space<semaphore_mem>> -> memref<!tpu.dma_semaphore, #tpu.memory_space<semaphore_mem>>
          %dma_start3A_276 = arith.constant 0 : i32
          %dma_start3A_277 = tpu.memref_slice %arg4[%mul3A_267, %dma_start3A_276] : memref<102400x64xf32, #tpu.memory_space<hbm>> -> memref<800x64xf32, #tpu.memory_space<hbm>>
          %dma_start3A_278 = arith.constant 0 : i32
          %dma_start3A_279 = arith.constant 0 : i32
          %dma_start3A_280 = tpu.memref_slice %run_scoped3A_8[%rem3A_265, %dma_start3A_278, %dma_start3A_279] : memref<2x800x64xf32, #tpu.memory_space<vmem>> -> memref<1x800x64xf32, #tpu.memory_space<vmem>>
          %dma_start3A_281 = tpu.memref_squeeze %dma_start3A_280 : memref<1x800x64xf32, #tpu.memory_space<vmem>> -> memref<800x64xf32, #tpu.memory_space<vmem>>
          tpu.enqueue_dma source(%dma_start3A_281 : memref<800x64xf32, #tpu.memory_space<vmem>>) target(%dma_start3A_277 : memref<800x64xf32, #tpu.memory_space<hbm>>) target_semaphore(%dma_start3A_275 : memref<!tpu.dma_semaphore, #tpu.memory_space<semaphore_mem>>)
          "tpu.trace_stop"() : () -> ()
        } else {
        }
        %and3A_217 = arith.constant true
        %and3A_218 = arith.andi %or3A_213, %and3A_217 : i1
        %add3A_219 = arith.constant 1 : i32
        %add3A_220 = arith.addi %scan3A_124, %add3A_219 : i32
        %select_n3A_221 = arith.select %and3A_218, %add3A_220, %scan3A_124 : i32
        %ne3A_222 = arith.cmpi ne, %add3A_131, %add3A_140 : i32
        %or3A_223 = arith.constant false
        %or3A_224 = arith.ori %or3A_223, %ne3A_222 : i1
        %not3A_225 = arith.constant true
        %not3A_226 = arith.xori %eq3A_128, %not3A_225 : i1
        %and3A_227 = arith.andi %or3A_224, %not3A_226 : i1
        %convert_element_type3A_228 = arith.extui %and3A_227 : i1 to i32
        %cond3A_229 = arith.constant 0 : i32
        %cond3A_230 = arith.cmpi ne, %convert_element_type3A_228, %cond3A_229 : i32
        scf.if %cond3A_230 {
        } else {
        }
        %and3A_231 = arith.constant false
        %and3A_232 = arith.andi %and3A_227, %and3A_231 : i1
        %ne3A_233 = arith.cmpi ne, %add3A_131, %add3A_140 : i32
        %or3A_234 = arith.constant false
        %or3A_235 = arith.ori %or3A_234, %ne3A_233 : i1
        %or3A_236 = arith.constant false
        %or3A_237 = arith.ori %or3A_235, %or3A_236 : i1
        %not3A_238 = arith.constant true
        %not3A_239 = arith.xori %eq3A_128, %not3A_238 : i1
        %and3A_240 = arith.andi %or3A_237, %not3A_239 : i1
        %convert_element_type3A_241 = arith.extui %and3A_240 : i1 to i32
        %cond3A_242 = arith.constant 0 : i32
        %cond3A_243 = arith.cmpi ne, %convert_element_type3A_241, %cond3A_242 : i32
        scf.if %cond3A_243 {
          "tpu.trace_start"() <{level = 10 : i32, message = "ep_wait_out"}> : () -> ()
          %rem3A_264 = arith.constant 2 : i32
          %rem3A_265 = arith.remui %scan3A_125, %rem3A_264 : i32
          %mul3A_266 = arith.constant 800 : i32
          %mul3A_267 = arith.muli %mul3A_266, %add3A_140 : i32
          %dma_wait3A_268 = arith.constant 0 : i32
          %dma_wait3A_269 = arith.constant 0 : i32
          %dma_wait3A_270 = tpu.memref_slice %run_scoped3A_8[%rem3A_265, %dma_wait3A_268, %dma_wait3A_269] : memref<2x800x64xf32, #tpu.memory_space<vmem>> -> memref<1x800x64xf32, #tpu.memory_space<vmem>>
          %dma_wait3A_271 = tpu.memref_squeeze %dma_wait3A_270 : memref<1x800x64xf32, #tpu.memory_space<vmem>> -> memref<800x64xf32, #tpu.memory_space<vmem>>
          %dma_wait3A_272 = arith.constant 0 : i32
          %dma_wait3A_273 = tpu.memref_slice %arg4[%mul3A_267, %dma_wait3A_272] : memref<102400x64xf32, #tpu.memory_space<hbm>> -> memref<800x64xf32, #tpu.memory_space<hbm>>
          %dma_wait3A_274 = tpu.memref_slice %run_scoped3A_9[%rem3A_265] : memref<2x!tpu.dma_semaphore, #tpu.memory_space<semaphore_mem>> -> memref<1x!tpu.dma_semaphore, #tpu.memory_space<semaphore_mem>>
          %dma_wait3A_275 = tpu.memref_squeeze %dma_wait3A_274 : memref<1x!tpu.dma_semaphore, #tpu.memory_space<semaphore_mem>> -> memref<!tpu.dma_semaphore, #tpu.memory_space<semaphore_mem>>
          %dma_wait3A_276 = arith.constant 0 : i32
          %dma_wait3A_277 = tpu.memref_slice %arg4[%mul3A_267, %dma_wait3A_276] : memref<102400x64xf32, #tpu.memory_space<hbm>> -> memref<800x64xf32, #tpu.memory_space<hbm>>
          %dma_wait3A_278 = arith.constant 0 : i32
          %dma_wait3A_279 = arith.constant 0 : i32
          %dma_wait3A_280 = tpu.memref_slice %run_scoped3A_8[%rem3A_265, %dma_wait3A_278, %dma_wait3A_279] : memref<2x800x64xf32, #tpu.memory_space<vmem>> -> memref<1x800x64xf32, #tpu.memory_space<vmem>>
          %dma_wait3A_281 = tpu.memref_squeeze %dma_wait3A_280 : memref<1x800x64xf32, #tpu.memory_space<vmem>> -> memref<800x64xf32, #tpu.memory_space<vmem>>
          tpu.wait_dma2 semaphore(%dma_wait3A_275 : memref<!tpu.dma_semaphore, #tpu.memory_space<semaphore_mem>>) src(%dma_wait3A_281 : memref<800x64xf32, #tpu.memory_space<vmem>>) dst(%dma_wait3A_277 : memref<800x64xf32, #tpu.memory_space<hbm>>)
          "tpu.trace_stop"() : () -> ()
        } else {
        }
        %and3A_244 = arith.constant true
        %and3A_245 = arith.andi %and3A_240, %and3A_244 : i1
        %add3A_246 = arith.constant 1 : i32
        %add3A_247 = arith.addi %scan3A_125, %add3A_246 : i32
        %select_n3A_248 = arith.select %and3A_245, %add3A_247, %scan3A_125 : i32
        %ne3A_249 = arith.cmpi ne, %add3A_131, %add3A_149 : i32
        %or3A_250 = arith.constant false
        %or3A_251 = arith.ori %or3A_250, %ne3A_249 : i1
        %or3A_252 = arith.ori %or3A_251, %eq3A_130 : i1
        %add3A_253 = arith.constant 1 : i32
        %add3A_254 = arith.addi %scan3A_123, %add3A_253 : i32
        %select_n3A_255 = arith.select %or3A_252, %add3A_254, %scan3A_123 : i32
        %add3A_256 = arith.constant 1 : i32
        %add3A_257 = arith.addi %scan3A_126, %add3A_256 : i32
        %select_n3A_258 = arith.constant true
        %select_n3A_259 = arith.select %select_n3A_258, %add3A_257, %scan3A_126 : i32
        %eq3A_260 = arith.constant 4 : i32
        %eq3A_261 = arith.cmpi eq, %select_n3A_259, %eq3A_260 : i32
        %select_n3A_262 = arith.constant 0 : i32
        %select_n3A_263 = arith.select %eq3A_261, %select_n3A_262, %select_n3A_259 : i32
        scf.yield %select_n3A_167, %select_n3A_255, %select_n3A_221, %select_n3A_248, %select_n3A_263 : i32, i32, i32, i32, i32
      }
      %scan3A_68 = arith.constant 4 : i32
      %sub3A = arith.constant 1 : i32
      %sub3A_69 = arith.subi %scan3A_67#4, %sub3A : i32
      %select_n3A_70 = arith.constant true
      %select_n3A_71 = arith.select %select_n3A_70, %sub3A_69, %scan3A_67#4 : i32
      %eq3A_72 = arith.constant -1 : i32
      %eq3A_73 = arith.cmpi eq, %select_n3A_71, %eq3A_72 : i32
      %select_n3A_74 = arith.constant 3 : i32
      %select_n3A_75 = arith.select %eq3A_73, %select_n3A_74, %select_n3A_71 : i32
      %add3A_76 = arith.addi %select_n3A_75, %mul3A_6 : i32
      %sub3A_77 = arith.constant 1 : i32
      %sub3A_78 = arith.subi %select_n3A_75, %sub3A_77 : i32
      %select_n3A_79 = arith.constant true
      %select_n3A_80 = arith.select %select_n3A_79, %sub3A_78, %select_n3A_75 : i32
      %eq3A_81 = arith.constant -1 : i32
      %eq3A_82 = arith.cmpi eq, %select_n3A_80, %eq3A_81 : i32
      %select_n3A_83 = arith.constant 3 : i32
      %select_n3A_84 = arith.select %eq3A_82, %select_n3A_83, %select_n3A_80 : i32
      %add3A_85 = arith.addi %select_n3A_84, %mul3A_6 : i32
      %add3A_86 = arith.constant 1 : i32
      %add3A_87 = arith.addi %select_n3A_75, %add3A_86 : i32
      %select_n3A_88 = arith.constant true
      %select_n3A_89 = arith.select %select_n3A_88, %add3A_87, %select_n3A_75 : i32
      %eq3A_90 = arith.constant 4 : i32
      %eq3A_91 = arith.cmpi eq, %select_n3A_89, %eq3A_90 : i32
      %select_n3A_92 = arith.constant 0 : i32
      %select_n3A_93 = arith.select %eq3A_91, %select_n3A_92, %select_n3A_89 : i32
      %add3A_94 = arith.addi %select_n3A_93, %mul3A_6 : i32
      %add3A_95 = arith.constant 1 : i32
      %add3A_96 = arith.addi %select_n3A_93, %add3A_95 : i32
      %select_n3A_97 = arith.constant true
      %select_n3A_98 = arith.select %select_n3A_97, %add3A_96, %select_n3A_93 : i32
      %eq3A_99 = arith.constant 4 : i32
      %eq3A_100 = arith.cmpi eq, %select_n3A_98, %eq3A_99 : i32
      %select_n3A_101 = arith.constant 0 : i32
      %select_n3A_102 = arith.select %eq3A_100, %select_n3A_101, %select_n3A_98 : i32
      %add3A_103 = arith.addi %select_n3A_102, %mul3A_6 : i32
      "tpu.trace_start"() <{level = 10 : i32, message = "ep_finalize"}> : () -> ()
      %rem3A_104 = arith.constant 2 : i32
      %rem3A_105 = arith.remui %scan3A_67#3, %rem3A_104 : i32
      %mul3A_106 = arith.constant 800 : i32
      %mul3A_107 = arith.muli %mul3A_106, %add3A_76 : i32
      %dma_wait3A = arith.constant 0 : i32
      %dma_wait3A_108 = arith.constant 0 : i32
      %dma_wait3A_109 = tpu.memref_slice %run_scoped3A_8[%rem3A_105, %dma_wait3A, %dma_wait3A_108] : memref<2x800x64xf32, #tpu.memory_space<vmem>> -> memref<1x800x64xf32, #tpu.memory_space<vmem>>
      %dma_wait3A_110 = tpu.memref_squeeze %dma_wait3A_109 : memref<1x800x64xf32, #tpu.memory_space<vmem>> -> memref<800x64xf32, #tpu.memory_space<vmem>>
      %dma_wait3A_111 = arith.constant 0 : i32
      %dma_wait3A_112 = tpu.memref_slice %arg4[%mul3A_107, %dma_wait3A_111] : memref<102400x64xf32, #tpu.memory_space<hbm>> -> memref<800x64xf32, #tpu.memory_space<hbm>>
      %dma_wait3A_113 = tpu.memref_slice %run_scoped3A_9[%rem3A_105] : memref<2x!tpu.dma_semaphore, #tpu.memory_space<semaphore_mem>> -> memref<1x!tpu.dma_semaphore, #tpu.memory_space<semaphore_mem>>
      %dma_wait3A_114 = tpu.memref_squeeze %dma_wait3A_113 : memref<1x!tpu.dma_semaphore, #tpu.memory_space<semaphore_mem>> -> memref<!tpu.dma_semaphore, #tpu.memory_space<semaphore_mem>>
      %dma_wait3A_115 = arith.constant 0 : i32
      %dma_wait3A_116 = tpu.memref_slice %arg4[%mul3A_107, %dma_wait3A_115] : memref<102400x64xf32, #tpu.memory_space<hbm>> -> memref<800x64xf32, #tpu.memory_space<hbm>>
      %dma_wait3A_117 = arith.constant 0 : i32
      %dma_wait3A_118 = arith.constant 0 : i32
      %dma_wait3A_119 = tpu.memref_slice %run_scoped3A_8[%rem3A_105, %dma_wait3A_117, %dma_wait3A_118] : memref<2x800x64xf32, #tpu.memory_space<vmem>> -> memref<1x800x64xf32, #tpu.memory_space<vmem>>
      %dma_wait3A_120 = tpu.memref_squeeze %dma_wait3A_119 : memref<1x800x64xf32, #tpu.memory_space<vmem>> -> memref<800x64xf32, #tpu.memory_space<vmem>>
      tpu.wait_dma2 semaphore(%dma_wait3A_114 : memref<!tpu.dma_semaphore, #tpu.memory_space<semaphore_mem>>) src(%dma_wait3A_120 : memref<800x64xf32, #tpu.memory_space<vmem>>) dst(%dma_wait3A_116 : memref<800x64xf32, #tpu.memory_space<hbm>>)
      "tpu.trace_stop"() : () -> ()
      tpu.yield
    }) : () -> ()
    return
  }
}

#map = affine_map<(d0, d1) -> (0, 0)>
module attributes {stable_mosaic.version = 14 : i64} {
  func.func @run(%arg0: i32, %arg1: i32, %arg2: memref<1003520x64xf32, #tpu.memory_space<hbm>>, %arg3: memref<1x102400xi32, #tpu.memory_space<hbm>>, %arg4: memref<102400x64xf32, #tpu.memory_space<hbm>>) attributes {dimension_semantics = [#tpu.dimension_semantics<core_parallel>, #tpu.dimension_semantics<subcore_parallel>], iteration_bounds = array<i64: 2, 16>, scalar_prefetch = 0 : i64, scratch_operands = 0 : i64, tpu.core_type = #tpu.core_type<sc_vector_subcore>, window_params = [{transform_indices = #map}, {transform_indices = #map}, {transform_indices = #map}]} {
    %mul3A = arith.constant 1 : i32
    %mul3A_0 = arith.muli %arg1, %mul3A : i32
    %add3A = arith.constant 0 : i32
    %add3A_1 = arith.addi %add3A, %mul3A_0 : i32
    %mul3A_2 = arith.constant 16 : i32
    %mul3A_3 = arith.muli %arg0, %mul3A_2 : i32
    %add3A_4 = arith.addi %add3A_1, %mul3A_3 : i32
    %mul3A_5 = arith.constant 4 : i32
    %mul3A_6 = arith.muli %add3A_4, %mul3A_5 : i32
    "tpu.region"() ({
      %run_scoped3A = memref.alloca() : memref<2x1x800xi32, #tpu.memory_space<vmem>>
      %run_scoped3A_7 = tpu.sem_alloc : memref<2x!tpu.dma_semaphore, #tpu.memory_space<semaphore_mem>>
      %run_scoped3A_8 = memref.alloca() : memref<2x800x64xf32, #tpu.memory_space<vmem>>
      %run_scoped3A_9 = tpu.sem_alloc : memref<2x!tpu.dma_semaphore, #tpu.memory_space<semaphore_mem>>
      %add3A_10 = arith.constant 0 : i32
      %add3A_11 = arith.addi %add3A_10, %mul3A_6 : i32
      %select_n3A = arith.constant true
      %select_n3A_12 = arith.constant 0 : i32
      %select_n3A_13 = arith.constant -1 : i32
      %select_n3A_14 = arith.select %select_n3A, %select_n3A_13, %select_n3A_12 : i32
      %eq3A = arith.constant -1 : i32
      %eq3A_15 = arith.cmpi eq, %select_n3A_14, %eq3A : i32
      %select_n3A_16 = arith.constant 3 : i32
      %select_n3A_17 = arith.select %eq3A_15, %select_n3A_16, %select_n3A_14 : i32
      %add3A_18 = arith.addi %select_n3A_17, %mul3A_6 : i32
      %select_n3A_19 = arith.constant true
      %select_n3A_20 = arith.constant 0 : i32
      %select_n3A_21 = arith.constant 1 : i32
      %select_n3A_22 = arith.select %select_n3A_19, %select_n3A_21, %select_n3A_20 : i32
      %eq3A_23 = arith.constant 4 : i32
      %eq3A_24 = arith.cmpi eq, %select_n3A_22, %eq3A_23 : i32
      %select_n3A_25 = arith.constant 0 : i32
      %select_n3A_26 = arith.select %eq3A_24, %select_n3A_25, %select_n3A_22 : i32
      %add3A_27 = arith.addi %select_n3A_26, %mul3A_6 : i32
      %add3A_28 = arith.constant 1 : i32
      %add3A_29 = arith.addi %select_n3A_26, %add3A_28 : i32
      %select_n3A_30 = arith.constant true
      %select_n3A_31 = arith.select %select_n3A_30, %add3A_29, %select_n3A_26 : i32
      %eq3A_32 = arith.constant 4 : i32
      %eq3A_33 = arith.cmpi eq, %select_n3A_31, %eq3A_32 : i32
      %select_n3A_34 = arith.constant 0 : i32
      %select_n3A_35 = arith.select %eq3A_33, %select_n3A_34, %select_n3A_31 : i32
      %add3A_36 = arith.addi %select_n3A_35, %mul3A_6 : i32
      "tpu.trace_start"() <{level = 10 : i32, message = "ep_initialize_0"}> : () -> ()
      %rem3A = arith.constant 0 : i32
      %rem3A_37 = arith.constant 2 : i32
      %rem3A_38 = arith.remui %rem3A, %rem3A_37 : i32
      %mul3A_39 = arith.constant 800 : i32
      %mul3A_40 = arith.muli %mul3A_39, %add3A_11 : i32
      %dma_start3A = arith.constant 0 : i32
      %dma_start3A_41 = arith.constant 0 : i32
      %dma_start3A_42 = tpu.memref_slice %run_scoped3A[%rem3A_38, %dma_start3A, %dma_start3A_41] : memref<2x1x800xi32, #tpu.memory_space<vmem>> -> memref<1x1x800xi32, #tpu.memory_space<vmem>>
      %dma_start3A_43 = tpu.memref_squeeze %dma_start3A_42 : memref<1x1x800xi32, #tpu.memory_space<vmem>> -> memref<1x800xi32, #tpu.memory_space<vmem>>
      %dma_start3A_44 = arith.constant 0 : i32
      %dma_start3A_45 = tpu.memref_slice %arg3[%dma_start3A_44, %mul3A_40] : memref<1x102400xi32, #tpu.memory_space<hbm>> -> memref<1x800xi32, #tpu.memory_space<hbm>>
      %dma_start3A_46 = tpu.memref_slice %run_scoped3A_7[%rem3A_38] : memref<2x!tpu.dma_semaphore, #tpu.memory_space<semaphore_mem>> -> memref<1x!tpu.dma_semaphore, #tpu.memory_space<semaphore_mem>>
      %dma_start3A_47 = tpu.memref_squeeze %dma_start3A_46 : memref<1x!tpu.dma_semaphore, #tpu.memory_space<semaphore_mem>> -> memref<!tpu.dma_semaphore, #tpu.memory_space<semaphore_mem>>
      %dma_start3A_48 = arith.constant 0 : i32
      %dma_start3A_49 = arith.constant 0 : i32
      %dma_start3A_50 = tpu.memref_slice %run_scoped3A[%rem3A_38, %dma_start3A_48, %dma_start3A_49] : memref<2x1x800xi32, #tpu.memory_space<vmem>> -> memref<1x1x800xi32, #tpu.memory_space<vmem>>
      %dma_start3A_51 = tpu.memref_squeeze %dma_start3A_50 : memref<1x1x800xi32, #tpu.memory_space<vmem>> -> memref<1x800xi32, #tpu.memory_space<vmem>>
      %dma_start3A_52 = arith.constant 0 : i32
      %dma_start3A_53 = tpu.memref_slice %arg3[%dma_start3A_52, %mul3A_40] : memref<1x102400xi32, #tpu.memory_space<hbm>> -> memref<1x800xi32, #tpu.memory_space<hbm>>
      tpu.enqueue_dma source(%dma_start3A_53 : memref<1x800xi32, #tpu.memory_space<hbm>>) target(%dma_start3A_51 : memref<1x800xi32, #tpu.memory_space<vmem>>) target_semaphore(%dma_start3A_47 : memref<!tpu.dma_semaphore, #tpu.memory_space<semaphore_mem>>)
      %add3A_54 = arith.constant 0 : i32
      %add3A_55 = arith.constant 1 : i32
      %add3A_56 = arith.addi %add3A_54, %add3A_55 : i32
      %select_n3A_57 = arith.constant true
      %select_n3A_58 = arith.constant 0 : i32
      %select_n3A_59 = arith.select %select_n3A_57, %add3A_56, %select_n3A_58 : i32
      "tpu.trace_stop"() : () -> ()
      %scan3A = arith.constant 0 : i32
      %scan3A_60 = arith.constant 0 : i32
      %scan3A_61 = arith.constant 0 : i32
      %scan3A_62 = arith.constant 0 : i32
      %scan3A_63 = arith.constant 0 : i32
      %scan3A_64 = arith.constant 4 : i32
      %scan3A_65 = arith.addi %scan3A_63, %scan3A_64 : i32
      %scan3A_66 = arith.constant 1 : i32
      %scan3A_67:5 = scf.for %scan3A_121 = %scan3A_63 to %scan3A_65 step %scan3A_66 iter_args(%scan3A_122 = %select_n3A_59, %scan3A_123 = %scan3A, %scan3A_124 = %scan3A_60, %scan3A_125 = %scan3A_61, %scan3A_126 = %scan3A_62) -> (i32, i32, i32, i32, i32)  : i32 {
        %eq3A_127 = arith.constant 0 : i32
        %eq3A_128 = arith.cmpi eq, %scan3A_121, %eq3A_127 : i32
        %eq3A_129 = arith.constant 3 : i32
        %eq3A_130 = arith.cmpi eq, %scan3A_121, %eq3A_129 : i32
        %add3A_131 = arith.addi %scan3A_126, %mul3A_6 : i32
        %sub3A_132 = arith.constant 1 : i32
        %sub3A_133 = arith.subi %scan3A_126, %sub3A_132 : i32
        %select_n3A_134 = arith.constant true
        %select_n3A_135 = arith.select %select_n3A_134, %sub3A_133, %scan3A_126 : i32
        %eq3A_136 = arith.constant -1 : i32
        %eq3A_137 = arith.cmpi eq, %select_n3A_135, %eq3A_136 : i32
        %select_n3A_138 = arith.constant 3 : i32
        %select_n3A_139 = arith.select %eq3A_137, %select_n3A_138, %select_n3A_135 : i32
        %add3A_140 = arith.addi %select_n3A_139, %mul3A_6 : i32
        %add3A_141 = arith.constant 1 : i32
        %add3A_142 = arith.addi %scan3A_126, %add3A_141 : i32
        %select_n3A_143 = arith.constant true
        %select_n3A_144 = arith.select %select_n3A_143, %add3A_142, %scan3A_126 : i32
        %eq3A_145 = arith.constant 4 : i32
        %eq3A_146 = arith.cmpi eq, %select_n3A_144, %eq3A_145 : i32
        %select_n3A_147 = arith.constant 0 : i32
        %select_n3A_148 = arith.select %eq3A_146, %select_n3A_147, %select_n3A_144 : i32
        %add3A_149 = arith.addi %select_n3A_148, %mul3A_6 : i32
        %add3A_150 = arith.constant 1 : i32
        %add3A_151 = arith.addi %select_n3A_148, %add3A_150 : i32
        %select_n3A_152 = arith.constant true
        %select_n3A_153 = arith.select %select_n3A_152, %add3A_151, %select_n3A_148 : i32
        %eq3A_154 = arith.constant 4 : i32
        %eq3A_155 = arith.cmpi eq, %select_n3A_153, %eq3A_154 : i32
        %select_n3A_156 = arith.constant 0 : i32
        %select_n3A_157 = arith.select %eq3A_155, %select_n3A_156, %select_n3A_153 : i32
        %add3A_158 = arith.addi %select_n3A_157, %mul3A_6 : i32
        %ne3A = arith.cmpi ne, %add3A_131, %add3A_149 : i32
        %or3A = arith.constant false
        %or3A_159 = arith.ori %or3A, %ne3A : i1
        %ge3A = arith.constant 3 : i32
        %ge3A_160 = arith.cmpi sge, %scan3A_121, %ge3A : i32
        %not3A = arith.constant true
        %not3A_161 = arith.xori %ge3A_160, %not3A : i1
        %and3A = arith.andi %or3A_159, %not3A_161 : i1
        %convert_element_type3A = arith.extui %and3A : i1 to i32
        %cond3A = arith.constant 0 : i32
        %cond3A_162 = arith.cmpi ne, %convert_element_type3A, %cond3A : i32
        scf.if %cond3A_162 {
          "tpu.trace_start"() <{level = 10 : i32, message = "ep_copy_in"}> : () -> ()
          %rem3A_264 = arith.constant 2 : i32
          %rem3A_265 = arith.remui %scan3A_122, %rem3A_264 : i32
          %mul3A_266 = arith.constant 800 : i32
          %mul3A_267 = arith.muli %mul3A_266, %add3A_149 : i32
          %dma_start3A_268 = arith.constant 0 : i32
          %dma_start3A_269 = arith.constant 0 : i32
          %dma_start3A_270 = tpu.memref_slice %run_scoped3A[%rem3A_265, %dma_start3A_268, %dma_start3A_269] : memref<2x1x800xi32, #tpu.memory_space<vmem>> -> memref<1x1x800xi32, #tpu.memory_space<vmem>>
          %dma_start3A_271 = tpu.memref_squeeze %dma_start3A_270 : memref<1x1x800xi32, #tpu.memory_space<vmem>> -> memref<1x800xi32, #tpu.memory_space<vmem>>
          %dma_start3A_272 = arith.constant 0 : i32
          %dma_start3A_273 = tpu.memref_slice %arg3[%dma_start3A_272, %mul3A_267] : memref<1x102400xi32, #tpu.memory_space<hbm>> -> memref<1x800xi32, #tpu.memory_space<hbm>>
          %dma_start3A_274 = tpu.memref_slice %run_scoped3A_7[%rem3A_265] : memref<2x!tpu.dma_semaphore, #tpu.memory_space<semaphore_mem>> -> memref<1x!tpu.dma_semaphore, #tpu.memory_space<semaphore_mem>>
          %dma_start3A_275 = tpu.memref_squeeze %dma_start3A_274 : memref<1x!tpu.dma_semaphore, #tpu.memory_space<semaphore_mem>> -> memref<!tpu.dma_semaphore, #tpu.memory_space<semaphore_mem>>
          %dma_start3A_276 = arith.constant 0 : i32
          %dma_start3A_277 = arith.constant 0 : i32
          %dma_start3A_278 = tpu.memref_slice %run_scoped3A[%rem3A_265, %dma_start3A_276, %dma_start3A_277] : memref<2x1x800xi32, #tpu.memory_space<vmem>> -> memref<1x1x800xi32, #tpu.memory_space<vmem>>
          %dma_start3A_279 = tpu.memref_squeeze %dma_start3A_278 : memref<1x1x800xi32, #tpu.memory_space<vmem>> -> memref<1x800xi32, #tpu.memory_space<vmem>>
          %dma_start3A_280 = arith.constant 0 : i32
          %dma_start3A_281 = tpu.memref_slice %arg3[%dma_start3A_280, %mul3A_267] : memref<1x102400xi32, #tpu.memory_space<hbm>> -> memref<1x800xi32, #tpu.memory_space<hbm>>
          tpu.enqueue_dma source(%dma_start3A_281 : memref<1x800xi32, #tpu.memory_space<hbm>>) target(%dma_start3A_279 : memref<1x800xi32, #tpu.memory_space<vmem>>) target_semaphore(%dma_start3A_275 : memref<!tpu.dma_semaphore, #tpu.memory_space<semaphore_mem>>)
          "tpu.trace_stop"() : () -> ()
        } else {
        }
        %and3A_163 = arith.constant true
        %and3A_164 = arith.andi %and3A, %and3A_163 : i1
        %add3A_165 = arith.constant 1 : i32
        %add3A_166 = arith.addi %scan3A_122, %add3A_165 : i32
        %select_n3A_167 = arith.select %and3A_164, %add3A_166, %scan3A_122 : i32
        %ne3A_168 = arith.cmpi ne, %add3A_131, %add3A_149 : i32
        %or3A_169 = arith.constant false
        %or3A_170 = arith.ori %or3A_169, %ne3A_168 : i1
        %or3A_171 = arith.constant false
        %or3A_172 = arith.ori %or3A_170, %or3A_171 : i1
        %ge3A_173 = arith.constant 3 : i32
        %ge3A_174 = arith.cmpi sge, %scan3A_121, %ge3A_173 : i32
        %not3A_175 = arith.constant true
        %not3A_176 = arith.xori %ge3A_174, %not3A_175 : i1
        %and3A_177 = arith.andi %or3A_172, %not3A_176 : i1
        %ne3A_178 = arith.cmpi ne, %add3A_131, %add3A_140 : i32
        %or3A_179 = arith.constant false
        %or3A_180 = arith.ori %or3A_179, %ne3A_178 : i1
        %or3A_181 = arith.ori %or3A_180, %eq3A_128 : i1
        %convert_element_type3A_182 = arith.extui %or3A_181 : i1 to i32
        %cond3A_183 = arith.constant 0 : i32
        %cond3A_184 = arith.cmpi ne, %convert_element_type3A_182, %cond3A_183 : i32
        scf.if %cond3A_184 {
          "tpu.trace_start"() <{level = 10 : i32, message = "ep_wait_in"}> : () -> ()
          %mul3A_264 = arith.constant 800 : i32
          %mul3A_265 = arith.muli %mul3A_264, %add3A_131 : i32
          %rem3A_266 = arith.constant 2 : i32
          %rem3A_267 = arith.remui %scan3A_123, %rem3A_266 : i32
          %dma_wait3A_268 = arith.constant 0 : i32
          %dma_wait3A_269 = arith.constant 0 : i32
          %dma_wait3A_270 = tpu.memref_slice %run_scoped3A[%rem3A_267, %dma_wait3A_268, %dma_wait3A_269] : memref<2x1x800xi32, #tpu.memory_space<vmem>> -> memref<1x1x800xi32, #tpu.memory_space<vmem>>
          %dma_wait3A_271 = tpu.memref_squeeze %dma_wait3A_270 : memref<1x1x800xi32, #tpu.memory_space<vmem>> -> memref<1x800xi32, #tpu.memory_space<vmem>>
          %dma_wait3A_272 = arith.constant 0 : i32
          %dma_wait3A_273 = tpu.memref_slice %arg3[%dma_wait3A_272, %mul3A_265] : memref<1x102400xi32, #tpu.memory_space<hbm>> -> memref<1x800xi32, #tpu.memory_space<hbm>>
          %dma_wait3A_274 = tpu.memref_slice %run_scoped3A_7[%rem3A_267] : memref<2x!tpu.dma_semaphore, #tpu.memory_space<semaphore_mem>> -> memref<1x!tpu.dma_semaphore, #tpu.memory_space<semaphore_mem>>
          %dma_wait3A_275 = tpu.memref_squeeze %dma_wait3A_274 : memref<1x!tpu.dma_semaphore, #tpu.memory_space<semaphore_mem>> -> memref<!tpu.dma_semaphore, #tpu.memory_space<semaphore_mem>>
          %dma_wait3A_276 = arith.constant 0 : i32
          %dma_wait3A_277 = arith.constant 0 : i32
          %dma_wait3A_278 = tpu.memref_slice %run_scoped3A[%rem3A_267, %dma_wait3A_276, %dma_wait3A_277] : memref<2x1x800xi32, #tpu.memory_space<vmem>> -> memref<1x1x800xi32, #tpu.memory_space<vmem>>
          %dma_wait3A_279 = tpu.memref_squeeze %dma_wait3A_278 : memref<1x1x800xi32, #tpu.memory_space<vmem>> -> memref<1x800xi32, #tpu.memory_space<vmem>>
          %dma_wait3A_280 = arith.constant 0 : i32
          %dma_wait3A_281 = tpu.memref_slice %arg3[%dma_wait3A_280, %mul3A_265] : memref<1x102400xi32, #tpu.memory_space<hbm>> -> memref<1x800xi32, #tpu.memory_space<hbm>>
          tpu.wait_dma2 semaphore(%dma_wait3A_275 : memref<!tpu.dma_semaphore, #tpu.memory_space<semaphore_mem>>) src(%dma_wait3A_281 : memref<1x800xi32, #tpu.memory_space<hbm>>) dst(%dma_wait3A_279 : memref<1x800xi32, #tpu.memory_space<vmem>>)
          "tpu.trace_stop"() : () -> ()
        } else {
        }
        %ne3A_185 = arith.cmpi ne, %add3A_131, %add3A_140 : i32
        %or3A_186 = arith.constant false
        %or3A_187 = arith.ori %or3A_186, %ne3A_185 : i1
        %or3A_188 = arith.constant false
        %or3A_189 = arith.ori %or3A_187, %or3A_188 : i1
        %or3A_190 = arith.ori %or3A_189, %eq3A_128 : i1
        %convert_element_type3A_191 = arith.extui %or3A_190 : i1 to i32
        %cond3A_192 = arith.constant 0 : i32
        %cond3A_193 = arith.cmpi ne, %convert_element_type3A_191, %cond3A_192 : i32
        scf.if %cond3A_193 {
        } else {
        }
        %rem3A_194 = arith.constant 2 : i32
        %rem3A_195 = arith.remui %scan3A_123, %rem3A_194 : i32
        %rem3A_196 = arith.constant 2 : i32
        %rem3A_197 = arith.remui %scan3A_124, %rem3A_196 : i32
        %run_scoped3A_198 = arith.constant 0 : i32
        "tpu.trace_start"() <{level = 10 : i32, message = "ep_run_kernel"}> : () -> ()
        "tpu.region"() ({
          %run_scoped3A_264 = tpu.sem_alloc : memref<!tpu.dma_semaphore, #tpu.memory_space<semaphore_mem>>
          %dma_start3A_265 = arith.constant 0 : i32
          %dma_start3A_266 = arith.constant 0 : i32
          %dma_start3A_267 = tpu.memref_slice %run_scoped3A_8[%rem3A_197, %dma_start3A_265, %dma_start3A_266] : memref<2x800x64xf32, #tpu.memory_space<vmem>> -> memref<1x800x64xf32, #tpu.memory_space<vmem>>
          %dma_start3A_268 = tpu.memref_squeeze %dma_start3A_267 : memref<1x800x64xf32, #tpu.memory_space<vmem>> -> memref<800x64xf32, #tpu.memory_space<vmem>>
          %dma_start3A_269 = arith.constant 0 : i32
          %dma_start3A_270 = arith.constant 0 : i32
          %dma_start3A_271 = tpu.memref_slice %run_scoped3A[%rem3A_195, %dma_start3A_269, %dma_start3A_270] : memref<2x1x800xi32, #tpu.memory_space<vmem>> -> memref<1x1x800xi32, #tpu.memory_space<vmem>>
          %dma_start3A_272 = tpu.memref_squeeze %dma_start3A_271 : memref<1x1x800xi32, #tpu.memory_space<vmem>> -> memref<1x800xi32, #tpu.memory_space<vmem>>
          %dma_start3A_273 = arith.constant 0 : i32
          %dma_start3A_274 = tpu.memref_slice %dma_start3A_272[%run_scoped3A_198, %dma_start3A_273] : memref<1x800xi32, #tpu.memory_space<vmem>> -> memref<1x800xi32, #tpu.memory_space<vmem>>
          %dma_start3A_275 = tpu.memref_squeeze %dma_start3A_274 : memref<1x800xi32, #tpu.memory_space<vmem>> -> memref<800xi32, #tpu.memory_space<vmem>>
          %dma_start3A_276 = arith.constant 0 : i32
          %dma_start3A_277 = arith.constant 0 : i32
          %dma_start3A_278 = tpu.memref_slice %arg2[%dma_start3A_276, %dma_start3A_277] : memref<1003520x64xf32, #tpu.memory_space<hbm>> -> memref<1003520x64xf32, #tpu.memory_space<hbm>>
          tpu.enqueue_indirect_dma source(%dma_start3A_278 : memref<1003520x64xf32, #tpu.memory_space<hbm>>) target(%dma_start3A_268 : memref<800x64xf32, #tpu.memory_space<vmem>>) offsets(%dma_start3A_275 : memref<800xi32, #tpu.memory_space<vmem>>) semaphore(%run_scoped3A_264 : memref<!tpu.dma_semaphore, #tpu.memory_space<semaphore_mem>>)
          %dma_wait3A_279 = arith.constant 0 : i32
          %dma_wait3A_280 = arith.constant 0 : i32
          %dma_wait3A_281 = tpu.memref_slice %run_scoped3A_8[%rem3A_197, %dma_wait3A_279, %dma_wait3A_280] : memref<2x800x64xf32, #tpu.memory_space<vmem>> -> memref<1x800x64xf32, #tpu.memory_space<vmem>>
          %dma_wait3A_282 = tpu.memref_squeeze %dma_wait3A_281 : memref<1x800x64xf32, #tpu.memory_space<vmem>> -> memref<800x64xf32, #tpu.memory_space<vmem>>
          %dma_wait3A_283 = arith.constant 0 : i32
          %dma_wait3A_284 = arith.constant 0 : i32
          %dma_wait3A_285 = tpu.memref_slice %run_scoped3A[%rem3A_195, %dma_wait3A_283, %dma_wait3A_284] : memref<2x1x800xi32, #tpu.memory_space<vmem>> -> memref<1x1x800xi32, #tpu.memory_space<vmem>>
          %dma_wait3A_286 = tpu.memref_squeeze %dma_wait3A_285 : memref<1x1x800xi32, #tpu.memory_space<vmem>> -> memref<1x800xi32, #tpu.memory_space<vmem>>
          %dma_wait3A_287 = arith.constant 0 : i32
          %dma_wait3A_288 = tpu.memref_slice %dma_wait3A_286[%run_scoped3A_198, %dma_wait3A_287] : memref<1x800xi32, #tpu.memory_space<vmem>> -> memref<1x800xi32, #tpu.memory_space<vmem>>
          %dma_wait3A_289 = tpu.memref_squeeze %dma_wait3A_288 : memref<1x800xi32, #tpu.memory_space<vmem>> -> memref<800xi32, #tpu.memory_space<vmem>>
          %dma_wait3A_290 = arith.constant 0 : i32
          %dma_wait3A_291 = arith.constant 0 : i32
          %dma_wait3A_292 = tpu.memref_slice %arg2[%dma_wait3A_290, %dma_wait3A_291] : memref<1003520x64xf32, #tpu.memory_space<hbm>> -> memref<1003520x64xf32, #tpu.memory_space<hbm>>
          tpu.wait_indirect_dma semaphore(%run_scoped3A_264 : memref<!tpu.dma_semaphore, #tpu.memory_space<semaphore_mem>>) src(%dma_wait3A_292 : memref<1003520x64xf32, #tpu.memory_space<hbm>>) dst(%dma_wait3A_282 : memref<800x64xf32, #tpu.memory_space<vmem>>)
          tpu.yield
        }) : () -> ()
        "tpu.trace_stop"() : () -> ()
        %ne3A_199 = arith.cmpi ne, %add3A_131, %add3A_149 : i32
        %or3A_200 = arith.constant false
        %or3A_201 = arith.ori %or3A_200, %ne3A_199 : i1
        %or3A_202 = arith.ori %or3A_201, %eq3A_130 : i1
        %convert_element_type3A_203 = arith.extui %or3A_202 : i1 to i32
        %cond3A_204 = arith.constant 0 : i32
        %cond3A_205 = arith.cmpi ne, %convert_element_type3A_203, %cond3A_204 : i32
        scf.if %cond3A_205 {
        } else {
        }
        %and3A_206 = arith.constant false
        %and3A_207 = arith.andi %or3A_202, %and3A_206 : i1
        %ne3A_208 = arith.cmpi ne, %add3A_131, %add3A_149 : i32
        %or3A_209 = arith.constant false
        %or3A_210 = arith.ori %or3A_209, %ne3A_208 : i1
        %or3A_211 = arith.constant false
        %or3A_212 = arith.ori %or3A_210, %or3A_211 : i1
        %or3A_213 = arith.ori %or3A_212, %eq3A_130 : i1
        %convert_element_type3A_214 = arith.extui %or3A_213 : i1 to i32
        %cond3A_215 = arith.constant 0 : i32
        %cond3A_216 = arith.cmpi ne, %convert_element_type3A_214, %cond3A_215 : i32
        scf.if %cond3A_216 {
          "tpu.trace_start"() <{level = 10 : i32, message = "ep_copy_out"}> : () -> ()
          %rem3A_264 = arith.constant 2 : i32
          %rem3A_265 = arith.remui %scan3A_124, %rem3A_264 : i32
          %mul3A_266 = arith.constant 800 : i32
          %mul3A_267 = arith.muli %mul3A_266, %add3A_131 : i32
          %dma_start3A_268 = arith.constant 0 : i32
          %dma_start3A_269 = arith.constant 0 : i32
          %dma_start3A_270 = tpu.memref_slice %run_scoped3A_8[%rem3A_265, %dma_start3A_268, %dma_start3A_269] : memref<2x800x64xf32, #tpu.memory_space<vmem>> -> memref<1x800x64xf32, #tpu.memory_space<vmem>>
          %dma_start3A_271 = tpu.memref_squeeze %dma_start3A_270 : memref<1x800x64xf32, #tpu.memory_space<vmem>> -> memref<800x64xf32, #tpu.memory_space<vmem>>
          %dma_start3A_272 = arith.constant 0 : i32
          %dma_start3A_273 = tpu.memref_slice %arg4[%mul3A_267, %dma_start3A_272] : memref<102400x64xf32, #tpu.memory_space<hbm>> -> memref<800x64xf32, #tpu.memory_space<hbm>>
          %dma_start3A_274 = tpu.memref_slice %run_scoped3A_9[%rem3A_265] : memref<2x!tpu.dma_semaphore, #tpu.memory_space<semaphore_mem>> -> memref<1x!tpu.dma_semaphore, #tpu.memory_space<semaphore_mem>>
          %dma_start3A_275 = tpu.memref_squeeze %dma_start3A_274 : memref<1x!tpu.dma_semaphore, #tpu.memory_space<semaphore_mem>> -> memref<!tpu.dma_semaphore, #tpu.memory_space<semaphore_mem>>
          %dma_start3A_276 = arith.constant 0 : i32
          %dma_start3A_277 = tpu.memref_slice %arg4[%mul3A_267, %dma_start3A_276] : memref<102400x64xf32, #tpu.memory_space<hbm>> -> memref<800x64xf32, #tpu.memory_space<hbm>>
          %dma_start3A_278 = arith.constant 0 : i32
          %dma_start3A_279 = arith.constant 0 : i32
          %dma_start3A_280 = tpu.memref_slice %run_scoped3A_8[%rem3A_265, %dma_start3A_278, %dma_start3A_279] : memref<2x800x64xf32, #tpu.memory_space<vmem>> -> memref<1x800x64xf32, #tpu.memory_space<vmem>>
          %dma_start3A_281 = tpu.memref_squeeze %dma_start3A_280 : memref<1x800x64xf32, #tpu.memory_space<vmem>> -> memref<800x64xf32, #tpu.memory_space<vmem>>
          tpu.enqueue_dma source(%dma_start3A_281 : memref<800x64xf32, #tpu.memory_space<vmem>>) target(%dma_start3A_277 : memref<800x64xf32, #tpu.memory_space<hbm>>) target_semaphore(%dma_start3A_275 : memref<!tpu.dma_semaphore, #tpu.memory_space<semaphore_mem>>)
          "tpu.trace_stop"() : () -> ()
        } else {
        }
        %and3A_217 = arith.constant true
        %and3A_218 = arith.andi %or3A_213, %and3A_217 : i1
        %add3A_219 = arith.constant 1 : i32
        %add3A_220 = arith.addi %scan3A_124, %add3A_219 : i32
        %select_n3A_221 = arith.select %and3A_218, %add3A_220, %scan3A_124 : i32
        %ne3A_222 = arith.cmpi ne, %add3A_131, %add3A_140 : i32
        %or3A_223 = arith.constant false
        %or3A_224 = arith.ori %or3A_223, %ne3A_222 : i1
        %not3A_225 = arith.constant true
        %not3A_226 = arith.xori %eq3A_128, %not3A_225 : i1
        %and3A_227 = arith.andi %or3A_224, %not3A_226 : i1
        %convert_element_type3A_228 = arith.extui %and3A_227 : i1 to i32
        %cond3A_229 = arith.constant 0 : i32
        %cond3A_230 = arith.cmpi ne, %convert_element_type3A_228, %cond3A_229 : i32
        scf.if %cond3A_230 {
        } else {
        }
        %and3A_231 = arith.constant false
        %and3A_232 = arith.andi %and3A_227, %and3A_231 : i1
        %ne3A_233 = arith.cmpi ne, %add3A_131, %add3A_140 : i32
        %or3A_234 = arith.constant false
        %or3A_235 = arith.ori %or3A_234, %ne3A_233 : i1
        %or3A_236 = arith.constant false
        %or3A_237 = arith.ori %or3A_235, %or3A_236 : i1
        %not3A_238 = arith.constant true
        %not3A_239 = arith.xori %eq3A_128, %not3A_238 : i1
        %and3A_240 = arith.andi %or3A_237, %not3A_239 : i1
        %convert_element_type3A_241 = arith.extui %and3A_240 : i1 to i32
        %cond3A_242 = arith.constant 0 : i32
        %cond3A_243 = arith.cmpi ne, %convert_element_type3A_241, %cond3A_242 : i32
        scf.if %cond3A_243 {
          "tpu.trace_start"() <{level = 10 : i32, message = "ep_wait_out"}> : () -> ()
          %rem3A_264 = arith.constant 2 : i32
          %rem3A_265 = arith.remui %scan3A_125, %rem3A_264 : i32
          %mul3A_266 = arith.constant 800 : i32
          %mul3A_267 = arith.muli %mul3A_266, %add3A_140 : i32
          %dma_wait3A_268 = arith.constant 0 : i32
          %dma_wait3A_269 = arith.constant 0 : i32
          %dma_wait3A_270 = tpu.memref_slice %run_scoped3A_8[%rem3A_265, %dma_wait3A_268, %dma_wait3A_269] : memref<2x800x64xf32, #tpu.memory_space<vmem>> -> memref<1x800x64xf32, #tpu.memory_space<vmem>>
          %dma_wait3A_271 = tpu.memref_squeeze %dma_wait3A_270 : memref<1x800x64xf32, #tpu.memory_space<vmem>> -> memref<800x64xf32, #tpu.memory_space<vmem>>
          %dma_wait3A_272 = arith.constant 0 : i32
          %dma_wait3A_273 = tpu.memref_slice %arg4[%mul3A_267, %dma_wait3A_272] : memref<102400x64xf32, #tpu.memory_space<hbm>> -> memref<800x64xf32, #tpu.memory_space<hbm>>
          %dma_wait3A_274 = tpu.memref_slice %run_scoped3A_9[%rem3A_265] : memref<2x!tpu.dma_semaphore, #tpu.memory_space<semaphore_mem>> -> memref<1x!tpu.dma_semaphore, #tpu.memory_space<semaphore_mem>>
          %dma_wait3A_275 = tpu.memref_squeeze %dma_wait3A_274 : memref<1x!tpu.dma_semaphore, #tpu.memory_space<semaphore_mem>> -> memref<!tpu.dma_semaphore, #tpu.memory_space<semaphore_mem>>
          %dma_wait3A_276 = arith.constant 0 : i32
          %dma_wait3A_277 = tpu.memref_slice %arg4[%mul3A_267, %dma_wait3A_276] : memref<102400x64xf32, #tpu.memory_space<hbm>> -> memref<800x64xf32, #tpu.memory_space<hbm>>
          %dma_wait3A_278 = arith.constant 0 : i32
          %dma_wait3A_279 = arith.constant 0 : i32
          %dma_wait3A_280 = tpu.memref_slice %run_scoped3A_8[%rem3A_265, %dma_wait3A_278, %dma_wait3A_279] : memref<2x800x64xf32, #tpu.memory_space<vmem>> -> memref<1x800x64xf32, #tpu.memory_space<vmem>>
          %dma_wait3A_281 = tpu.memref_squeeze %dma_wait3A_280 : memref<1x800x64xf32, #tpu.memory_space<vmem>> -> memref<800x64xf32, #tpu.memory_space<vmem>>
          tpu.wait_dma2 semaphore(%dma_wait3A_275 : memref<!tpu.dma_semaphore, #tpu.memory_space<semaphore_mem>>) src(%dma_wait3A_281 : memref<800x64xf32, #tpu.memory_space<vmem>>) dst(%dma_wait3A_277 : memref<800x64xf32, #tpu.memory_space<hbm>>)
          "tpu.trace_stop"() : () -> ()
        } else {
        }
        %and3A_244 = arith.constant true
        %and3A_245 = arith.andi %and3A_240, %and3A_244 : i1
        %add3A_246 = arith.constant 1 : i32
        %add3A_247 = arith.addi %scan3A_125, %add3A_246 : i32
        %select_n3A_248 = arith.select %and3A_245, %add3A_247, %scan3A_125 : i32
        %ne3A_249 = arith.cmpi ne, %add3A_131, %add3A_149 : i32
        %or3A_250 = arith.constant false
        %or3A_251 = arith.ori %or3A_250, %ne3A_249 : i1
        %or3A_252 = arith.ori %or3A_251, %eq3A_130 : i1
        %add3A_253 = arith.constant 1 : i32
        %add3A_254 = arith.addi %scan3A_123, %add3A_253 : i32
        %select_n3A_255 = arith.select %or3A_252, %add3A_254, %scan3A_123 : i32
        %add3A_256 = arith.constant 1 : i32
        %add3A_257 = arith.addi %scan3A_126, %add3A_256 : i32
        %select_n3A_258 = arith.constant true
        %select_n3A_259 = arith.select %select_n3A_258, %add3A_257, %scan3A_126 : i32
        %eq3A_260 = arith.constant 4 : i32
        %eq3A_261 = arith.cmpi eq, %select_n3A_259, %eq3A_260 : i32
        %select_n3A_262 = arith.constant 0 : i32
        %select_n3A_263 = arith.select %eq3A_261, %select_n3A_262, %select_n3A_259 : i32
        scf.yield %select_n3A_167, %select_n3A_255, %select_n3A_221, %select_n3A_248, %select_n3A_263 : i32, i32, i32, i32, i32
      }
      %scan3A_68 = arith.constant 4 : i32
      %sub3A = arith.constant 1 : i32
      %sub3A_69 = arith.subi %scan3A_67#4, %sub3A : i32
      %select_n3A_70 = arith.constant true
      %select_n3A_71 = arith.select %select_n3A_70, %sub3A_69, %scan3A_67#4 : i32
      %eq3A_72 = arith.constant -1 : i32
      %eq3A_73 = arith.cmpi eq, %select_n3A_71, %eq3A_72 : i32
      %select_n3A_74 = arith.constant 3 : i32
      %select_n3A_75 = arith.select %eq3A_73, %select_n3A_74, %select_n3A_71 : i32
      %add3A_76 = arith.addi %select_n3A_75, %mul3A_6 : i32
      %sub3A_77 = arith.constant 1 : i32
      %sub3A_78 = arith.subi %select_n3A_75, %sub3A_77 : i32
      %select_n3A_79 = arith.constant true
      %select_n3A_80 = arith.select %select_n3A_79, %sub3A_78, %select_n3A_75 : i32
      %eq3A_81 = arith.constant -1 : i32
      %eq3A_82 = arith.cmpi eq, %select_n3A_80, %eq3A_81 : i32
      %select_n3A_83 = arith.constant 3 : i32
      %select_n3A_84 = arith.select %eq3A_82, %select_n3A_83, %select_n3A_80 : i32
      %add3A_85 = arith.addi %select_n3A_84, %mul3A_6 : i32
      %add3A_86 = arith.constant 1 : i32
      %add3A_87 = arith.addi %select_n3A_75, %add3A_86 : i32
      %select_n3A_88 = arith.constant true
      %select_n3A_89 = arith.select %select_n3A_88, %add3A_87, %select_n3A_75 : i32
      %eq3A_90 = arith.constant 4 : i32
      %eq3A_91 = arith.cmpi eq, %select_n3A_89, %eq3A_90 : i32
      %select_n3A_92 = arith.constant 0 : i32
      %select_n3A_93 = arith.select %eq3A_91, %select_n3A_92, %select_n3A_89 : i32
      %add3A_94 = arith.addi %select_n3A_93, %mul3A_6 : i32
      %add3A_95 = arith.constant 1 : i32
      %add3A_96 = arith.addi %select_n3A_93, %add3A_95 : i32
      %select_n3A_97 = arith.constant true
      %select_n3A_98 = arith.select %select_n3A_97, %add3A_96, %select_n3A_93 : i32
      %eq3A_99 = arith.constant 4 : i32
      %eq3A_100 = arith.cmpi eq, %select_n3A_98, %eq3A_99 : i32
      %select_n3A_101 = arith.constant 0 : i32
      %select_n3A_102 = arith.select %eq3A_100, %select_n3A_101, %select_n3A_98 : i32
      %add3A_103 = arith.addi %select_n3A_102, %mul3A_6 : i32
      "tpu.trace_start"() <{level = 10 : i32, message = "ep_finalize"}> : () -> ()
      %rem3A_104 = arith.constant 2 : i32
      %rem3A_105 = arith.remui %scan3A_67#3, %rem3A_104 : i32
      %mul3A_106 = arith.constant 800 : i32
      %mul3A_107 = arith.muli %mul3A_106, %add3A_76 : i32
      %dma_wait3A = arith.constant 0 : i32
      %dma_wait3A_108 = arith.constant 0 : i32
      %dma_wait3A_109 = tpu.memref_slice %run_scoped3A_8[%rem3A_105, %dma_wait3A, %dma_wait3A_108] : memref<2x800x64xf32, #tpu.memory_space<vmem>> -> memref<1x800x64xf32, #tpu.memory_space<vmem>>
      %dma_wait3A_110 = tpu.memref_squeeze %dma_wait3A_109 : memref<1x800x64xf32, #tpu.memory_space<vmem>> -> memref<800x64xf32, #tpu.memory_space<vmem>>
      %dma_wait3A_111 = arith.constant 0 : i32
      %dma_wait3A_112 = tpu.memref_slice %arg4[%mul3A_107, %dma_wait3A_111] : memref<102400x64xf32, #tpu.memory_space<hbm>> -> memref<800x64xf32, #tpu.memory_space<hbm>>
      %dma_wait3A_113 = tpu.memref_slice %run_scoped3A_9[%rem3A_105] : memref<2x!tpu.dma_semaphore, #tpu.memory_space<semaphore_mem>> -> memref<1x!tpu.dma_semaphore, #tpu.memory_space<semaphore_mem>>
      %dma_wait3A_114 = tpu.memref_squeeze %dma_wait3A_113 : memref<1x!tpu.dma_semaphore, #tpu.memory_space<semaphore_mem>> -> memref<!tpu.dma_semaphore, #tpu.memory_space<semaphore_mem>>
      %dma_wait3A_115 = arith.constant 0 : i32
      %dma_wait3A_116 = tpu.memref_slice %arg4[%mul3A_107, %dma_wait3A_115] : memref<102400x64xf32, #tpu.memory_space<hbm>> -> memref<800x64xf32, #tpu.memory_space<hbm>>
      %dma_wait3A_117 = arith.constant 0 : i32
      %dma_wait3A_118 = arith.constant 0 : i32
      %dma_wait3A_119 = tpu.memref_slice %run_scoped3A_8[%rem3A_105, %dma_wait3A_117, %dma_wait3A_118] : memref<2x800x64xf32, #tpu.memory_space<vmem>> -> memref<1x800x64xf32, #tpu.memory_space<vmem>>
      %dma_wait3A_120 = tpu.memref_squeeze %dma_wait3A_119 : memref<1x800x64xf32, #tpu.memory_space<vmem>> -> memref<800x64xf32, #tpu.memory_space<vmem>>
      tpu.wait_dma2 semaphore(%dma_wait3A_114 : memref<!tpu.dma_semaphore, #tpu.memory_space<semaphore_mem>>) src(%dma_wait3A_120 : memref<800x64xf32, #tpu.memory_space<vmem>>) dst(%dma_wait3A_116 : memref<800x64xf32, #tpu.memory_space<hbm>>)
      "tpu.trace_stop"() : () -> ()
      tpu.yield
    }) : () -> ()
    return
  }
}

#map = affine_map<(d0, d1) -> (0, 0)>
module attributes {stable_mosaic.version = 14 : i64} {
  func.func @run(%arg0: i32, %arg1: i32, %arg2: memref<1003520x64xf32, #tpu.memory_space<hbm>>, %arg3: memref<1x102400xi32, #tpu.memory_space<hbm>>, %arg4: memref<102400x64xf32, #tpu.memory_space<hbm>>) attributes {dimension_semantics = [#tpu.dimension_semantics<core_parallel>, #tpu.dimension_semantics<subcore_parallel>], iteration_bounds = array<i64: 2, 16>, scalar_prefetch = 0 : i64, scratch_operands = 0 : i64, tpu.core_type = #tpu.core_type<sc_vector_subcore>, window_params = [{transform_indices = #map}, {transform_indices = #map}, {transform_indices = #map}]} {
    %mul3A = arith.constant 1 : i32
    %mul3A_0 = arith.muli %arg1, %mul3A : i32
    %add3A = arith.constant 0 : i32
    %add3A_1 = arith.addi %add3A, %mul3A_0 : i32
    %mul3A_2 = arith.constant 16 : i32
    %mul3A_3 = arith.muli %arg0, %mul3A_2 : i32
    %add3A_4 = arith.addi %add3A_1, %mul3A_3 : i32
    %mul3A_5 = arith.constant 4 : i32
    %mul3A_6 = arith.muli %add3A_4, %mul3A_5 : i32
    "tpu.region"() ({
      %run_scoped3A = memref.alloca() : memref<2x1x800xi32, #tpu.memory_space<vmem>>
      %run_scoped3A_7 = tpu.sem_alloc : memref<2x!tpu.dma_semaphore, #tpu.memory_space<semaphore_mem>>
      %run_scoped3A_8 = memref.alloca() : memref<2x800x64xf32, #tpu.memory_space<vmem>>
      %run_scoped3A_9 = tpu.sem_alloc : memref<2x!tpu.dma_semaphore, #tpu.memory_space<semaphore_mem>>
      %add3A_10 = arith.constant 0 : i32
      %add3A_11 = arith.addi %add3A_10, %mul3A_6 : i32
      %select_n3A = arith.constant true
      %select_n3A_12 = arith.constant 0 : i32
      %select_n3A_13 = arith.constant -1 : i32
      %select_n3A_14 = arith.select %select_n3A, %select_n3A_13, %select_n3A_12 : i32
      %eq3A = arith.constant -1 : i32
      %eq3A_15 = arith.cmpi eq, %select_n3A_14, %eq3A : i32
      %select_n3A_16 = arith.constant 3 : i32
      %select_n3A_17 = arith.select %eq3A_15, %select_n3A_16, %select_n3A_14 : i32
      %add3A_18 = arith.addi %select_n3A_17, %mul3A_6 : i32
      %select_n3A_19 = arith.constant true
      %select_n3A_20 = arith.constant 0 : i32
      %select_n3A_21 = arith.constant 1 : i32
      %select_n3A_22 = arith.select %select_n3A_19, %select_n3A_21, %select_n3A_20 : i32
      %eq3A_23 = arith.constant 4 : i32
      %eq3A_24 = arith.cmpi eq, %select_n3A_22, %eq3A_23 : i32
      %select_n3A_25 = arith.constant 0 : i32
      %select_n3A_26 = arith.select %eq3A_24, %select_n3A_25, %select_n3A_22 : i32
      %add3A_27 = arith.addi %select_n3A_26, %mul3A_6 : i32
      %add3A_28 = arith.constant 1 : i32
      %add3A_29 = arith.addi %select_n3A_26, %add3A_28 : i32
      %select_n3A_30 = arith.constant true
      %select_n3A_31 = arith.select %select_n3A_30, %add3A_29, %select_n3A_26 : i32
      %eq3A_32 = arith.constant 4 : i32
      %eq3A_33 = arith.cmpi eq, %select_n3A_31, %eq3A_32 : i32
      %select_n3A_34 = arith.constant 0 : i32
      %select_n3A_35 = arith.select %eq3A_33, %select_n3A_34, %select_n3A_31 : i32
      %add3A_36 = arith.addi %select_n3A_35, %mul3A_6 : i32
      "tpu.trace_start"() <{level = 10 : i32, message = "ep_initialize_0"}> : () -> ()
      %rem3A = arith.constant 0 : i32
      %rem3A_37 = arith.constant 2 : i32
      %rem3A_38 = arith.remui %rem3A, %rem3A_37 : i32
      %mul3A_39 = arith.constant 800 : i32
      %mul3A_40 = arith.muli %mul3A_39, %add3A_11 : i32
      %dma_start3A = arith.constant 0 : i32
      %dma_start3A_41 = arith.constant 0 : i32
      %dma_start3A_42 = tpu.memref_slice %run_scoped3A[%rem3A_38, %dma_start3A, %dma_start3A_41] : memref<2x1x800xi32, #tpu.memory_space<vmem>> -> memref<1x1x800xi32, #tpu.memory_space<vmem>>
      %dma_start3A_43 = tpu.memref_squeeze %dma_start3A_42 : memref<1x1x800xi32, #tpu.memory_space<vmem>> -> memref<1x800xi32, #tpu.memory_space<vmem>>
      %dma_start3A_44 = arith.constant 0 : i32
      %dma_start3A_45 = tpu.memref_slice %arg3[%dma_start3A_44, %mul3A_40] : memref<1x102400xi32, #tpu.memory_space<hbm>> -> memref<1x800xi32, #tpu.memory_space<hbm>>
      %dma_start3A_46 = tpu.memref_slice %run_scoped3A_7[%rem3A_38] : memref<2x!tpu.dma_semaphore, #tpu.memory_space<semaphore_mem>> -> memref<1x!tpu.dma_semaphore, #tpu.memory_space<semaphore_mem>>
      %dma_start3A_47 = tpu.memref_squeeze %dma_start3A_46 : memref<1x!tpu.dma_semaphore, #tpu.memory_space<semaphore_mem>> -> memref<!tpu.dma_semaphore, #tpu.memory_space<semaphore_mem>>
      %dma_start3A_48 = arith.constant 0 : i32
      %dma_start3A_49 = arith.constant 0 : i32
      %dma_start3A_50 = tpu.memref_slice %run_scoped3A[%rem3A_38, %dma_start3A_48, %dma_start3A_49] : memref<2x1x800xi32, #tpu.memory_space<vmem>> -> memref<1x1x800xi32, #tpu.memory_space<vmem>>
      %dma_start3A_51 = tpu.memref_squeeze %dma_start3A_50 : memref<1x1x800xi32, #tpu.memory_space<vmem>> -> memref<1x800xi32, #tpu.memory_space<vmem>>
      %dma_start3A_52 = arith.constant 0 : i32
      %dma_start3A_53 = tpu.memref_slice %arg3[%dma_start3A_52, %mul3A_40] : memref<1x102400xi32, #tpu.memory_space<hbm>> -> memref<1x800xi32, #tpu.memory_space<hbm>>
      tpu.enqueue_dma source(%dma_start3A_53 : memref<1x800xi32, #tpu.memory_space<hbm>>) target(%dma_start3A_51 : memref<1x800xi32, #tpu.memory_space<vmem>>) target_semaphore(%dma_start3A_47 : memref<!tpu.dma_semaphore, #tpu.memory_space<semaphore_mem>>)
      %add3A_54 = arith.constant 0 : i32
      %add3A_55 = arith.constant 1 : i32
      %add3A_56 = arith.addi %add3A_54, %add3A_55 : i32
      %select_n3A_57 = arith.constant true
      %select_n3A_58 = arith.constant 0 : i32
      %select_n3A_59 = arith.select %select_n3A_57, %add3A_56, %select_n3A_58 : i32
      "tpu.trace_stop"() : () -> ()
      %scan3A = arith.constant 0 : i32
      %scan3A_60 = arith.constant 0 : i32
      %scan3A_61 = arith.constant 0 : i32
      %scan3A_62 = arith.constant 0 : i32
      %scan3A_63 = arith.constant 0 : i32
      %scan3A_64 = arith.constant 4 : i32
      %scan3A_65 = arith.addi %scan3A_63, %scan3A_64 : i32
      %scan3A_66 = arith.constant 1 : i32
      %scan3A_67:5 = scf.for %scan3A_121 = %scan3A_63 to %scan3A_65 step %scan3A_66 iter_args(%scan3A_122 = %select_n3A_59, %scan3A_123 = %scan3A, %scan3A_124 = %scan3A_60, %scan3A_125 = %scan3A_61, %scan3A_126 = %scan3A_62) -> (i32, i32, i32, i32, i32)  : i32 {
        %eq3A_127 = arith.constant 0 : i32
        %eq3A_128 = arith.cmpi eq, %scan3A_121, %eq3A_127 : i32
        %eq3A_129 = arith.constant 3 : i32
        %eq3A_130 = arith.cmpi eq, %scan3A_121, %eq3A_129 : i32
        %add3A_131 = arith.addi %scan3A_126, %mul3A_6 : i32
        %sub3A_132 = arith.constant 1 : i32
        %sub3A_133 = arith.subi %scan3A_126, %sub3A_132 : i32
        %select_n3A_134 = arith.constant true
        %select_n3A_135 = arith.select %select_n3A_134, %sub3A_133, %scan3A_126 : i32
        %eq3A_136 = arith.constant -1 : i32
        %eq3A_137 = arith.cmpi eq, %select_n3A_135, %eq3A_136 : i32
        %select_n3A_138 = arith.constant 3 : i32
        %select_n3A_139 = arith.select %eq3A_137, %select_n3A_138, %select_n3A_135 : i32
        %add3A_140 = arith.addi %select_n3A_139, %mul3A_6 : i32
        %add3A_141 = arith.constant 1 : i32
        %add3A_142 = arith.addi %scan3A_126, %add3A_141 : i32
        %select_n3A_143 = arith.constant true
        %select_n3A_144 = arith.select %select_n3A_143, %add3A_142, %scan3A_126 : i32
        %eq3A_145 = arith.constant 4 : i32
        %eq3A_146 = arith.cmpi eq, %select_n3A_144, %eq3A_145 : i32
        %select_n3A_147 = arith.constant 0 : i32
        %select_n3A_148 = arith.select %eq3A_146, %select_n3A_147, %select_n3A_144 : i32
        %add3A_149 = arith.addi %select_n3A_148, %mul3A_6 : i32
        %add3A_150 = arith.constant 1 : i32
        %add3A_151 = arith.addi %select_n3A_148, %add3A_150 : i32
        %select_n3A_152 = arith.constant true
        %select_n3A_153 = arith.select %select_n3A_152, %add3A_151, %select_n3A_148 : i32
        %eq3A_154 = arith.constant 4 : i32
        %eq3A_155 = arith.cmpi eq, %select_n3A_153, %eq3A_154 : i32
        %select_n3A_156 = arith.constant 0 : i32
        %select_n3A_157 = arith.select %eq3A_155, %select_n3A_156, %select_n3A_153 : i32
        %add3A_158 = arith.addi %select_n3A_157, %mul3A_6 : i32
        %ne3A = arith.cmpi ne, %add3A_131, %add3A_149 : i32
        %or3A = arith.constant false
        %or3A_159 = arith.ori %or3A, %ne3A : i1
        %ge3A = arith.constant 3 : i32
        %ge3A_160 = arith.cmpi sge, %scan3A_121, %ge3A : i32
        %not3A = arith.constant true
        %not3A_161 = arith.xori %ge3A_160, %not3A : i1
        %and3A = arith.andi %or3A_159, %not3A_161 : i1
        %convert_element_type3A = arith.extui %and3A : i1 to i32
        %cond3A = arith.constant 0 : i32
        %cond3A_162 = arith.cmpi ne, %convert_element_type3A, %cond3A : i32
        scf.if %cond3A_162 {
          "tpu.trace_start"() <{level = 10 : i32, message = "ep_copy_in"}> : () -> ()
          %rem3A_264 = arith.constant 2 : i32
          %rem3A_265 = arith.remui %scan3A_122, %rem3A_264 : i32
          %mul3A_266 = arith.constant 800 : i32
          %mul3A_267 = arith.muli %mul3A_266, %add3A_149 : i32
          %dma_start3A_268 = arith.constant 0 : i32
          %dma_start3A_269 = arith.constant 0 : i32
          %dma_start3A_270 = tpu.memref_slice %run_scoped3A[%rem3A_265, %dma_start3A_268, %dma_start3A_269] : memref<2x1x800xi32, #tpu.memory_space<vmem>> -> memref<1x1x800xi32, #tpu.memory_space<vmem>>
          %dma_start3A_271 = tpu.memref_squeeze %dma_start3A_270 : memref<1x1x800xi32, #tpu.memory_space<vmem>> -> memref<1x800xi32, #tpu.memory_space<vmem>>
          %dma_start3A_272 = arith.constant 0 : i32
          %dma_start3A_273 = tpu.memref_slice %arg3[%dma_start3A_272, %mul3A_267] : memref<1x102400xi32, #tpu.memory_space<hbm>> -> memref<1x800xi32, #tpu.memory_space<hbm>>
          %dma_start3A_274 = tpu.memref_slice %run_scoped3A_7[%rem3A_265] : memref<2x!tpu.dma_semaphore, #tpu.memory_space<semaphore_mem>> -> memref<1x!tpu.dma_semaphore, #tpu.memory_space<semaphore_mem>>
          %dma_start3A_275 = tpu.memref_squeeze %dma_start3A_274 : memref<1x!tpu.dma_semaphore, #tpu.memory_space<semaphore_mem>> -> memref<!tpu.dma_semaphore, #tpu.memory_space<semaphore_mem>>
          %dma_start3A_276 = arith.constant 0 : i32
          %dma_start3A_277 = arith.constant 0 : i32
          %dma_start3A_278 = tpu.memref_slice %run_scoped3A[%rem3A_265, %dma_start3A_276, %dma_start3A_277] : memref<2x1x800xi32, #tpu.memory_space<vmem>> -> memref<1x1x800xi32, #tpu.memory_space<vmem>>
          %dma_start3A_279 = tpu.memref_squeeze %dma_start3A_278 : memref<1x1x800xi32, #tpu.memory_space<vmem>> -> memref<1x800xi32, #tpu.memory_space<vmem>>
          %dma_start3A_280 = arith.constant 0 : i32
          %dma_start3A_281 = tpu.memref_slice %arg3[%dma_start3A_280, %mul3A_267] : memref<1x102400xi32, #tpu.memory_space<hbm>> -> memref<1x800xi32, #tpu.memory_space<hbm>>
          tpu.enqueue_dma source(%dma_start3A_281 : memref<1x800xi32, #tpu.memory_space<hbm>>) target(%dma_start3A_279 : memref<1x800xi32, #tpu.memory_space<vmem>>) target_semaphore(%dma_start3A_275 : memref<!tpu.dma_semaphore, #tpu.memory_space<semaphore_mem>>)
          "tpu.trace_stop"() : () -> ()
        } else {
        }
        %and3A_163 = arith.constant true
        %and3A_164 = arith.andi %and3A, %and3A_163 : i1
        %add3A_165 = arith.constant 1 : i32
        %add3A_166 = arith.addi %scan3A_122, %add3A_165 : i32
        %select_n3A_167 = arith.select %and3A_164, %add3A_166, %scan3A_122 : i32
        %ne3A_168 = arith.cmpi ne, %add3A_131, %add3A_149 : i32
        %or3A_169 = arith.constant false
        %or3A_170 = arith.ori %or3A_169, %ne3A_168 : i1
        %or3A_171 = arith.constant false
        %or3A_172 = arith.ori %or3A_170, %or3A_171 : i1
        %ge3A_173 = arith.constant 3 : i32
        %ge3A_174 = arith.cmpi sge, %scan3A_121, %ge3A_173 : i32
        %not3A_175 = arith.constant true
        %not3A_176 = arith.xori %ge3A_174, %not3A_175 : i1
        %and3A_177 = arith.andi %or3A_172, %not3A_176 : i1
        %ne3A_178 = arith.cmpi ne, %add3A_131, %add3A_140 : i32
        %or3A_179 = arith.constant false
        %or3A_180 = arith.ori %or3A_179, %ne3A_178 : i1
        %or3A_181 = arith.ori %or3A_180, %eq3A_128 : i1
        %convert_element_type3A_182 = arith.extui %or3A_181 : i1 to i32
        %cond3A_183 = arith.constant 0 : i32
        %cond3A_184 = arith.cmpi ne, %convert_element_type3A_182, %cond3A_183 : i32
        scf.if %cond3A_184 {
          "tpu.trace_start"() <{level = 10 : i32, message = "ep_wait_in"}> : () -> ()
          %mul3A_264 = arith.constant 800 : i32
          %mul3A_265 = arith.muli %mul3A_264, %add3A_131 : i32
          %rem3A_266 = arith.constant 2 : i32
          %rem3A_267 = arith.remui %scan3A_123, %rem3A_266 : i32
          %dma_wait3A_268 = arith.constant 0 : i32
          %dma_wait3A_269 = arith.constant 0 : i32
          %dma_wait3A_270 = tpu.memref_slice %run_scoped3A[%rem3A_267, %dma_wait3A_268, %dma_wait3A_269] : memref<2x1x800xi32, #tpu.memory_space<vmem>> -> memref<1x1x800xi32, #tpu.memory_space<vmem>>
          %dma_wait3A_271 = tpu.memref_squeeze %dma_wait3A_270 : memref<1x1x800xi32, #tpu.memory_space<vmem>> -> memref<1x800xi32, #tpu.memory_space<vmem>>
          %dma_wait3A_272 = arith.constant 0 : i32
          %dma_wait3A_273 = tpu.memref_slice %arg3[%dma_wait3A_272, %mul3A_265] : memref<1x102400xi32, #tpu.memory_space<hbm>> -> memref<1x800xi32, #tpu.memory_space<hbm>>
          %dma_wait3A_274 = tpu.memref_slice %run_scoped3A_7[%rem3A_267] : memref<2x!tpu.dma_semaphore, #tpu.memory_space<semaphore_mem>> -> memref<1x!tpu.dma_semaphore, #tpu.memory_space<semaphore_mem>>
          %dma_wait3A_275 = tpu.memref_squeeze %dma_wait3A_274 : memref<1x!tpu.dma_semaphore, #tpu.memory_space<semaphore_mem>> -> memref<!tpu.dma_semaphore, #tpu.memory_space<semaphore_mem>>
          %dma_wait3A_276 = arith.constant 0 : i32
          %dma_wait3A_277 = arith.constant 0 : i32
          %dma_wait3A_278 = tpu.memref_slice %run_scoped3A[%rem3A_267, %dma_wait3A_276, %dma_wait3A_277] : memref<2x1x800xi32, #tpu.memory_space<vmem>> -> memref<1x1x800xi32, #tpu.memory_space<vmem>>
          %dma_wait3A_279 = tpu.memref_squeeze %dma_wait3A_278 : memref<1x1x800xi32, #tpu.memory_space<vmem>> -> memref<1x800xi32, #tpu.memory_space<vmem>>
          %dma_wait3A_280 = arith.constant 0 : i32
          %dma_wait3A_281 = tpu.memref_slice %arg3[%dma_wait3A_280, %mul3A_265] : memref<1x102400xi32, #tpu.memory_space<hbm>> -> memref<1x800xi32, #tpu.memory_space<hbm>>
          tpu.wait_dma2 semaphore(%dma_wait3A_275 : memref<!tpu.dma_semaphore, #tpu.memory_space<semaphore_mem>>) src(%dma_wait3A_281 : memref<1x800xi32, #tpu.memory_space<hbm>>) dst(%dma_wait3A_279 : memref<1x800xi32, #tpu.memory_space<vmem>>)
          "tpu.trace_stop"() : () -> ()
        } else {
        }
        %ne3A_185 = arith.cmpi ne, %add3A_131, %add3A_140 : i32
        %or3A_186 = arith.constant false
        %or3A_187 = arith.ori %or3A_186, %ne3A_185 : i1
        %or3A_188 = arith.constant false
        %or3A_189 = arith.ori %or3A_187, %or3A_188 : i1
        %or3A_190 = arith.ori %or3A_189, %eq3A_128 : i1
        %convert_element_type3A_191 = arith.extui %or3A_190 : i1 to i32
        %cond3A_192 = arith.constant 0 : i32
        %cond3A_193 = arith.cmpi ne, %convert_element_type3A_191, %cond3A_192 : i32
        scf.if %cond3A_193 {
        } else {
        }
        %rem3A_194 = arith.constant 2 : i32
        %rem3A_195 = arith.remui %scan3A_123, %rem3A_194 : i32
        %rem3A_196 = arith.constant 2 : i32
        %rem3A_197 = arith.remui %scan3A_124, %rem3A_196 : i32
        %run_scoped3A_198 = arith.constant 0 : i32
        "tpu.trace_start"() <{level = 10 : i32, message = "ep_run_kernel"}> : () -> ()
        "tpu.region"() ({
          %run_scoped3A_264 = tpu.sem_alloc : memref<!tpu.dma_semaphore, #tpu.memory_space<semaphore_mem>>
          %dma_start3A_265 = arith.constant 0 : i32
          %dma_start3A_266 = arith.constant 0 : i32
          %dma_start3A_267 = tpu.memref_slice %run_scoped3A_8[%rem3A_197, %dma_start3A_265, %dma_start3A_266] : memref<2x800x64xf32, #tpu.memory_space<vmem>> -> memref<1x800x64xf32, #tpu.memory_space<vmem>>
          %dma_start3A_268 = tpu.memref_squeeze %dma_start3A_267 : memref<1x800x64xf32, #tpu.memory_space<vmem>> -> memref<800x64xf32, #tpu.memory_space<vmem>>
          %dma_start3A_269 = arith.constant 0 : i32
          %dma_start3A_270 = arith.constant 0 : i32
          %dma_start3A_271 = tpu.memref_slice %run_scoped3A[%rem3A_195, %dma_start3A_269, %dma_start3A_270] : memref<2x1x800xi32, #tpu.memory_space<vmem>> -> memref<1x1x800xi32, #tpu.memory_space<vmem>>
          %dma_start3A_272 = tpu.memref_squeeze %dma_start3A_271 : memref<1x1x800xi32, #tpu.memory_space<vmem>> -> memref<1x800xi32, #tpu.memory_space<vmem>>
          %dma_start3A_273 = arith.constant 0 : i32
          %dma_start3A_274 = tpu.memref_slice %dma_start3A_272[%run_scoped3A_198, %dma_start3A_273] : memref<1x800xi32, #tpu.memory_space<vmem>> -> memref<1x800xi32, #tpu.memory_space<vmem>>
          %dma_start3A_275 = tpu.memref_squeeze %dma_start3A_274 : memref<1x800xi32, #tpu.memory_space<vmem>> -> memref<800xi32, #tpu.memory_space<vmem>>
          %dma_start3A_276 = arith.constant 0 : i32
          %dma_start3A_277 = arith.constant 0 : i32
          %dma_start3A_278 = tpu.memref_slice %arg2[%dma_start3A_276, %dma_start3A_277] : memref<1003520x64xf32, #tpu.memory_space<hbm>> -> memref<1003520x64xf32, #tpu.memory_space<hbm>>
          tpu.enqueue_indirect_dma source(%dma_start3A_278 : memref<1003520x64xf32, #tpu.memory_space<hbm>>) target(%dma_start3A_268 : memref<800x64xf32, #tpu.memory_space<vmem>>) offsets(%dma_start3A_275 : memref<800xi32, #tpu.memory_space<vmem>>) semaphore(%run_scoped3A_264 : memref<!tpu.dma_semaphore, #tpu.memory_space<semaphore_mem>>)
          %dma_wait3A_279 = arith.constant 0 : i32
          %dma_wait3A_280 = arith.constant 0 : i32
          %dma_wait3A_281 = tpu.memref_slice %run_scoped3A_8[%rem3A_197, %dma_wait3A_279, %dma_wait3A_280] : memref<2x800x64xf32, #tpu.memory_space<vmem>> -> memref<1x800x64xf32, #tpu.memory_space<vmem>>
          %dma_wait3A_282 = tpu.memref_squeeze %dma_wait3A_281 : memref<1x800x64xf32, #tpu.memory_space<vmem>> -> memref<800x64xf32, #tpu.memory_space<vmem>>
          %dma_wait3A_283 = arith.constant 0 : i32
          %dma_wait3A_284 = arith.constant 0 : i32
          %dma_wait3A_285 = tpu.memref_slice %run_scoped3A[%rem3A_195, %dma_wait3A_283, %dma_wait3A_284] : memref<2x1x800xi32, #tpu.memory_space<vmem>> -> memref<1x1x800xi32, #tpu.memory_space<vmem>>
          %dma_wait3A_286 = tpu.memref_squeeze %dma_wait3A_285 : memref<1x1x800xi32, #tpu.memory_space<vmem>> -> memref<1x800xi32, #tpu.memory_space<vmem>>
          %dma_wait3A_287 = arith.constant 0 : i32
          %dma_wait3A_288 = tpu.memref_slice %dma_wait3A_286[%run_scoped3A_198, %dma_wait3A_287] : memref<1x800xi32, #tpu.memory_space<vmem>> -> memref<1x800xi32, #tpu.memory_space<vmem>>
          %dma_wait3A_289 = tpu.memref_squeeze %dma_wait3A_288 : memref<1x800xi32, #tpu.memory_space<vmem>> -> memref<800xi32, #tpu.memory_space<vmem>>
          %dma_wait3A_290 = arith.constant 0 : i32
          %dma_wait3A_291 = arith.constant 0 : i32
          %dma_wait3A_292 = tpu.memref_slice %arg2[%dma_wait3A_290, %dma_wait3A_291] : memref<1003520x64xf32, #tpu.memory_space<hbm>> -> memref<1003520x64xf32, #tpu.memory_space<hbm>>
          tpu.wait_indirect_dma semaphore(%run_scoped3A_264 : memref<!tpu.dma_semaphore, #tpu.memory_space<semaphore_mem>>) src(%dma_wait3A_292 : memref<1003520x64xf32, #tpu.memory_space<hbm>>) dst(%dma_wait3A_282 : memref<800x64xf32, #tpu.memory_space<vmem>>)
          tpu.yield
        }) : () -> ()
        "tpu.trace_stop"() : () -> ()
        %ne3A_199 = arith.cmpi ne, %add3A_131, %add3A_149 : i32
        %or3A_200 = arith.constant false
        %or3A_201 = arith.ori %or3A_200, %ne3A_199 : i1
        %or3A_202 = arith.ori %or3A_201, %eq3A_130 : i1
        %convert_element_type3A_203 = arith.extui %or3A_202 : i1 to i32
        %cond3A_204 = arith.constant 0 : i32
        %cond3A_205 = arith.cmpi ne, %convert_element_type3A_203, %cond3A_204 : i32
        scf.if %cond3A_205 {
        } else {
        }
        %and3A_206 = arith.constant false
        %and3A_207 = arith.andi %or3A_202, %and3A_206 : i1
        %ne3A_208 = arith.cmpi ne, %add3A_131, %add3A_149 : i32
        %or3A_209 = arith.constant false
        %or3A_210 = arith.ori %or3A_209, %ne3A_208 : i1
        %or3A_211 = arith.constant false
        %or3A_212 = arith.ori %or3A_210, %or3A_211 : i1
        %or3A_213 = arith.ori %or3A_212, %eq3A_130 : i1
        %convert_element_type3A_214 = arith.extui %or3A_213 : i1 to i32
        %cond3A_215 = arith.constant 0 : i32
        %cond3A_216 = arith.cmpi ne, %convert_element_type3A_214, %cond3A_215 : i32
        scf.if %cond3A_216 {
          "tpu.trace_start"() <{level = 10 : i32, message = "ep_copy_out"}> : () -> ()
          %rem3A_264 = arith.constant 2 : i32
          %rem3A_265 = arith.remui %scan3A_124, %rem3A_264 : i32
          %mul3A_266 = arith.constant 800 : i32
          %mul3A_267 = arith.muli %mul3A_266, %add3A_131 : i32
          %dma_start3A_268 = arith.constant 0 : i32
          %dma_start3A_269 = arith.constant 0 : i32
          %dma_start3A_270 = tpu.memref_slice %run_scoped3A_8[%rem3A_265, %dma_start3A_268, %dma_start3A_269] : memref<2x800x64xf32, #tpu.memory_space<vmem>> -> memref<1x800x64xf32, #tpu.memory_space<vmem>>
          %dma_start3A_271 = tpu.memref_squeeze %dma_start3A_270 : memref<1x800x64xf32, #tpu.memory_space<vmem>> -> memref<800x64xf32, #tpu.memory_space<vmem>>
          %dma_start3A_272 = arith.constant 0 : i32
          %dma_start3A_273 = tpu.memref_slice %arg4[%mul3A_267, %dma_start3A_272] : memref<102400x64xf32, #tpu.memory_space<hbm>> -> memref<800x64xf32, #tpu.memory_space<hbm>>
          %dma_start3A_274 = tpu.memref_slice %run_scoped3A_9[%rem3A_265] : memref<2x!tpu.dma_semaphore, #tpu.memory_space<semaphore_mem>> -> memref<1x!tpu.dma_semaphore, #tpu.memory_space<semaphore_mem>>
          %dma_start3A_275 = tpu.memref_squeeze %dma_start3A_274 : memref<1x!tpu.dma_semaphore, #tpu.memory_space<semaphore_mem>> -> memref<!tpu.dma_semaphore, #tpu.memory_space<semaphore_mem>>
          %dma_start3A_276 = arith.constant 0 : i32
          %dma_start3A_277 = tpu.memref_slice %arg4[%mul3A_267, %dma_start3A_276] : memref<102400x64xf32, #tpu.memory_space<hbm>> -> memref<800x64xf32, #tpu.memory_space<hbm>>
          %dma_start3A_278 = arith.constant 0 : i32
          %dma_start3A_279 = arith.constant 0 : i32
          %dma_start3A_280 = tpu.memref_slice %run_scoped3A_8[%rem3A_265, %dma_start3A_278, %dma_start3A_279] : memref<2x800x64xf32, #tpu.memory_space<vmem>> -> memref<1x800x64xf32, #tpu.memory_space<vmem>>
          %dma_start3A_281 = tpu.memref_squeeze %dma_start3A_280 : memref<1x800x64xf32, #tpu.memory_space<vmem>> -> memref<800x64xf32, #tpu.memory_space<vmem>>
          tpu.enqueue_dma source(%dma_start3A_281 : memref<800x64xf32, #tpu.memory_space<vmem>>) target(%dma_start3A_277 : memref<800x64xf32, #tpu.memory_space<hbm>>) target_semaphore(%dma_start3A_275 : memref<!tpu.dma_semaphore, #tpu.memory_space<semaphore_mem>>)
          "tpu.trace_stop"() : () -> ()
        } else {
        }
        %and3A_217 = arith.constant true
        %and3A_218 = arith.andi %or3A_213, %and3A_217 : i1
        %add3A_219 = arith.constant 1 : i32
        %add3A_220 = arith.addi %scan3A_124, %add3A_219 : i32
        %select_n3A_221 = arith.select %and3A_218, %add3A_220, %scan3A_124 : i32
        %ne3A_222 = arith.cmpi ne, %add3A_131, %add3A_140 : i32
        %or3A_223 = arith.constant false
        %or3A_224 = arith.ori %or3A_223, %ne3A_222 : i1
        %not3A_225 = arith.constant true
        %not3A_226 = arith.xori %eq3A_128, %not3A_225 : i1
        %and3A_227 = arith.andi %or3A_224, %not3A_226 : i1
        %convert_element_type3A_228 = arith.extui %and3A_227 : i1 to i32
        %cond3A_229 = arith.constant 0 : i32
        %cond3A_230 = arith.cmpi ne, %convert_element_type3A_228, %cond3A_229 : i32
        scf.if %cond3A_230 {
        } else {
        }
        %and3A_231 = arith.constant false
        %and3A_232 = arith.andi %and3A_227, %and3A_231 : i1
        %ne3A_233 = arith.cmpi ne, %add3A_131, %add3A_140 : i32
        %or3A_234 = arith.constant false
        %or3A_235 = arith.ori %or3A_234, %ne3A_233 : i1
        %or3A_236 = arith.constant false
        %or3A_237 = arith.ori %or3A_235, %or3A_236 : i1
        %not3A_238 = arith.constant true
        %not3A_239 = arith.xori %eq3A_128, %not3A_238 : i1
        %and3A_240 = arith.andi %or3A_237, %not3A_239 : i1
        %convert_element_type3A_241 = arith.extui %and3A_240 : i1 to i32
        %cond3A_242 = arith.constant 0 : i32
        %cond3A_243 = arith.cmpi ne, %convert_element_type3A_241, %cond3A_242 : i32
        scf.if %cond3A_243 {
          "tpu.trace_start"() <{level = 10 : i32, message = "ep_wait_out"}> : () -> ()
          %rem3A_264 = arith.constant 2 : i32
          %rem3A_265 = arith.remui %scan3A_125, %rem3A_264 : i32
          %mul3A_266 = arith.constant 800 : i32
          %mul3A_267 = arith.muli %mul3A_266, %add3A_140 : i32
          %dma_wait3A_268 = arith.constant 0 : i32
          %dma_wait3A_269 = arith.constant 0 : i32
          %dma_wait3A_270 = tpu.memref_slice %run_scoped3A_8[%rem3A_265, %dma_wait3A_268, %dma_wait3A_269] : memref<2x800x64xf32, #tpu.memory_space<vmem>> -> memref<1x800x64xf32, #tpu.memory_space<vmem>>
          %dma_wait3A_271 = tpu.memref_squeeze %dma_wait3A_270 : memref<1x800x64xf32, #tpu.memory_space<vmem>> -> memref<800x64xf32, #tpu.memory_space<vmem>>
          %dma_wait3A_272 = arith.constant 0 : i32
          %dma_wait3A_273 = tpu.memref_slice %arg4[%mul3A_267, %dma_wait3A_272] : memref<102400x64xf32, #tpu.memory_space<hbm>> -> memref<800x64xf32, #tpu.memory_space<hbm>>
          %dma_wait3A_274 = tpu.memref_slice %run_scoped3A_9[%rem3A_265] : memref<2x!tpu.dma_semaphore, #tpu.memory_space<semaphore_mem>> -> memref<1x!tpu.dma_semaphore, #tpu.memory_space<semaphore_mem>>
          %dma_wait3A_275 = tpu.memref_squeeze %dma_wait3A_274 : memref<1x!tpu.dma_semaphore, #tpu.memory_space<semaphore_mem>> -> memref<!tpu.dma_semaphore, #tpu.memory_space<semaphore_mem>>
          %dma_wait3A_276 = arith.constant 0 : i32
          %dma_wait3A_277 = tpu.memref_slice %arg4[%mul3A_267, %dma_wait3A_276] : memref<102400x64xf32, #tpu.memory_space<hbm>> -> memref<800x64xf32, #tpu.memory_space<hbm>>
          %dma_wait3A_278 = arith.constant 0 : i32
          %dma_wait3A_279 = arith.constant 0 : i32
          %dma_wait3A_280 = tpu.memref_slice %run_scoped3A_8[%rem3A_265, %dma_wait3A_278, %dma_wait3A_279] : memref<2x800x64xf32, #tpu.memory_space<vmem>> -> memref<1x800x64xf32, #tpu.memory_space<vmem>>
          %dma_wait3A_281 = tpu.memref_squeeze %dma_wait3A_280 : memref<1x800x64xf32, #tpu.memory_space<vmem>> -> memref<800x64xf32, #tpu.memory_space<vmem>>
          tpu.wait_dma2 semaphore(%dma_wait3A_275 : memref<!tpu.dma_semaphore, #tpu.memory_space<semaphore_mem>>) src(%dma_wait3A_281 : memref<800x64xf32, #tpu.memory_space<vmem>>) dst(%dma_wait3A_277 : memref<800x64xf32, #tpu.memory_space<hbm>>)
          "tpu.trace_stop"() : () -> ()
        } else {
        }
        %and3A_244 = arith.constant true
        %and3A_245 = arith.andi %and3A_240, %and3A_244 : i1
        %add3A_246 = arith.constant 1 : i32
        %add3A_247 = arith.addi %scan3A_125, %add3A_246 : i32
        %select_n3A_248 = arith.select %and3A_245, %add3A_247, %scan3A_125 : i32
        %ne3A_249 = arith.cmpi ne, %add3A_131, %add3A_149 : i32
        %or3A_250 = arith.constant false
        %or3A_251 = arith.ori %or3A_250, %ne3A_249 : i1
        %or3A_252 = arith.ori %or3A_251, %eq3A_130 : i1
        %add3A_253 = arith.constant 1 : i32
        %add3A_254 = arith.addi %scan3A_123, %add3A_253 : i32
        %select_n3A_255 = arith.select %or3A_252, %add3A_254, %scan3A_123 : i32
        %add3A_256 = arith.constant 1 : i32
        %add3A_257 = arith.addi %scan3A_126, %add3A_256 : i32
        %select_n3A_258 = arith.constant true
        %select_n3A_259 = arith.select %select_n3A_258, %add3A_257, %scan3A_126 : i32
        %eq3A_260 = arith.constant 4 : i32
        %eq3A_261 = arith.cmpi eq, %select_n3A_259, %eq3A_260 : i32
        %select_n3A_262 = arith.constant 0 : i32
        %select_n3A_263 = arith.select %eq3A_261, %select_n3A_262, %select_n3A_259 : i32
        scf.yield %select_n3A_167, %select_n3A_255, %select_n3A_221, %select_n3A_248, %select_n3A_263 : i32, i32, i32, i32, i32
      }
      %scan3A_68 = arith.constant 4 : i32
      %sub3A = arith.constant 1 : i32
      %sub3A_69 = arith.subi %scan3A_67#4, %sub3A : i32
      %select_n3A_70 = arith.constant true
      %select_n3A_71 = arith.select %select_n3A_70, %sub3A_69, %scan3A_67#4 : i32
      %eq3A_72 = arith.constant -1 : i32
      %eq3A_73 = arith.cmpi eq, %select_n3A_71, %eq3A_72 : i32
      %select_n3A_74 = arith.constant 3 : i32
      %select_n3A_75 = arith.select %eq3A_73, %select_n3A_74, %select_n3A_71 : i32
      %add3A_76 = arith.addi %select_n3A_75, %mul3A_6 : i32
      %sub3A_77 = arith.constant 1 : i32
      %sub3A_78 = arith.subi %select_n3A_75, %sub3A_77 : i32
      %select_n3A_79 = arith.constant true
      %select_n3A_80 = arith.select %select_n3A_79, %sub3A_78, %select_n3A_75 : i32
      %eq3A_81 = arith.constant -1 : i32
      %eq3A_82 = arith.cmpi eq, %select_n3A_80, %eq3A_81 : i32
      %select_n3A_83 = arith.constant 3 : i32
      %select_n3A_84 = arith.select %eq3A_82, %select_n3A_83, %select_n3A_80 : i32
      %add3A_85 = arith.addi %select_n3A_84, %mul3A_6 : i32
      %add3A_86 = arith.constant 1 : i32
      %add3A_87 = arith.addi %select_n3A_75, %add3A_86 : i32
      %select_n3A_88 = arith.constant true
      %select_n3A_89 = arith.select %select_n3A_88, %add3A_87, %select_n3A_75 : i32
      %eq3A_90 = arith.constant 4 : i32
      %eq3A_91 = arith.cmpi eq, %select_n3A_89, %eq3A_90 : i32
      %select_n3A_92 = arith.constant 0 : i32
      %select_n3A_93 = arith.select %eq3A_91, %select_n3A_92, %select_n3A_89 : i32
      %add3A_94 = arith.addi %select_n3A_93, %mul3A_6 : i32
      %add3A_95 = arith.constant 1 : i32
      %add3A_96 = arith.addi %select_n3A_93, %add3A_95 : i32
      %select_n3A_97 = arith.constant true
      %select_n3A_98 = arith.select %select_n3A_97, %add3A_96, %select_n3A_93 : i32
      %eq3A_99 = arith.constant 4 : i32
      %eq3A_100 = arith.cmpi eq, %select_n3A_98, %eq3A_99 : i32
      %select_n3A_101 = arith.constant 0 : i32
      %select_n3A_102 = arith.select %eq3A_100, %select_n3A_101, %select_n3A_98 : i32
      %add3A_103 = arith.addi %select_n3A_102, %mul3A_6 : i32
      "tpu.trace_start"() <{level = 10 : i32, message = "ep_finalize"}> : () -> ()
      %rem3A_104 = arith.constant 2 : i32
      %rem3A_105 = arith.remui %scan3A_67#3, %rem3A_104 : i32
      %mul3A_106 = arith.constant 800 : i32
      %mul3A_107 = arith.muli %mul3A_106, %add3A_76 : i32
      %dma_wait3A = arith.constant 0 : i32
      %dma_wait3A_108 = arith.constant 0 : i32
      %dma_wait3A_109 = tpu.memref_slice %run_scoped3A_8[%rem3A_105, %dma_wait3A, %dma_wait3A_108] : memref<2x800x64xf32, #tpu.memory_space<vmem>> -> memref<1x800x64xf32, #tpu.memory_space<vmem>>
      %dma_wait3A_110 = tpu.memref_squeeze %dma_wait3A_109 : memref<1x800x64xf32, #tpu.memory_space<vmem>> -> memref<800x64xf32, #tpu.memory_space<vmem>>
      %dma_wait3A_111 = arith.constant 0 : i32
      %dma_wait3A_112 = tpu.memref_slice %arg4[%mul3A_107, %dma_wait3A_111] : memref<102400x64xf32, #tpu.memory_space<hbm>> -> memref<800x64xf32, #tpu.memory_space<hbm>>
      %dma_wait3A_113 = tpu.memref_slice %run_scoped3A_9[%rem3A_105] : memref<2x!tpu.dma_semaphore, #tpu.memory_space<semaphore_mem>> -> memref<1x!tpu.dma_semaphore, #tpu.memory_space<semaphore_mem>>
      %dma_wait3A_114 = tpu.memref_squeeze %dma_wait3A_113 : memref<1x!tpu.dma_semaphore, #tpu.memory_space<semaphore_mem>> -> memref<!tpu.dma_semaphore, #tpu.memory_space<semaphore_mem>>
      %dma_wait3A_115 = arith.constant 0 : i32
      %dma_wait3A_116 = tpu.memref_slice %arg4[%mul3A_107, %dma_wait3A_115] : memref<102400x64xf32, #tpu.memory_space<hbm>> -> memref<800x64xf32, #tpu.memory_space<hbm>>
      %dma_wait3A_117 = arith.constant 0 : i32
      %dma_wait3A_118 = arith.constant 0 : i32
      %dma_wait3A_119 = tpu.memref_slice %run_scoped3A_8[%rem3A_105, %dma_wait3A_117, %dma_wait3A_118] : memref<2x800x64xf32, #tpu.memory_space<vmem>> -> memref<1x800x64xf32, #tpu.memory_space<vmem>>
      %dma_wait3A_120 = tpu.memref_squeeze %dma_wait3A_119 : memref<1x800x64xf32, #tpu.memory_space<vmem>> -> memref<800x64xf32, #tpu.memory_space<vmem>>
      tpu.wait_dma2 semaphore(%dma_wait3A_114 : memref<!tpu.dma_semaphore, #tpu.memory_space<semaphore_mem>>) src(%dma_wait3A_120 : memref<800x64xf32, #tpu.memory_space<vmem>>) dst(%dma_wait3A_116 : memref<800x64xf32, #tpu.memory_space<hbm>>)
      "tpu.trace_stop"() : () -> ()
      tpu.yield
    }) : () -> ()
    return
  }
}

module attributes {stable_mosaic.version = 14 : i64} {
  func.func @_pack_body(%arg0: i32, %arg1: memref<64x2048xf32, #tpu.memory_space<vmem>>, %arg2: memref<64x2048xf32, #tpu.memory_space<vmem>>, %arg3: memref<2048x128xf32, #tpu.memory_space<vmem>>) attributes {dimension_semantics = [#tpu.dimension_semantics<parallel>], iteration_bounds = array<i64: 245>, scalar_prefetch = 0 : i64, scratch_operands = 0 : i64, tpu.core_type = #tpu.core_type<tc>, window_params = [{transform_indices = @transform_0, window_bounds = array<i64: 64, 2048>}, {transform_indices = @transform_1, window_bounds = array<i64: 64, 2048>}, {transform_indices = @transform_2, window_bounds = array<i64: 2048, 128>}]} {
    %get3A = arith.constant 0 : index
    %get3A_0 = arith.constant 0 : index
    %get3A_1 = vector.load %arg1[%get3A, %get3A_0] : memref<64x2048xf32, #tpu.memory_space<vmem>>, vector<64x2048xf32>
    %transpose3A = tpu.transpose %get3A_1, [1, 0] : vector<64x2048xf32> -> vector<2048x64xf32>
    %get3A_2 = arith.constant 0 : index
    %get3A_3 = arith.constant 0 : index
    %get3A_4 = vector.load %arg2[%get3A_2, %get3A_3] : memref<64x2048xf32, #tpu.memory_space<vmem>>, vector<64x2048xf32>
    %transpose3A_5 = tpu.transpose %get3A_4, [1, 0] : vector<64x2048xf32> -> vector<2048x64xf32>
    %concatenate3A = tpu.concatenate %transpose3A, %transpose3A_5 in 1 : vector<2048x64xf32>, vector<2048x64xf32> -> vector<2048x128xf32>
    %swap3A = arith.constant 0 : index
    %swap3A_6 = arith.constant 0 : index
    %swap3A_7 = vector.load %arg3[%swap3A, %swap3A_6] : memref<2048x128xf32, #tpu.memory_space<vmem>>, vector<2048x128xf32>
    tpu.vector_store %arg3[%swap3A, %swap3A_6], %concatenate3A {strides = array<i32>} : memref<2048x128xf32, #tpu.memory_space<vmem>>, vector<2048x128xf32>,
    return
  }
  func.func @transform_0(%arg0: i32) -> (i32, i32) {
    %mul3A = arith.constant 2 : i32
    %mul3A_0 = arith.muli %mul3A, %arg0 : i32
    %c0_i32 = arith.constant 0 : i32
    %c0_i32_1 = arith.constant 0 : i32
    return %c0_i32, %mul3A_0 : i32, i32
  }
  func.func @transform_1(%arg0: i32) -> (i32, i32) {
    %mul3A = arith.constant 2 : i32
    %mul3A_0 = arith.muli %mul3A, %arg0 : i32
    %add3A = arith.constant 1 : i32
    %add3A_1 = arith.addi %mul3A_0, %add3A : i32
    %min3A = arith.constant 488 : i32
    %min3A_2 = arith.minsi %add3A_1, %min3A : i32
    %c0_i32 = arith.constant 0 : i32
    %c0_i32_3 = arith.constant 0 : i32
    return %c0_i32, %min3A_2 : i32, i32
  }
  func.func @transform_2(%arg0: i32) -> (i32, i32) {
    %c0_i32 = arith.constant 0 : i32
    %c0_i32_0 = arith.constant 0 : i32
    return %arg0, %c0_i32 : i32, i32
  }
}

module attributes {stable_mosaic.version = 14 : i64} {
  func.func @body(%arg0: i32, %arg1: memref<2048x128xf32, #tpu.memory_space<vmem>>, %arg2: memref<1x64x4096xf32, #tpu.memory_space<vmem>>) attributes {dimension_semantics = [#tpu.dimension_semantics<arbitrary>], iteration_bounds = array<i64: 25>, scalar_prefetch = 0 : i64, scratch_operands = 0 : i64, tpu.core_type = #tpu.core_type<tc>, window_params = [{transform_indices = @transform_0, window_bounds = array<i64: 2048, 128>}, {transform_indices = @transform_1, window_bounds = array<i64: 1, 64, 4096>}]} {
    %get3A = arith.constant 0 : index
    %get3A_0 = arith.constant 0 : index
    %get3A_1 = vector.load %arg1[%get3A, %get3A_0] : memref<2048x128xf32, #tpu.memory_space<vmem>>, vector<2048x128xf32>
    %slice3A = vector.extract_strided_slice %get3A_1 {offsets = [0, 0], sizes = [2048, 64], strides = [1, 1]} : vector<2048x128xf32> to vector<2048x64xf32>
    %transpose3A = tpu.transpose %slice3A, [1, 0] : vector<2048x64xf32> -> vector<64x2048xf32>
    %swap3A = arith.constant 0 : index
    %swap3A_2 = arith.constant 0 : index
    %swap3A_3 = arith.constant 0 : index
    %swap3A_4 = vector.load %arg2[%swap3A, %swap3A_2, %swap3A_3] : memref<1x64x4096xf32, #tpu.memory_space<vmem>>, vector<1x64x2048xf32>
    %swap3A_5 = vector.shape_cast %swap3A_4 : vector<1x64x2048xf32> to vector<64x2048xf32>
    %swap3A_6 = vector.shape_cast %transpose3A : vector<64x2048xf32> to vector<1x64x2048xf32>
    tpu.vector_store %arg2[%swap3A, %swap3A_2, %swap3A_3], %swap3A_6 {strides = array<i32>} : memref<1x64x4096xf32, #tpu.memory_space<vmem>>, vector<1x64x2048xf32>,
    %slice3A_7 = vector.extract_strided_slice %get3A_1 {offsets = [0, 64], sizes = [2048, 64], strides = [1, 1]} : vector<2048x128xf32> to vector<2048x64xf32>
    %transpose3A_8 = tpu.transpose %slice3A_7, [1, 0] : vector<2048x64xf32> -> vector<64x2048xf32>
    %swap3A_9 = arith.constant 0 : index
    %swap3A_10 = arith.constant 0 : index
    %swap3A_11 = arith.constant 2048 : index
    %swap3A_12 = vector.load %arg2[%swap3A_9, %swap3A_10, %swap3A_11] : memref<1x64x4096xf32, #tpu.memory_space<vmem>>, vector<1x64x2048xf32>
    %swap3A_13 = vector.shape_cast %swap3A_12 : vector<1x64x2048xf32> to vector<64x2048xf32>
    %swap3A_14 = vector.shape_cast %transpose3A_8 : vector<64x2048xf32> to vector<1x64x2048xf32>
    tpu.vector_store %arg2[%swap3A_9, %swap3A_10, %swap3A_11], %swap3A_14 {strides = array<i32>} : memref<1x64x4096xf32, #tpu.memory_space<vmem>>, vector<1x64x2048xf32>,
    return
  }
  func.func @transform_0(%arg0: i32) -> (i32, i32) {
    %c0_i32 = arith.constant 0 : i32
    %c0_i32_0 = arith.constant 0 : i32
    return %arg0, %c0_i32 : i32, i32
  }
  func.func @transform_1(%arg0: i32) -> (i32, i32, i32) {
    %add3A = arith.constant 0 : i32
    %add3A_0 = arith.addi %arg0, %add3A : i32
    %c0_i32 = arith.constant 0 : i32
    %c0_i32_1 = arith.constant 0 : i32
    %c0_i32_2 = arith.constant 0 : i32
    return %add3A_0, %c0_i32, %c0_i32_1 : i32, i32, i32
  }
}

module attributes {stable_mosaic.version = 14 : i64} {
  func.func @body(%arg0: i32, %arg1: memref<2048x128xf32, #tpu.memory_space<vmem>>, %arg2: memref<200x64x4096xf32, #tpu.memory_space<hbm>>, %arg3: memref<1x64x4096xf32, #tpu.memory_space<vmem>>) attributes {dimension_semantics = [#tpu.dimension_semantics<arbitrary>], iteration_bounds = array<i64: 25>, scalar_prefetch = 0 : i64, scratch_operands = 0 : i64, tpu.core_type = #tpu.core_type<tc>, window_params = [{transform_indices = @transform_0, window_bounds = array<i64: 2048, 128>}, {}, {transform_indices = @transform_2, window_bounds = array<i64: 1, 64, 4096>}]} {
    %get3A = arith.constant 0 : index
    %get3A_0 = arith.constant 0 : index
    %get3A_1 = vector.load %arg1[%get3A, %get3A_0] : memref<2048x128xf32, #tpu.memory_space<vmem>>, vector<2048x128xf32>
    %slice3A = vector.extract_strided_slice %get3A_1 {offsets = [0, 0], sizes = [2048, 64], strides = [1, 1]} : vector<2048x128xf32> to vector<2048x64xf32>
    %transpose3A = tpu.transpose %slice3A, [1, 0] : vector<2048x64xf32> -> vector<64x2048xf32>
    %swap3A = arith.constant 0 : index
    %swap3A_2 = arith.constant 0 : index
    %swap3A_3 = arith.constant 0 : index
    %swap3A_4 = vector.load %arg3[%swap3A, %swap3A_2, %swap3A_3] : memref<1x64x4096xf32, #tpu.memory_space<vmem>>, vector<1x64x2048xf32>
    %swap3A_5 = vector.shape_cast %swap3A_4 : vector<1x64x2048xf32> to vector<64x2048xf32>
    %swap3A_6 = vector.shape_cast %transpose3A : vector<64x2048xf32> to vector<1x64x2048xf32>
    tpu.vector_store %arg3[%swap3A, %swap3A_2, %swap3A_3], %swap3A_6 {strides = array<i32>} : memref<1x64x4096xf32, #tpu.memory_space<vmem>>, vector<1x64x2048xf32>,
    %slice3A_7 = vector.extract_strided_slice %get3A_1 {offsets = [0, 64], sizes = [2048, 64], strides = [1, 1]} : vector<2048x128xf32> to vector<2048x64xf32>
    %transpose3A_8 = tpu.transpose %slice3A_7, [1, 0] : vector<2048x64xf32> -> vector<64x2048xf32>
    %swap3A_9 = arith.constant 0 : index
    %swap3A_10 = arith.constant 0 : index
    %swap3A_11 = arith.constant 2048 : index
    %swap3A_12 = vector.load %arg3[%swap3A_9, %swap3A_10, %swap3A_11] : memref<1x64x4096xf32, #tpu.memory_space<vmem>>, vector<1x64x2048xf32>
    %swap3A_13 = vector.shape_cast %swap3A_12 : vector<1x64x2048xf32> to vector<64x2048xf32>
    %swap3A_14 = vector.shape_cast %transpose3A_8 : vector<64x2048xf32> to vector<1x64x2048xf32>
    tpu.vector_store %arg3[%swap3A_9, %swap3A_10, %swap3A_11], %swap3A_14 {strides = array<i32>} : memref<1x64x4096xf32, #tpu.memory_space<vmem>>, vector<1x64x2048xf32>,
    return
  }
  func.func @transform_0(%arg0: i32) -> (i32, i32) {
    %c0_i32 = arith.constant 0 : i32
    %c0_i32_0 = arith.constant 0 : i32
    return %arg0, %c0_i32 : i32, i32
  }
  func.func @transform_2(%arg0: i32) -> (i32, i32, i32) {
    %add3A = arith.constant 25 : i32
    %add3A_0 = arith.addi %arg0, %add3A : i32
    %c0_i32 = arith.constant 0 : i32
    %c0_i32_1 = arith.constant 0 : i32
    %c0_i32_2 = arith.constant 0 : i32
    return %add3A_0, %c0_i32, %c0_i32_1 : i32, i32, i32
  }
}

module attributes {stable_mosaic.version = 14 : i64} {
  func.func @body(%arg0: i32, %arg1: memref<2048x128xf32, #tpu.memory_space<vmem>>, %arg2: memref<200x64x4096xf32, #tpu.memory_space<hbm>>, %arg3: memref<1x64x4096xf32, #tpu.memory_space<vmem>>) attributes {dimension_semantics = [#tpu.dimension_semantics<arbitrary>], iteration_bounds = array<i64: 25>, scalar_prefetch = 0 : i64, scratch_operands = 0 : i64, tpu.core_type = #tpu.core_type<tc>, window_params = [{transform_indices = @transform_0, window_bounds = array<i64: 2048, 128>}, {}, {transform_indices = @transform_2, window_bounds = array<i64: 1, 64, 4096>}]} {
    %get3A = arith.constant 0 : index
    %get3A_0 = arith.constant 0 : index
    %get3A_1 = vector.load %arg1[%get3A, %get3A_0] : memref<2048x128xf32, #tpu.memory_space<vmem>>, vector<2048x128xf32>
    %slice3A = vector.extract_strided_slice %get3A_1 {offsets = [0, 0], sizes = [2048, 64], strides = [1, 1]} : vector<2048x128xf32> to vector<2048x64xf32>
    %transpose3A = tpu.transpose %slice3A, [1, 0] : vector<2048x64xf32> -> vector<64x2048xf32>
    %swap3A = arith.constant 0 : index
    %swap3A_2 = arith.constant 0 : index
    %swap3A_3 = arith.constant 0 : index
    %swap3A_4 = vector.load %arg3[%swap3A, %swap3A_2, %swap3A_3] : memref<1x64x4096xf32, #tpu.memory_space<vmem>>, vector<1x64x2048xf32>
    %swap3A_5 = vector.shape_cast %swap3A_4 : vector<1x64x2048xf32> to vector<64x2048xf32>
    %swap3A_6 = vector.shape_cast %transpose3A : vector<64x2048xf32> to vector<1x64x2048xf32>
    tpu.vector_store %arg3[%swap3A, %swap3A_2, %swap3A_3], %swap3A_6 {strides = array<i32>} : memref<1x64x4096xf32, #tpu.memory_space<vmem>>, vector<1x64x2048xf32>,
    %slice3A_7 = vector.extract_strided_slice %get3A_1 {offsets = [0, 64], sizes = [2048, 64], strides = [1, 1]} : vector<2048x128xf32> to vector<2048x64xf32>
    %transpose3A_8 = tpu.transpose %slice3A_7, [1, 0] : vector<2048x64xf32> -> vector<64x2048xf32>
    %swap3A_9 = arith.constant 0 : index
    %swap3A_10 = arith.constant 0 : index
    %swap3A_11 = arith.constant 2048 : index
    %swap3A_12 = vector.load %arg3[%swap3A_9, %swap3A_10, %swap3A_11] : memref<1x64x4096xf32, #tpu.memory_space<vmem>>, vector<1x64x2048xf32>
    %swap3A_13 = vector.shape_cast %swap3A_12 : vector<1x64x2048xf32> to vector<64x2048xf32>
    %swap3A_14 = vector.shape_cast %transpose3A_8 : vector<64x2048xf32> to vector<1x64x2048xf32>
    tpu.vector_store %arg3[%swap3A_9, %swap3A_10, %swap3A_11], %swap3A_14 {strides = array<i32>} : memref<1x64x4096xf32, #tpu.memory_space<vmem>>, vector<1x64x2048xf32>,
    return
  }
  func.func @transform_0(%arg0: i32) -> (i32, i32) {
    %c0_i32 = arith.constant 0 : i32
    %c0_i32_0 = arith.constant 0 : i32
    return %arg0, %c0_i32 : i32, i32
  }
  func.func @transform_2(%arg0: i32) -> (i32, i32, i32) {
    %add3A = arith.constant 50 : i32
    %add3A_0 = arith.addi %arg0, %add3A : i32
    %c0_i32 = arith.constant 0 : i32
    %c0_i32_1 = arith.constant 0 : i32
    %c0_i32_2 = arith.constant 0 : i32
    return %add3A_0, %c0_i32, %c0_i32_1 : i32, i32, i32
  }
}

module attributes {stable_mosaic.version = 14 : i64} {
  func.func @body(%arg0: i32, %arg1: memref<2048x128xf32, #tpu.memory_space<vmem>>, %arg2: memref<200x64x4096xf32, #tpu.memory_space<hbm>>, %arg3: memref<1x64x4096xf32, #tpu.memory_space<vmem>>) attributes {dimension_semantics = [#tpu.dimension_semantics<arbitrary>], iteration_bounds = array<i64: 25>, scalar_prefetch = 0 : i64, scratch_operands = 0 : i64, tpu.core_type = #tpu.core_type<tc>, window_params = [{transform_indices = @transform_0, window_bounds = array<i64: 2048, 128>}, {}, {transform_indices = @transform_2, window_bounds = array<i64: 1, 64, 4096>}]} {
    %get3A = arith.constant 0 : index
    %get3A_0 = arith.constant 0 : index
    %get3A_1 = vector.load %arg1[%get3A, %get3A_0] : memref<2048x128xf32, #tpu.memory_space<vmem>>, vector<2048x128xf32>
    %slice3A = vector.extract_strided_slice %get3A_1 {offsets = [0, 0], sizes = [2048, 64], strides = [1, 1]} : vector<2048x128xf32> to vector<2048x64xf32>
    %transpose3A = tpu.transpose %slice3A, [1, 0] : vector<2048x64xf32> -> vector<64x2048xf32>
    %swap3A = arith.constant 0 : index
    %swap3A_2 = arith.constant 0 : index
    %swap3A_3 = arith.constant 0 : index
    %swap3A_4 = vector.load %arg3[%swap3A, %swap3A_2, %swap3A_3] : memref<1x64x4096xf32, #tpu.memory_space<vmem>>, vector<1x64x2048xf32>
    %swap3A_5 = vector.shape_cast %swap3A_4 : vector<1x64x2048xf32> to vector<64x2048xf32>
    %swap3A_6 = vector.shape_cast %transpose3A : vector<64x2048xf32> to vector<1x64x2048xf32>
    tpu.vector_store %arg3[%swap3A, %swap3A_2, %swap3A_3], %swap3A_6 {strides = array<i32>} : memref<1x64x4096xf32, #tpu.memory_space<vmem>>, vector<1x64x2048xf32>,
    %slice3A_7 = vector.extract_strided_slice %get3A_1 {offsets = [0, 64], sizes = [2048, 64], strides = [1, 1]} : vector<2048x128xf32> to vector<2048x64xf32>
    %transpose3A_8 = tpu.transpose %slice3A_7, [1, 0] : vector<2048x64xf32> -> vector<64x2048xf32>
    %swap3A_9 = arith.constant 0 : index
    %swap3A_10 = arith.constant 0 : index
    %swap3A_11 = arith.constant 2048 : index
    %swap3A_12 = vector.load %arg3[%swap3A_9, %swap3A_10, %swap3A_11] : memref<1x64x4096xf32, #tpu.memory_space<vmem>>, vector<1x64x2048xf32>
    %swap3A_13 = vector.shape_cast %swap3A_12 : vector<1x64x2048xf32> to vector<64x2048xf32>
    %swap3A_14 = vector.shape_cast %transpose3A_8 : vector<64x2048xf32> to vector<1x64x2048xf32>
    tpu.vector_store %arg3[%swap3A_9, %swap3A_10, %swap3A_11], %swap3A_14 {strides = array<i32>} : memref<1x64x4096xf32, #tpu.memory_space<vmem>>, vector<1x64x2048xf32>,
    return
  }
  func.func @transform_0(%arg0: i32) -> (i32, i32) {
    %c0_i32 = arith.constant 0 : i32
    %c0_i32_0 = arith.constant 0 : i32
    return %arg0, %c0_i32 : i32, i32
  }
  func.func @transform_2(%arg0: i32) -> (i32, i32, i32) {
    %add3A = arith.constant 100 : i32
    %add3A_0 = arith.addi %arg0, %add3A : i32
    %c0_i32 = arith.constant 0 : i32
    %c0_i32_1 = arith.constant 0 : i32
    %c0_i32_2 = arith.constant 0 : i32
    return %add3A_0, %c0_i32, %c0_i32_1 : i32, i32, i32
  }
}

module attributes {stable_mosaic.version = 14 : i64} {
  func.func @body(%arg0: i32, %arg1: memref<2048x128xf32, #tpu.memory_space<vmem>>, %arg2: memref<200x64x4096xf32, #tpu.memory_space<hbm>>, %arg3: memref<1x64x4096xf32, #tpu.memory_space<vmem>>) attributes {dimension_semantics = [#tpu.dimension_semantics<arbitrary>], iteration_bounds = array<i64: 25>, scalar_prefetch = 0 : i64, scratch_operands = 0 : i64, tpu.core_type = #tpu.core_type<tc>, window_params = [{transform_indices = @transform_0, window_bounds = array<i64: 2048, 128>}, {}, {transform_indices = @transform_2, window_bounds = array<i64: 1, 64, 4096>}]} {
    %get3A = arith.constant 0 : index
    %get3A_0 = arith.constant 0 : index
    %get3A_1 = vector.load %arg1[%get3A, %get3A_0] : memref<2048x128xf32, #tpu.memory_space<vmem>>, vector<2048x128xf32>
    %slice3A = vector.extract_strided_slice %get3A_1 {offsets = [0, 0], sizes = [2048, 64], strides = [1, 1]} : vector<2048x128xf32> to vector<2048x64xf32>
    %transpose3A = tpu.transpose %slice3A, [1, 0] : vector<2048x64xf32> -> vector<64x2048xf32>
    %swap3A = arith.constant 0 : index
    %swap3A_2 = arith.constant 0 : index
    %swap3A_3 = arith.constant 0 : index
    %swap3A_4 = vector.load %arg3[%swap3A, %swap3A_2, %swap3A_3] : memref<1x64x4096xf32, #tpu.memory_space<vmem>>, vector<1x64x2048xf32>
    %swap3A_5 = vector.shape_cast %swap3A_4 : vector<1x64x2048xf32> to vector<64x2048xf32>
    %swap3A_6 = vector.shape_cast %transpose3A : vector<64x2048xf32> to vector<1x64x2048xf32>
    tpu.vector_store %arg3[%swap3A, %swap3A_2, %swap3A_3], %swap3A_6 {strides = array<i32>} : memref<1x64x4096xf32, #tpu.memory_space<vmem>>, vector<1x64x2048xf32>,
    %slice3A_7 = vector.extract_strided_slice %get3A_1 {offsets = [0, 64], sizes = [2048, 64], strides = [1, 1]} : vector<2048x128xf32> to vector<2048x64xf32>
    %transpose3A_8 = tpu.transpose %slice3A_7, [1, 0] : vector<2048x64xf32> -> vector<64x2048xf32>
    %swap3A_9 = arith.constant 0 : index
    %swap3A_10 = arith.constant 0 : index
    %swap3A_11 = arith.constant 2048 : index
    %swap3A_12 = vector.load %arg3[%swap3A_9, %swap3A_10, %swap3A_11] : memref<1x64x4096xf32, #tpu.memory_space<vmem>>, vector<1x64x2048xf32>
    %swap3A_13 = vector.shape_cast %swap3A_12 : vector<1x64x2048xf32> to vector<64x2048xf32>
    %swap3A_14 = vector.shape_cast %transpose3A_8 : vector<64x2048xf32> to vector<1x64x2048xf32>
    tpu.vector_store %arg3[%swap3A_9, %swap3A_10, %swap3A_11], %swap3A_14 {strides = array<i32>} : memref<1x64x4096xf32, #tpu.memory_space<vmem>>, vector<1x64x2048xf32>,
    return
  }
  func.func @transform_0(%arg0: i32) -> (i32, i32) {
    %c0_i32 = arith.constant 0 : i32
    %c0_i32_0 = arith.constant 0 : i32
    return %arg0, %c0_i32 : i32, i32
  }
  func.func @transform_2(%arg0: i32) -> (i32, i32, i32) {
    %add3A = arith.constant 75 : i32
    %add3A_0 = arith.addi %arg0, %add3A : i32
    %c0_i32 = arith.constant 0 : i32
    %c0_i32_1 = arith.constant 0 : i32
    %c0_i32_2 = arith.constant 0 : i32
    return %add3A_0, %c0_i32, %c0_i32_1 : i32, i32, i32
  }
}

module attributes {stable_mosaic.version = 14 : i64} {
  func.func @body(%arg0: i32, %arg1: memref<2048x128xf32, #tpu.memory_space<vmem>>, %arg2: memref<200x64x4096xf32, #tpu.memory_space<hbm>>, %arg3: memref<1x64x4096xf32, #tpu.memory_space<vmem>>) attributes {dimension_semantics = [#tpu.dimension_semantics<arbitrary>], iteration_bounds = array<i64: 25>, scalar_prefetch = 0 : i64, scratch_operands = 0 : i64, tpu.core_type = #tpu.core_type<tc>, window_params = [{transform_indices = @transform_0, window_bounds = array<i64: 2048, 128>}, {}, {transform_indices = @transform_2, window_bounds = array<i64: 1, 64, 4096>}]} {
    %get3A = arith.constant 0 : index
    %get3A_0 = arith.constant 0 : index
    %get3A_1 = vector.load %arg1[%get3A, %get3A_0] : memref<2048x128xf32, #tpu.memory_space<vmem>>, vector<2048x128xf32>
    %slice3A = vector.extract_strided_slice %get3A_1 {offsets = [0, 0], sizes = [2048, 64], strides = [1, 1]} : vector<2048x128xf32> to vector<2048x64xf32>
    %transpose3A = tpu.transpose %slice3A, [1, 0] : vector<2048x64xf32> -> vector<64x2048xf32>
    %swap3A = arith.constant 0 : index
    %swap3A_2 = arith.constant 0 : index
    %swap3A_3 = arith.constant 0 : index
    %swap3A_4 = vector.load %arg3[%swap3A, %swap3A_2, %swap3A_3] : memref<1x64x4096xf32, #tpu.memory_space<vmem>>, vector<1x64x2048xf32>
    %swap3A_5 = vector.shape_cast %swap3A_4 : vector<1x64x2048xf32> to vector<64x2048xf32>
    %swap3A_6 = vector.shape_cast %transpose3A : vector<64x2048xf32> to vector<1x64x2048xf32>
    tpu.vector_store %arg3[%swap3A, %swap3A_2, %swap3A_3], %swap3A_6 {strides = array<i32>} : memref<1x64x4096xf32, #tpu.memory_space<vmem>>, vector<1x64x2048xf32>,
    %slice3A_7 = vector.extract_strided_slice %get3A_1 {offsets = [0, 64], sizes = [2048, 64], strides = [1, 1]} : vector<2048x128xf32> to vector<2048x64xf32>
    %transpose3A_8 = tpu.transpose %slice3A_7, [1, 0] : vector<2048x64xf32> -> vector<64x2048xf32>
    %swap3A_9 = arith.constant 0 : index
    %swap3A_10 = arith.constant 0 : index
    %swap3A_11 = arith.constant 2048 : index
    %swap3A_12 = vector.load %arg3[%swap3A_9, %swap3A_10, %swap3A_11] : memref<1x64x4096xf32, #tpu.memory_space<vmem>>, vector<1x64x2048xf32>
    %swap3A_13 = vector.shape_cast %swap3A_12 : vector<1x64x2048xf32> to vector<64x2048xf32>
    %swap3A_14 = vector.shape_cast %transpose3A_8 : vector<64x2048xf32> to vector<1x64x2048xf32>
    tpu.vector_store %arg3[%swap3A_9, %swap3A_10, %swap3A_11], %swap3A_14 {strides = array<i32>} : memref<1x64x4096xf32, #tpu.memory_space<vmem>>, vector<1x64x2048xf32>,
    return
  }
  func.func @transform_0(%arg0: i32) -> (i32, i32) {
    %c0_i32 = arith.constant 0 : i32
    %c0_i32_0 = arith.constant 0 : i32
    return %arg0, %c0_i32 : i32, i32
  }
  func.func @transform_2(%arg0: i32) -> (i32, i32, i32) {
    %add3A = arith.constant 125 : i32
    %add3A_0 = arith.addi %arg0, %add3A : i32
    %c0_i32 = arith.constant 0 : i32
    %c0_i32_1 = arith.constant 0 : i32
    %c0_i32_2 = arith.constant 0 : i32
    return %add3A_0, %c0_i32, %c0_i32_1 : i32, i32, i32
  }
}

module attributes {stable_mosaic.version = 14 : i64} {
  func.func @body(%arg0: i32, %arg1: memref<2048x128xf32, #tpu.memory_space<vmem>>, %arg2: memref<200x64x4096xf32, #tpu.memory_space<hbm>>, %arg3: memref<1x64x4096xf32, #tpu.memory_space<vmem>>) attributes {dimension_semantics = [#tpu.dimension_semantics<arbitrary>], iteration_bounds = array<i64: 25>, scalar_prefetch = 0 : i64, scratch_operands = 0 : i64, tpu.core_type = #tpu.core_type<tc>, window_params = [{transform_indices = @transform_0, window_bounds = array<i64: 2048, 128>}, {}, {transform_indices = @transform_2, window_bounds = array<i64: 1, 64, 4096>}]} {
    %get3A = arith.constant 0 : index
    %get3A_0 = arith.constant 0 : index
    %get3A_1 = vector.load %arg1[%get3A, %get3A_0] : memref<2048x128xf32, #tpu.memory_space<vmem>>, vector<2048x128xf32>
    %slice3A = vector.extract_strided_slice %get3A_1 {offsets = [0, 0], sizes = [2048, 64], strides = [1, 1]} : vector<2048x128xf32> to vector<2048x64xf32>
    %transpose3A = tpu.transpose %slice3A, [1, 0] : vector<2048x64xf32> -> vector<64x2048xf32>
    %swap3A = arith.constant 0 : index
    %swap3A_2 = arith.constant 0 : index
    %swap3A_3 = arith.constant 0 : index
    %swap3A_4 = vector.load %arg3[%swap3A, %swap3A_2, %swap3A_3] : memref<1x64x4096xf32, #tpu.memory_space<vmem>>, vector<1x64x2048xf32>
    %swap3A_5 = vector.shape_cast %swap3A_4 : vector<1x64x2048xf32> to vector<64x2048xf32>
    %swap3A_6 = vector.shape_cast %transpose3A : vector<64x2048xf32> to vector<1x64x2048xf32>
    tpu.vector_store %arg3[%swap3A, %swap3A_2, %swap3A_3], %swap3A_6 {strides = array<i32>} : memref<1x64x4096xf32, #tpu.memory_space<vmem>>, vector<1x64x2048xf32>,
    %slice3A_7 = vector.extract_strided_slice %get3A_1 {offsets = [0, 64], sizes = [2048, 64], strides = [1, 1]} : vector<2048x128xf32> to vector<2048x64xf32>
    %transpose3A_8 = tpu.transpose %slice3A_7, [1, 0] : vector<2048x64xf32> -> vector<64x2048xf32>
    %swap3A_9 = arith.constant 0 : index
    %swap3A_10 = arith.constant 0 : index
    %swap3A_11 = arith.constant 2048 : index
    %swap3A_12 = vector.load %arg3[%swap3A_9, %swap3A_10, %swap3A_11] : memref<1x64x4096xf32, #tpu.memory_space<vmem>>, vector<1x64x2048xf32>
    %swap3A_13 = vector.shape_cast %swap3A_12 : vector<1x64x2048xf32> to vector<64x2048xf32>
    %swap3A_14 = vector.shape_cast %transpose3A_8 : vector<64x2048xf32> to vector<1x64x2048xf32>
    tpu.vector_store %arg3[%swap3A_9, %swap3A_10, %swap3A_11], %swap3A_14 {strides = array<i32>} : memref<1x64x4096xf32, #tpu.memory_space<vmem>>, vector<1x64x2048xf32>,
    return
  }
  func.func @transform_0(%arg0: i32) -> (i32, i32) {
    %c0_i32 = arith.constant 0 : i32
    %c0_i32_0 = arith.constant 0 : i32
    return %arg0, %c0_i32 : i32, i32
  }
  func.func @transform_2(%arg0: i32) -> (i32, i32, i32) {
    %add3A = arith.constant 150 : i32
    %add3A_0 = arith.addi %arg0, %add3A : i32
    %c0_i32 = arith.constant 0 : i32
    %c0_i32_1 = arith.constant 0 : i32
    %c0_i32_2 = arith.constant 0 : i32
    return %add3A_0, %c0_i32, %c0_i32_1 : i32, i32, i32
  }
}

module attributes {stable_mosaic.version = 14 : i64} {
  func.func @body(%arg0: i32, %arg1: memref<2048x128xf32, #tpu.memory_space<vmem>>, %arg2: memref<200x64x4096xf32, #tpu.memory_space<hbm>>, %arg3: memref<1x64x4096xf32, #tpu.memory_space<vmem>>) attributes {dimension_semantics = [#tpu.dimension_semantics<arbitrary>], iteration_bounds = array<i64: 25>, scalar_prefetch = 0 : i64, scratch_operands = 0 : i64, tpu.core_type = #tpu.core_type<tc>, window_params = [{transform_indices = @transform_0, window_bounds = array<i64: 2048, 128>}, {}, {transform_indices = @transform_2, window_bounds = array<i64: 1, 64, 4096>}]} {
    %get3A = arith.constant 0 : index
    %get3A_0 = arith.constant 0 : index
    %get3A_1 = vector.load %arg1[%get3A, %get3A_0] : memref<2048x128xf32, #tpu.memory_space<vmem>>, vector<2048x128xf32>
    %slice3A = vector.extract_strided_slice %get3A_1 {offsets = [0, 0], sizes = [2048, 64], strides = [1, 1]} : vector<2048x128xf32> to vector<2048x64xf32>
    %transpose3A = tpu.transpose %slice3A, [1, 0] : vector<2048x64xf32> -> vector<64x2048xf32>
    %swap3A = arith.constant 0 : index
    %swap3A_2 = arith.constant 0 : index
    %swap3A_3 = arith.constant 0 : index
    %swap3A_4 = vector.load %arg3[%swap3A, %swap3A_2, %swap3A_3] : memref<1x64x4096xf32, #tpu.memory_space<vmem>>, vector<1x64x2048xf32>
    %swap3A_5 = vector.shape_cast %swap3A_4 : vector<1x64x2048xf32> to vector<64x2048xf32>
    %swap3A_6 = vector.shape_cast %transpose3A : vector<64x2048xf32> to vector<1x64x2048xf32>
    tpu.vector_store %arg3[%swap3A, %swap3A_2, %swap3A_3], %swap3A_6 {strides = array<i32>} : memref<1x64x4096xf32, #tpu.memory_space<vmem>>, vector<1x64x2048xf32>,
    %slice3A_7 = vector.extract_strided_slice %get3A_1 {offsets = [0, 64], sizes = [2048, 64], strides = [1, 1]} : vector<2048x128xf32> to vector<2048x64xf32>
    %transpose3A_8 = tpu.transpose %slice3A_7, [1, 0] : vector<2048x64xf32> -> vector<64x2048xf32>
    %swap3A_9 = arith.constant 0 : index
    %swap3A_10 = arith.constant 0 : index
    %swap3A_11 = arith.constant 2048 : index
    %swap3A_12 = vector.load %arg3[%swap3A_9, %swap3A_10, %swap3A_11] : memref<1x64x4096xf32, #tpu.memory_space<vmem>>, vector<1x64x2048xf32>
    %swap3A_13 = vector.shape_cast %swap3A_12 : vector<1x64x2048xf32> to vector<64x2048xf32>
    %swap3A_14 = vector.shape_cast %transpose3A_8 : vector<64x2048xf32> to vector<1x64x2048xf32>
    tpu.vector_store %arg3[%swap3A_9, %swap3A_10, %swap3A_11], %swap3A_14 {strides = array<i32>} : memref<1x64x4096xf32, #tpu.memory_space<vmem>>, vector<1x64x2048xf32>,
    return
  }
  func.func @transform_0(%arg0: i32) -> (i32, i32) {
    %c0_i32 = arith.constant 0 : i32
    %c0_i32_0 = arith.constant 0 : i32
    return %arg0, %c0_i32 : i32, i32
  }
  func.func @transform_2(%arg0: i32) -> (i32, i32, i32) {
    %add3A = arith.constant 175 : i32
    %add3A_0 = arith.addi %arg0, %add3A : i32
    %c0_i32 = arith.constant 0 : i32
    %c0_i32_1 = arith.constant 0 : i32
    %c0_i32_2 = arith.constant 0 : i32
    return %add3A_0, %c0_i32, %c0_i32_1 : i32, i32, i32
  }
}

</mosaic_0001>

<sc_bundles>
// kernel: gather_offload_async_start
scs
__scs_entry_jumppad:
0x0: {  	(pc) =	sbr.rel $0x88, $3  }
0x1: {  	(tag) =	ssettag $0x0;
	lr =	simm.s32 $0x1  }
0x2: {  	[smem:$0x3F9F] =	sst lr;
	_ =	strace $0xD0000000  }
0x3: {  	_ = 	snop  }
0x4: {  	_ = 	snop  }
0x5: {  	_ = 	snop  }
0x6: {  	_ = 	snop  }
0x7: {  	_ = 	snop  }
__scs_overlays_trampoline_lowered:
0x8: {  	[smem:$0x3FAE] =	sst s0  }
0x9: {  	[smem:$0x3FAF] =	sst s1  }
0xa: {  	[smem:$0x3FB0] =	sst s2  }
0xb: {  	[smem:$0x3FB1] =	sst s3  }
0xc: {  	[smem:$0x3FB2] =	sst s4  }
0xd: {  	[smem:$0x3FB3] =	sst s5  }
0xe: {  	[smem:$0x3FB4] =	sst s6  }
0xf: {  	[smem:$0x3FB5] =	sst s7  }
0x10: {  	[smem:$0x3FB6] =	sst s8  }
0x11: {  	[smem:$0x3FB7] =	sst s9;
	s0 =	simm.s32 @!p0 $0x0  }
0x12: {  	s1 =	sld [smem:$0x3F9D];
	s0 =	simm.s32 @p0 $0x1  }
0x13: {  	[smem:$0x3FB8] =	sst s0;
	s0 =	simm.s32 @!p1 $0x0  }
0x14: {  	s2 =	sld [smem:$0x3F9C];
	s0 =	simm.s32 @p1 $0x1  }
0x15: {  	[smem:$0x3FB9] =	sst s0;
	s0 =	simm.s32 @!p2 $0x0  }
0x16: {  	s3 =	sld [smem:$0x3FDB];
	s0 =	simm.s32 @p2 $0x1  }
0x17: {  	s4 =	simm.s32 $0x1BF5;
	[smem:$0x3FBB] =	sst s0  }
0x18: {  	s0 =	sld [smem:$0x3F9E];
	_ =	swait.ge [sflag:s4], $0x0  }
0x19: {  	s7 =	sld [smem:$0x3F9F]  }
0x1a: {  	s8 =	sadd.s32 $0xFFFFE003, lr  }
0x1b: {  	s9 =	sadd.s32 $0xFFFFFEF7, lr;
	s5 =	simm.s32 $0xFFFFFFFF;
	p2 =	slt.u32 s8, $0xFFFFF086  }
0x1c: {  	p1 =	slt.u32 s9, $0xF7A;
	s5 =	simm.s32 @!p2 $0x0  }
0x1d: {  	s5 =	simm.s32 @p1 $0x1;
	p0 =	seq.s32 s7, s2  }
0x1e: {  	s7 =	smul.u32 @!p0 $0xF7A, s2;
	p2 =	seq.s32 @!p0 s5, $0x0  }
0x1f: {  	s9 =	smul.u32 $0xF7A, s1;
	s8 =	simm.s32 @!p0 $0x1BF5;
	p2 =	por !p2, p0  }
0x20: {  	[sflag:s8] =	ssyncset.s32 @!p0 $0xFFFFF086;
	s6 =	sadd.s32 @!p0 s3, s7;
	s7 =	simm.s32 @!p0 $0x108  }
0x21: {  	s3 =	sadd.s32 s3, s9;
	s6 =	sadd.s32 @!p0 $0x88, s6;
	s7 =	simm.s32 @p2 $0x1082  }
0x22: {  	[simem:s7], [sflag:s8] =	dma.local @!p0 [hbm:s6], $0xF7A  }
0x23: {  	s9 =	sor.u32 $0xD0000000, s2;
	s6 =	simm.s32 $0x108;
	_ =	swait.ge @!p0 [sflag:s8], $0x0  }
0x24: {  	s3 =	sadd.s32 $0x88, s3;
	s6 =	simm.s32 @!p1 $0x1082;
	[sflag:s4] =	ssyncset.s32 $0xFFFFF086  }
0x25: {  	[simem:s6], [sflag:s4] =	dma.local [hbm:s3], $0xF7A  }
0x26: {  	[smem:$0x3F9F] =	sst s1;
	(tag) =	ssettag s2;
	_ =	strace s9  }
0x27: {  	s1 =	sld [smem:$0x3FAF]  }
0x28: {  	s2 =	sld [smem:$0x3FB0]  }
0x29: {  	s4 =	sld [smem:$0x3FB2]  }
0x2a: {  	p0 =	seq.s32 s5, $0x0;
	s5 =	sld [smem:$0x3FB3]  }
0x2b: {  	s6 =	sld [smem:$0x3FB4]  }
0x2c: {  	s7 =	sld [smem:$0x3FB5]  }
0x2d: {  	s3 =	simm.s32 $0x108;
	s8 =	sld [smem:$0x3FB6]  }
0x2e: {  	s3 =	simm.s32 @!p0 $0x1082;
	s9 =	sld [smem:$0x3FB7]  }
0x2f: {  	lr =	sadd.s32 s0, s3;
	s0 =	sld [smem:$0x3FAE]  }
0x30: {  	s3 =	sld [smem:$0x3FB1]  }
0x31: {  	[smem:$0x3FBA] =	sst s10  }
0x32: {  	s10 =	sld [smem:$0x3FB8];
	_ =	sdelay $0x3  }
0x33: {  	p0 =	seq.s32 s10, $0x1;
	s10 =	sld [smem:$0x3FBA];
	_ =	sdelay $0x3  }
0x34: {  	[smem:$0x3FBA] =	sst s10  }
0x35: {  	s10 =	sld [smem:$0x3FB9];
	_ =	sdelay $0x3  }
0x36: {  	p1 =	seq.s32 s10, $0x1;
	s10 =	sld [smem:$0x3FBA];
	_ =	sdelay $0x3  }
0x37: {  	[smem:$0x3FBA] =	sst s10  }
0x38: {  	s10 =	sld [smem:$0x3FBB]  }
0x39: {  	_ = 	snop;
	(pc) =	sbr.ind lr, $3  }
0x3a: {  	_ = 	snop  }
0x3b: {  	_ = 	snop  }
0x3c: {  	p2 =	seq.s32 s10, $0x1;
	s10 =	sld [smem:$0x3FBA]  }
0x3d: {  	_ =	shalt  }
0x3e: {  	_ =	shalt  }
0x3f: {  	_ =	shalt  }
0x40: {  	_ =	shalt  }
0x41: {  	_ =	shalt  }
0x42: {  	_ =	shalt  }
0x43: {  	_ =	shalt  }
0x44: {  	_ =	shalt  }
0x45: {  	_ =	shalt  }
0x46: {  	_ =	shalt  }
0x47: {  	_ =	shalt  }
0x48: {  	_ =	shalt  }
0x49: {  	_ =	shalt  }
0x4a: {  	_ =	shalt  }
0x4b: {  	_ =	shalt  }
0x4c: {  	_ =	shalt  }
0x4d: {  	_ =	shalt  }
0x4e: {  	_ =	shalt  }
0x4f: {  	_ =	shalt  }
0x50: {  	_ =	shalt  }
0x51: {  	_ =	shalt  }
0x52: {  	_ =	shalt  }
0x53: {  	_ =	shalt  }
0x54: {  	_ =	shalt  }
0x55: {  	_ =	shalt  }
0x56: {  	_ =	shalt  }
0x57: {  	_ =	shalt  }
0x58: {  	_ =	shalt  }
0x59: {  	_ =	shalt  }
0x5a: {  	_ =	shalt  }
0x5b: {  	_ =	shalt  }
0x5c: {  	_ =	shalt  }
0x5d: {  	_ =	shalt  }
0x5e: {  	_ =	shalt  }
0x5f: {  	_ =	shalt  }
0x60: {  	_ =	shalt  }
0x61: {  	_ =	shalt  }
0x62: {  	_ =	shalt  }
0x63: {  	_ =	shalt  }
0x64: {  	_ =	shalt  }
0x65: {  	_ =	shalt  }
0x66: {  	_ =	shalt  }
0x67: {  	_ =	shalt  }
0x68: {  	_ =	shalt  }
0x69: {  	_ =	shalt  }
0x6a: {  	_ =	shalt  }
0x6b: {  	_ =	shalt  }
0x6c: {  	_ =	shalt  }
0x6d: {  	_ =	shalt  }
0x6e: {  	_ =	shalt  }
0x6f: {  	_ =	shalt  }
0x70: {  	_ =	shalt  }
0x71: {  	_ =	shalt  }
0x72: {  	_ =	shalt  }
0x73: {  	_ =	shalt  }
0x74: {  	_ =	shalt  }
0x75: {  	_ =	shalt  }
0x76: {  	_ =	shalt  }
0x77: {  	_ =	shalt  }
0x78: {  	_ =	shalt  }
0x79: {  	_ =	shalt  }
0x7a: {  	_ =	shalt  }
0x7b: {  	_ =	shalt  }
0x7c: {  	_ =	shalt  }
0x7d: {  	_ =	shalt  }
0x7e: {  	_ =	shalt  }
0x7f: {  	_ =	shalt  }
0x80: {  	_ =	shalt  }
0x81: {  	_ =	shalt  }
0x82: {  	_ =	shalt  }
0x83: {  	_ =	shalt  }
0x84: {  	_ =	shalt  }
0x85: {  	_ =	shalt  }
0x86: {  	_ =	shalt  }
0x87: {  	_ =	shalt  }
.Lfunc_end0:
.L_simem_size_0:
called_computation_lowered:
.L_overlay_start_0:
0x88: {  	s2 =	sld [smem:$0x3FD9]  }
0x89: {  	s3 =	sld [smem:$0x3FFE];
	_ =	sdelay $0x1  }
0x8a: {  	s1 =	srdreg.scid  }
0x8b: {  	s0 =	sand.u32 $0x1, s1  }
0x8c: {  	s17 =	sshll.u32 s0, $0xA;
	s2 =	sadd.s32 s3, s2  }
0x8d: {  	s2 =	sadd.s32 s2, s17  }
0x8e: {  	[smem:$0x3FC6] =	sst s2  }
0x8f: {  	_ = 	snop  }
0x90: {  	s2 =	sld [smem:$0x3FD0];
	(tm) =	ssettm $0x1  }
0x91: {  	s18 =	sld [smem:$0x3FFB];
	_ =	sdelay $0x3  }
0x92: {  	_ =	strace s18  }
0x93: {  	s3 =	sld [smem:$0x3FFC];
	_ =	sdelay $0x3  }
0x94: {  	_ =	strace s3  }
0x95: {  	s3 =	sld [smem:$0x3FFD];
	_ =	sdelay $0x3  }
0x96: {  	_ =	strace s3  }
0x97: {  	_ =	strace $0x8FFFFFFF  }
0x98: {  	s19 =	sld [smem:$0x3FDB];
	_ =	sdelay $0x1  }
0x99: {  	s4 =	simm.s32 $_scs_section_size  }
0x9a: {  	s5 =	simm.s32 $_size__tile_overlayer_lowered;
	s6 =	simm.s32 $_tile_overlayer_lowered  }
0x9b: {  	s22 =	simm.s32 $0x1BFF;
	s21 =	sshll.u32 s6, $0x1;
	s3 =	sadd.s32 s4, s19  }
0x9c: {  	s7 =	simm.s32 $0x0;
	s20 =	sshll.u32 s5, $0x1;
	s5 =	sadd.s32 s21, s3  }
0x9d: {  	[timem:s7], [sflag:s22] =	dma.local [hbm:s5], s20  }
0x9e: {  	_ =	swait.ge [sflag:s22], s20  }
0x9f: {  	s4 =	ssub.s32 $0x0, s20;
	[sflag:s22] =	ssyncset.done $0x0  }
0xa0: {  	[sflag:s22] =	ssyncadd.s32 s4;
	_ =	sdelay $0x1  }
0xa1: {  	s23 =	simm.s32 $0x1B8B  }
0xa2: {  	_ =	swait.ge [sflag:s23], $0x1  }
0xa3: {  	[sflag:s23] =	ssyncset.done $0x0  }
0xa4: {  	s25 =	simm.s32 $0x1B8E;
	s24 =	sld [smem:$0x3FFE];
	[sflag:s23] =	ssyncadd.s32 $0xFFFFFFFF  }
0xa5: {  	s26 =	simm.s32 $execute0_lowered;
	[smem:$0x3FD2] =	sst s25  }
0xa6: {  	s5 =	sshll.u32 s26, $0x1;
	_ =	strace $0x80000046;
	[dreg:$0x1] =	wrdreg $0xFFFFFFFF  }
0xa7: {  	s28 =	simm.s32 $_size_execute0_lowered;
	s3 =	sadd.s32 s3, s5;
	[dreg:$0x0] =	wrdreg $0x0  }
0xa8: {  	s5 =	sshll.u32 s28, $0x1;
	[dreg:$0x2] =	wrdreg s3  }
0xa9: {  	[dreg:$0x3] =	wrdreg s5  }
0xaa: {  	[dreg:$0x4] =	wrdreg $0xC0  }
0xab: {  	_ =	task [dreg:s7], $0x5FFFF  }
0xac: {  	[dreg:$0x1] =	wrdreg $0xFFFFFFFF  }
0xad: {  	[dreg:$0x0] =	wrdreg $0x60  }
0xae: {  	[dreg:$0x2] =	wrdreg s2  }
0xaf: {  	[dreg:$0x3] =	wrdreg s24  }
0xb0: {  	[dreg:$0x4] =	wrdreg $0x9  }
0xb1: {  	_ =	task.clear_ibuf [dreg:s7], $0x5FFFF;
	_ =	strace $0x90000046  }
0xb2: {  	s29 =	simm.s32 $0x9;
	_ =	strace $0x80000048  }
0xb3: {  	_ =	swait.ge [sflag:s29], $0x1  }
0xb4: {  	[sflag:s29] =	ssyncadd.s32 $0xFFFFFFFF  }
0xb5: {  	_ =	strace $0x90000048  }
0xb6: {  	_ =	sfence  }
0xb7: {  	s30 =	sld [smem:$0x0];
	_ =	sdelay $0x2  }
0xb8: {  	s31 =	sshll.u32 s1, $0xD;
	s1 =	sshrl.u32 s1, $0x2  }
0xb9: {  	s3 =	sand.u32 $0x4000, s31;
	s1 =	sadd.s32 s1, s30  }
0xba: {  	s0 =	sor.u32 s3, s0;
	s1 =	sshll.u32 s1, $0x11  }
0xbb: {  	s0 =	sor.u32 s1, s0  }
0xbc: {  	s0 =	sadd.s32 $0x8F2B, s0  }
0xbd: {  	[sflag:s0] =	ssyncadd.remote.s32 $0x1  }
0xbe: {  	_ =	sfence.sel $0xFFFF  }
0xbf: {  	[dreg:$0x0] =	wrdreg $0xFFFFFFFF;
	(pc) =	sbr.abs _section_cstart, $3  }
0xc0: {  	[dreg:$0x1] =	wrdreg $0xFFFFFFFF  }
0xc1: {  	_ =	task.clear_ibuf [dreg:s7], $0x2FFFF;
	_ =	strace $0x9FFFFFFF  }
0xc2: {  	(tm) =	ssettm $0x7FFFFFFF  }
0xc3: {  	_ =	shalt  }
tec
execute0_lowered:
.L_overlay_start_1:
0x0: {  	(tag) =	ssettag $0x1  }
0x1: {  	s2 =	rddreg [dreg:$0x0]  }
0x2: {  	s7 =	rddreg [dreg:$0x1]  }
0x3: {  	s0 =	rddreg [dreg:$0x2]  }
0x4: {  	s1 =	srdreg.scid;
	_ =	strace $0x80000047;
	s4 =	simm.s32 $0x1  }
0x5: {  	s9 =	simm.s32 $0x3;
	s12 =	simm.s32 $0x0;
	s5 =	sshll.u32 s1, $0x4  }
.Ltmp0:
0x6: {  	s1 =	stileid.u32;
	s5 =	sand.u32 $0x10, s5;
	(pc) =	sbr.rel .LBB2_1-.Ltmp0, $4  }
0x7: {  	s10 =	simm.s32 $0x0;
	s3 =	sadd.s32 $0x2600, s7;
	s6 =	sor.u32 s1, s5  }
0x8: {  	[sflag:s4] =	ssyncpa.u1 $0x0;
	s5 =	simm.s32 $0x2;
	s6 =	sshll.u32 s6, $0x7  }
0x9: {  	s7 =	sadd.s32 $0x2800, s7;
	[sflag:s5] =	ssyncpa.u1 $0x0;
	s8 =	sadd.s32 $0x80, s6  }
0xa: {  	vm0 =	vmmov $0xff;
	vm1 =	vcmask $0x3F20;
	[sflag:s9] =	ssyncpa.u1 $0x0;
	s9 =	simm.s32 $0x80;
	s11 =	smov.u32 s6  }
.LBB2_10:
0xb: {  	[hbm:s16] =	stream.linear.scatter [tilespmem:s13], [sflag:$0x3], $0x800, $0x38;
	[tilespmem:$0x10100] =	vst v63  }
.LBB2_11:
0xc: {  	p0 =	seq.s32 s10, $0x2  }
.Ltmp1:
0xd: {  	_ = 	snop;
	(pc) =	sbr.rel @p0 .LBB2_13-.Ltmp1, $1  }
0xe: {  	_ =	sdelay $0x3  }
.LBB2_12:
0xf: {  	s12 =	sadd.s32 $0x80, s11  }
0x10: {  	s13 =	smov.u32 s6;
	p0 =	slt.s32 s12, s8  }
0x11: {  	s13 =	smov.u32 @p0 s12  }
0x12: {  	s10 =	sadd.s32 $0x1, s10;
	s12 =	smov.u32 s11;
	s11 =	smov.u32 s13  }
.LBB2_1:
0x13: {  	p0 =	sne.s32 s10, $0x0  }
.Ltmp2:
0x14: {  	_ = 	snop;
	(pc) =	sbr.rel @!p0 .LBB2_2-.Ltmp2, $1  }
0x15: {  	_ =	sdelay $0x3  }
0x16: {  	s13 =	sand.u32 $0x1, s10  }
0x17: {  	p0 =	seq.s32 s13, $0x0  }
.Ltmp3:
0x18: {  	_ = 	snop;
	(pc) =	sbr.rel @p0 .LBB2_11-.Ltmp3, $1  }
0x19: {  	_ =	sdelay $0x3  }
0x1a: {  	_ =	swait.ge [sflag:s5], $0x80  }
0x1b: {  	[sflag:s5] =	ssyncset.done $0x0  }
0x1c: {  	s13 =	simm.s32 $0x0;
	[sflag:s5] =	ssyncadd.s32 $0xFFFFFF80  }
.LBB2_5:
0x1d: {  	s14 =	sshll.u32 s13, $0x4  }
0x1e: {  	s14 =	sand.u32 $0x3FFFFFF0, s14  }
0x1f: {  	v0 =	vld.msk [tilespmem:s14+$0x80 ss:$0x1], $0xffff;
	_ =	sdelay $0x4  }
0x20: {  	vm2 =	vgt.s32 v0, $0x0  }
0x21: {  	v0 =	vnsel vm2, $0x0, v0  }
0x22: {  	v0 =	vmin.u32 v0, $0xFFF  }
0x23: {  	s31 =	sshll.u32 s13, $0xC;
	v1 =	vshll.u32 v0, $0x5;
	v0 =	vshll.u32 v0, $0x4  }
0x24: {  	s14 =	sand.u32 $0x3FFFF000, s31;
	v1 =	vand.u32 $0x1FF00, v1;
	v0 =	vand.u32 $0x70, v0  }
0x25: {  	p0 =	por $0x1, $0x1;
	s15 =	simm.s32 $0x0;
	s14 =	sadd.s32 $0x8100, s14;
	v0 =	vor.u32 v0, v1  }
.LBB2_6:
0x26: {  	_ =	sdelay $0x1  }
0x27: {  	s15 =	sshra.s32 s15, $0x2;
	p1 =	por p0, p0  }
.Ltmp4:
0x28: {  	s15 =	sadd.s32 s15, s14;
	(pc) =	sbr.rel @p1 .LBB2_6-.Ltmp4, $4  }
0x29: {  	[tilespmem:s15], [sflag:$0x1] =	stream.indirect_vreg.gather [hbm:s2], $0x80, v0, vm0, $0x38;
	[tilespmem:$0x10100] =	vst v63  }
0x2a: {  	s15 =	sadd.s32 $0x800, s15  }
0x2b: {  	[tilespmem:s15], [sflag:$0x1] =	stream.indirect_vreg.gather [hbm:s2], $0x80, v0, vm1, $0x38;
	[tilespmem:$0x10100] =	vst v63  }
0x2c: {  	p0 =	por $0x0, $0x0;
	v0 =	vadd.s32 $0x80, v0;
	s15 =	simm.s32 $0x1000  }
0x2d: {  	s13 =	sadd.s32 $0x1, s13  }
0x2e: {  	p0 =	sne.s32 s13, $0x8  }
.Ltmp5:
0x2f: {  	_ = 	snop;
	(pc) =	sbr.rel @p0 .LBB2_5-.Ltmp5, $1  }
0x30: {  	_ =	sdelay $0x3  }
0x31: {  	s13 =	sshll.u32 s12, $0x5  }
0x32: {  	_ =	swait.ge [sflag:s4], $0x8000;
	s31 =	sshll.u32 s12, $0x4;
	s13 =	sand.u32 $0xFFFFFF00, s13  }
0x33: {  	s14 =	simm.s32 $0x100;
	s12 =	sand.u32 $0x70, s31;
	s13 =	sadd.s32 s13, s7  }
0x34: {  	s15 =	simm.s32 $0x8900;
	[sflag:s4] =	ssyncset.done $0x0;
	s12 =	sadd.s32 s12, s13  }
0x35: {  	[sflag:s4] =	ssyncadd.s32 $0xFFFF8000;
	s13 =	simm.s32 $0x8100;
	s16 =	sadd.s32 $0x0, s12  }
.LBB2_9:
0x36: {  	[hbm:s16] =	stream.linear.scatter [tilespmem:s13], [sflag:$0x3], $0x800, $0x38;
	[tilespmem:$0x10100] =	vst v63  }
0x37: {  	s16 =	smov.u32 s14;
	s13 =	smov.u32 s15;
	p0 =	sne.s32 s14, $0xF00  }
.Ltmp6:
0x38: {  	s14 =	sadd.s32 $0x100, s14;
	(pc) =	sbr.rel @p0 .LBB2_9-.Ltmp6, $2  }
0x39: {  	_ =	sdelay $0x2  }
0x3a: {  	s15 =	sadd.s32 $0x800, s15;
	s16 =	sadd.s32 s16, s12  }
.Ltmp7:
0x3b: {  	_ = 	snop;
	(pc) =	sbr.rel .LBB2_10-.Ltmp7, $1  }
0x3c: {  	_ =	sdelay $0x3  }
.LBB2_2:
.Ltmp8:
0x3d: {  	(pc) =	sbr.rel .LBB2_12-.Ltmp8, $4  }
0x3e: {  	_ = 	snop  }
0x3f: {  	s12 =	sshrl.u32 s11, $0x3  }
0x40: {  	s13 =	sand.u32 $0x7, s11;
	s12 =	sadd.s32 s3, s12  }
0x41: {  	[tilespmem:s9], [sflag:$0x2] =	stream.linear.gather [hbm4b:s12+s13], $0x80, $0x38;
	[tilespmem:$0x10100] =	vst v63  }
.LBB2_13:
0x42: {  	s2 =	simm.s32 $0x3  }
0x43: {  	_ =	swait.ge [sflag:s2], $0x8000  }
0x44: {  	[sflag:s2] =	ssyncset.done $0x0  }
0x45: {  	[sflag:s2] =	ssyncadd.s32 $0xFFFF8000  }
0x46: {  	_ =	sfence.sel $0x180000  }
0x47: {  	s3 =	simm.s32 $0x2;
	[bflag:$0x0] =	sbarrier.arrive $0xFFFF  }
0x48: {  	[sflag:s3] =	ssyncpa.u1 $0x1  }
0x49: {  	s31 =	simm.s32 $0x1;
	[sflag:s2] =	ssyncpa.u1 $0x1  }
0x4a: {  	[sflag:s31] =	ssyncpa.u1 $0x1  }
0x4b: {  	p0 =	sne.s32 s1, $0x0;
	_ =	strace $0x90000047  }
0x4c: {  	s0 =	sadd.s32 @!p0 $0x100000, s0;
	[bflag:$0x2] =	sbarrier.arrive $0xFFFF  }
0x4d: {  	[sflag:s0] =	ssyncadd.tile.s32 @!p0 $0x1;
	_ =	shalt  }
.Lfunc_end2:
_tile_overlayer_lowered:
.L_overlay_start_2:
0x4e: {  	(tag) =	ssettag $0x2  }
0x4f: {  	s0 =	rddreg [dreg:$0x0];
	s2 =	stileid.u32  }
0x50: {  	s1 =	rddreg [dreg:$0x1];
	p0 =	sne.s32 s2, $0x0  }
0x51: {  	s3 =	rddreg [dreg:$0x2];
	[bflag:$0x3] =	sbarrier.arrive $0xFFFF;
	s2 =	simm.s32 @!p0 $0x1C01  }
0x52: {  	[timem:s3], [sflag:s2] =	dma.local @!p0 [hbm:s0], s1  }
0x53: {  	s0 =	simm.s32 @!p0 $0x1  }
0x54: {  	_ =	swait.ge @!p0 [sflag:s0], s1  }
0x55: {  	s1 =	ssub.s32 @!p0 $0x0, s1;
	[sflag:s0] =	ssyncset.done @!p0 $0x0  }
0x56: {  	[sflag:s0] =	ssyncadd.s32 @!p0 s1  }
0x57: {  	[bflag:$0x3] =	sbarrier.arrive $0xFFFF  }
0x58: {  	_ =	shalt  }

// kernel: kernel.19.cloned.1.call-start
scs
__scs_entry_jumppad:
0x0: {  	(pc) =	sbr.rel $0x88, $3  }
0x1: {  	(tag) =	ssettag $0x0;
	lr =	simm.s32 $0x1  }
0x2: {  	[smem:$0x3F9F] =	sst lr;
	_ =	strace $0xD0000000  }
0x3: {  	_ = 	snop  }
0x4: {  	_ = 	snop  }
0x5: {  	_ = 	snop  }
0x6: {  	_ = 	snop  }
0x7: {  	_ = 	snop  }
__scs_overlays_trampoline_lowered:
0x8: {  	[smem:$0x3FAE] =	sst s0  }
0x9: {  	[smem:$0x3FAF] =	sst s1  }
0xa: {  	[smem:$0x3FB0] =	sst s2  }
0xb: {  	[smem:$0x3FB1] =	sst s3  }
0xc: {  	[smem:$0x3FB2] =	sst s4  }
0xd: {  	[smem:$0x3FB3] =	sst s5  }
0xe: {  	[smem:$0x3FB4] =	sst s6  }
0xf: {  	[smem:$0x3FB5] =	sst s7  }
0x10: {  	[smem:$0x3FB6] =	sst s8  }
0x11: {  	[smem:$0x3FB7] =	sst s9;
	s0 =	simm.s32 @!p0 $0x0  }
0x12: {  	s1 =	sld [smem:$0x3F9D];
	s0 =	simm.s32 @p0 $0x1  }
0x13: {  	[smem:$0x3FB8] =	sst s0;
	s0 =	simm.s32 @!p1 $0x0  }
0x14: {  	s2 =	sld [smem:$0x3F9C];
	s0 =	simm.s32 @p1 $0x1  }
0x15: {  	[smem:$0x3FB9] =	sst s0;
	s0 =	simm.s32 @!p2 $0x0  }
0x16: {  	s3 =	sld [smem:$0x3FDB];
	s0 =	simm.s32 @p2 $0x1  }
0x17: {  	s4 =	simm.s32 $0x1BF5;
	[smem:$0x3FBB] =	sst s0  }
0x18: {  	s0 =	sld [smem:$0x3F9E];
	_ =	swait.ge [sflag:s4], $0x0  }
0x19: {  	s7 =	sld [smem:$0x3F9F]  }
0x1a: {  	s8 =	sadd.s32 $0xFFFFE003, lr  }
0x1b: {  	s9 =	sadd.s32 $0xFFFFFEF7, lr;
	s5 =	simm.s32 $0xFFFFFFFF;
	p2 =	slt.u32 s8, $0xFFFFF086  }
0x1c: {  	p1 =	slt.u32 s9, $0xF7A;
	s5 =	simm.s32 @!p2 $0x0  }
0x1d: {  	s5 =	simm.s32 @p1 $0x1;
	p0 =	seq.s32 s7, s2  }
0x1e: {  	s7 =	smul.u32 @!p0 $0xF7A, s2;
	p2 =	seq.s32 @!p0 s5, $0x0  }
0x1f: {  	s9 =	smul.u32 $0xF7A, s1;
	s8 =	simm.s32 @!p0 $0x1BF5;
	p2 =	por !p2, p0  }
0x20: {  	[sflag:s8] =	ssyncset.s32 @!p0 $0xFFFFF086;
	s6 =	sadd.s32 @!p0 s3, s7;
	s7 =	simm.s32 @!p0 $0x108  }
0x21: {  	s3 =	sadd.s32 s3, s9;
	s6 =	sadd.s32 @!p0 $0x88, s6;
	s7 =	simm.s32 @p2 $0x1082  }
0x22: {  	[simem:s7], [sflag:s8] =	dma.local @!p0 [hbm:s6], $0xF7A  }
0x23: {  	s9 =	sor.u32 $0xD0000000, s2;
	s6 =	simm.s32 $0x108;
	_ =	swait.ge @!p0 [sflag:s8], $0x0  }
0x24: {  	s3 =	sadd.s32 $0x88, s3;
	s6 =	simm.s32 @!p1 $0x1082;
	[sflag:s4] =	ssyncset.s32 $0xFFFFF086  }
0x25: {  	[simem:s6], [sflag:s4] =	dma.local [hbm:s3], $0xF7A  }
0x26: {  	[smem:$0x3F9F] =	sst s1;
	(tag) =	ssettag s2;
	_ =	strace s9  }
0x27: {  	s1 =	sld [smem:$0x3FAF]  }
0x28: {  	s2 =	sld [smem:$0x3FB0]  }
0x29: {  	s4 =	sld [smem:$0x3FB2]  }
0x2a: {  	p0 =	seq.s32 s5, $0x0;
	s5 =	sld [smem:$0x3FB3]  }
0x2b: {  	s6 =	sld [smem:$0x3FB4]  }
0x2c: {  	s7 =	sld [smem:$0x3FB5]  }
0x2d: {  	s3 =	simm.s32 $0x108;
	s8 =	sld [smem:$0x3FB6]  }
0x2e: {  	s3 =	simm.s32 @!p0 $0x1082;
	s9 =	sld [smem:$0x3FB7]  }
0x2f: {  	lr =	sadd.s32 s0, s3;
	s0 =	sld [smem:$0x3FAE]  }
0x30: {  	s3 =	sld [smem:$0x3FB1]  }
0x31: {  	[smem:$0x3FBA] =	sst s10  }
0x32: {  	s10 =	sld [smem:$0x3FB8];
	_ =	sdelay $0x3  }
0x33: {  	p0 =	seq.s32 s10, $0x1;
	s10 =	sld [smem:$0x3FBA];
	_ =	sdelay $0x3  }
0x34: {  	[smem:$0x3FBA] =	sst s10  }
0x35: {  	s10 =	sld [smem:$0x3FB9];
	_ =	sdelay $0x3  }
0x36: {  	p1 =	seq.s32 s10, $0x1;
	s10 =	sld [smem:$0x3FBA];
	_ =	sdelay $0x3  }
0x37: {  	[smem:$0x3FBA] =	sst s10  }
0x38: {  	s10 =	sld [smem:$0x3FBB]  }
0x39: {  	_ = 	snop;
	(pc) =	sbr.ind lr, $3  }
0x3a: {  	_ = 	snop  }
0x3b: {  	_ = 	snop  }
0x3c: {  	p2 =	seq.s32 s10, $0x1;
	s10 =	sld [smem:$0x3FBA]  }
0x3d: {  	_ =	shalt  }
0x3e: {  	_ =	shalt  }
0x3f: {  	_ =	shalt  }
0x40: {  	_ =	shalt  }
0x41: {  	_ =	shalt  }
0x42: {  	_ =	shalt  }
0x43: {  	_ =	shalt  }
0x44: {  	_ =	shalt  }
0x45: {  	_ =	shalt  }
0x46: {  	_ =	shalt  }
0x47: {  	_ =	shalt  }
0x48: {  	_ =	shalt  }
0x49: {  	_ =	shalt  }
0x4a: {  	_ =	shalt  }
0x4b: {  	_ =	shalt  }
0x4c: {  	_ =	shalt  }
0x4d: {  	_ =	shalt  }
0x4e: {  	_ =	shalt  }
0x4f: {  	_ =	shalt  }
0x50: {  	_ =	shalt  }
0x51: {  	_ =	shalt  }
0x52: {  	_ =	shalt  }
0x53: {  	_ =	shalt  }
0x54: {  	_ =	shalt  }
0x55: {  	_ =	shalt  }
0x56: {  	_ =	shalt  }
0x57: {  	_ =	shalt  }
0x58: {  	_ =	shalt  }
0x59: {  	_ =	shalt  }
0x5a: {  	_ =	shalt  }
0x5b: {  	_ =	shalt  }
0x5c: {  	_ =	shalt  }
0x5d: {  	_ =	shalt  }
0x5e: {  	_ =	shalt  }
0x5f: {  	_ =	shalt  }
0x60: {  	_ =	shalt  }
0x61: {  	_ =	shalt  }
0x62: {  	_ =	shalt  }
0x63: {  	_ =	shalt  }
0x64: {  	_ =	shalt  }
0x65: {  	_ =	shalt  }
0x66: {  	_ =	shalt  }
0x67: {  	_ =	shalt  }
0x68: {  	_ =	shalt  }
0x69: {  	_ =	shalt  }
0x6a: {  	_ =	shalt  }
0x6b: {  	_ =	shalt  }
0x6c: {  	_ =	shalt  }
0x6d: {  	_ =	shalt  }
0x6e: {  	_ =	shalt  }
0x6f: {  	_ =	shalt  }
0x70: {  	_ =	shalt  }
0x71: {  	_ =	shalt  }
0x72: {  	_ =	shalt  }
0x73: {  	_ =	shalt  }
0x74: {  	_ =	shalt  }
0x75: {  	_ =	shalt  }
0x76: {  	_ =	shalt  }
0x77: {  	_ =	shalt  }
0x78: {  	_ =	shalt  }
0x79: {  	_ =	shalt  }
0x7a: {  	_ =	shalt  }
0x7b: {  	_ =	shalt  }
0x7c: {  	_ =	shalt  }
0x7d: {  	_ =	shalt  }
0x7e: {  	_ =	shalt  }
0x7f: {  	_ =	shalt  }
0x80: {  	_ =	shalt  }
0x81: {  	_ =	shalt  }
0x82: {  	_ =	shalt  }
0x83: {  	_ =	shalt  }
0x84: {  	_ =	shalt  }
0x85: {  	_ =	shalt  }
0x86: {  	_ =	shalt  }
0x87: {  	_ =	shalt  }
.Lfunc_end0:
.L_simem_size_0:
called_computation.1_lowered:
.L_overlay_start_0:
0x88: {  	s2 =	sld [smem:$0x3FD9]  }
0x89: {  	s3 =	sld [smem:$0x3FFE];
	_ =	sdelay $0x1  }
0x8a: {  	s1 =	srdreg.scid  }
0x8b: {  	s0 =	sand.u32 $0x1, s1  }
0x8c: {  	s17 =	sshll.u32 s0, $0xA;
	s2 =	sadd.s32 s3, s2  }
0x8d: {  	s2 =	sadd.s32 s2, s17  }
0x8e: {  	[smem:$0x3FC6] =	sst s2  }
0x8f: {  	_ = 	snop  }
0x90: {  	s2 =	sld [smem:$0x3FD0];
	(tm) =	ssettm $0x1  }
0x91: {  	s18 =	sld [smem:$0x3FFB];
	_ =	sdelay $0x3  }
0x92: {  	_ =	strace s18  }
0x93: {  	s3 =	sld [smem:$0x3FFC];
	_ =	sdelay $0x3  }
0x94: {  	_ =	strace s3  }
0x95: {  	s3 =	sld [smem:$0x3FFD];
	_ =	sdelay $0x3  }
0x96: {  	_ =	strace s3  }
0x97: {  	_ =	strace $0x8FFFFFFF  }
0x98: {  	s19 =	sld [smem:$0x3FDB];
	_ =	sdelay $0x1  }
0x99: {  	s4 =	simm.s32 $_scs_section_size  }
0x9a: {  	s5 =	simm.s32 $_size__tile_overlayer_lowered;
	s6 =	simm.s32 $_tile_overlayer_lowered  }
0x9b: {  	s22 =	simm.s32 $0x1BFF;
	s21 =	sshll.u32 s6, $0x1;
	s3 =	sadd.s32 s4, s19  }
0x9c: {  	s7 =	simm.s32 $0x0;
	s20 =	sshll.u32 s5, $0x1;
	s5 =	sadd.s32 s21, s3  }
0x9d: {  	[timem:s7], [sflag:s22] =	dma.local [hbm:s5], s20  }
0x9e: {  	_ =	swait.ge [sflag:s22], s20  }
0x9f: {  	s4 =	ssub.s32 $0x0, s20;
	[sflag:s22] =	ssyncset.done $0x0  }
0xa0: {  	[sflag:s22] =	ssyncadd.s32 s4;
	_ =	sdelay $0x1  }
0xa1: {  	s23 =	simm.s32 $0x1B8B  }
0xa2: {  	_ =	swait.ge [sflag:s23], $0x1  }
0xa3: {  	[sflag:s23] =	ssyncset.done $0x0  }
0xa4: {  	s25 =	simm.s32 $0x1B8E;
	s24 =	sld [smem:$0x3FFE];
	[sflag:s23] =	ssyncadd.s32 $0xFFFFFFFF  }
0xa5: {  	s26 =	simm.s32 $execute0_lowered;
	[smem:$0x3FD2] =	sst s25  }
0xa6: {  	s5 =	sshll.u32 s26, $0x1;
	_ =	strace $0x80000049;
	[dreg:$0x1] =	wrdreg $0xFFFFFFFF  }
0xa7: {  	s28 =	simm.s32 $_size_execute0_lowered;
	s3 =	sadd.s32 s3, s5;
	[dreg:$0x0] =	wrdreg $0x0  }
0xa8: {  	s5 =	sshll.u32 s28, $0x1;
	[dreg:$0x2] =	wrdreg s3  }
0xa9: {  	[dreg:$0x3] =	wrdreg s5  }
0xaa: {  	[dreg:$0x4] =	wrdreg $0xC0  }
0xab: {  	_ =	task [dreg:s7], $0x5FFFF  }
0xac: {  	[dreg:$0x1] =	wrdreg $0xFFFFFFFF  }
0xad: {  	[dreg:$0x0] =	wrdreg $0x60  }
0xae: {  	[dreg:$0x2] =	wrdreg s24  }
0xaf: {  	[dreg:$0x3] =	wrdreg s2  }
0xb0: {  	[dreg:$0x4] =	wrdreg $0x9  }
0xb1: {  	_ =	task.clear_ibuf [dreg:s7], $0x5FFFF;
	_ =	strace $0x90000049  }
0xb2: {  	s29 =	simm.s32 $0x9;
	_ =	strace $0x80000052  }
0xb3: {  	_ =	swait.ge [sflag:s29], $0x1  }
0xb4: {  	[sflag:s29] =	ssyncadd.s32 $0xFFFFFFFF  }
0xb5: {  	_ =	strace $0x90000052  }
0xb6: {  	_ =	sfence  }
0xb7: {  	s30 =	sld [smem:$0x0];
	_ =	sdelay $0x2  }
0xb8: {  	s31 =	sshll.u32 s1, $0xD;
	s1 =	sshrl.u32 s1, $0x2  }
0xb9: {  	s3 =	sand.u32 $0x4000, s31;
	s1 =	sadd.s32 s1, s30  }
0xba: {  	s0 =	sor.u32 s3, s0;
	s1 =	sshll.u32 s1, $0x11  }
0xbb: {  	s0 =	sor.u32 s1, s0  }
0xbc: {  	s0 =	sadd.s32 $0x8F2B, s0  }
0xbd: {  	[sflag:s0] =	ssyncadd.remote.s32 $0x1  }
0xbe: {  	_ =	sfence.sel $0xFFFF  }
0xbf: {  	[dreg:$0x0] =	wrdreg $0xFFFFFFFF;
	(pc) =	sbr.abs _section_cstart, $3  }
0xc0: {  	[dreg:$0x1] =	wrdreg $0xFFFFFFFF  }
0xc1: {  	_ =	task.clear_ibuf [dreg:s7], $0x2FFFF;
	_ =	strace $0x9FFFFFFF  }
0xc2: {  	(tm) =	ssettm $0x7FFFFFFF  }
0xc3: {  	_ =	shalt  }
tec
execute0_lowered:
.L_overlay_start_1:
0x0: {  	(tag) =	ssettag $0x1  }
0x1: {  	s0 =	srdreg.scid  }
0x2: {  	s20 =	sand.u32 $0x1, s0  }
0x3: {  	s0 =	stileid.u32;
	s1 =	sshll.u32 s20, $0x4  }
0x4: {  	s10 =	rddreg [dreg:$0x0];
	s14 =	sor.u32 s0, s1  }
0x5: {  	s4 =	rddreg [dreg:$0x1];
	s2 =	simm.s32 $0x0;
	s3 =	smul.u32 $0x190, s14  }
0x6: {  	[smem:$0x7FF] =	sst s2;
	s5 =	smul.u32 $0xC80, s14  }
0x7: {  	s1 =	rddreg [dreg:$0x2];
	_ =	strace $0x8000004A  }
0x8: {  	_ =	strace $0x8000004B;
	s3 =	sadd.s32 s4, s3;
	s5 =	sshrl.u32 s5, $0x3  }
0x9: {  	[tilespmem:s2], [sflag:$0x1] =	stream.linear.gather [hbm4b:s3+s2], $0x320, $0x200038;
	[tilespmem:$0x19640] =	vst v63  }
0xa: {  	s16 =	sadd.s32 s4, s5;
	_ =	strace $0x9000004B  }
0xb: {  	s5 =	simm.s32 $0x320;
	s4 =	sadd.s32 $0x64, s16;
	_ =	strace $0x8000004C  }
0xc: {  	[tilespmem:s5], [sflag:$0x2] =	stream.linear.gather [hbm4b:s4+s2], $0x320, $0x200038;
	[tilespmem:$0x19640] =	vst v63  }
0xd: {  	_ =	strace $0x9000004C  }
0xe: {  	s6 =	simm.s32 $0x1;
	_ =	strace $0x8000004D  }
0xf: {  	_ =	swait.ge [sflag:s6], $0x320  }
0x10: {  	[sflag:s6] =	ssyncset.done $0x0  }
0x11: {  	[sflag:s6] =	ssyncadd.s32 $0xFFFFFCE0  }
0x12: {  	s8 =	simm.s32 $0x640;
	_ =	strace $0x9000004D  }
0x13: {  	s9 =	simm.s32 $0x5;
	s7 =	sadd.s32 $0x22800, s10;
	_ =	strace $0x8000004E  }
0x14: {  	[tilespmem:s8], [sflag:$0x5] =	stream.indirect.gather [hbm4b:s7+s5], $0x40, s2, s5, $0x2000b8;
	[tilespmem:$0x19640] =	vst v63  }
0x15: {  	_ =	swait.ge [sflag:s9], $0xC800  }
0x16: {  	[sflag:s9] =	ssyncset.done $0x0  }
0x17: {  	s11 =	smul.u32 $0x6400, s14;
	[sflag:s9] =	ssyncadd.s32 $0xFFFF3800  }
0x18: {  	s15 =	sadd.s32 $0x7CA800, s10;
	_ =	strace $0x9000004E  }
0x19: {  	s10 =	sadd.s32 s15, s11;
	_ =	strace $0x8000004F  }
0x1a: {  	[hbm4b:s10+s2] =	stream.linear.scatter [tilespmem:s8], [sflag:$0x3], $0xC800, $0x200038;
	[tilespmem:$0x19640] =	vst v63  }
0x1b: {  	_ =	strace $0x9000004F  }
0x1c: {  	s11 =	sadd.s32 $0xC8, s16;
	_ =	strace $0x8000004C  }
0x1d: {  	[tilespmem:s2], [sflag:$0x1] =	stream.linear.gather [hbm4b:s11+s2], $0x320, $0x200038;
	[tilespmem:$0x19640] =	vst v63  }
0x1e: {  	_ =	strace $0x9000004C  }
0x1f: {  	s12 =	simm.s32 $0x2;
	_ =	strace $0x8000004D  }
0x20: {  	_ =	swait.ge [sflag:s12], $0x320  }
0x21: {  	[sflag:s12] =	ssyncset.done $0x0  }
0x22: {  	[sflag:s12] =	ssyncadd.s32 $0xFFFFFCE0  }
0x23: {  	_ =	strace $0x9000004D  }
0x24: {  	s13 =	simm.s32 $0xCE40;
	_ =	strace $0x8000004E  }
0x25: {  	[tilespmem:s13], [sflag:$0x5] =	stream.indirect.gather [hbm4b:s7+s5], $0x40, s5, s5, $0x2000b8;
	[tilespmem:$0x19640] =	vst v63  }
0x26: {  	s14 =	smul.u32 $0x32000, s14;
	_ =	swait.ge [sflag:s9], $0xC800  }
0x27: {  	[sflag:s9] =	ssyncset.done $0x0  }
0x28: {  	s14 =	sshrl.u32 s14, $0x3;
	[sflag:s9] =	ssyncadd.s32 $0xFFFF3800  }
0x29: {  	s19 =	sadd.s32 s15, s14;
	_ =	strace $0x9000004E  }
0x2a: {  	s14 =	sadd.s32 $0x1900, s19;
	_ =	strace $0x8000004F  }
0x2b: {  	[hbm4b:s14+s2] =	stream.linear.scatter [tilespmem:s13], [sflag:$0x4], $0xC800, $0x200038;
	[tilespmem:$0x19640] =	vst v63  }
0x2c: {  	_ =	strace $0x9000004F  }
0x2d: {  	s15 =	simm.s32 $0x3;
	_ =	strace $0x80000050  }
0x2e: {  	_ =	swait.ge [sflag:s15], $0xC800  }
0x2f: {  	[sflag:s15] =	ssyncset.done $0x0  }
0x30: {  	[sflag:s15] =	ssyncadd.s32 $0xFFFF3800  }
0x31: {  	_ =	strace $0x90000050  }
0x32: {  	s16 =	sadd.s32 $0x12C, s16;
	_ =	strace $0x8000004C  }
0x33: {  	[tilespmem:s5], [sflag:$0x2] =	stream.linear.gather [hbm4b:s16+s2], $0x320, $0x200038;
	[tilespmem:$0x19640] =	vst v63  }
0x34: {  	_ =	strace $0x9000004C  }
0x35: {  	_ =	strace $0x8000004D  }
0x36: {  	_ =	swait.ge [sflag:s6], $0x320  }
0x37: {  	[sflag:s6] =	ssyncset.done $0x0  }
0x38: {  	[sflag:s6] =	ssyncadd.s32 $0xFFFFFCE0  }
0x39: {  	_ =	strace $0x9000004D  }
0x3a: {  	_ =	strace $0x8000004E  }
0x3b: {  	[tilespmem:s8], [sflag:$0x5] =	stream.indirect.gather [hbm4b:s7+s5], $0x40, s2, s5, $0x2000b8;
	[tilespmem:$0x19640] =	vst v63  }
0x3c: {  	_ =	swait.ge [sflag:s9], $0xC800  }
0x3d: {  	[sflag:s9] =	ssyncset.done $0x0  }
0x3e: {  	[sflag:s9] =	ssyncadd.s32 $0xFFFF3800  }
0x3f: {  	_ =	strace $0x9000004E  }
0x40: {  	s17 =	sadd.s32 $0x3200, s19;
	_ =	strace $0x8000004F  }
0x41: {  	[hbm4b:s17+s2] =	stream.linear.scatter [tilespmem:s8], [sflag:$0x3], $0xC800, $0x200038;
	[tilespmem:$0x19640] =	vst v63  }
0x42: {  	_ =	strace $0x9000004F  }
0x43: {  	s18 =	simm.s32 $0x4;
	_ =	strace $0x80000050  }
0x44: {  	_ =	swait.ge [sflag:s18], $0xC800  }
0x45: {  	[sflag:s18] =	ssyncset.done $0x0  }
0x46: {  	[sflag:s18] =	ssyncadd.s32 $0xFFFF3800  }
0x47: {  	_ =	strace $0x90000050  }
0x48: {  	_ =	strace $0x8000004D  }
0x49: {  	_ =	swait.ge [sflag:s12], $0x320  }
0x4a: {  	[sflag:s12] =	ssyncset.done $0x0  }
0x4b: {  	[sflag:s12] =	ssyncadd.s32 $0xFFFFFCE0  }
0x4c: {  	_ =	strace $0x9000004D  }
0x4d: {  	_ =	strace $0x8000004E  }
0x4e: {  	[tilespmem:s13], [sflag:$0x5] =	stream.indirect.gather [hbm4b:s7+s5], $0x40, s5, s5, $0x2000b8;
	[tilespmem:$0x19640] =	vst v63  }
0x4f: {  	_ =	swait.ge [sflag:s9], $0xC800  }
0x50: {  	[sflag:s9] =	ssyncset.done $0x0  }
0x51: {  	[sflag:s9] =	ssyncadd.s32 $0xFFFF3800  }
0x52: {  	_ =	strace $0x9000004E  }
0x53: {  	s19 =	sadd.s32 $0x4B00, s19;
	_ =	strace $0x8000004F  }
0x54: {  	[hbm4b:s19+s2] =	stream.linear.scatter [tilespmem:s13], [sflag:$0x4], $0xC800, $0x200038;
	[tilespmem:$0x19640] =	vst v63  }
0x55: {  	s20 =	ssub.s32 $0x2, s20;
	_ =	strace $0x9000004F  }
0x56: {  	s21 =	sshrl.u32 s20, $0x1;
	_ =	strace $0x80000050  }
0x57: {  	s20 =	ssub.s32 s20, s21;
	_ =	swait.ge [sflag:s15], $0xC800  }
0x58: {  	s20 =	smax.u32 s20, $0x1;
	[sflag:s15] =	ssyncset.done $0x0  }
0x59: {  	p0 =	sne.s32 s20, $0x1;
	[sflag:s15] =	ssyncadd.s32 $0xFFFF3800  }
.Ltmp0:
0x5a: {  	_ =	strace $0x90000050;
	(pc) =	sbr.rel @!p0 .LBB2_2-.Ltmp0, $4  }
0x5b: {  	_ =	strace $0x80000051  }
0x5c: {  	_ =	swait.ge [sflag:s18], $0xC800  }
0x5d: {  	[sflag:s18] =	ssyncset.done $0x0  }
0x5e: {  	s20 =	sadd.s32 $0xFFFFFFFF, s20;
	[sflag:s18] =	ssyncadd.s32 $0xFFFF3800  }
.LBB2_1:
0x5f: {  	p0 =	sne.s32 s20, $0x1;
	s20 =	sadd.s32 $0xFFFFFFFF, s20;
	_ =	strace $0x90000051  }
0x60: {  	_ =	strace $0x8000004B  }
0x61: {  	[tilespmem:s2], [sflag:$0x1] =	stream.linear.gather [hbm4b:s3+s2], $0x320, $0x200038;
	[tilespmem:$0x19640] =	vst v63  }
0x62: {  	_ =	strace $0x9000004B  }
0x63: {  	_ =	strace $0x8000004C  }
0x64: {  	[tilespmem:s5], [sflag:$0x2] =	stream.linear.gather [hbm4b:s4+s2], $0x320, $0x200038;
	[tilespmem:$0x19640] =	vst v63  }
0x65: {  	_ =	strace $0x9000004C  }
0x66: {  	_ =	strace $0x8000004D  }
0x67: {  	_ =	swait.ge [sflag:s6], $0x320  }
0x68: {  	[sflag:s6] =	ssyncset.done $0x0  }
0x69: {  	[sflag:s6] =	ssyncadd.s32 $0xFFFFFCE0  }
0x6a: {  	_ =	strace $0x9000004D  }
0x6b: {  	_ =	strace $0x8000004E  }
0x6c: {  	[tilespmem:s8], [sflag:$0x5] =	stream.indirect.gather [hbm4b:s7+s5], $0x40, s2, s5, $0x2000b8;
	[tilespmem:$0x19640] =	vst v63  }
0x6d: {  	_ =	swait.ge [sflag:s9], $0xC800  }
0x6e: {  	[sflag:s9] =	ssyncset.done $0x0  }
0x6f: {  	[sflag:s9] =	ssyncadd.s32 $0xFFFF3800  }
0x70: {  	_ =	strace $0x9000004E  }
0x71: {  	_ =	strace $0x8000004F  }
0x72: {  	[hbm4b:s10+s2] =	stream.linear.scatter [tilespmem:s8], [sflag:$0x3], $0xC800, $0x200038;
	[tilespmem:$0x19640] =	vst v63  }
0x73: {  	_ =	strace $0x9000004F  }
0x74: {  	_ =	strace $0x8000004C  }
0x75: {  	[tilespmem:s2], [sflag:$0x1] =	stream.linear.gather [hbm4b:s11+s2], $0x320, $0x200038;
	[tilespmem:$0x19640] =	vst v63  }
0x76: {  	_ =	strace $0x9000004C  }
0x77: {  	_ =	strace $0x8000004D  }
0x78: {  	_ =	swait.ge [sflag:s12], $0x320  }
0x79: {  	[sflag:s12] =	ssyncset.done $0x0  }
0x7a: {  	[sflag:s12] =	ssyncadd.s32 $0xFFFFFCE0  }
0x7b: {  	_ =	strace $0x9000004D  }
0x7c: {  	_ =	strace $0x8000004E  }
0x7d: {  	[tilespmem:s13], [sflag:$0x5] =	stream.indirect.gather [hbm4b:s7+s5], $0x40, s5, s5, $0x2000b8;
	[tilespmem:$0x19640] =	vst v63  }
0x7e: {  	_ =	swait.ge [sflag:s9], $0xC800  }
0x7f: {  	[sflag:s9] =	ssyncset.done $0x0  }
0x80: {  	[sflag:s9] =	ssyncadd.s32 $0xFFFF3800  }
0x81: {  	_ =	strace $0x9000004E  }
0x82: {  	_ =	strace $0x8000004F  }
0x83: {  	[hbm4b:s14+s2] =	stream.linear.scatter [tilespmem:s13], [sflag:$0x4], $0xC800, $0x200038;
	[tilespmem:$0x19640] =	vst v63  }
0x84: {  	_ =	strace $0x9000004F  }
0x85: {  	_ =	strace $0x80000050  }
0x86: {  	_ =	swait.ge [sflag:s15], $0xC800  }
0x87: {  	[sflag:s15] =	ssyncset.done $0x0  }
0x88: {  	[sflag:s15] =	ssyncadd.s32 $0xFFFF3800  }
0x89: {  	_ =	strace $0x90000050  }
0x8a: {  	_ =	strace $0x8000004C  }
0x8b: {  	[tilespmem:s5], [sflag:$0x2] =	stream.linear.gather [hbm4b:s16+s2], $0x320, $0x200038;
	[tilespmem:$0x19640] =	vst v63  }
0x8c: {  	_ =	strace $0x9000004C  }
0x8d: {  	_ =	strace $0x8000004D  }
0x8e: {  	_ =	swait.ge [sflag:s6], $0x320  }
0x8f: {  	[sflag:s6] =	ssyncset.done $0x0  }
0x90: {  	[sflag:s6] =	ssyncadd.s32 $0xFFFFFCE0  }
0x91: {  	_ =	strace $0x9000004D  }
0x92: {  	_ =	strace $0x8000004E  }
0x93: {  	[tilespmem:s8], [sflag:$0x5] =	stream.indirect.gather [hbm4b:s7+s5], $0x40, s2, s5, $0x2000b8;
	[tilespmem:$0x19640] =	vst v63  }
0x94: {  	_ =	swait.ge [sflag:s9], $0xC800  }
0x95: {  	[sflag:s9] =	ssyncset.done $0x0  }
0x96: {  	[sflag:s9] =	ssyncadd.s32 $0xFFFF3800  }
0x97: {  	_ =	strace $0x9000004E  }
0x98: {  	_ =	strace $0x8000004F  }
0x99: {  	[hbm4b:s17+s2] =	stream.linear.scatter [tilespmem:s8], [sflag:$0x3], $0xC800, $0x200038;
	[tilespmem:$0x19640] =	vst v63  }
0x9a: {  	_ =	strace $0x9000004F  }
0x9b: {  	_ =	strace $0x80000050  }
0x9c: {  	_ =	swait.ge [sflag:s18], $0xC800  }
0x9d: {  	[sflag:s18] =	ssyncset.done $0x0  }
0x9e: {  	[sflag:s18] =	ssyncadd.s32 $0xFFFF3800  }
0x9f: {  	_ =	strace $0x90000050  }
0xa0: {  	_ =	strace $0x8000004D  }
0xa1: {  	_ =	swait.ge [sflag:s12], $0x320  }
0xa2: {  	[sflag:s12] =	ssyncset.done $0x0  }
0xa3: {  	[sflag:s12] =	ssyncadd.s32 $0xFFFFFCE0  }
0xa4: {  	_ =	strace $0x9000004D  }
0xa5: {  	_ =	strace $0x8000004E  }
0xa6: {  	[tilespmem:s13], [sflag:$0x5] =	stream.indirect.gather [hbm4b:s7+s5], $0x40, s5, s5, $0x2000b8;
	[tilespmem:$0x19640] =	vst v63  }
0xa7: {  	_ =	swait.ge [sflag:s9], $0xC800  }
0xa8: {  	[sflag:s9] =	ssyncset.done $0x0  }
0xa9: {  	[sflag:s9] =	ssyncadd.s32 $0xFFFF3800  }
0xaa: {  	_ =	strace $0x9000004E  }
0xab: {  	_ =	strace $0x8000004F  }
0xac: {  	[hbm4b:s19+s2] =	stream.linear.scatter [tilespmem:s13], [sflag:$0x4], $0xC800, $0x200038;
	[tilespmem:$0x19640] =	vst v63  }
0xad: {  	_ =	strace $0x9000004F  }
0xae: {  	_ =	strace $0x80000050  }
0xaf: {  	_ =	swait.ge [sflag:s15], $0xC800  }
0xb0: {  	[sflag:s15] =	ssyncset.done $0x0  }
0xb1: {  	[sflag:s15] =	ssyncadd.s32 $0xFFFF3800  }
.Ltmp1:
0xb2: {  	_ =	strace $0x90000050;
	(pc) =	sbr.rel @p0 .LBB2_1-.Ltmp1, $4  }
0xb3: {  	_ =	strace $0x80000051  }
0xb4: {  	_ =	swait.ge [sflag:s18], $0xC800  }
0xb5: {  	[sflag:s18] =	ssyncset.done $0x0  }
0xb6: {  	[sflag:s18] =	ssyncadd.s32 $0xFFFF3800  }
.LBB2_2:
0xb7: {  	_ =	strace $0x90000051  }
0xb8: {  	_ =	sfence.sel $0x180000  }
0xb9: {  	[bflag:$0x0] =	sbarrier.arrive $0xFFFF  }
0xba: {  	p0 =	sne.s32 s0, $0x0;
	_ =	strace $0x9000004A  }
0xbb: {  	s0 =	sadd.s32 @!p0 $0x100000, s1;
	[bflag:$0x2] =	sbarrier.arrive $0xFFFF  }
0xbc: {  	[sflag:s0] =	ssyncadd.tile.s32 @!p0 $0x1;
	_ =	shalt  }
.Lfunc_end2:
_tile_overlayer_lowered:
.L_overlay_start_2:
0xbd: {  	(tag) =	ssettag $0x2  }
0xbe: {  	s0 =	rddreg [dreg:$0x0];
	s2 =	stileid.u32  }
0xbf: {  	s1 =	rddreg [dreg:$0x1];
	p0 =	sne.s32 s2, $0x0  }
0xc0: {  	s3 =	rddreg [dreg:$0x2];
	[bflag:$0x3] =	sbarrier.arrive $0xFFFF;
	s2 =	simm.s32 @!p0 $0x1C01  }
0xc1: {  	[timem:s3], [sflag:s2] =	dma.local @!p0 [hbm:s0], s1  }
0xc2: {  	s0 =	simm.s32 @!p0 $0x1  }
0xc3: {  	_ =	swait.ge @!p0 [sflag:s0], s1  }
0xc4: {  	s1 =	ssub.s32 @!p0 $0x0, s1;
	[sflag:s0] =	ssyncset.done @!p0 $0x0  }
0xc5: {  	[sflag:s0] =	ssyncadd.s32 @!p0 s1  }
0xc6: {  	[bflag:$0x3] =	sbarrier.arrive $0xFFFF  }
0xc7: {  	_ =	shalt  }

// kernel: kernel.22.cloned.1.call-start
scs
__scs_entry_jumppad:
0x0: {  	(pc) =	sbr.rel $0x88, $3  }
0x1: {  	(tag) =	ssettag $0x0;
	lr =	simm.s32 $0x1  }
0x2: {  	[smem:$0x3F9F] =	sst lr;
	_ =	strace $0xD0000000  }
0x3: {  	_ = 	snop  }
0x4: {  	_ = 	snop  }
0x5: {  	_ = 	snop  }
0x6: {  	_ = 	snop  }
0x7: {  	_ = 	snop  }
__scs_overlays_trampoline_lowered:
0x8: {  	[smem:$0x3FAE] =	sst s0  }
0x9: {  	[smem:$0x3FAF] =	sst s1  }
0xa: {  	[smem:$0x3FB0] =	sst s2  }
0xb: {  	[smem:$0x3FB1] =	sst s3  }
0xc: {  	[smem:$0x3FB2] =	sst s4  }
0xd: {  	[smem:$0x3FB3] =	sst s5  }
0xe: {  	[smem:$0x3FB4] =	sst s6  }
0xf: {  	[smem:$0x3FB5] =	sst s7  }
0x10: {  	[smem:$0x3FB6] =	sst s8  }
0x11: {  	[smem:$0x3FB7] =	sst s9;
	s0 =	simm.s32 @!p0 $0x0  }
0x12: {  	s1 =	sld [smem:$0x3F9D];
	s0 =	simm.s32 @p0 $0x1  }
0x13: {  	[smem:$0x3FB8] =	sst s0;
	s0 =	simm.s32 @!p1 $0x0  }
0x14: {  	s2 =	sld [smem:$0x3F9C];
	s0 =	simm.s32 @p1 $0x1  }
0x15: {  	[smem:$0x3FB9] =	sst s0;
	s0 =	simm.s32 @!p2 $0x0  }
0x16: {  	s3 =	sld [smem:$0x3FDB];
	s0 =	simm.s32 @p2 $0x1  }
0x17: {  	s4 =	simm.s32 $0x1BF5;
	[smem:$0x3FBB] =	sst s0  }
0x18: {  	s0 =	sld [smem:$0x3F9E];
	_ =	swait.ge [sflag:s4], $0x0  }
0x19: {  	s7 =	sld [smem:$0x3F9F]  }
0x1a: {  	s8 =	sadd.s32 $0xFFFFE003, lr  }
0x1b: {  	s9 =	sadd.s32 $0xFFFFFEF7, lr;
	s5 =	simm.s32 $0xFFFFFFFF;
	p2 =	slt.u32 s8, $0xFFFFF086  }
0x1c: {  	p1 =	slt.u32 s9, $0xF7A;
	s5 =	simm.s32 @!p2 $0x0  }
0x1d: {  	s5 =	simm.s32 @p1 $0x1;
	p0 =	seq.s32 s7, s2  }
0x1e: {  	s7 =	smul.u32 @!p0 $0xF7A, s2;
	p2 =	seq.s32 @!p0 s5, $0x0  }
0x1f: {  	s9 =	smul.u32 $0xF7A, s1;
	s8 =	simm.s32 @!p0 $0x1BF5;
	p2 =	por !p2, p0  }
0x20: {  	[sflag:s8] =	ssyncset.s32 @!p0 $0xFFFFF086;
	s6 =	sadd.s32 @!p0 s3, s7;
	s7 =	simm.s32 @!p0 $0x108  }
0x21: {  	s3 =	sadd.s32 s3, s9;
	s6 =	sadd.s32 @!p0 $0x88, s6;
	s7 =	simm.s32 @p2 $0x1082  }
0x22: {  	[simem:s7], [sflag:s8] =	dma.local @!p0 [hbm:s6], $0xF7A  }
0x23: {  	s9 =	sor.u32 $0xD0000000, s2;
	s6 =	simm.s32 $0x108;
	_ =	swait.ge @!p0 [sflag:s8], $0x0  }
0x24: {  	s3 =	sadd.s32 $0x88, s3;
	s6 =	simm.s32 @!p1 $0x1082;
	[sflag:s4] =	ssyncset.s32 $0xFFFFF086  }
0x25: {  	[simem:s6], [sflag:s4] =	dma.local [hbm:s3], $0xF7A  }
0x26: {  	[smem:$0x3F9F] =	sst s1;
	(tag) =	ssettag s2;
	_ =	strace s9  }
0x27: {  	s1 =	sld [smem:$0x3FAF]  }
0x28: {  	s2 =	sld [smem:$0x3FB0]  }
0x29: {  	s4 =	sld [smem:$0x3FB2]  }
0x2a: {  	p0 =	seq.s32 s5, $0x0;
	s5 =	sld [smem:$0x3FB3]  }
0x2b: {  	s6 =	sld [smem:$0x3FB4]  }
0x2c: {  	s7 =	sld [smem:$0x3FB5]  }
0x2d: {  	s3 =	simm.s32 $0x108;
	s8 =	sld [smem:$0x3FB6]  }
0x2e: {  	s3 =	simm.s32 @!p0 $0x1082;
	s9 =	sld [smem:$0x3FB7]  }
0x2f: {  	lr =	sadd.s32 s0, s3;
	s0 =	sld [smem:$0x3FAE]  }
0x30: {  	s3 =	sld [smem:$0x3FB1]  }
0x31: {  	[smem:$0x3FBA] =	sst s10  }
0x32: {  	s10 =	sld [smem:$0x3FB8];
	_ =	sdelay $0x3  }
0x33: {  	p0 =	seq.s32 s10, $0x1;
	s10 =	sld [smem:$0x3FBA];
	_ =	sdelay $0x3  }
0x34: {  	[smem:$0x3FBA] =	sst s10  }
0x35: {  	s10 =	sld [smem:$0x3FB9];
	_ =	sdelay $0x3  }
0x36: {  	p1 =	seq.s32 s10, $0x1;
	s10 =	sld [smem:$0x3FBA];
	_ =	sdelay $0x3  }
0x37: {  	[smem:$0x3FBA] =	sst s10  }
0x38: {  	s10 =	sld [smem:$0x3FBB]  }
0x39: {  	_ = 	snop;
	(pc) =	sbr.ind lr, $3  }
0x3a: {  	_ = 	snop  }
0x3b: {  	_ = 	snop  }
0x3c: {  	p2 =	seq.s32 s10, $0x1;
	s10 =	sld [smem:$0x3FBA]  }
0x3d: {  	_ =	shalt  }
0x3e: {  	_ =	shalt  }
0x3f: {  	_ =	shalt  }
0x40: {  	_ =	shalt  }
0x41: {  	_ =	shalt  }
0x42: {  	_ =	shalt  }
0x43: {  	_ =	shalt  }
0x44: {  	_ =	shalt  }
0x45: {  	_ =	shalt  }
0x46: {  	_ =	shalt  }
0x47: {  	_ =	shalt  }
0x48: {  	_ =	shalt  }
0x49: {  	_ =	shalt  }
0x4a: {  	_ =	shalt  }
0x4b: {  	_ =	shalt  }
0x4c: {  	_ =	shalt  }
0x4d: {  	_ =	shalt  }
0x4e: {  	_ =	shalt  }
0x4f: {  	_ =	shalt  }
0x50: {  	_ =	shalt  }
0x51: {  	_ =	shalt  }
0x52: {  	_ =	shalt  }
0x53: {  	_ =	shalt  }
0x54: {  	_ =	shalt  }
0x55: {  	_ =	shalt  }
0x56: {  	_ =	shalt  }
0x57: {  	_ =	shalt  }
0x58: {  	_ =	shalt  }
0x59: {  	_ =	shalt  }
0x5a: {  	_ =	shalt  }
0x5b: {  	_ =	shalt  }
0x5c: {  	_ =	shalt  }
0x5d: {  	_ =	shalt  }
0x5e: {  	_ =	shalt  }
0x5f: {  	_ =	shalt  }
0x60: {  	_ =	shalt  }
0x61: {  	_ =	shalt  }
0x62: {  	_ =	shalt  }
0x63: {  	_ =	shalt  }
0x64: {  	_ =	shalt  }
0x65: {  	_ =	shalt  }
0x66: {  	_ =	shalt  }
0x67: {  	_ =	shalt  }
0x68: {  	_ =	shalt  }
0x69: {  	_ =	shalt  }
0x6a: {  	_ =	shalt  }
0x6b: {  	_ =	shalt  }
0x6c: {  	_ =	shalt  }
0x6d: {  	_ =	shalt  }
0x6e: {  	_ =	shalt  }
0x6f: {  	_ =	shalt  }
0x70: {  	_ =	shalt  }
0x71: {  	_ =	shalt  }
0x72: {  	_ =	shalt  }
0x73: {  	_ =	shalt  }
0x74: {  	_ =	shalt  }
0x75: {  	_ =	shalt  }
0x76: {  	_ =	shalt  }
0x77: {  	_ =	shalt  }
0x78: {  	_ =	shalt  }
0x79: {  	_ =	shalt  }
0x7a: {  	_ =	shalt  }
0x7b: {  	_ =	shalt  }
0x7c: {  	_ =	shalt  }
0x7d: {  	_ =	shalt  }
0x7e: {  	_ =	shalt  }
0x7f: {  	_ =	shalt  }
0x80: {  	_ =	shalt  }
0x81: {  	_ =	shalt  }
0x82: {  	_ =	shalt  }
0x83: {  	_ =	shalt  }
0x84: {  	_ =	shalt  }
0x85: {  	_ =	shalt  }
0x86: {  	_ =	shalt  }
0x87: {  	_ =	shalt  }
.Lfunc_end0:
.L_simem_size_0:
called_computation.2_lowered:
.L_overlay_start_0:
0x88: {  	s2 =	sld [smem:$0x3FD9]  }
0x89: {  	s3 =	sld [smem:$0x3FFE];
	_ =	sdelay $0x1  }
0x8a: {  	s1 =	srdreg.scid  }
0x8b: {  	s0 =	sand.u32 $0x1, s1  }
0x8c: {  	s17 =	sshll.u32 s0, $0xA;
	s2 =	sadd.s32 s3, s2  }
0x8d: {  	s2 =	sadd.s32 s2, s17  }
0x8e: {  	[smem:$0x3FC6] =	sst s2  }
0x8f: {  	_ = 	snop  }
0x90: {  	(tm) =	ssettm $0x1  }
0x91: {  	s18 =	sld [smem:$0x3FFB];
	_ =	sdelay $0x3  }
0x92: {  	_ =	strace s18  }
0x93: {  	s2 =	sld [smem:$0x3FFC];
	_ =	sdelay $0x3  }
0x94: {  	_ =	strace s2  }
0x95: {  	s2 =	sld [smem:$0x3FFD];
	_ =	sdelay $0x3  }
0x96: {  	_ =	strace s2  }
0x97: {  	_ =	strace $0x8FFFFFFF  }
0x98: {  	s19 =	sld [smem:$0x3FDB];
	_ =	sdelay $0x1  }
0x99: {  	s20 =	simm.s32 $_scs_section_size  }
0x9a: {  	s4 =	simm.s32 $_size__tile_overlayer_lowered;
	s5 =	simm.s32 $_tile_overlayer_lowered  }
0x9b: {  	s6 =	simm.s32 $0x1BFF;
	s21 =	sshll.u32 s5, $0x1;
	s3 =	sadd.s32 s20, s19  }
0x9c: {  	s22 =	simm.s32 $0x0;
	s4 =	sshll.u32 s4, $0x1;
	s5 =	sadd.s32 s21, s3  }
0x9d: {  	[timem:s22], [sflag:s6] =	dma.local [hbm:s5], s4  }
0x9e: {  	_ =	swait.ge [sflag:s6], s4  }
0x9f: {  	s4 =	ssub.s32 $0x0, s4;
	[sflag:s6] =	ssyncset.done $0x0  }
0xa0: {  	[sflag:s6] =	ssyncadd.s32 s4;
	_ =	sdelay $0x1  }
0xa1: {  	s23 =	simm.s32 $0x1B8B  }
0xa2: {  	_ =	swait.ge [sflag:s23], $0x1  }
0xa3: {  	[sflag:s23] =	ssyncset.done $0x0  }
0xa4: {  	[sflag:s23] =	ssyncadd.s32 $0xFFFFFFFF  }
0xa5: {  	s4 =	sld [smem:$0x0]  }
0xa6: {  	s5 =	sand.u32 $0xFFFFFFFE, s1  }
0xa7: {  	p0 =	sne.s32 s1, s5  }
0xa8: {  	s5 =	sshll.u32 @p0 s5, $0xE  }
0xa9: {  	s5 =	sadd.s32 @p0 $0x11B8D, s5;
	s6 =	sshll.u32 @p0 s4, $0x11  }
0xaa: {  	s5 =	sor.u32 @p0 s6, s5  }
0xab: {  	[sflag:s5] =	ssyncadd.remote.s32 @p0 $0x1;
	_ =	sdelay $0x1  }
0xac: {  	s5 =	simm.s32 @p0 $0x1B8D  }
0xad: {  	_ =	swait.eq @p0 [sflag:s5], $0x1  }
0xae: {  	[sflag:s5] =	ssyncadd.s32 @p0 $0xFFFFFFFF  }
0xaf: {  	s6 =	sshll.u32 @!p0 s1, $0xE  }
0xb0: {  	s6 =	sor.u32 @!p0 $0x4000, s6;
	s5 =	simm.s32 @!p0 $0x1B8D  }
0xb1: {  	s4 =	sshll.u32 @!p0 s4, $0x11;
	s6 =	sadd.s32 @!p0 $0x11B8D, s6;
	_ =	swait.eq @!p0 [sflag:s5], $0x1  }
0xb2: {  	s4 =	sor.u32 @!p0 s4, s6;
	[sflag:s5] =	ssyncadd.s32 @!p0 $0xFFFFFFFF  }
0xb3: {  	s25 =	simm.s32 $0x1B8E;
	s24 =	sld [smem:$0x3FFE];
	[sflag:s4] =	ssyncadd.remote.s32 @!p0 $0x1  }
0xb4: {  	s26 =	simm.s32 $execute0_lowered;
	[smem:$0x3FD2] =	sst s25  }
0xb5: {  	s5 =	sshll.u32 s26, $0x1;
	_ =	strace $0x80000053;
	[dreg:$0x1] =	wrdreg $0xFFFFFFFF  }
0xb6: {  	s28 =	simm.s32 $_size_execute0_lowered;
	s3 =	sadd.s32 s3, s5;
	[dreg:$0x0] =	wrdreg $0x0  }
0xb7: {  	s5 =	sshll.u32 s28, $0x1;
	[dreg:$0x2] =	wrdreg s3  }
0xb8: {  	[dreg:$0x3] =	wrdreg s5  }
0xb9: {  	[dreg:$0x4] =	wrdreg $0xC0  }
0xba: {  	_ =	task [dreg:s22], $0x5FFFF  }
0xbb: {  	[dreg:$0x1] =	wrdreg $0xFFFFFFFF  }
0xbc: {  	[dreg:$0x0] =	wrdreg $0x60  }
0xbd: {  	[dreg:$0x2] =	wrdreg s24  }
0xbe: {  	[dreg:$0x3] =	wrdreg $0xA  }
0xbf: {  	_ =	task.clear_ibuf [dreg:s22], $0x4FFFF;
	_ =	strace $0x90000053  }
0xc0: {  	s29 =	simm.s32 $0xA;
	_ =	strace $0x8000005C  }
0xc1: {  	_ =	swait.ge [sflag:s29], $0x1  }
0xc2: {  	[sflag:s29] =	ssyncadd.s32 $0xFFFFFFFF  }
0xc3: {  	_ =	strace $0x9000005C  }
0xc4: {  	_ =	sfence  }
0xc5: {  	s30 =	sld [smem:$0x0];
	_ =	sdelay $0x2  }
0xc6: {  	s31 =	sshll.u32 s1, $0xD;
	s1 =	sshrl.u32 s1, $0x2  }
0xc7: {  	s4 =	sand.u32 $0x4000, s31;
	s1 =	sadd.s32 s1, s30  }
0xc8: {  	s0 =	sor.u32 s4, s0;
	s1 =	sshll.u32 s1, $0x11  }
0xc9: {  	s0 =	sor.u32 s1, s0  }
0xca: {  	s0 =	sadd.s32 $0x8F2B, s0  }
0xcb: {  	[sflag:s0] =	ssyncadd.remote.s32 $0x1  }
0xcc: {  	_ =	sfence.sel $0xFFFF  }
0xcd: {  	[dreg:$0x0] =	wrdreg $0xFFFFFFFF;
	(pc) =	sbr.abs _section_cstart, $3  }
0xce: {  	[dreg:$0x1] =	wrdreg $0xFFFFFFFF  }
0xcf: {  	_ =	task.clear_ibuf [dreg:s22], $0x2FFFF;
	_ =	strace $0x9FFFFFFF  }
0xd0: {  	(tm) =	ssettm $0x7FFFFFFF  }
0xd1: {  	_ =	shalt  }
tec
execute0_lowered:
.L_overlay_start_1:
0x0: {  	(tag) =	ssettag $0x1  }
0x1: {  	s0 =	srdreg.scid  }
0x2: {  	s20 =	sand.u32 $0x1, s0  }
0x3: {  	s0 =	stileid.u32;
	s1 =	sshll.u32 s20, $0x4  }
0x4: {  	s14 =	sor.u32 s0, s1  }
0x5: {  	s10 =	rddreg [dreg:$0x0];
	s2 =	simm.s32 $0x0;
	s3 =	smul.u32 $0x190, s14  }
0x6: {  	[smem:$0x7FF] =	sst s2;
	s4 =	smul.u32 $0xC80, s14  }
0x7: {  	s5 =	sadd.s32 $0x2600, s10;
	s1 =	rddreg [dreg:$0x1];
	_ =	strace $0x80000054  }
0x8: {  	_ =	strace $0x80000055;
	s3 =	sadd.s32 s5, s3;
	s4 =	sshrl.u32 s4, $0x3  }
0x9: {  	[tilespmem:s2], [sflag:$0x1] =	stream.linear.gather [hbm4b:s3+s2], $0x320, $0x200038;
	[tilespmem:$0x19640] =	vst v63  }
0xa: {  	s16 =	sadd.s32 s5, s4;
	_ =	strace $0x90000055  }
0xb: {  	s5 =	simm.s32 $0x320;
	s4 =	sadd.s32 $0x64, s16;
	_ =	strace $0x80000056  }
0xc: {  	[tilespmem:s5], [sflag:$0x2] =	stream.linear.gather [hbm4b:s4+s2], $0x320, $0x200038;
	[tilespmem:$0x19640] =	vst v63  }
0xd: {  	_ =	strace $0x90000056  }
0xe: {  	s6 =	simm.s32 $0x1;
	_ =	strace $0x80000057  }
0xf: {  	_ =	swait.ge [sflag:s6], $0x320  }
0x10: {  	[sflag:s6] =	ssyncset.done $0x0  }
0x11: {  	[sflag:s6] =	ssyncadd.s32 $0xFFFFFCE0  }
0x12: {  	s8 =	simm.s32 $0x640;
	_ =	strace $0x90000057  }
0x13: {  	s9 =	simm.s32 $0x5;
	s7 =	sadd.s32 $0x22800, s10;
	_ =	strace $0x80000058  }
0x14: {  	[tilespmem:s8], [sflag:$0x5] =	stream.indirect.gather [hbm4b:s7+s5], $0x40, s2, s5, $0x2000b8;
	[tilespmem:$0x19640] =	vst v63  }
0x15: {  	_ =	swait.ge [sflag:s9], $0xC800  }
0x16: {  	[sflag:s9] =	ssyncset.done $0x0  }
0x17: {  	s11 =	smul.u32 $0x6400, s14;
	[sflag:s9] =	ssyncadd.s32 $0xFFFF3800  }
0x18: {  	s15 =	sadd.s32 $0x892800, s10;
	_ =	strace $0x90000058  }
0x19: {  	s10 =	sadd.s32 s15, s11;
	_ =	strace $0x80000059  }
0x1a: {  	[hbm4b:s10+s2] =	stream.linear.scatter [tilespmem:s8], [sflag:$0x3], $0xC800, $0x200038;
	[tilespmem:$0x19640] =	vst v63  }
0x1b: {  	_ =	strace $0x90000059  }
0x1c: {  	s11 =	sadd.s32 $0xC8, s16;
	_ =	strace $0x80000056  }
0x1d: {  	[tilespmem:s2], [sflag:$0x1] =	stream.linear.gather [hbm4b:s11+s2], $0x320, $0x200038;
	[tilespmem:$0x19640] =	vst v63  }
0x1e: {  	_ =	strace $0x90000056  }
0x1f: {  	s12 =	simm.s32 $0x2;
	_ =	strace $0x80000057  }
0x20: {  	_ =	swait.ge [sflag:s12], $0x320  }
0x21: {  	[sflag:s12] =	ssyncset.done $0x0  }
0x22: {  	[sflag:s12] =	ssyncadd.s32 $0xFFFFFCE0  }
0x23: {  	_ =	strace $0x90000057  }
0x24: {  	s13 =	simm.s32 $0xCE40;
	_ =	strace $0x80000058  }
0x25: {  	[tilespmem:s13], [sflag:$0x5] =	stream.indirect.gather [hbm4b:s7+s5], $0x40, s5, s5, $0x2000b8;
	[tilespmem:$0x19640] =	vst v63  }
0x26: {  	s14 =	smul.u32 $0x32000, s14;
	_ =	swait.ge [sflag:s9], $0xC800  }
0x27: {  	[sflag:s9] =	ssyncset.done $0x0  }
0x28: {  	s14 =	sshrl.u32 s14, $0x3;
	[sflag:s9] =	ssyncadd.s32 $0xFFFF3800  }
0x29: {  	s19 =	sadd.s32 s15, s14;
	_ =	strace $0x90000058  }
0x2a: {  	s14 =	sadd.s32 $0x1900, s19;
	_ =	strace $0x80000059  }
0x2b: {  	[hbm4b:s14+s2] =	stream.linear.scatter [tilespmem:s13], [sflag:$0x4], $0xC800, $0x200038;
	[tilespmem:$0x19640] =	vst v63  }
0x2c: {  	_ =	strace $0x90000059  }
0x2d: {  	s15 =	simm.s32 $0x3;
	_ =	strace $0x8000005A  }
0x2e: {  	_ =	swait.ge [sflag:s15], $0xC800  }
0x2f: {  	[sflag:s15] =	ssyncset.done $0x0  }
0x30: {  	[sflag:s15] =	ssyncadd.s32 $0xFFFF3800  }
0x31: {  	_ =	strace $0x9000005A  }
0x32: {  	s16 =	sadd.s32 $0x12C, s16;
	_ =	strace $0x80000056  }
0x33: {  	[tilespmem:s5], [sflag:$0x2] =	stream.linear.gather [hbm4b:s16+s2], $0x320, $0x200038;
	[tilespmem:$0x19640] =	vst v63  }
0x34: {  	_ =	strace $0x90000056  }
0x35: {  	_ =	strace $0x80000057  }
0x36: {  	_ =	swait.ge [sflag:s6], $0x320  }
0x37: {  	[sflag:s6] =	ssyncset.done $0x0  }
0x38: {  	[sflag:s6] =	ssyncadd.s32 $0xFFFFFCE0  }
0x39: {  	_ =	strace $0x90000057  }
0x3a: {  	_ =	strace $0x80000058  }
0x3b: {  	[tilespmem:s8], [sflag:$0x5] =	stream.indirect.gather [hbm4b:s7+s5], $0x40, s2, s5, $0x2000b8;
	[tilespmem:$0x19640] =	vst v63  }
0x3c: {  	_ =	swait.ge [sflag:s9], $0xC800  }
0x3d: {  	[sflag:s9] =	ssyncset.done $0x0  }
0x3e: {  	[sflag:s9] =	ssyncadd.s32 $0xFFFF3800  }
0x3f: {  	_ =	strace $0x90000058  }
0x40: {  	s17 =	sadd.s32 $0x3200, s19;
	_ =	strace $0x80000059  }
0x41: {  	[hbm4b:s17+s2] =	stream.linear.scatter [tilespmem:s8], [sflag:$0x3], $0xC800, $0x200038;
	[tilespmem:$0x19640] =	vst v63  }
0x42: {  	_ =	strace $0x90000059  }
0x43: {  	s18 =	simm.s32 $0x4;
	_ =	strace $0x8000005A  }
0x44: {  	_ =	swait.ge [sflag:s18], $0xC800  }
0x45: {  	[sflag:s18] =	ssyncset.done $0x0  }
0x46: {  	[sflag:s18] =	ssyncadd.s32 $0xFFFF3800  }
0x47: {  	_ =	strace $0x9000005A  }
0x48: {  	_ =	strace $0x80000057  }
0x49: {  	_ =	swait.ge [sflag:s12], $0x320  }
0x4a: {  	[sflag:s12] =	ssyncset.done $0x0  }
0x4b: {  	[sflag:s12] =	ssyncadd.s32 $0xFFFFFCE0  }
0x4c: {  	_ =	strace $0x90000057  }
0x4d: {  	_ =	strace $0x80000058  }
0x4e: {  	[tilespmem:s13], [sflag:$0x5] =	stream.indirect.gather [hbm4b:s7+s5], $0x40, s5, s5, $0x2000b8;
	[tilespmem:$0x19640] =	vst v63  }
0x4f: {  	_ =	swait.ge [sflag:s9], $0xC800  }
0x50: {  	[sflag:s9] =	ssyncset.done $0x0  }
0x51: {  	[sflag:s9] =	ssyncadd.s32 $0xFFFF3800  }
0x52: {  	_ =	strace $0x90000058  }
0x53: {  	s19 =	sadd.s32 $0x4B00, s19;
	_ =	strace $0x80000059  }
0x54: {  	[hbm4b:s19+s2] =	stream.linear.scatter [tilespmem:s13], [sflag:$0x4], $0xC800, $0x200038;
	[tilespmem:$0x19640] =	vst v63  }
0x55: {  	s20 =	ssub.s32 $0x2, s20;
	_ =	strace $0x90000059  }
0x56: {  	s21 =	sshrl.u32 s20, $0x1;
	_ =	strace $0x8000005A  }
0x57: {  	s20 =	ssub.s32 s20, s21;
	_ =	swait.ge [sflag:s15], $0xC800  }
0x58: {  	s20 =	smax.u32 s20, $0x1;
	[sflag:s15] =	ssyncset.done $0x0  }
0x59: {  	p0 =	sne.s32 s20, $0x1;
	[sflag:s15] =	ssyncadd.s32 $0xFFFF3800  }
.Ltmp0:
0x5a: {  	_ =	strace $0x9000005A;
	(pc) =	sbr.rel @!p0 .LBB2_2-.Ltmp0, $4  }
0x5b: {  	_ =	strace $0x8000005B  }
0x5c: {  	_ =	swait.ge [sflag:s18], $0xC800  }
0x5d: {  	[sflag:s18] =	ssyncset.done $0x0  }
0x5e: {  	s20 =	sadd.s32 $0xFFFFFFFF, s20;
	[sflag:s18] =	ssyncadd.s32 $0xFFFF3800  }
.LBB2_1:
0x5f: {  	p0 =	sne.s32 s20, $0x1;
	s20 =	sadd.s32 $0xFFFFFFFF, s20;
	_ =	strace $0x9000005B  }
0x60: {  	_ =	strace $0x80000055  }
0x61: {  	[tilespmem:s2], [sflag:$0x1] =	stream.linear.gather [hbm4b:s3+s2], $0x320, $0x200038;
	[tilespmem:$0x19640] =	vst v63  }
0x62: {  	_ =	strace $0x90000055  }
0x63: {  	_ =	strace $0x80000056  }
0x64: {  	[tilespmem:s5], [sflag:$0x2] =	stream.linear.gather [hbm4b:s4+s2], $0x320, $0x200038;
	[tilespmem:$0x19640] =	vst v63  }
0x65: {  	_ =	strace $0x90000056  }
0x66: {  	_ =	strace $0x80000057  }
0x67: {  	_ =	swait.ge [sflag:s6], $0x320  }
0x68: {  	[sflag:s6] =	ssyncset.done $0x0  }
0x69: {  	[sflag:s6] =	ssyncadd.s32 $0xFFFFFCE0  }
0x6a: {  	_ =	strace $0x90000057  }
0x6b: {  	_ =	strace $0x80000058  }
0x6c: {  	[tilespmem:s8], [sflag:$0x5] =	stream.indirect.gather [hbm4b:s7+s5], $0x40, s2, s5, $0x2000b8;
	[tilespmem:$0x19640] =	vst v63  }
0x6d: {  	_ =	swait.ge [sflag:s9], $0xC800  }
0x6e: {  	[sflag:s9] =	ssyncset.done $0x0  }
0x6f: {  	[sflag:s9] =	ssyncadd.s32 $0xFFFF3800  }
0x70: {  	_ =	strace $0x90000058  }
0x71: {  	_ =	strace $0x80000059  }
0x72: {  	[hbm4b:s10+s2] =	stream.linear.scatter [tilespmem:s8], [sflag:$0x3], $0xC800, $0x200038;
	[tilespmem:$0x19640] =	vst v63  }
0x73: {  	_ =	strace $0x90000059  }
0x74: {  	_ =	strace $0x80000056  }
0x75: {  	[tilespmem:s2], [sflag:$0x1] =	stream.linear.gather [hbm4b:s11+s2], $0x320, $0x200038;
	[tilespmem:$0x19640] =	vst v63  }
0x76: {  	_ =	strace $0x90000056  }
0x77: {  	_ =	strace $0x80000057  }
0x78: {  	_ =	swait.ge [sflag:s12], $0x320  }
0x79: {  	[sflag:s12] =	ssyncset.done $0x0  }
0x7a: {  	[sflag:s12] =	ssyncadd.s32 $0xFFFFFCE0  }
0x7b: {  	_ =	strace $0x90000057  }
0x7c: {  	_ =	strace $0x80000058  }
0x7d: {  	[tilespmem:s13], [sflag:$0x5] =	stream.indirect.gather [hbm4b:s7+s5], $0x40, s5, s5, $0x2000b8;
	[tilespmem:$0x19640] =	vst v63  }
0x7e: {  	_ =	swait.ge [sflag:s9], $0xC800  }
0x7f: {  	[sflag:s9] =	ssyncset.done $0x0  }
0x80: {  	[sflag:s9] =	ssyncadd.s32 $0xFFFF3800  }
0x81: {  	_ =	strace $0x90000058  }
0x82: {  	_ =	strace $0x80000059  }
0x83: {  	[hbm4b:s14+s2] =	stream.linear.scatter [tilespmem:s13], [sflag:$0x4], $0xC800, $0x200038;
	[tilespmem:$0x19640] =	vst v63  }
0x84: {  	_ =	strace $0x90000059  }
0x85: {  	_ =	strace $0x8000005A  }
0x86: {  	_ =	swait.ge [sflag:s15], $0xC800  }
0x87: {  	[sflag:s15] =	ssyncset.done $0x0  }
0x88: {  	[sflag:s15] =	ssyncadd.s32 $0xFFFF3800  }
0x89: {  	_ =	strace $0x9000005A  }
0x8a: {  	_ =	strace $0x80000056  }
0x8b: {  	[tilespmem:s5], [sflag:$0x2] =	stream.linear.gather [hbm4b:s16+s2], $0x320, $0x200038;
	[tilespmem:$0x19640] =	vst v63  }
0x8c: {  	_ =	strace $0x90000056  }
0x8d: {  	_ =	strace $0x80000057  }
0x8e: {  	_ =	swait.ge [sflag:s6], $0x320  }
0x8f: {  	[sflag:s6] =	ssyncset.done $0x0  }
0x90: {  	[sflag:s6] =	ssyncadd.s32 $0xFFFFFCE0  }
0x91: {  	_ =	strace $0x90000057  }
0x92: {  	_ =	strace $0x80000058  }
0x93: {  	[tilespmem:s8], [sflag:$0x5] =	stream.indirect.gather [hbm4b:s7+s5], $0x40, s2, s5, $0x2000b8;
	[tilespmem:$0x19640] =	vst v63  }
0x94: {  	_ =	swait.ge [sflag:s9], $0xC800  }
0x95: {  	[sflag:s9] =	ssyncset.done $0x0  }
0x96: {  	[sflag:s9] =	ssyncadd.s32 $0xFFFF3800  }
0x97: {  	_ =	strace $0x90000058  }
0x98: {  	_ =	strace $0x80000059  }
0x99: {  	[hbm4b:s17+s2] =	stream.linear.scatter [tilespmem:s8], [sflag:$0x3], $0xC800, $0x200038;
	[tilespmem:$0x19640] =	vst v63  }
0x9a: {  	_ =	strace $0x90000059  }
0x9b: {  	_ =	strace $0x8000005A  }
0x9c: {  	_ =	swait.ge [sflag:s18], $0xC800  }
0x9d: {  	[sflag:s18] =	ssyncset.done $0x0  }
0x9e: {  	[sflag:s18] =	ssyncadd.s32 $0xFFFF3800  }
0x9f: {  	_ =	strace $0x9000005A  }
0xa0: {  	_ =	strace $0x80000057  }
0xa1: {  	_ =	swait.ge [sflag:s12], $0x320  }
0xa2: {  	[sflag:s12] =	ssyncset.done $0x0  }
0xa3: {  	[sflag:s12] =	ssyncadd.s32 $0xFFFFFCE0  }
0xa4: {  	_ =	strace $0x90000057  }
0xa5: {  	_ =	strace $0x80000058  }
0xa6: {  	[tilespmem:s13], [sflag:$0x5] =	stream.indirect.gather [hbm4b:s7+s5], $0x40, s5, s5, $0x2000b8;
	[tilespmem:$0x19640] =	vst v63  }
0xa7: {  	_ =	swait.ge [sflag:s9], $0xC800  }
0xa8: {  	[sflag:s9] =	ssyncset.done $0x0  }
0xa9: {  	[sflag:s9] =	ssyncadd.s32 $0xFFFF3800  }
0xaa: {  	_ =	strace $0x90000058  }
0xab: {  	_ =	strace $0x80000059  }
0xac: {  	[hbm4b:s19+s2] =	stream.linear.scatter [tilespmem:s13], [sflag:$0x4], $0xC800, $0x200038;
	[tilespmem:$0x19640] =	vst v63  }
0xad: {  	_ =	strace $0x90000059  }
0xae: {  	_ =	strace $0x8000005A  }
0xaf: {  	_ =	swait.ge [sflag:s15], $0xC800  }
0xb0: {  	[sflag:s15] =	ssyncset.done $0x0  }
0xb1: {  	[sflag:s15] =	ssyncadd.s32 $0xFFFF3800  }
.Ltmp1:
0xb2: {  	_ =	strace $0x9000005A;
	(pc) =	sbr.rel @p0 .LBB2_1-.Ltmp1, $4  }
0xb3: {  	_ =	strace $0x8000005B  }
0xb4: {  	_ =	swait.ge [sflag:s18], $0xC800  }
0xb5: {  	[sflag:s18] =	ssyncset.done $0x0  }
0xb6: {  	[sflag:s18] =	ssyncadd.s32 $0xFFFF3800  }
.LBB2_2:
0xb7: {  	_ =	strace $0x9000005B  }
0xb8: {  	_ =	sfence.sel $0x180000  }
0xb9: {  	[bflag:$0x0] =	sbarrier.arrive $0xFFFF  }
0xba: {  	p0 =	sne.s32 s0, $0x0;
	_ =	strace $0x90000054  }
0xbb: {  	s0 =	sadd.s32 @!p0 $0x100000, s1;
	[bflag:$0x2] =	sbarrier.arrive $0xFFFF  }
0xbc: {  	[sflag:s0] =	ssyncadd.tile.s32 @!p0 $0x1;
	_ =	shalt  }
.Lfunc_end2:
_tile_overlayer_lowered:
.L_overlay_start_2:
0xbd: {  	(tag) =	ssettag $0x2  }
0xbe: {  	s0 =	rddreg [dreg:$0x0];
	s2 =	stileid.u32  }
0xbf: {  	s1 =	rddreg [dreg:$0x1];
	p0 =	sne.s32 s2, $0x0  }
0xc0: {  	s3 =	rddreg [dreg:$0x2];
	[bflag:$0x3] =	sbarrier.arrive $0xFFFF;
	s2 =	simm.s32 @!p0 $0x1C01  }
0xc1: {  	[timem:s3], [sflag:s2] =	dma.local @!p0 [hbm:s0], s1  }
0xc2: {  	s0 =	simm.s32 @!p0 $0x1  }
0xc3: {  	_ =	swait.ge @!p0 [sflag:s0], s1  }
0xc4: {  	s1 =	ssub.s32 @!p0 $0x0, s1;
	[sflag:s0] =	ssyncset.done @!p0 $0x0  }
0xc5: {  	[sflag:s0] =	ssyncadd.s32 @!p0 s1  }
0xc6: {  	[bflag:$0x3] =	sbarrier.arrive $0xFFFF  }
0xc7: {  	_ =	shalt  }

// kernel: kernel.25.cloned.1.call-start
scs
__scs_entry_jumppad:
0x0: {  	(pc) =	sbr.rel $0x88, $3  }
0x1: {  	(tag) =	ssettag $0x0;
	lr =	simm.s32 $0x1  }
0x2: {  	[smem:$0x3F9F] =	sst lr;
	_ =	strace $0xD0000000  }
0x3: {  	_ = 	snop  }
0x4: {  	_ = 	snop  }
0x5: {  	_ = 	snop  }
0x6: {  	_ = 	snop  }
0x7: {  	_ = 	snop  }
__scs_overlays_trampoline_lowered:
0x8: {  	[smem:$0x3FAE] =	sst s0  }
0x9: {  	[smem:$0x3FAF] =	sst s1  }
0xa: {  	[smem:$0x3FB0] =	sst s2  }
0xb: {  	[smem:$0x3FB1] =	sst s3  }
0xc: {  	[smem:$0x3FB2] =	sst s4  }
0xd: {  	[smem:$0x3FB3] =	sst s5  }
0xe: {  	[smem:$0x3FB4] =	sst s6  }
0xf: {  	[smem:$0x3FB5] =	sst s7  }
0x10: {  	[smem:$0x3FB6] =	sst s8  }
0x11: {  	[smem:$0x3FB7] =	sst s9;
	s0 =	simm.s32 @!p0 $0x0  }
0x12: {  	s1 =	sld [smem:$0x3F9D];
	s0 =	simm.s32 @p0 $0x1  }
0x13: {  	[smem:$0x3FB8] =	sst s0;
	s0 =	simm.s32 @!p1 $0x0  }
0x14: {  	s2 =	sld [smem:$0x3F9C];
	s0 =	simm.s32 @p1 $0x1  }
0x15: {  	[smem:$0x3FB9] =	sst s0;
	s0 =	simm.s32 @!p2 $0x0  }
0x16: {  	s3 =	sld [smem:$0x3FDB];
	s0 =	simm.s32 @p2 $0x1  }
0x17: {  	s4 =	simm.s32 $0x1BF5;
	[smem:$0x3FBB] =	sst s0  }
0x18: {  	s0 =	sld [smem:$0x3F9E];
	_ =	swait.ge [sflag:s4], $0x0  }
0x19: {  	s7 =	sld [smem:$0x3F9F]  }
0x1a: {  	s8 =	sadd.s32 $0xFFFFE003, lr  }
0x1b: {  	s9 =	sadd.s32 $0xFFFFFEF7, lr;
	s5 =	simm.s32 $0xFFFFFFFF;
	p2 =	slt.u32 s8, $0xFFFFF086  }
0x1c: {  	p1 =	slt.u32 s9, $0xF7A;
	s5 =	simm.s32 @!p2 $0x0  }
0x1d: {  	s5 =	simm.s32 @p1 $0x1;
	p0 =	seq.s32 s7, s2  }
0x1e: {  	s7 =	smul.u32 @!p0 $0xF7A, s2;
	p2 =	seq.s32 @!p0 s5, $0x0  }
0x1f: {  	s9 =	smul.u32 $0xF7A, s1;
	s8 =	simm.s32 @!p0 $0x1BF5;
	p2 =	por !p2, p0  }
0x20: {  	[sflag:s8] =	ssyncset.s32 @!p0 $0xFFFFF086;
	s6 =	sadd.s32 @!p0 s3, s7;
	s7 =	simm.s32 @!p0 $0x108  }
0x21: {  	s3 =	sadd.s32 s3, s9;
	s6 =	sadd.s32 @!p0 $0x88, s6;
	s7 =	simm.s32 @p2 $0x1082  }
0x22: {  	[simem:s7], [sflag:s8] =	dma.local @!p0 [hbm:s6], $0xF7A  }
0x23: {  	s9 =	sor.u32 $0xD0000000, s2;
	s6 =	simm.s32 $0x108;
	_ =	swait.ge @!p0 [sflag:s8], $0x0  }
0x24: {  	s3 =	sadd.s32 $0x88, s3;
	s6 =	simm.s32 @!p1 $0x1082;
	[sflag:s4] =	ssyncset.s32 $0xFFFFF086  }
0x25: {  	[simem:s6], [sflag:s4] =	dma.local [hbm:s3], $0xF7A  }
0x26: {  	[smem:$0x3F9F] =	sst s1;
	(tag) =	ssettag s2;
	_ =	strace s9  }
0x27: {  	s1 =	sld [smem:$0x3FAF]  }
0x28: {  	s2 =	sld [smem:$0x3FB0]  }
0x29: {  	s4 =	sld [smem:$0x3FB2]  }
0x2a: {  	p0 =	seq.s32 s5, $0x0;
	s5 =	sld [smem:$0x3FB3]  }
0x2b: {  	s6 =	sld [smem:$0x3FB4]  }
0x2c: {  	s7 =	sld [smem:$0x3FB5]  }
0x2d: {  	s3 =	simm.s32 $0x108;
	s8 =	sld [smem:$0x3FB6]  }
0x2e: {  	s3 =	simm.s32 @!p0 $0x1082;
	s9 =	sld [smem:$0x3FB7]  }
0x2f: {  	lr =	sadd.s32 s0, s3;
	s0 =	sld [smem:$0x3FAE]  }
0x30: {  	s3 =	sld [smem:$0x3FB1]  }
0x31: {  	[smem:$0x3FBA] =	sst s10  }
0x32: {  	s10 =	sld [smem:$0x3FB8];
	_ =	sdelay $0x3  }
0x33: {  	p0 =	seq.s32 s10, $0x1;
	s10 =	sld [smem:$0x3FBA];
	_ =	sdelay $0x3  }
0x34: {  	[smem:$0x3FBA] =	sst s10  }
0x35: {  	s10 =	sld [smem:$0x3FB9];
	_ =	sdelay $0x3  }
0x36: {  	p1 =	seq.s32 s10, $0x1;
	s10 =	sld [smem:$0x3FBA];
	_ =	sdelay $0x3  }
0x37: {  	[smem:$0x3FBA] =	sst s10  }
0x38: {  	s10 =	sld [smem:$0x3FBB]  }
0x39: {  	_ = 	snop;
	(pc) =	sbr.ind lr, $3  }
0x3a: {  	_ = 	snop  }
0x3b: {  	_ = 	snop  }
0x3c: {  	p2 =	seq.s32 s10, $0x1;
	s10 =	sld [smem:$0x3FBA]  }
0x3d: {  	_ =	shalt  }
0x3e: {  	_ =	shalt  }
0x3f: {  	_ =	shalt  }
0x40: {  	_ =	shalt  }
0x41: {  	_ =	shalt  }
0x42: {  	_ =	shalt  }
0x43: {  	_ =	shalt  }
0x44: {  	_ =	shalt  }
0x45: {  	_ =	shalt  }
0x46: {  	_ =	shalt  }
0x47: {  	_ =	shalt  }
0x48: {  	_ =	shalt  }
0x49: {  	_ =	shalt  }
0x4a: {  	_ =	shalt  }
0x4b: {  	_ =	shalt  }
0x4c: {  	_ =	shalt  }
0x4d: {  	_ =	shalt  }
0x4e: {  	_ =	shalt  }
0x4f: {  	_ =	shalt  }
0x50: {  	_ =	shalt  }
0x51: {  	_ =	shalt  }
0x52: {  	_ =	shalt  }
0x53: {  	_ =	shalt  }
0x54: {  	_ =	shalt  }
0x55: {  	_ =	shalt  }
0x56: {  	_ =	shalt  }
0x57: {  	_ =	shalt  }
0x58: {  	_ =	shalt  }
0x59: {  	_ =	shalt  }
0x5a: {  	_ =	shalt  }
0x5b: {  	_ =	shalt  }
0x5c: {  	_ =	shalt  }
0x5d: {  	_ =	shalt  }
0x5e: {  	_ =	shalt  }
0x5f: {  	_ =	shalt  }
0x60: {  	_ =	shalt  }
0x61: {  	_ =	shalt  }
0x62: {  	_ =	shalt  }
0x63: {  	_ =	shalt  }
0x64: {  	_ =	shalt  }
0x65: {  	_ =	shalt  }
0x66: {  	_ =	shalt  }
0x67: {  	_ =	shalt  }
0x68: {  	_ =	shalt  }
0x69: {  	_ =	shalt  }
0x6a: {  	_ =	shalt  }
0x6b: {  	_ =	shalt  }
0x6c: {  	_ =	shalt  }
0x6d: {  	_ =	shalt  }
0x6e: {  	_ =	shalt  }
0x6f: {  	_ =	shalt  }
0x70: {  	_ =	shalt  }
0x71: {  	_ =	shalt  }
0x72: {  	_ =	shalt  }
0x73: {  	_ =	shalt  }
0x74: {  	_ =	shalt  }
0x75: {  	_ =	shalt  }
0x76: {  	_ =	shalt  }
0x77: {  	_ =	shalt  }
0x78: {  	_ =	shalt  }
0x79: {  	_ =	shalt  }
0x7a: {  	_ =	shalt  }
0x7b: {  	_ =	shalt  }
0x7c: {  	_ =	shalt  }
0x7d: {  	_ =	shalt  }
0x7e: {  	_ =	shalt  }
0x7f: {  	_ =	shalt  }
0x80: {  	_ =	shalt  }
0x81: {  	_ =	shalt  }
0x82: {  	_ =	shalt  }
0x83: {  	_ =	shalt  }
0x84: {  	_ =	shalt  }
0x85: {  	_ =	shalt  }
0x86: {  	_ =	shalt  }
0x87: {  	_ =	shalt  }
.Lfunc_end0:
.L_simem_size_0:
called_computation.3_lowered:
.L_overlay_start_0:
0x88: {  	s2 =	sld [smem:$0x3FD9]  }
0x89: {  	s3 =	sld [smem:$0x3FFE];
	_ =	sdelay $0x1  }
0x8a: {  	s1 =	srdreg.scid  }
0x8b: {  	s0 =	sand.u32 $0x1, s1  }
0x8c: {  	s17 =	sshll.u32 s0, $0xA;
	s2 =	sadd.s32 s3, s2  }
0x8d: {  	s2 =	sadd.s32 s2, s17  }
0x8e: {  	[smem:$0x3FC6] =	sst s2  }
0x8f: {  	_ = 	snop  }
0x90: {  	(tm) =	ssettm $0x1  }
0x91: {  	s18 =	sld [smem:$0x3FFB];
	_ =	sdelay $0x3  }
0x92: {  	_ =	strace s18  }
0x93: {  	s2 =	sld [smem:$0x3FFC];
	_ =	sdelay $0x3  }
0x94: {  	_ =	strace s2  }
0x95: {  	s2 =	sld [smem:$0x3FFD];
	_ =	sdelay $0x3  }
0x96: {  	_ =	strace s2  }
0x97: {  	_ =	strace $0x8FFFFFFF  }
0x98: {  	s19 =	sld [smem:$0x3FDB];
	_ =	sdelay $0x1  }
0x99: {  	s20 =	simm.s32 $_scs_section_size  }
0x9a: {  	s4 =	simm.s32 $_size__tile_overlayer_lowered;
	s5 =	simm.s32 $_tile_overlayer_lowered  }
0x9b: {  	s6 =	simm.s32 $0x1BFF;
	s21 =	sshll.u32 s5, $0x1;
	s3 =	sadd.s32 s20, s19  }
0x9c: {  	s22 =	simm.s32 $0x0;
	s4 =	sshll.u32 s4, $0x1;
	s5 =	sadd.s32 s21, s3  }
0x9d: {  	[timem:s22], [sflag:s6] =	dma.local [hbm:s5], s4  }
0x9e: {  	_ =	swait.ge [sflag:s6], s4  }
0x9f: {  	s4 =	ssub.s32 $0x0, s4;
	[sflag:s6] =	ssyncset.done $0x0  }
0xa0: {  	[sflag:s6] =	ssyncadd.s32 s4;
	_ =	sdelay $0x1  }
0xa1: {  	s23 =	simm.s32 $0x1B8B  }
0xa2: {  	_ =	swait.ge [sflag:s23], $0x1  }
0xa3: {  	[sflag:s23] =	ssyncset.done $0x0  }
0xa4: {  	[sflag:s23] =	ssyncadd.s32 $0xFFFFFFFF  }
0xa5: {  	s4 =	sld [smem:$0x0]  }
0xa6: {  	s5 =	sand.u32 $0xFFFFFFFE, s1  }
0xa7: {  	p0 =	sne.s32 s1, s5  }
0xa8: {  	s5 =	sshll.u32 @p0 s5, $0xE  }
0xa9: {  	s5 =	sadd.s32 @p0 $0x11B8D, s5;
	s6 =	sshll.u32 @p0 s4, $0x11  }
0xaa: {  	s5 =	sor.u32 @p0 s6, s5  }
0xab: {  	[sflag:s5] =	ssyncadd.remote.s32 @p0 $0x1;
	_ =	sdelay $0x1  }
0xac: {  	s5 =	simm.s32 @p0 $0x1B8D  }
0xad: {  	_ =	swait.eq @p0 [sflag:s5], $0x1  }
0xae: {  	[sflag:s5] =	ssyncadd.s32 @p0 $0xFFFFFFFF  }
0xaf: {  	s6 =	sshll.u32 @!p0 s1, $0xE  }
0xb0: {  	s6 =	sor.u32 @!p0 $0x4000, s6;
	s5 =	simm.s32 @!p0 $0x1B8D  }
0xb1: {  	s4 =	sshll.u32 @!p0 s4, $0x11;
	s6 =	sadd.s32 @!p0 $0x11B8D, s6;
	_ =	swait.eq @!p0 [sflag:s5], $0x1  }
0xb2: {  	s4 =	sor.u32 @!p0 s4, s6;
	[sflag:s5] =	ssyncadd.s32 @!p0 $0xFFFFFFFF  }
0xb3: {  	s25 =	simm.s32 $0x1B8E;
	s24 =	sld [smem:$0x3FFE];
	[sflag:s4] =	ssyncadd.remote.s32 @!p0 $0x1  }
0xb4: {  	s26 =	simm.s32 $execute0_lowered;
	[smem:$0x3FD2] =	sst s25  }
0xb5: {  	s5 =	sshll.u32 s26, $0x1;
	_ =	strace $0x8000005D;
	[dreg:$0x1] =	wrdreg $0xFFFFFFFF  }
0xb6: {  	s28 =	simm.s32 $_size_execute0_lowered;
	s3 =	sadd.s32 s3, s5;
	[dreg:$0x0] =	wrdreg $0x0  }
0xb7: {  	s5 =	sshll.u32 s28, $0x1;
	[dreg:$0x2] =	wrdreg s3  }
0xb8: {  	[dreg:$0x3] =	wrdreg s5  }
0xb9: {  	[dreg:$0x4] =	wrdreg $0xC0  }
0xba: {  	_ =	task [dreg:s22], $0x5FFFF  }
0xbb: {  	[dreg:$0x1] =	wrdreg $0xFFFFFFFF  }
0xbc: {  	[dreg:$0x0] =	wrdreg $0x60  }
0xbd: {  	[dreg:$0x2] =	wrdreg s24  }
0xbe: {  	[dreg:$0x3] =	wrdreg $0xB  }
0xbf: {  	_ =	task.clear_ibuf [dreg:s22], $0x4FFFF;
	_ =	strace $0x9000005D  }
0xc0: {  	s29 =	simm.s32 $0xB;
	_ =	strace $0x80000066  }
0xc1: {  	_ =	swait.ge [sflag:s29], $0x1  }
0xc2: {  	[sflag:s29] =	ssyncadd.s32 $0xFFFFFFFF  }
0xc3: {  	_ =	strace $0x90000066  }
0xc4: {  	_ =	sfence  }
0xc5: {  	s30 =	sld [smem:$0x0];
	_ =	sdelay $0x2  }
0xc6: {  	s31 =	sshll.u32 s1, $0xD;
	s1 =	sshrl.u32 s1, $0x2  }
0xc7: {  	s4 =	sand.u32 $0x4000, s31;
	s1 =	sadd.s32 s1, s30  }
0xc8: {  	s0 =	sor.u32 s4, s0;
	s1 =	sshll.u32 s1, $0x11  }
0xc9: {  	s0 =	sor.u32 s1, s0  }
0xca: {  	s0 =	sadd.s32 $0x8F2B, s0  }
0xcb: {  	[sflag:s0] =	ssyncadd.remote.s32 $0x1  }
0xcc: {  	_ =	sfence.sel $0xFFFF  }
0xcd: {  	[dreg:$0x0] =	wrdreg $0xFFFFFFFF;
	(pc) =	sbr.abs _section_cstart, $3  }
0xce: {  	[dreg:$0x1] =	wrdreg $0xFFFFFFFF  }
0xcf: {  	_ =	task.clear_ibuf [dreg:s22], $0x2FFFF;
	_ =	strace $0x9FFFFFFF  }
0xd0: {  	(tm) =	ssettm $0x7FFFFFFF  }
0xd1: {  	_ =	shalt  }
tec
execute0_lowered:
.L_overlay_start_1:
0x0: {  	(tag) =	ssettag $0x1  }
0x1: {  	s0 =	srdreg.scid  }
0x2: {  	s20 =	sand.u32 $0x1, s0  }
0x3: {  	s0 =	stileid.u32;
	s1 =	sshll.u32 s20, $0x4  }
0x4: {  	s14 =	sor.u32 s0, s1  }
0x5: {  	s10 =	rddreg [dreg:$0x0];
	s2 =	simm.s32 $0x0;
	s3 =	smul.u32 $0x190, s14  }
0x6: {  	[smem:$0x7FF] =	sst s2;
	s4 =	smul.u32 $0xC80, s14  }
0x7: {  	s5 =	sadd.s32 $0x5800, s10;
	s1 =	rddreg [dreg:$0x1];
	_ =	strace $0x8000005E  }
0x8: {  	_ =	strace $0x8000005F;
	s3 =	sadd.s32 s5, s3;
	s4 =	sshrl.u32 s4, $0x3  }
0x9: {  	[tilespmem:s2], [sflag:$0x1] =	stream.linear.gather [hbm4b:s3+s2], $0x320, $0x200038;
	[tilespmem:$0x19640] =	vst v63  }
0xa: {  	s16 =	sadd.s32 s5, s4;
	_ =	strace $0x9000005F  }
0xb: {  	s5 =	simm.s32 $0x320;
	s4 =	sadd.s32 $0x64, s16;
	_ =	strace $0x80000060  }
0xc: {  	[tilespmem:s5], [sflag:$0x2] =	stream.linear.gather [hbm4b:s4+s2], $0x320, $0x200038;
	[tilespmem:$0x19640] =	vst v63  }
0xd: {  	_ =	strace $0x90000060  }
0xe: {  	s6 =	simm.s32 $0x1;
	_ =	strace $0x80000061  }
0xf: {  	_ =	swait.ge [sflag:s6], $0x320  }
0x10: {  	[sflag:s6] =	ssyncset.done $0x0  }
0x11: {  	[sflag:s6] =	ssyncadd.s32 $0xFFFFFCE0  }
0x12: {  	s8 =	simm.s32 $0x640;
	_ =	strace $0x90000061  }
0x13: {  	s9 =	simm.s32 $0x5;
	s7 =	sadd.s32 $0x22800, s10;
	_ =	strace $0x80000062  }
0x14: {  	[tilespmem:s8], [sflag:$0x5] =	stream.indirect.gather [hbm4b:s7+s5], $0x40, s2, s5, $0x2000b8;
	[tilespmem:$0x19640] =	vst v63  }
0x15: {  	_ =	swait.ge [sflag:s9], $0xC800  }
0x16: {  	[sflag:s9] =	ssyncset.done $0x0  }
0x17: {  	s11 =	smul.u32 $0x6400, s14;
	[sflag:s9] =	ssyncadd.s32 $0xFFFF3800  }
0x18: {  	s15 =	sadd.s32 $0x95A800, s10;
	_ =	strace $0x90000062  }
0x19: {  	s10 =	sadd.s32 s15, s11;
	_ =	strace $0x80000063  }
0x1a: {  	[hbm4b:s10+s2] =	stream.linear.scatter [tilespmem:s8], [sflag:$0x3], $0xC800, $0x200038;
	[tilespmem:$0x19640] =	vst v63  }
0x1b: {  	_ =	strace $0x90000063  }
0x1c: {  	s11 =	sadd.s32 $0xC8, s16;
	_ =	strace $0x80000060  }
0x1d: {  	[tilespmem:s2], [sflag:$0x1] =	stream.linear.gather [hbm4b:s11+s2], $0x320, $0x200038;
	[tilespmem:$0x19640] =	vst v63  }
0x1e: {  	_ =	strace $0x90000060  }
0x1f: {  	s12 =	simm.s32 $0x2;
	_ =	strace $0x80000061  }
0x20: {  	_ =	swait.ge [sflag:s12], $0x320  }
0x21: {  	[sflag:s12] =	ssyncset.done $0x0  }
0x22: {  	[sflag:s12] =	ssyncadd.s32 $0xFFFFFCE0  }
0x23: {  	_ =	strace $0x90000061  }
0x24: {  	s13 =	simm.s32 $0xCE40;
	_ =	strace $0x80000062  }
0x25: {  	[tilespmem:s13], [sflag:$0x5] =	stream.indirect.gather [hbm4b:s7+s5], $0x40, s5, s5, $0x2000b8;
	[tilespmem:$0x19640] =	vst v63  }
0x26: {  	s14 =	smul.u32 $0x32000, s14;
	_ =	swait.ge [sflag:s9], $0xC800  }
0x27: {  	[sflag:s9] =	ssyncset.done $0x0  }
0x28: {  	s14 =	sshrl.u32 s14, $0x3;
	[sflag:s9] =	ssyncadd.s32 $0xFFFF3800  }
0x29: {  	s19 =	sadd.s32 s15, s14;
	_ =	strace $0x90000062  }
0x2a: {  	s14 =	sadd.s32 $0x1900, s19;
	_ =	strace $0x80000063  }
0x2b: {  	[hbm4b:s14+s2] =	stream.linear.scatter [tilespmem:s13], [sflag:$0x4], $0xC800, $0x200038;
	[tilespmem:$0x19640] =	vst v63  }
0x2c: {  	_ =	strace $0x90000063  }
0x2d: {  	s15 =	simm.s32 $0x3;
	_ =	strace $0x80000064  }
0x2e: {  	_ =	swait.ge [sflag:s15], $0xC800  }
0x2f: {  	[sflag:s15] =	ssyncset.done $0x0  }
0x30: {  	[sflag:s15] =	ssyncadd.s32 $0xFFFF3800  }
0x31: {  	_ =	strace $0x90000064  }
0x32: {  	s16 =	sadd.s32 $0x12C, s16;
	_ =	strace $0x80000060  }
0x33: {  	[tilespmem:s5], [sflag:$0x2] =	stream.linear.gather [hbm4b:s16+s2], $0x320, $0x200038;
	[tilespmem:$0x19640] =	vst v63  }
0x34: {  	_ =	strace $0x90000060  }
0x35: {  	_ =	strace $0x80000061  }
0x36: {  	_ =	swait.ge [sflag:s6], $0x320  }
0x37: {  	[sflag:s6] =	ssyncset.done $0x0  }
0x38: {  	[sflag:s6] =	ssyncadd.s32 $0xFFFFFCE0  }
0x39: {  	_ =	strace $0x90000061  }
0x3a: {  	_ =	strace $0x80000062  }
0x3b: {  	[tilespmem:s8], [sflag:$0x5] =	stream.indirect.gather [hbm4b:s7+s5], $0x40, s2, s5, $0x2000b8;
	[tilespmem:$0x19640] =	vst v63  }
0x3c: {  	_ =	swait.ge [sflag:s9], $0xC800  }
0x3d: {  	[sflag:s9] =	ssyncset.done $0x0  }
0x3e: {  	[sflag:s9] =	ssyncadd.s32 $0xFFFF3800  }
0x3f: {  	_ =	strace $0x90000062  }
0x40: {  	s17 =	sadd.s32 $0x3200, s19;
	_ =	strace $0x80000063  }
0x41: {  	[hbm4b:s17+s2] =	stream.linear.scatter [tilespmem:s8], [sflag:$0x3], $0xC800, $0x200038;
	[tilespmem:$0x19640] =	vst v63  }
0x42: {  	_ =	strace $0x90000063  }
0x43: {  	s18 =	simm.s32 $0x4;
	_ =	strace $0x80000064  }
0x44: {  	_ =	swait.ge [sflag:s18], $0xC800  }
0x45: {  	[sflag:s18] =	ssyncset.done $0x0  }
0x46: {  	[sflag:s18] =	ssyncadd.s32 $0xFFFF3800  }
0x47: {  	_ =	strace $0x90000064  }
0x48: {  	_ =	strace $0x80000061  }
0x49: {  	_ =	swait.ge [sflag:s12], $0x320  }
0x4a: {  	[sflag:s12] =	ssyncset.done $0x0  }
0x4b: {  	[sflag:s12] =	ssyncadd.s32 $0xFFFFFCE0  }
0x4c: {  	_ =	strace $0x90000061  }
0x4d: {  	_ =	strace $0x80000062  }
0x4e: {  	[tilespmem:s13], [sflag:$0x5] =	stream.indirect.gather [hbm4b:s7+s5], $0x40, s5, s5, $0x2000b8;
	[tilespmem:$0x19640] =	vst v63  }
0x4f: {  	_ =	swait.ge [sflag:s9], $0xC800  }
0x50: {  	[sflag:s9] =	ssyncset.done $0x0  }
0x51: {  	[sflag:s9] =	ssyncadd.s32 $0xFFFF3800  }
0x52: {  	_ =	strace $0x90000062  }
0x53: {  	s19 =	sadd.s32 $0x4B00, s19;
	_ =	strace $0x80000063  }
0x54: {  	[hbm4b:s19+s2] =	stream.linear.scatter [tilespmem:s13], [sflag:$0x4], $0xC800, $0x200038;
	[tilespmem:$0x19640] =	vst v63  }
0x55: {  	s20 =	ssub.s32 $0x2, s20;
	_ =	strace $0x90000063  }
0x56: {  	s21 =	sshrl.u32 s20, $0x1;
	_ =	strace $0x80000064  }
0x57: {  	s20 =	ssub.s32 s20, s21;
	_ =	swait.ge [sflag:s15], $0xC800  }
0x58: {  	s20 =	smax.u32 s20, $0x1;
	[sflag:s15] =	ssyncset.done $0x0  }
0x59: {  	p0 =	sne.s32 s20, $0x1;
	[sflag:s15] =	ssyncadd.s32 $0xFFFF3800  }
.Ltmp0:
0x5a: {  	_ =	strace $0x90000064;
	(pc) =	sbr.rel @!p0 .LBB2_2-.Ltmp0, $4  }
0x5b: {  	_ =	strace $0x80000065  }
0x5c: {  	_ =	swait.ge [sflag:s18], $0xC800  }
0x5d: {  	[sflag:s18] =	ssyncset.done $0x0  }
0x5e: {  	s20 =	sadd.s32 $0xFFFFFFFF, s20;
	[sflag:s18] =	ssyncadd.s32 $0xFFFF3800  }
.LBB2_1:
0x5f: {  	p0 =	sne.s32 s20, $0x1;
	s20 =	sadd.s32 $0xFFFFFFFF, s20;
	_ =	strace $0x90000065  }
0x60: {  	_ =	strace $0x8000005F  }
0x61: {  	[tilespmem:s2], [sflag:$0x1] =	stream.linear.gather [hbm4b:s3+s2], $0x320, $0x200038;
	[tilespmem:$0x19640] =	vst v63  }
0x62: {  	_ =	strace $0x9000005F  }
0x63: {  	_ =	strace $0x80000060  }
0x64: {  	[tilespmem:s5], [sflag:$0x2] =	stream.linear.gather [hbm4b:s4+s2], $0x320, $0x200038;
	[tilespmem:$0x19640] =	vst v63  }
0x65: {  	_ =	strace $0x90000060  }
0x66: {  	_ =	strace $0x80000061  }
0x67: {  	_ =	swait.ge [sflag:s6], $0x320  }
0x68: {  	[sflag:s6] =	ssyncset.done $0x0  }
0x69: {  	[sflag:s6] =	ssyncadd.s32 $0xFFFFFCE0  }
0x6a: {  	_ =	strace $0x90000061  }
0x6b: {  	_ =	strace $0x80000062  }
0x6c: {  	[tilespmem:s8], [sflag:$0x5] =	stream.indirect.gather [hbm4b:s7+s5], $0x40, s2, s5, $0x2000b8;
	[tilespmem:$0x19640] =	vst v63  }
0x6d: {  	_ =	swait.ge [sflag:s9], $0xC800  }
0x6e: {  	[sflag:s9] =	ssyncset.done $0x0  }
0x6f: {  	[sflag:s9] =	ssyncadd.s32 $0xFFFF3800  }
0x70: {  	_ =	strace $0x90000062  }
0x71: {  	_ =	strace $0x80000063  }
0x72: {  	[hbm4b:s10+s2] =	stream.linear.scatter [tilespmem:s8], [sflag:$0x3], $0xC800, $0x200038;
	[tilespmem:$0x19640] =	vst v63  }
0x73: {  	_ =	strace $0x90000063  }
0x74: {  	_ =	strace $0x80000060  }
0x75: {  	[tilespmem:s2], [sflag:$0x1] =	stream.linear.gather [hbm4b:s11+s2], $0x320, $0x200038;
	[tilespmem:$0x19640] =	vst v63  }
0x76: {  	_ =	strace $0x90000060  }
0x77: {  	_ =	strace $0x80000061  }
0x78: {  	_ =	swait.ge [sflag:s12], $0x320  }
0x79: {  	[sflag:s12] =	ssyncset.done $0x0  }
0x7a: {  	[sflag:s12] =	ssyncadd.s32 $0xFFFFFCE0  }
0x7b: {  	_ =	strace $0x90000061  }
0x7c: {  	_ =	strace $0x80000062  }
0x7d: {  	[tilespmem:s13], [sflag:$0x5] =	stream.indirect.gather [hbm4b:s7+s5], $0x40, s5, s5, $0x2000b8;
	[tilespmem:$0x19640] =	vst v63  }
0x7e: {  	_ =	swait.ge [sflag:s9], $0xC800  }
0x7f: {  	[sflag:s9] =	ssyncset.done $0x0  }
0x80: {  	[sflag:s9] =	ssyncadd.s32 $0xFFFF3800  }
0x81: {  	_ =	strace $0x90000062  }
0x82: {  	_ =	strace $0x80000063  }
0x83: {  	[hbm4b:s14+s2] =	stream.linear.scatter [tilespmem:s13], [sflag:$0x4], $0xC800, $0x200038;
	[tilespmem:$0x19640] =	vst v63  }
0x84: {  	_ =	strace $0x90000063  }
0x85: {  	_ =	strace $0x80000064  }
0x86: {  	_ =	swait.ge [sflag:s15], $0xC800  }
0x87: {  	[sflag:s15] =	ssyncset.done $0x0  }
0x88: {  	[sflag:s15] =	ssyncadd.s32 $0xFFFF3800  }
0x89: {  	_ =	strace $0x90000064  }
0x8a: {  	_ =	strace $0x80000060  }
0x8b: {  	[tilespmem:s5], [sflag:$0x2] =	stream.linear.gather [hbm4b:s16+s2], $0x320, $0x200038;
	[tilespmem:$0x19640] =	vst v63  }
0x8c: {  	_ =	strace $0x90000060  }
0x8d: {  	_ =	strace $0x80000061  }
0x8e: {  	_ =	swait.ge [sflag:s6], $0x320  }
0x8f: {  	[sflag:s6] =	ssyncset.done $0x0  }
0x90: {  	[sflag:s6] =	ssyncadd.s32 $0xFFFFFCE0  }
0x91: {  	_ =	strace $0x90000061  }
0x92: {  	_ =	strace $0x80000062  }
0x93: {  	[tilespmem:s8], [sflag:$0x5] =	stream.indirect.gather [hbm4b:s7+s5], $0x40, s2, s5, $0x2000b8;
	[tilespmem:$0x19640] =	vst v63  }
0x94: {  	_ =	swait.ge [sflag:s9], $0xC800  }
0x95: {  	[sflag:s9] =	ssyncset.done $0x0  }
0x96: {  	[sflag:s9] =	ssyncadd.s32 $0xFFFF3800  }
0x97: {  	_ =	strace $0x90000062  }
0x98: {  	_ =	strace $0x80000063  }
0x99: {  	[hbm4b:s17+s2] =	stream.linear.scatter [tilespmem:s8], [sflag:$0x3], $0xC800, $0x200038;
	[tilespmem:$0x19640] =	vst v63  }
0x9a: {  	_ =	strace $0x90000063  }
0x9b: {  	_ =	strace $0x80000064  }
0x9c: {  	_ =	swait.ge [sflag:s18], $0xC800  }
0x9d: {  	[sflag:s18] =	ssyncset.done $0x0  }
0x9e: {  	[sflag:s18] =	ssyncadd.s32 $0xFFFF3800  }
0x9f: {  	_ =	strace $0x90000064  }
0xa0: {  	_ =	strace $0x80000061  }
0xa1: {  	_ =	swait.ge [sflag:s12], $0x320  }
0xa2: {  	[sflag:s12] =	ssyncset.done $0x0  }
0xa3: {  	[sflag:s12] =	ssyncadd.s32 $0xFFFFFCE0  }
0xa4: {  	_ =	strace $0x90000061  }
0xa5: {  	_ =	strace $0x80000062  }
0xa6: {  	[tilespmem:s13], [sflag:$0x5] =	stream.indirect.gather [hbm4b:s7+s5], $0x40, s5, s5, $0x2000b8;
	[tilespmem:$0x19640] =	vst v63  }
0xa7: {  	_ =	swait.ge [sflag:s9], $0xC800  }
0xa8: {  	[sflag:s9] =	ssyncset.done $0x0  }
0xa9: {  	[sflag:s9] =	ssyncadd.s32 $0xFFFF3800  }
0xaa: {  	_ =	strace $0x90000062  }
0xab: {  	_ =	strace $0x80000063  }
0xac: {  	[hbm4b:s19+s2] =	stream.linear.scatter [tilespmem:s13], [sflag:$0x4], $0xC800, $0x200038;
	[tilespmem:$0x19640] =	vst v63  }
0xad: {  	_ =	strace $0x90000063  }
0xae: {  	_ =	strace $0x80000064  }
0xaf: {  	_ =	swait.ge [sflag:s15], $0xC800  }
0xb0: {  	[sflag:s15] =	ssyncset.done $0x0  }
0xb1: {  	[sflag:s15] =	ssyncadd.s32 $0xFFFF3800  }
.Ltmp1:
0xb2: {  	_ =	strace $0x90000064;
	(pc) =	sbr.rel @p0 .LBB2_1-.Ltmp1, $4  }
0xb3: {  	_ =	strace $0x80000065  }
0xb4: {  	_ =	swait.ge [sflag:s18], $0xC800  }
0xb5: {  	[sflag:s18] =	ssyncset.done $0x0  }
0xb6: {  	[sflag:s18] =	ssyncadd.s32 $0xFFFF3800  }
.LBB2_2:
0xb7: {  	_ =	strace $0x90000065  }
0xb8: {  	_ =	sfence.sel $0x180000  }
0xb9: {  	[bflag:$0x0] =	sbarrier.arrive $0xFFFF  }
0xba: {  	p0 =	sne.s32 s0, $0x0;
	_ =	strace $0x9000005E  }
0xbb: {  	s0 =	sadd.s32 @!p0 $0x100000, s1;
	[bflag:$0x2] =	sbarrier.arrive $0xFFFF  }
0xbc: {  	[sflag:s0] =	ssyncadd.tile.s32 @!p0 $0x1;
	_ =	shalt  }
.Lfunc_end2:
_tile_overlayer_lowered:
.L_overlay_start_2:
0xbd: {  	(tag) =	ssettag $0x2  }
0xbe: {  	s0 =	rddreg [dreg:$0x0];
	s2 =	stileid.u32  }
0xbf: {  	s1 =	rddreg [dreg:$0x1];
	p0 =	sne.s32 s2, $0x0  }
0xc0: {  	s3 =	rddreg [dreg:$0x2];
	[bflag:$0x3] =	sbarrier.arrive $0xFFFF;
	s2 =	simm.s32 @!p0 $0x1C01  }
0xc1: {  	[timem:s3], [sflag:s2] =	dma.local @!p0 [hbm:s0], s1  }
0xc2: {  	s0 =	simm.s32 @!p0 $0x1  }
0xc3: {  	_ =	swait.ge @!p0 [sflag:s0], s1  }
0xc4: {  	s1 =	ssub.s32 @!p0 $0x0, s1;
	[sflag:s0] =	ssyncset.done @!p0 $0x0  }
0xc5: {  	[sflag:s0] =	ssyncadd.s32 @!p0 s1  }
0xc6: {  	[bflag:$0x3] =	sbarrier.arrive $0xFFFF  }
0xc7: {  	_ =	shalt  }

// kernel: kernel.28.cloned.1.call-start
scs
__scs_entry_jumppad:
0x0: {  	(pc) =	sbr.rel $0x88, $3  }
0x1: {  	(tag) =	ssettag $0x0;
	lr =	simm.s32 $0x1  }
0x2: {  	[smem:$0x3F9F] =	sst lr;
	_ =	strace $0xD0000000  }
0x3: {  	_ = 	snop  }
0x4: {  	_ = 	snop  }
0x5: {  	_ = 	snop  }
0x6: {  	_ = 	snop  }
0x7: {  	_ = 	snop  }
__scs_overlays_trampoline_lowered:
0x8: {  	[smem:$0x3FAE] =	sst s0  }
0x9: {  	[smem:$0x3FAF] =	sst s1  }
0xa: {  	[smem:$0x3FB0] =	sst s2  }
0xb: {  	[smem:$0x3FB1] =	sst s3  }
0xc: {  	[smem:$0x3FB2] =	sst s4  }
0xd: {  	[smem:$0x3FB3] =	sst s5  }
0xe: {  	[smem:$0x3FB4] =	sst s6  }
0xf: {  	[smem:$0x3FB5] =	sst s7  }
0x10: {  	[smem:$0x3FB6] =	sst s8  }
0x11: {  	[smem:$0x3FB7] =	sst s9;
	s0 =	simm.s32 @!p0 $0x0  }
0x12: {  	s1 =	sld [smem:$0x3F9D];
	s0 =	simm.s32 @p0 $0x1  }
0x13: {  	[smem:$0x3FB8] =	sst s0;
	s0 =	simm.s32 @!p1 $0x0  }
0x14: {  	s2 =	sld [smem:$0x3F9C];
	s0 =	simm.s32 @p1 $0x1  }
0x15: {  	[smem:$0x3FB9] =	sst s0;
	s0 =	simm.s32 @!p2 $0x0  }
0x16: {  	s3 =	sld [smem:$0x3FDB];
	s0 =	simm.s32 @p2 $0x1  }
0x17: {  	s4 =	simm.s32 $0x1BF5;
	[smem:$0x3FBB] =	sst s0  }
0x18: {  	s0 =	sld [smem:$0x3F9E];
	_ =	swait.ge [sflag:s4], $0x0  }
0x19: {  	s7 =	sld [smem:$0x3F9F]  }
0x1a: {  	s8 =	sadd.s32 $0xFFFFE003, lr  }
0x1b: {  	s9 =	sadd.s32 $0xFFFFFEF7, lr;
	s5 =	simm.s32 $0xFFFFFFFF;
	p2 =	slt.u32 s8, $0xFFFFF086  }
0x1c: {  	p1 =	slt.u32 s9, $0xF7A;
	s5 =	simm.s32 @!p2 $0x0  }
0x1d: {  	s5 =	simm.s32 @p1 $0x1;
	p0 =	seq.s32 s7, s2  }
0x1e: {  	s7 =	smul.u32 @!p0 $0xF7A, s2;
	p2 =	seq.s32 @!p0 s5, $0x0  }
0x1f: {  	s9 =	smul.u32 $0xF7A, s1;
	s8 =	simm.s32 @!p0 $0x1BF5;
	p2 =	por !p2, p0  }
0x20: {  	[sflag:s8] =	ssyncset.s32 @!p0 $0xFFFFF086;
	s6 =	sadd.s32 @!p0 s3, s7;
	s7 =	simm.s32 @!p0 $0x108  }
0x21: {  	s3 =	sadd.s32 s3, s9;
	s6 =	sadd.s32 @!p0 $0x88, s6;
	s7 =	simm.s32 @p2 $0x1082  }
0x22: {  	[simem:s7], [sflag:s8] =	dma.local @!p0 [hbm:s6], $0xF7A  }
0x23: {  	s9 =	sor.u32 $0xD0000000, s2;
	s6 =	simm.s32 $0x108;
	_ =	swait.ge @!p0 [sflag:s8], $0x0  }
0x24: {  	s3 =	sadd.s32 $0x88, s3;
	s6 =	simm.s32 @!p1 $0x1082;
	[sflag:s4] =	ssyncset.s32 $0xFFFFF086  }
0x25: {  	[simem:s6], [sflag:s4] =	dma.local [hbm:s3], $0xF7A  }
0x26: {  	[smem:$0x3F9F] =	sst s1;
	(tag) =	ssettag s2;
	_ =	strace s9  }
0x27: {  	s1 =	sld [smem:$0x3FAF]  }
0x28: {  	s2 =	sld [smem:$0x3FB0]  }
0x29: {  	s4 =	sld [smem:$0x3FB2]  }
0x2a: {  	p0 =	seq.s32 s5, $0x0;
	s5 =	sld [smem:$0x3FB3]  }
0x2b: {  	s6 =	sld [smem:$0x3FB4]  }
0x2c: {  	s7 =	sld [smem:$0x3FB5]  }
0x2d: {  	s3 =	simm.s32 $0x108;
	s8 =	sld [smem:$0x3FB6]  }
0x2e: {  	s3 =	simm.s32 @!p0 $0x1082;
	s9 =	sld [smem:$0x3FB7]  }
0x2f: {  	lr =	sadd.s32 s0, s3;
	s0 =	sld [smem:$0x3FAE]  }
0x30: {  	s3 =	sld [smem:$0x3FB1]  }
0x31: {  	[smem:$0x3FBA] =	sst s10  }
0x32: {  	s10 =	sld [smem:$0x3FB8];
	_ =	sdelay $0x3  }
0x33: {  	p0 =	seq.s32 s10, $0x1;
	s10 =	sld [smem:$0x3FBA];
	_ =	sdelay $0x3  }
0x34: {  	[smem:$0x3FBA] =	sst s10  }
0x35: {  	s10 =	sld [smem:$0x3FB9];
	_ =	sdelay $0x3  }
0x36: {  	p1 =	seq.s32 s10, $0x1;
	s10 =	sld [smem:$0x3FBA];
	_ =	sdelay $0x3  }
0x37: {  	[smem:$0x3FBA] =	sst s10  }
0x38: {  	s10 =	sld [smem:$0x3FBB]  }
0x39: {  	_ = 	snop;
	(pc) =	sbr.ind lr, $3  }
0x3a: {  	_ = 	snop  }
0x3b: {  	_ = 	snop  }
0x3c: {  	p2 =	seq.s32 s10, $0x1;
	s10 =	sld [smem:$0x3FBA]  }
0x3d: {  	_ =	shalt  }
0x3e: {  	_ =	shalt  }
0x3f: {  	_ =	shalt  }
0x40: {  	_ =	shalt  }
0x41: {  	_ =	shalt  }
0x42: {  	_ =	shalt  }
0x43: {  	_ =	shalt  }
0x44: {  	_ =	shalt  }
0x45: {  	_ =	shalt  }
0x46: {  	_ =	shalt  }
0x47: {  	_ =	shalt  }
0x48: {  	_ =	shalt  }
0x49: {  	_ =	shalt  }
0x4a: {  	_ =	shalt  }
0x4b: {  	_ =	shalt  }
0x4c: {  	_ =	shalt  }
0x4d: {  	_ =	shalt  }
0x4e: {  	_ =	shalt  }
0x4f: {  	_ =	shalt  }
0x50: {  	_ =	shalt  }
0x51: {  	_ =	shalt  }
0x52: {  	_ =	shalt  }
0x53: {  	_ =	shalt  }
0x54: {  	_ =	shalt  }
0x55: {  	_ =	shalt  }
0x56: {  	_ =	shalt  }
0x57: {  	_ =	shalt  }
0x58: {  	_ =	shalt  }
0x59: {  	_ =	shalt  }
0x5a: {  	_ =	shalt  }
0x5b: {  	_ =	shalt  }
0x5c: {  	_ =	shalt  }
0x5d: {  	_ =	shalt  }
0x5e: {  	_ =	shalt  }
0x5f: {  	_ =	shalt  }
0x60: {  	_ =	shalt  }
0x61: {  	_ =	shalt  }
0x62: {  	_ =	shalt  }
0x63: {  	_ =	shalt  }
0x64: {  	_ =	shalt  }
0x65: {  	_ =	shalt  }
0x66: {  	_ =	shalt  }
0x67: {  	_ =	shalt  }
0x68: {  	_ =	shalt  }
0x69: {  	_ =	shalt  }
0x6a: {  	_ =	shalt  }
0x6b: {  	_ =	shalt  }
0x6c: {  	_ =	shalt  }
0x6d: {  	_ =	shalt  }
0x6e: {  	_ =	shalt  }
0x6f: {  	_ =	shalt  }
0x70: {  	_ =	shalt  }
0x71: {  	_ =	shalt  }
0x72: {  	_ =	shalt  }
0x73: {  	_ =	shalt  }
0x74: {  	_ =	shalt  }
0x75: {  	_ =	shalt  }
0x76: {  	_ =	shalt  }
0x77: {  	_ =	shalt  }
0x78: {  	_ =	shalt  }
0x79: {  	_ =	shalt  }
0x7a: {  	_ =	shalt  }
0x7b: {  	_ =	shalt  }
0x7c: {  	_ =	shalt  }
0x7d: {  	_ =	shalt  }
0x7e: {  	_ =	shalt  }
0x7f: {  	_ =	shalt  }
0x80: {  	_ =	shalt  }
0x81: {  	_ =	shalt  }
0x82: {  	_ =	shalt  }
0x83: {  	_ =	shalt  }
0x84: {  	_ =	shalt  }
0x85: {  	_ =	shalt  }
0x86: {  	_ =	shalt  }
0x87: {  	_ =	shalt  }
.Lfunc_end0:
.L_simem_size_0:
called_computation.4_lowered:
.L_overlay_start_0:
0x88: {  	s2 =	sld [smem:$0x3FD9]  }
0x89: {  	s3 =	sld [smem:$0x3FFE];
	_ =	sdelay $0x1  }
0x8a: {  	s1 =	srdreg.scid  }
0x8b: {  	s0 =	sand.u32 $0x1, s1  }
0x8c: {  	s17 =	sshll.u32 s0, $0xA;
	s2 =	sadd.s32 s3, s2  }
0x8d: {  	s2 =	sadd.s32 s2, s17  }
0x8e: {  	[smem:$0x3FC6] =	sst s2  }
0x8f: {  	_ = 	snop  }
0x90: {  	(tm) =	ssettm $0x1  }
0x91: {  	s18 =	sld [smem:$0x3FFB];
	_ =	sdelay $0x3  }
0x92: {  	_ =	strace s18  }
0x93: {  	s2 =	sld [smem:$0x3FFC];
	_ =	sdelay $0x3  }
0x94: {  	_ =	strace s2  }
0x95: {  	s2 =	sld [smem:$0x3FFD];
	_ =	sdelay $0x3  }
0x96: {  	_ =	strace s2  }
0x97: {  	_ =	strace $0x8FFFFFFF  }
0x98: {  	s19 =	sld [smem:$0x3FDB];
	_ =	sdelay $0x1  }
0x99: {  	s20 =	simm.s32 $_scs_section_size  }
0x9a: {  	s4 =	simm.s32 $_size__tile_overlayer_lowered;
	s5 =	simm.s32 $_tile_overlayer_lowered  }
0x9b: {  	s6 =	simm.s32 $0x1BFF;
	s21 =	sshll.u32 s5, $0x1;
	s3 =	sadd.s32 s20, s19  }
0x9c: {  	s22 =	simm.s32 $0x0;
	s4 =	sshll.u32 s4, $0x1;
	s5 =	sadd.s32 s21, s3  }
0x9d: {  	[timem:s22], [sflag:s6] =	dma.local [hbm:s5], s4  }
0x9e: {  	_ =	swait.ge [sflag:s6], s4  }
0x9f: {  	s4 =	ssub.s32 $0x0, s4;
	[sflag:s6] =	ssyncset.done $0x0  }
0xa0: {  	[sflag:s6] =	ssyncadd.s32 s4;
	_ =	sdelay $0x1  }
0xa1: {  	s23 =	simm.s32 $0x1B8B  }
0xa2: {  	_ =	swait.ge [sflag:s23], $0x1  }
0xa3: {  	[sflag:s23] =	ssyncset.done $0x0  }
0xa4: {  	[sflag:s23] =	ssyncadd.s32 $0xFFFFFFFF  }
0xa5: {  	s4 =	sld [smem:$0x0]  }
0xa6: {  	s5 =	sand.u32 $0xFFFFFFFE, s1  }
0xa7: {  	p0 =	sne.s32 s1, s5  }
0xa8: {  	s5 =	sshll.u32 @p0 s5, $0xE  }
0xa9: {  	s5 =	sadd.s32 @p0 $0x11B8D, s5;
	s6 =	sshll.u32 @p0 s4, $0x11  }
0xaa: {  	s5 =	sor.u32 @p0 s6, s5  }
0xab: {  	[sflag:s5] =	ssyncadd.remote.s32 @p0 $0x1;
	_ =	sdelay $0x1  }
0xac: {  	s5 =	simm.s32 @p0 $0x1B8D  }
0xad: {  	_ =	swait.eq @p0 [sflag:s5], $0x1  }
0xae: {  	[sflag:s5] =	ssyncadd.s32 @p0 $0xFFFFFFFF  }
0xaf: {  	s6 =	sshll.u32 @!p0 s1, $0xE  }
0xb0: {  	s6 =	sor.u32 @!p0 $0x4000, s6;
	s5 =	simm.s32 @!p0 $0x1B8D  }
0xb1: {  	s4 =	sshll.u32 @!p0 s4, $0x11;
	s6 =	sadd.s32 @!p0 $0x11B8D, s6;
	_ =	swait.eq @!p0 [sflag:s5], $0x1  }
0xb2: {  	s4 =	sor.u32 @!p0 s4, s6;
	[sflag:s5] =	ssyncadd.s32 @!p0 $0xFFFFFFFF  }
0xb3: {  	s25 =	simm.s32 $0x1B8E;
	s24 =	sld [smem:$0x3FFE];
	[sflag:s4] =	ssyncadd.remote.s32 @!p0 $0x1  }
0xb4: {  	s26 =	simm.s32 $execute0_lowered;
	[smem:$0x3FD2] =	sst s25  }
0xb5: {  	s5 =	sshll.u32 s26, $0x1;
	_ =	strace $0x80000067;
	[dreg:$0x1] =	wrdreg $0xFFFFFFFF  }
0xb6: {  	s28 =	simm.s32 $_size_execute0_lowered;
	s3 =	sadd.s32 s3, s5;
	[dreg:$0x0] =	wrdreg $0x0  }
0xb7: {  	s5 =	sshll.u32 s28, $0x1;
	[dreg:$0x2] =	wrdreg s3  }
0xb8: {  	[dreg:$0x3] =	wrdreg s5  }
0xb9: {  	[dreg:$0x4] =	wrdreg $0xC0  }
0xba: {  	_ =	task [dreg:s22], $0x5FFFF  }
0xbb: {  	[dreg:$0x1] =	wrdreg $0xFFFFFFFF  }
0xbc: {  	[dreg:$0x0] =	wrdreg $0x60  }
0xbd: {  	[dreg:$0x2] =	wrdreg s24  }
0xbe: {  	[dreg:$0x3] =	wrdreg $0xC  }
0xbf: {  	_ =	task.clear_ibuf [dreg:s22], $0x4FFFF;
	_ =	strace $0x90000067  }
0xc0: {  	s29 =	simm.s32 $0xC;
	_ =	strace $0x80000070  }
0xc1: {  	_ =	swait.ge [sflag:s29], $0x1  }
0xc2: {  	[sflag:s29] =	ssyncadd.s32 $0xFFFFFFFF  }
0xc3: {  	_ =	strace $0x90000070  }
0xc4: {  	_ =	sfence  }
0xc5: {  	s30 =	sld [smem:$0x0];
	_ =	sdelay $0x2  }
0xc6: {  	s31 =	sshll.u32 s1, $0xD;
	s1 =	sshrl.u32 s1, $0x2  }
0xc7: {  	s4 =	sand.u32 $0x4000, s31;
	s1 =	sadd.s32 s1, s30  }
0xc8: {  	s0 =	sor.u32 s4, s0;
	s1 =	sshll.u32 s1, $0x11  }
0xc9: {  	s0 =	sor.u32 s1, s0  }
0xca: {  	s0 =	sadd.s32 $0x8F2B, s0  }
0xcb: {  	[sflag:s0] =	ssyncadd.remote.s32 $0x1  }
0xcc: {  	_ =	sfence.sel $0xFFFF  }
0xcd: {  	[dreg:$0x0] =	wrdreg $0xFFFFFFFF;
	(pc) =	sbr.abs _section_cstart, $3  }
0xce: {  	[dreg:$0x1] =	wrdreg $0xFFFFFFFF  }
0xcf: {  	_ =	task.clear_ibuf [dreg:s22], $0x2FFFF;
	_ =	strace $0x9FFFFFFF  }
0xd0: {  	(tm) =	ssettm $0x7FFFFFFF  }
0xd1: {  	_ =	shalt  }
tec
execute0_lowered:
.L_overlay_start_1:
0x0: {  	(tag) =	ssettag $0x1  }
0x1: {  	s0 =	srdreg.scid  }
0x2: {  	s20 =	sand.u32 $0x1, s0  }
0x3: {  	s0 =	stileid.u32;
	s1 =	sshll.u32 s20, $0x4  }
0x4: {  	s14 =	sor.u32 s0, s1  }
0x5: {  	s10 =	rddreg [dreg:$0x0];
	s2 =	simm.s32 $0x0;
	s3 =	smul.u32 $0x190, s14  }
0x6: {  	[smem:$0x7FF] =	sst s2;
	s4 =	smul.u32 $0xC80, s14  }
0x7: {  	s5 =	sadd.s32 $0x8A00, s10;
	s1 =	rddreg [dreg:$0x1];
	_ =	strace $0x80000068  }
0x8: {  	_ =	strace $0x80000069;
	s3 =	sadd.s32 s5, s3;
	s4 =	sshrl.u32 s4, $0x3  }
0x9: {  	[tilespmem:s2], [sflag:$0x1] =	stream.linear.gather [hbm4b:s3+s2], $0x320, $0x200038;
	[tilespmem:$0x19640] =	vst v63  }
0xa: {  	s16 =	sadd.s32 s5, s4;
	_ =	strace $0x90000069  }
0xb: {  	s5 =	simm.s32 $0x320;
	s4 =	sadd.s32 $0x64, s16;
	_ =	strace $0x8000006A  }
0xc: {  	[tilespmem:s5], [sflag:$0x2] =	stream.linear.gather [hbm4b:s4+s2], $0x320, $0x200038;
	[tilespmem:$0x19640] =	vst v63  }
0xd: {  	_ =	strace $0x9000006A  }
0xe: {  	s6 =	simm.s32 $0x1;
	_ =	strace $0x8000006B  }
0xf: {  	_ =	swait.ge [sflag:s6], $0x320  }
0x10: {  	[sflag:s6] =	ssyncset.done $0x0  }
0x11: {  	[sflag:s6] =	ssyncadd.s32 $0xFFFFFCE0  }
0x12: {  	s8 =	simm.s32 $0x640;
	_ =	strace $0x9000006B  }
0x13: {  	s9 =	simm.s32 $0x5;
	s7 =	sadd.s32 $0x22800, s10;
	_ =	strace $0x8000006C  }
0x14: {  	[tilespmem:s8], [sflag:$0x5] =	stream.indirect.gather [hbm4b:s7+s5], $0x40, s2, s5, $0x2000b8;
	[tilespmem:$0x19640] =	vst v63  }
0x15: {  	_ =	swait.ge [sflag:s9], $0xC800  }
0x16: {  	[sflag:s9] =	ssyncset.done $0x0  }
0x17: {  	s11 =	smul.u32 $0x6400, s14;
	[sflag:s9] =	ssyncadd.s32 $0xFFFF3800  }
0x18: {  	s15 =	sadd.s32 $0xA22800, s10;
	_ =	strace $0x9000006C  }
0x19: {  	s10 =	sadd.s32 s15, s11;
	_ =	strace $0x8000006D  }
0x1a: {  	[hbm4b:s10+s2] =	stream.linear.scatter [tilespmem:s8], [sflag:$0x3], $0xC800, $0x200038;
	[tilespmem:$0x19640] =	vst v63  }
0x1b: {  	_ =	strace $0x9000006D  }
0x1c: {  	s11 =	sadd.s32 $0xC8, s16;
	_ =	strace $0x8000006A  }
0x1d: {  	[tilespmem:s2], [sflag:$0x1] =	stream.linear.gather [hbm4b:s11+s2], $0x320, $0x200038;
	[tilespmem:$0x19640] =	vst v63  }
0x1e: {  	_ =	strace $0x9000006A  }
0x1f: {  	s12 =	simm.s32 $0x2;
	_ =	strace $0x8000006B  }
0x20: {  	_ =	swait.ge [sflag:s12], $0x320  }
0x21: {  	[sflag:s12] =	ssyncset.done $0x0  }
0x22: {  	[sflag:s12] =	ssyncadd.s32 $0xFFFFFCE0  }
0x23: {  	_ =	strace $0x9000006B  }
0x24: {  	s13 =	simm.s32 $0xCE40;
	_ =	strace $0x8000006C  }
0x25: {  	[tilespmem:s13], [sflag:$0x5] =	stream.indirect.gather [hbm4b:s7+s5], $0x40, s5, s5, $0x2000b8;
	[tilespmem:$0x19640] =	vst v63  }
0x26: {  	s14 =	smul.u32 $0x32000, s14;
	_ =	swait.ge [sflag:s9], $0xC800  }
0x27: {  	[sflag:s9] =	ssyncset.done $0x0  }
0x28: {  	s14 =	sshrl.u32 s14, $0x3;
	[sflag:s9] =	ssyncadd.s32 $0xFFFF3800  }
0x29: {  	s19 =	sadd.s32 s15, s14;
	_ =	strace $0x9000006C  }
0x2a: {  	s14 =	sadd.s32 $0x1900, s19;
	_ =	strace $0x8000006D  }
0x2b: {  	[hbm4b:s14+s2] =	stream.linear.scatter [tilespmem:s13], [sflag:$0x4], $0xC800, $0x200038;
	[tilespmem:$0x19640] =	vst v63  }
0x2c: {  	_ =	strace $0x9000006D  }
0x2d: {  	s15 =	simm.s32 $0x3;
	_ =	strace $0x8000006E  }
0x2e: {  	_ =	swait.ge [sflag:s15], $0xC800  }
0x2f: {  	[sflag:s15] =	ssyncset.done $0x0  }
0x30: {  	[sflag:s15] =	ssyncadd.s32 $0xFFFF3800  }
0x31: {  	_ =	strace $0x9000006E  }
0x32: {  	s16 =	sadd.s32 $0x12C, s16;
	_ =	strace $0x8000006A  }
0x33: {  	[tilespmem:s5], [sflag:$0x2] =	stream.linear.gather [hbm4b:s16+s2], $0x320, $0x200038;
	[tilespmem:$0x19640] =	vst v63  }
0x34: {  	_ =	strace $0x9000006A  }
0x35: {  	_ =	strace $0x8000006B  }
0x36: {  	_ =	swait.ge [sflag:s6], $0x320  }
0x37: {  	[sflag:s6] =	ssyncset.done $0x0  }
0x38: {  	[sflag:s6] =	ssyncadd.s32 $0xFFFFFCE0  }
0x39: {  	_ =	strace $0x9000006B  }
0x3a: {  	_ =	strace $0x8000006C  }
0x3b: {  	[tilespmem:s8], [sflag:$0x5] =	stream.indirect.gather [hbm4b:s7+s5], $0x40, s2, s5, $0x2000b8;
	[tilespmem:$0x19640] =	vst v63  }
0x3c: {  	_ =	swait.ge [sflag:s9], $0xC800  }
0x3d: {  	[sflag:s9] =	ssyncset.done $0x0  }
0x3e: {  	[sflag:s9] =	ssyncadd.s32 $0xFFFF3800  }
0x3f: {  	_ =	strace $0x9000006C  }
0x40: {  	s17 =	sadd.s32 $0x3200, s19;
	_ =	strace $0x8000006D  }
0x41: {  	[hbm4b:s17+s2] =	stream.linear.scatter [tilespmem:s8], [sflag:$0x3], $0xC800, $0x200038;
	[tilespmem:$0x19640] =	vst v63  }
0x42: {  	_ =	strace $0x9000006D  }
0x43: {  	s18 =	simm.s32 $0x4;
	_ =	strace $0x8000006E  }
0x44: {  	_ =	swait.ge [sflag:s18], $0xC800  }
0x45: {  	[sflag:s18] =	ssyncset.done $0x0  }
0x46: {  	[sflag:s18] =	ssyncadd.s32 $0xFFFF3800  }
0x47: {  	_ =	strace $0x9000006E  }
0x48: {  	_ =	strace $0x8000006B  }
0x49: {  	_ =	swait.ge [sflag:s12], $0x320  }
0x4a: {  	[sflag:s12] =	ssyncset.done $0x0  }
0x4b: {  	[sflag:s12] =	ssyncadd.s32 $0xFFFFFCE0  }
0x4c: {  	_ =	strace $0x9000006B  }
0x4d: {  	_ =	strace $0x8000006C  }
0x4e: {  	[tilespmem:s13], [sflag:$0x5] =	stream.indirect.gather [hbm4b:s7+s5], $0x40, s5, s5, $0x2000b8;
	[tilespmem:$0x19640] =	vst v63  }
0x4f: {  	_ =	swait.ge [sflag:s9], $0xC800  }
0x50: {  	[sflag:s9] =	ssyncset.done $0x0  }
0x51: {  	[sflag:s9] =	ssyncadd.s32 $0xFFFF3800  }
0x52: {  	_ =	strace $0x9000006C  }
0x53: {  	s19 =	sadd.s32 $0x4B00, s19;
	_ =	strace $0x8000006D  }
0x54: {  	[hbm4b:s19+s2] =	stream.linear.scatter [tilespmem:s13], [sflag:$0x4], $0xC800, $0x200038;
	[tilespmem:$0x19640] =	vst v63  }
0x55: {  	s20 =	ssub.s32 $0x2, s20;
	_ =	strace $0x9000006D  }
0x56: {  	s21 =	sshrl.u32 s20, $0x1;
	_ =	strace $0x8000006E  }
0x57: {  	s20 =	ssub.s32 s20, s21;
	_ =	swait.ge [sflag:s15], $0xC800  }
0x58: {  	s20 =	smax.u32 s20, $0x1;
	[sflag:s15] =	ssyncset.done $0x0  }
0x59: {  	p0 =	sne.s32 s20, $0x1;
	[sflag:s15] =	ssyncadd.s32 $0xFFFF3800  }
.Ltmp0:
0x5a: {  	_ =	strace $0x9000006E;
	(pc) =	sbr.rel @!p0 .LBB2_2-.Ltmp0, $4  }
0x5b: {  	_ =	strace $0x8000006F  }
0x5c: {  	_ =	swait.ge [sflag:s18], $0xC800  }
0x5d: {  	[sflag:s18] =	ssyncset.done $0x0  }
0x5e: {  	s20 =	sadd.s32 $0xFFFFFFFF, s20;
	[sflag:s18] =	ssyncadd.s32 $0xFFFF3800  }
.LBB2_1:
0x5f: {  	p0 =	sne.s32 s20, $0x1;
	s20 =	sadd.s32 $0xFFFFFFFF, s20;
	_ =	strace $0x9000006F  }
0x60: {  	_ =	strace $0x80000069  }
0x61: {  	[tilespmem:s2], [sflag:$0x1] =	stream.linear.gather [hbm4b:s3+s2], $0x320, $0x200038;
	[tilespmem:$0x19640] =	vst v63  }
0x62: {  	_ =	strace $0x90000069  }
0x63: {  	_ =	strace $0x8000006A  }
0x64: {  	[tilespmem:s5], [sflag:$0x2] =	stream.linear.gather [hbm4b:s4+s2], $0x320, $0x200038;
	[tilespmem:$0x19640] =	vst v63  }
0x65: {  	_ =	strace $0x9000006A  }
0x66: {  	_ =	strace $0x8000006B  }
0x67: {  	_ =	swait.ge [sflag:s6], $0x320  }
0x68: {  	[sflag:s6] =	ssyncset.done $0x0  }
0x69: {  	[sflag:s6] =	ssyncadd.s32 $0xFFFFFCE0  }
0x6a: {  	_ =	strace $0x9000006B  }
0x6b: {  	_ =	strace $0x8000006C  }
0x6c: {  	[tilespmem:s8], [sflag:$0x5] =	stream.indirect.gather [hbm4b:s7+s5], $0x40, s2, s5, $0x2000b8;
	[tilespmem:$0x19640] =	vst v63  }
0x6d: {  	_ =	swait.ge [sflag:s9], $0xC800  }
0x6e: {  	[sflag:s9] =	ssyncset.done $0x0  }
0x6f: {  	[sflag:s9] =	ssyncadd.s32 $0xFFFF3800  }
0x70: {  	_ =	strace $0x9000006C  }
0x71: {  	_ =	strace $0x8000006D  }
0x72: {  	[hbm4b:s10+s2] =	stream.linear.scatter [tilespmem:s8], [sflag:$0x3], $0xC800, $0x200038;
	[tilespmem:$0x19640] =	vst v63  }
0x73: {  	_ =	strace $0x9000006D  }
0x74: {  	_ =	strace $0x8000006A  }
0x75: {  	[tilespmem:s2], [sflag:$0x1] =	stream.linear.gather [hbm4b:s11+s2], $0x320, $0x200038;
	[tilespmem:$0x19640] =	vst v63  }
0x76: {  	_ =	strace $0x9000006A  }
0x77: {  	_ =	strace $0x8000006B  }
0x78: {  	_ =	swait.ge [sflag:s12], $0x320  }
0x79: {  	[sflag:s12] =	ssyncset.done $0x0  }
0x7a: {  	[sflag:s12] =	ssyncadd.s32 $0xFFFFFCE0  }
0x7b: {  	_ =	strace $0x9000006B  }
0x7c: {  	_ =	strace $0x8000006C  }
0x7d: {  	[tilespmem:s13], [sflag:$0x5] =	stream.indirect.gather [hbm4b:s7+s5], $0x40, s5, s5, $0x2000b8;
	[tilespmem:$0x19640] =	vst v63  }
0x7e: {  	_ =	swait.ge [sflag:s9], $0xC800  }
0x7f: {  	[sflag:s9] =	ssyncset.done $0x0  }
0x80: {  	[sflag:s9] =	ssyncadd.s32 $0xFFFF3800  }
0x81: {  	_ =	strace $0x9000006C  }
0x82: {  	_ =	strace $0x8000006D  }
0x83: {  	[hbm4b:s14+s2] =	stream.linear.scatter [tilespmem:s13], [sflag:$0x4], $0xC800, $0x200038;
	[tilespmem:$0x19640] =	vst v63  }
0x84: {  	_ =	strace $0x9000006D  }
0x85: {  	_ =	strace $0x8000006E  }
0x86: {  	_ =	swait.ge [sflag:s15], $0xC800  }
0x87: {  	[sflag:s15] =	ssyncset.done $0x0  }
0x88: {  	[sflag:s15] =	ssyncadd.s32 $0xFFFF3800  }
0x89: {  	_ =	strace $0x9000006E  }
0x8a: {  	_ =	strace $0x8000006A  }
0x8b: {  	[tilespmem:s5], [sflag:$0x2] =	stream.linear.gather [hbm4b:s16+s2], $0x320, $0x200038;
	[tilespmem:$0x19640] =	vst v63  }
0x8c: {  	_ =	strace $0x9000006A  }
0x8d: {  	_ =	strace $0x8000006B  }
0x8e: {  	_ =	swait.ge [sflag:s6], $0x320  }
0x8f: {  	[sflag:s6] =	ssyncset.done $0x0  }
0x90: {  	[sflag:s6] =	ssyncadd.s32 $0xFFFFFCE0  }
0x91: {  	_ =	strace $0x9000006B  }
0x92: {  	_ =	strace $0x8000006C  }
0x93: {  	[tilespmem:s8], [sflag:$0x5] =	stream.indirect.gather [hbm4b:s7+s5], $0x40, s2, s5, $0x2000b8;
	[tilespmem:$0x19640] =	vst v63  }
0x94: {  	_ =	swait.ge [sflag:s9], $0xC800  }
0x95: {  	[sflag:s9] =	ssyncset.done $0x0  }
0x96: {  	[sflag:s9] =	ssyncadd.s32 $0xFFFF3800  }
0x97: {  	_ =	strace $0x9000006C  }
0x98: {  	_ =	strace $0x8000006D  }
0x99: {  	[hbm4b:s17+s2] =	stream.linear.scatter [tilespmem:s8], [sflag:$0x3], $0xC800, $0x200038;
	[tilespmem:$0x19640] =	vst v63  }
0x9a: {  	_ =	strace $0x9000006D  }
0x9b: {  	_ =	strace $0x8000006E  }
0x9c: {  	_ =	swait.ge [sflag:s18], $0xC800  }
0x9d: {  	[sflag:s18] =	ssyncset.done $0x0  }
0x9e: {  	[sflag:s18] =	ssyncadd.s32 $0xFFFF3800  }
0x9f: {  	_ =	strace $0x9000006E  }
0xa0: {  	_ =	strace $0x8000006B  }
0xa1: {  	_ =	swait.ge [sflag:s12], $0x320  }
0xa2: {  	[sflag:s12] =	ssyncset.done $0x0  }
0xa3: {  	[sflag:s12] =	ssyncadd.s32 $0xFFFFFCE0  }
0xa4: {  	_ =	strace $0x9000006B  }
0xa5: {  	_ =	strace $0x8000006C  }
0xa6: {  	[tilespmem:s13], [sflag:$0x5] =	stream.indirect.gather [hbm4b:s7+s5], $0x40, s5, s5, $0x2000b8;
	[tilespmem:$0x19640] =	vst v63  }
0xa7: {  	_ =	swait.ge [sflag:s9], $0xC800  }
0xa8: {  	[sflag:s9] =	ssyncset.done $0x0  }
0xa9: {  	[sflag:s9] =	ssyncadd.s32 $0xFFFF3800  }
0xaa: {  	_ =	strace $0x9000006C  }
0xab: {  	_ =	strace $0x8000006D  }
0xac: {  	[hbm4b:s19+s2] =	stream.linear.scatter [tilespmem:s13], [sflag:$0x4], $0xC800, $0x200038;
	[tilespmem:$0x19640] =	vst v63  }
0xad: {  	_ =	strace $0x9000006D  }
0xae: {  	_ =	strace $0x8000006E  }
0xaf: {  	_ =	swait.ge [sflag:s15], $0xC800  }
0xb0: {  	[sflag:s15] =	ssyncset.done $0x0  }
0xb1: {  	[sflag:s15] =	ssyncadd.s32 $0xFFFF3800  }
.Ltmp1:
0xb2: {  	_ =	strace $0x9000006E;
	(pc) =	sbr.rel @p0 .LBB2_1-.Ltmp1, $4  }
0xb3: {  	_ =	strace $0x8000006F  }
0xb4: {  	_ =	swait.ge [sflag:s18], $0xC800  }
0xb5: {  	[sflag:s18] =	ssyncset.done $0x0  }
0xb6: {  	[sflag:s18] =	ssyncadd.s32 $0xFFFF3800  }
.LBB2_2:
0xb7: {  	_ =	strace $0x9000006F  }
0xb8: {  	_ =	sfence.sel $0x180000  }
0xb9: {  	[bflag:$0x0] =	sbarrier.arrive $0xFFFF  }
0xba: {  	p0 =	sne.s32 s0, $0x0;
	_ =	strace $0x90000068  }
0xbb: {  	s0 =	sadd.s32 @!p0 $0x100000, s1;
	[bflag:$0x2] =	sbarrier.arrive $0xFFFF  }
0xbc: {  	[sflag:s0] =	ssyncadd.tile.s32 @!p0 $0x1;
	_ =	shalt  }
.Lfunc_end2:
_tile_overlayer_lowered:
.L_overlay_start_2:
0xbd: {  	(tag) =	ssettag $0x2  }
0xbe: {  	s0 =	rddreg [dreg:$0x0];
	s2 =	stileid.u32  }
0xbf: {  	s1 =	rddreg [dreg:$0x1];
	p0 =	sne.s32 s2, $0x0  }
0xc0: {  	s3 =	rddreg [dreg:$0x2];
	[bflag:$0x3] =	sbarrier.arrive $0xFFFF;
	s2 =	simm.s32 @!p0 $0x1C01  }
0xc1: {  	[timem:s3], [sflag:s2] =	dma.local @!p0 [hbm:s0], s1  }
0xc2: {  	s0 =	simm.s32 @!p0 $0x1  }
0xc3: {  	_ =	swait.ge @!p0 [sflag:s0], s1  }
0xc4: {  	s1 =	ssub.s32 @!p0 $0x0, s1;
	[sflag:s0] =	ssyncset.done @!p0 $0x0  }
0xc5: {  	[sflag:s0] =	ssyncadd.s32 @!p0 s1  }
0xc6: {  	[bflag:$0x3] =	sbarrier.arrive $0xFFFF  }
0xc7: {  	_ =	shalt  }

// kernel: kernel.31.cloned.1.call-start
scs
__scs_entry_jumppad:
0x0: {  	(pc) =	sbr.rel $0x88, $3  }
0x1: {  	(tag) =	ssettag $0x0;
	lr =	simm.s32 $0x1  }
0x2: {  	[smem:$0x3F9F] =	sst lr;
	_ =	strace $0xD0000000  }
0x3: {  	_ = 	snop  }
0x4: {  	_ = 	snop  }
0x5: {  	_ = 	snop  }
0x6: {  	_ = 	snop  }
0x7: {  	_ = 	snop  }
__scs_overlays_trampoline_lowered:
0x8: {  	[smem:$0x3FAE] =	sst s0  }
0x9: {  	[smem:$0x3FAF] =	sst s1  }
0xa: {  	[smem:$0x3FB0] =	sst s2  }
0xb: {  	[smem:$0x3FB1] =	sst s3  }
0xc: {  	[smem:$0x3FB2] =	sst s4  }
0xd: {  	[smem:$0x3FB3] =	sst s5  }
0xe: {  	[smem:$0x3FB4] =	sst s6  }
0xf: {  	[smem:$0x3FB5] =	sst s7  }
0x10: {  	[smem:$0x3FB6] =	sst s8  }
0x11: {  	[smem:$0x3FB7] =	sst s9;
	s0 =	simm.s32 @!p0 $0x0  }
0x12: {  	s1 =	sld [smem:$0x3F9D];
	s0 =	simm.s32 @p0 $0x1  }
0x13: {  	[smem:$0x3FB8] =	sst s0;
	s0 =	simm.s32 @!p1 $0x0  }
0x14: {  	s2 =	sld [smem:$0x3F9C];
	s0 =	simm.s32 @p1 $0x1  }
0x15: {  	[smem:$0x3FB9] =	sst s0;
	s0 =	simm.s32 @!p2 $0x0  }
0x16: {  	s3 =	sld [smem:$0x3FDB];
	s0 =	simm.s32 @p2 $0x1  }
0x17: {  	s4 =	simm.s32 $0x1BF5;
	[smem:$0x3FBB] =	sst s0  }
0x18: {  	s0 =	sld [smem:$0x3F9E];
	_ =	swait.ge [sflag:s4], $0x0  }
0x19: {  	s7 =	sld [smem:$0x3F9F]  }
0x1a: {  	s8 =	sadd.s32 $0xFFFFE003, lr  }
0x1b: {  	s9 =	sadd.s32 $0xFFFFFEF7, lr;
	s5 =	simm.s32 $0xFFFFFFFF;
	p2 =	slt.u32 s8, $0xFFFFF086  }
0x1c: {  	p1 =	slt.u32 s9, $0xF7A;
	s5 =	simm.s32 @!p2 $0x0  }
0x1d: {  	s5 =	simm.s32 @p1 $0x1;
	p0 =	seq.s32 s7, s2  }
0x1e: {  	s7 =	smul.u32 @!p0 $0xF7A, s2;
	p2 =	seq.s32 @!p0 s5, $0x0  }
0x1f: {  	s9 =	smul.u32 $0xF7A, s1;
	s8 =	simm.s32 @!p0 $0x1BF5;
	p2 =	por !p2, p0  }
0x20: {  	[sflag:s8] =	ssyncset.s32 @!p0 $0xFFFFF086;
	s6 =	sadd.s32 @!p0 s3, s7;
	s7 =	simm.s32 @!p0 $0x108  }
0x21: {  	s3 =	sadd.s32 s3, s9;
	s6 =	sadd.s32 @!p0 $0x88, s6;
	s7 =	simm.s32 @p2 $0x1082  }
0x22: {  	[simem:s7], [sflag:s8] =	dma.local @!p0 [hbm:s6], $0xF7A  }
0x23: {  	s9 =	sor.u32 $0xD0000000, s2;
	s6 =	simm.s32 $0x108;
	_ =	swait.ge @!p0 [sflag:s8], $0x0  }
0x24: {  	s3 =	sadd.s32 $0x88, s3;
	s6 =	simm.s32 @!p1 $0x1082;
	[sflag:s4] =	ssyncset.s32 $0xFFFFF086  }
0x25: {  	[simem:s6], [sflag:s4] =	dma.local [hbm:s3], $0xF7A  }
0x26: {  	[smem:$0x3F9F] =	sst s1;
	(tag) =	ssettag s2;
	_ =	strace s9  }
0x27: {  	s1 =	sld [smem:$0x3FAF]  }
0x28: {  	s2 =	sld [smem:$0x3FB0]  }
0x29: {  	s4 =	sld [smem:$0x3FB2]  }
0x2a: {  	p0 =	seq.s32 s5, $0x0;
	s5 =	sld [smem:$0x3FB3]  }
0x2b: {  	s6 =	sld [smem:$0x3FB4]  }
0x2c: {  	s7 =	sld [smem:$0x3FB5]  }
0x2d: {  	s3 =	simm.s32 $0x108;
	s8 =	sld [smem:$0x3FB6]  }
0x2e: {  	s3 =	simm.s32 @!p0 $0x1082;
	s9 =	sld [smem:$0x3FB7]  }
0x2f: {  	lr =	sadd.s32 s0, s3;
	s0 =	sld [smem:$0x3FAE]  }
0x30: {  	s3 =	sld [smem:$0x3FB1]  }
0x31: {  	[smem:$0x3FBA] =	sst s10  }
0x32: {  	s10 =	sld [smem:$0x3FB8];
	_ =	sdelay $0x3  }
0x33: {  	p0 =	seq.s32 s10, $0x1;
	s10 =	sld [smem:$0x3FBA];
	_ =	sdelay $0x3  }
0x34: {  	[smem:$0x3FBA] =	sst s10  }
0x35: {  	s10 =	sld [smem:$0x3FB9];
	_ =	sdelay $0x3  }
0x36: {  	p1 =	seq.s32 s10, $0x1;
	s10 =	sld [smem:$0x3FBA];
	_ =	sdelay $0x3  }
0x37: {  	[smem:$0x3FBA] =	sst s10  }
0x38: {  	s10 =	sld [smem:$0x3FBB]  }
0x39: {  	_ = 	snop;
	(pc) =	sbr.ind lr, $3  }
0x3a: {  	_ = 	snop  }
0x3b: {  	_ = 	snop  }
0x3c: {  	p2 =	seq.s32 s10, $0x1;
	s10 =	sld [smem:$0x3FBA]  }
0x3d: {  	_ =	shalt  }
0x3e: {  	_ =	shalt  }
0x3f: {  	_ =	shalt  }
0x40: {  	_ =	shalt  }
0x41: {  	_ =	shalt  }
0x42: {  	_ =	shalt  }
0x43: {  	_ =	shalt  }
0x44: {  	_ =	shalt  }
0x45: {  	_ =	shalt  }
0x46: {  	_ =	shalt  }
0x47: {  	_ =	shalt  }
0x48: {  	_ =	shalt  }
0x49: {  	_ =	shalt  }
0x4a: {  	_ =	shalt  }
0x4b: {  	_ =	shalt  }
0x4c: {  	_ =	shalt  }
0x4d: {  	_ =	shalt  }
0x4e: {  	_ =	shalt  }
0x4f: {  	_ =	shalt  }
0x50: {  	_ =	shalt  }
0x51: {  	_ =	shalt  }
0x52: {  	_ =	shalt  }
0x53: {  	_ =	shalt  }
0x54: {  	_ =	shalt  }
0x55: {  	_ =	shalt  }
0x56: {  	_ =	shalt  }
0x57: {  	_ =	shalt  }
0x58: {  	_ =	shalt  }
0x59: {  	_ =	shalt  }
0x5a: {  	_ =	shalt  }
0x5b: {  	_ =	shalt  }
0x5c: {  	_ =	shalt  }
0x5d: {  	_ =	shalt  }
0x5e: {  	_ =	shalt  }
0x5f: {  	_ =	shalt  }
0x60: {  	_ =	shalt  }
0x61: {  	_ =	shalt  }
0x62: {  	_ =	shalt  }
0x63: {  	_ =	shalt  }
0x64: {  	_ =	shalt  }
0x65: {  	_ =	shalt  }
0x66: {  	_ =	shalt  }
0x67: {  	_ =	shalt  }
0x68: {  	_ =	shalt  }
0x69: {  	_ =	shalt  }
0x6a: {  	_ =	shalt  }
0x6b: {  	_ =	shalt  }
0x6c: {  	_ =	shalt  }
0x6d: {  	_ =	shalt  }
0x6e: {  	_ =	shalt  }
0x6f: {  	_ =	shalt  }
0x70: {  	_ =	shalt  }
0x71: {  	_ =	shalt  }
0x72: {  	_ =	shalt  }
0x73: {  	_ =	shalt  }
0x74: {  	_ =	shalt  }
0x75: {  	_ =	shalt  }
0x76: {  	_ =	shalt  }
0x77: {  	_ =	shalt  }
0x78: {  	_ =	shalt  }
0x79: {  	_ =	shalt  }
0x7a: {  	_ =	shalt  }
0x7b: {  	_ =	shalt  }
0x7c: {  	_ =	shalt  }
0x7d: {  	_ =	shalt  }
0x7e: {  	_ =	shalt  }
0x7f: {  	_ =	shalt  }
0x80: {  	_ =	shalt  }
0x81: {  	_ =	shalt  }
0x82: {  	_ =	shalt  }
0x83: {  	_ =	shalt  }
0x84: {  	_ =	shalt  }
0x85: {  	_ =	shalt  }
0x86: {  	_ =	shalt  }
0x87: {  	_ =	shalt  }
.Lfunc_end0:
.L_simem_size_0:
called_computation.5_lowered:
.L_overlay_start_0:
0x88: {  	s2 =	sld [smem:$0x3FD9]  }
0x89: {  	s3 =	sld [smem:$0x3FFE];
	_ =	sdelay $0x1  }
0x8a: {  	s1 =	srdreg.scid  }
0x8b: {  	s0 =	sand.u32 $0x1, s1  }
0x8c: {  	s17 =	sshll.u32 s0, $0xA;
	s2 =	sadd.s32 s3, s2  }
0x8d: {  	s2 =	sadd.s32 s2, s17  }
0x8e: {  	[smem:$0x3FC6] =	sst s2  }
0x8f: {  	_ = 	snop  }
0x90: {  	(tm) =	ssettm $0x1  }
0x91: {  	s18 =	sld [smem:$0x3FFB];
	_ =	sdelay $0x3  }
0x92: {  	_ =	strace s18  }
0x93: {  	s2 =	sld [smem:$0x3FFC];
	_ =	sdelay $0x3  }
0x94: {  	_ =	strace s2  }
0x95: {  	s2 =	sld [smem:$0x3FFD];
	_ =	sdelay $0x3  }
0x96: {  	_ =	strace s2  }
0x97: {  	_ =	strace $0x8FFFFFFF  }
0x98: {  	s19 =	sld [smem:$0x3FDB];
	_ =	sdelay $0x1  }
0x99: {  	s20 =	simm.s32 $_scs_section_size  }
0x9a: {  	s4 =	simm.s32 $_size__tile_overlayer_lowered;
	s5 =	simm.s32 $_tile_overlayer_lowered  }
0x9b: {  	s6 =	simm.s32 $0x1BFF;
	s21 =	sshll.u32 s5, $0x1;
	s3 =	sadd.s32 s20, s19  }
0x9c: {  	s22 =	simm.s32 $0x0;
	s4 =	sshll.u32 s4, $0x1;
	s5 =	sadd.s32 s21, s3  }
0x9d: {  	[timem:s22], [sflag:s6] =	dma.local [hbm:s5], s4  }
0x9e: {  	_ =	swait.ge [sflag:s6], s4  }
0x9f: {  	s4 =	ssub.s32 $0x0, s4;
	[sflag:s6] =	ssyncset.done $0x0  }
0xa0: {  	[sflag:s6] =	ssyncadd.s32 s4;
	_ =	sdelay $0x1  }
0xa1: {  	s23 =	simm.s32 $0x1B8B  }
0xa2: {  	_ =	swait.ge [sflag:s23], $0x1  }
0xa3: {  	[sflag:s23] =	ssyncset.done $0x0  }
0xa4: {  	[sflag:s23] =	ssyncadd.s32 $0xFFFFFFFF  }
0xa5: {  	s4 =	sld [smem:$0x0]  }
0xa6: {  	s5 =	sand.u32 $0xFFFFFFFE, s1  }
0xa7: {  	p0 =	sne.s32 s1, s5  }
0xa8: {  	s5 =	sshll.u32 @p0 s5, $0xE  }
0xa9: {  	s5 =	sadd.s32 @p0 $0x11B8D, s5;
	s6 =	sshll.u32 @p0 s4, $0x11  }
0xaa: {  	s5 =	sor.u32 @p0 s6, s5  }
0xab: {  	[sflag:s5] =	ssyncadd.remote.s32 @p0 $0x1;
	_ =	sdelay $0x1  }
0xac: {  	s5 =	simm.s32 @p0 $0x1B8D  }
0xad: {  	_ =	swait.eq @p0 [sflag:s5], $0x1  }
0xae: {  	[sflag:s5] =	ssyncadd.s32 @p0 $0xFFFFFFFF  }
0xaf: {  	s6 =	sshll.u32 @!p0 s1, $0xE  }
0xb0: {  	s6 =	sor.u32 @!p0 $0x4000, s6;
	s5 =	simm.s32 @!p0 $0x1B8D  }
0xb1: {  	s4 =	sshll.u32 @!p0 s4, $0x11;
	s6 =	sadd.s32 @!p0 $0x11B8D, s6;
	_ =	swait.eq @!p0 [sflag:s5], $0x1  }
0xb2: {  	s4 =	sor.u32 @!p0 s4, s6;
	[sflag:s5] =	ssyncadd.s32 @!p0 $0xFFFFFFFF  }
0xb3: {  	s25 =	simm.s32 $0x1B8E;
	s24 =	sld [smem:$0x3FFE];
	[sflag:s4] =	ssyncadd.remote.s32 @!p0 $0x1  }
0xb4: {  	s26 =	simm.s32 $execute0_lowered;
	[smem:$0x3FD2] =	sst s25  }
0xb5: {  	s5 =	sshll.u32 s26, $0x1;
	_ =	strace $0x80000071;
	[dreg:$0x1] =	wrdreg $0xFFFFFFFF  }
0xb6: {  	s28 =	simm.s32 $_size_execute0_lowered;
	s3 =	sadd.s32 s3, s5;
	[dreg:$0x0] =	wrdreg $0x0  }
0xb7: {  	s5 =	sshll.u32 s28, $0x1;
	[dreg:$0x2] =	wrdreg s3  }
0xb8: {  	[dreg:$0x3] =	wrdreg s5  }
0xb9: {  	[dreg:$0x4] =	wrdreg $0xC0  }
0xba: {  	_ =	task [dreg:s22], $0x5FFFF  }
0xbb: {  	[dreg:$0x1] =	wrdreg $0xFFFFFFFF  }
0xbc: {  	[dreg:$0x0] =	wrdreg $0x60  }
0xbd: {  	[dreg:$0x2] =	wrdreg s24  }
0xbe: {  	[dreg:$0x3] =	wrdreg $0xD  }
0xbf: {  	_ =	task.clear_ibuf [dreg:s22], $0x4FFFF;
	_ =	strace $0x90000071  }
0xc0: {  	s29 =	simm.s32 $0xD;
	_ =	strace $0x8000007A  }
0xc1: {  	_ =	swait.ge [sflag:s29], $0x1  }
0xc2: {  	[sflag:s29] =	ssyncadd.s32 $0xFFFFFFFF  }
0xc3: {  	_ =	strace $0x9000007A  }
0xc4: {  	_ =	sfence  }
0xc5: {  	s30 =	sld [smem:$0x0];
	_ =	sdelay $0x2  }
0xc6: {  	s31 =	sshll.u32 s1, $0xD;
	s1 =	sshrl.u32 s1, $0x2  }
0xc7: {  	s4 =	sand.u32 $0x4000, s31;
	s1 =	sadd.s32 s1, s30  }
0xc8: {  	s0 =	sor.u32 s4, s0;
	s1 =	sshll.u32 s1, $0x11  }
0xc9: {  	s0 =	sor.u32 s1, s0  }
0xca: {  	s0 =	sadd.s32 $0x8F2B, s0  }
0xcb: {  	[sflag:s0] =	ssyncadd.remote.s32 $0x1  }
0xcc: {  	_ =	sfence.sel $0xFFFF  }
0xcd: {  	[dreg:$0x0] =	wrdreg $0xFFFFFFFF;
	(pc) =	sbr.abs _section_cstart, $3  }
0xce: {  	[dreg:$0x1] =	wrdreg $0xFFFFFFFF  }
0xcf: {  	_ =	task.clear_ibuf [dreg:s22], $0x2FFFF;
	_ =	strace $0x9FFFFFFF  }
0xd0: {  	(tm) =	ssettm $0x7FFFFFFF  }
0xd1: {  	_ =	shalt  }
tec
execute0_lowered:
.L_overlay_start_1:
0x0: {  	(tag) =	ssettag $0x1  }
0x1: {  	s0 =	srdreg.scid  }
0x2: {  	s20 =	sand.u32 $0x1, s0  }
0x3: {  	s0 =	stileid.u32;
	s1 =	sshll.u32 s20, $0x4  }
0x4: {  	s14 =	sor.u32 s0, s1  }
0x5: {  	s10 =	rddreg [dreg:$0x0];
	s2 =	simm.s32 $0x0;
	s3 =	smul.u32 $0x190, s14  }
0x6: {  	[smem:$0x7FF] =	sst s2;
	s4 =	smul.u32 $0xC80, s14  }
0x7: {  	s5 =	sadd.s32 $0xBC00, s10;
	s1 =	rddreg [dreg:$0x1];
	_ =	strace $0x80000072  }
0x8: {  	_ =	strace $0x80000073;
	s3 =	sadd.s32 s5, s3;
	s4 =	sshrl.u32 s4, $0x3  }
0x9: {  	[tilespmem:s2], [sflag:$0x1] =	stream.linear.gather [hbm4b:s3+s2], $0x320, $0x200038;
	[tilespmem:$0x19640] =	vst v63  }
0xa: {  	s16 =	sadd.s32 s5, s4;
	_ =	strace $0x90000073  }
0xb: {  	s5 =	simm.s32 $0x320;
	s4 =	sadd.s32 $0x64, s16;
	_ =	strace $0x80000074  }
0xc: {  	[tilespmem:s5], [sflag:$0x2] =	stream.linear.gather [hbm4b:s4+s2], $0x320, $0x200038;
	[tilespmem:$0x19640] =	vst v63  }
0xd: {  	_ =	strace $0x90000074  }
0xe: {  	s6 =	simm.s32 $0x1;
	_ =	strace $0x80000075  }
0xf: {  	_ =	swait.ge [sflag:s6], $0x320  }
0x10: {  	[sflag:s6] =	ssyncset.done $0x0  }
0x11: {  	[sflag:s6] =	ssyncadd.s32 $0xFFFFFCE0  }
0x12: {  	s8 =	simm.s32 $0x640;
	_ =	strace $0x90000075  }
0x13: {  	s9 =	simm.s32 $0x5;
	s7 =	sadd.s32 $0x22800, s10;
	_ =	strace $0x80000076  }
0x14: {  	[tilespmem:s8], [sflag:$0x5] =	stream.indirect.gather [hbm4b:s7+s5], $0x40, s2, s5, $0x2000b8;
	[tilespmem:$0x19640] =	vst v63  }
0x15: {  	_ =	swait.ge [sflag:s9], $0xC800  }
0x16: {  	[sflag:s9] =	ssyncset.done $0x0  }
0x17: {  	s11 =	smul.u32 $0x6400, s14;
	[sflag:s9] =	ssyncadd.s32 $0xFFFF3800  }
0x18: {  	s15 =	sadd.s32 $0xAEA800, s10;
	_ =	strace $0x90000076  }
0x19: {  	s10 =	sadd.s32 s15, s11;
	_ =	strace $0x80000077  }
0x1a: {  	[hbm4b:s10+s2] =	stream.linear.scatter [tilespmem:s8], [sflag:$0x3], $0xC800, $0x200038;
	[tilespmem:$0x19640] =	vst v63  }
0x1b: {  	_ =	strace $0x90000077  }
0x1c: {  	s11 =	sadd.s32 $0xC8, s16;
	_ =	strace $0x80000074  }
0x1d: {  	[tilespmem:s2], [sflag:$0x1] =	stream.linear.gather [hbm4b:s11+s2], $0x320, $0x200038;
	[tilespmem:$0x19640] =	vst v63  }
0x1e: {  	_ =	strace $0x90000074  }
0x1f: {  	s12 =	simm.s32 $0x2;
	_ =	strace $0x80000075  }
0x20: {  	_ =	swait.ge [sflag:s12], $0x320  }
0x21: {  	[sflag:s12] =	ssyncset.done $0x0  }
0x22: {  	[sflag:s12] =	ssyncadd.s32 $0xFFFFFCE0  }
0x23: {  	_ =	strace $0x90000075  }
0x24: {  	s13 =	simm.s32 $0xCE40;
	_ =	strace $0x80000076  }
0x25: {  	[tilespmem:s13], [sflag:$0x5] =	stream.indirect.gather [hbm4b:s7+s5], $0x40, s5, s5, $0x2000b8;
	[tilespmem:$0x19640] =	vst v63  }
0x26: {  	s14 =	smul.u32 $0x32000, s14;
	_ =	swait.ge [sflag:s9], $0xC800  }
0x27: {  	[sflag:s9] =	ssyncset.done $0x0  }
0x28: {  	s14 =	sshrl.u32 s14, $0x3;
	[sflag:s9] =	ssyncadd.s32 $0xFFFF3800  }
0x29: {  	s19 =	sadd.s32 s15, s14;
	_ =	strace $0x90000076  }
0x2a: {  	s14 =	sadd.s32 $0x1900, s19;
	_ =	strace $0x80000077  }
0x2b: {  	[hbm4b:s14+s2] =	stream.linear.scatter [tilespmem:s13], [sflag:$0x4], $0xC800, $0x200038;
	[tilespmem:$0x19640] =	vst v63  }
0x2c: {  	_ =	strace $0x90000077  }
0x2d: {  	s15 =	simm.s32 $0x3;
	_ =	strace $0x80000078  }
0x2e: {  	_ =	swait.ge [sflag:s15], $0xC800  }
0x2f: {  	[sflag:s15] =	ssyncset.done $0x0  }
0x30: {  	[sflag:s15] =	ssyncadd.s32 $0xFFFF3800  }
0x31: {  	_ =	strace $0x90000078  }
0x32: {  	s16 =	sadd.s32 $0x12C, s16;
	_ =	strace $0x80000074  }
0x33: {  	[tilespmem:s5], [sflag:$0x2] =	stream.linear.gather [hbm4b:s16+s2], $0x320, $0x200038;
	[tilespmem:$0x19640] =	vst v63  }
0x34: {  	_ =	strace $0x90000074  }
0x35: {  	_ =	strace $0x80000075  }
0x36: {  	_ =	swait.ge [sflag:s6], $0x320  }
0x37: {  	[sflag:s6] =	ssyncset.done $0x0  }
0x38: {  	[sflag:s6] =	ssyncadd.s32 $0xFFFFFCE0  }
0x39: {  	_ =	strace $0x90000075  }
0x3a: {  	_ =	strace $0x80000076  }
0x3b: {  	[tilespmem:s8], [sflag:$0x5] =	stream.indirect.gather [hbm4b:s7+s5], $0x40, s2, s5, $0x2000b8;
	[tilespmem:$0x19640] =	vst v63  }
0x3c: {  	_ =	swait.ge [sflag:s9], $0xC800  }
0x3d: {  	[sflag:s9] =	ssyncset.done $0x0  }
0x3e: {  	[sflag:s9] =	ssyncadd.s32 $0xFFFF3800  }
0x3f: {  	_ =	strace $0x90000076  }
0x40: {  	s17 =	sadd.s32 $0x3200, s19;
	_ =	strace $0x80000077  }
0x41: {  	[hbm4b:s17+s2] =	stream.linear.scatter [tilespmem:s8], [sflag:$0x3], $0xC800, $0x200038;
	[tilespmem:$0x19640] =	vst v63  }
0x42: {  	_ =	strace $0x90000077  }
0x43: {  	s18 =	simm.s32 $0x4;
	_ =	strace $0x80000078  }
0x44: {  	_ =	swait.ge [sflag:s18], $0xC800  }
0x45: {  	[sflag:s18] =	ssyncset.done $0x0  }
0x46: {  	[sflag:s18] =	ssyncadd.s32 $0xFFFF3800  }
0x47: {  	_ =	strace $0x90000078  }
0x48: {  	_ =	strace $0x80000075  }
0x49: {  	_ =	swait.ge [sflag:s12], $0x320  }
0x4a: {  	[sflag:s12] =	ssyncset.done $0x0  }
0x4b: {  	[sflag:s12] =	ssyncadd.s32 $0xFFFFFCE0  }
0x4c: {  	_ =	strace $0x90000075  }
0x4d: {  	_ =	strace $0x80000076  }
0x4e: {  	[tilespmem:s13], [sflag:$0x5] =	stream.indirect.gather [hbm4b:s7+s5], $0x40, s5, s5, $0x2000b8;
	[tilespmem:$0x19640] =	vst v63  }
0x4f: {  	_ =	swait.ge [sflag:s9], $0xC800  }
0x50: {  	[sflag:s9] =	ssyncset.done $0x0  }
0x51: {  	[sflag:s9] =	ssyncadd.s32 $0xFFFF3800  }
0x52: {  	_ =	strace $0x90000076  }
0x53: {  	s19 =	sadd.s32 $0x4B00, s19;
	_ =	strace $0x80000077  }
0x54: {  	[hbm4b:s19+s2] =	stream.linear.scatter [tilespmem:s13], [sflag:$0x4], $0xC800, $0x200038;
	[tilespmem:$0x19640] =	vst v63  }
0x55: {  	s20 =	ssub.s32 $0x2, s20;
	_ =	strace $0x90000077  }
0x56: {  	s21 =	sshrl.u32 s20, $0x1;
	_ =	strace $0x80000078  }
0x57: {  	s20 =	ssub.s32 s20, s21;
	_ =	swait.ge [sflag:s15], $0xC800  }
0x58: {  	s20 =	smax.u32 s20, $0x1;
	[sflag:s15] =	ssyncset.done $0x0  }
0x59: {  	p0 =	sne.s32 s20, $0x1;
	[sflag:s15] =	ssyncadd.s32 $0xFFFF3800  }
.Ltmp0:
0x5a: {  	_ =	strace $0x90000078;
	(pc) =	sbr.rel @!p0 .LBB2_2-.Ltmp0, $4  }
0x5b: {  	_ =	strace $0x80000079  }
0x5c: {  	_ =	swait.ge [sflag:s18], $0xC800  }
0x5d: {  	[sflag:s18] =	ssyncset.done $0x0  }
0x5e: {  	s20 =	sadd.s32 $0xFFFFFFFF, s20;
	[sflag:s18] =	ssyncadd.s32 $0xFFFF3800  }
.LBB2_1:
0x5f: {  	p0 =	sne.s32 s20, $0x1;
	s20 =	sadd.s32 $0xFFFFFFFF, s20;
	_ =	strace $0x90000079  }
0x60: {  	_ =	strace $0x80000073  }
0x61: {  	[tilespmem:s2], [sflag:$0x1] =	stream.linear.gather [hbm4b:s3+s2], $0x320, $0x200038;
	[tilespmem:$0x19640] =	vst v63  }
0x62: {  	_ =	strace $0x90000073  }
0x63: {  	_ =	strace $0x80000074  }
0x64: {  	[tilespmem:s5], [sflag:$0x2] =	stream.linear.gather [hbm4b:s4+s2], $0x320, $0x200038;
	[tilespmem:$0x19640] =	vst v63  }
0x65: {  	_ =	strace $0x90000074  }
0x66: {  	_ =	strace $0x80000075  }
0x67: {  	_ =	swait.ge [sflag:s6], $0x320  }
0x68: {  	[sflag:s6] =	ssyncset.done $0x0  }
0x69: {  	[sflag:s6] =	ssyncadd.s32 $0xFFFFFCE0  }
0x6a: {  	_ =	strace $0x90000075  }
0x6b: {  	_ =	strace $0x80000076  }
0x6c: {  	[tilespmem:s8], [sflag:$0x5] =	stream.indirect.gather [hbm4b:s7+s5], $0x40, s2, s5, $0x2000b8;
	[tilespmem:$0x19640] =	vst v63  }
0x6d: {  	_ =	swait.ge [sflag:s9], $0xC800  }
0x6e: {  	[sflag:s9] =	ssyncset.done $0x0  }
0x6f: {  	[sflag:s9] =	ssyncadd.s32 $0xFFFF3800  }
0x70: {  	_ =	strace $0x90000076  }
0x71: {  	_ =	strace $0x80000077  }
0x72: {  	[hbm4b:s10+s2] =	stream.linear.scatter [tilespmem:s8], [sflag:$0x3], $0xC800, $0x200038;
	[tilespmem:$0x19640] =	vst v63  }
0x73: {  	_ =	strace $0x90000077  }
0x74: {  	_ =	strace $0x80000074  }
0x75: {  	[tilespmem:s2], [sflag:$0x1] =	stream.linear.gather [hbm4b:s11+s2], $0x320, $0x200038;
	[tilespmem:$0x19640] =	vst v63  }
0x76: {  	_ =	strace $0x90000074  }
0x77: {  	_ =	strace $0x80000075  }
0x78: {  	_ =	swait.ge [sflag:s12], $0x320  }
0x79: {  	[sflag:s12] =	ssyncset.done $0x0  }
0x7a: {  	[sflag:s12] =	ssyncadd.s32 $0xFFFFFCE0  }
0x7b: {  	_ =	strace $0x90000075  }
0x7c: {  	_ =	strace $0x80000076  }
0x7d: {  	[tilespmem:s13], [sflag:$0x5] =	stream.indirect.gather [hbm4b:s7+s5], $0x40, s5, s5, $0x2000b8;
	[tilespmem:$0x19640] =	vst v63  }
0x7e: {  	_ =	swait.ge [sflag:s9], $0xC800  }
0x7f: {  	[sflag:s9] =	ssyncset.done $0x0  }
0x80: {  	[sflag:s9] =	ssyncadd.s32 $0xFFFF3800  }
0x81: {  	_ =	strace $0x90000076  }
0x82: {  	_ =	strace $0x80000077  }
0x83: {  	[hbm4b:s14+s2] =	stream.linear.scatter [tilespmem:s13], [sflag:$0x4], $0xC800, $0x200038;
	[tilespmem:$0x19640] =	vst v63  }
0x84: {  	_ =	strace $0x90000077  }
0x85: {  	_ =	strace $0x80000078  }
0x86: {  	_ =	swait.ge [sflag:s15], $0xC800  }
0x87: {  	[sflag:s15] =	ssyncset.done $0x0  }
0x88: {  	[sflag:s15] =	ssyncadd.s32 $0xFFFF3800  }
0x89: {  	_ =	strace $0x90000078  }
0x8a: {  	_ =	strace $0x80000074  }
0x8b: {  	[tilespmem:s5], [sflag:$0x2] =	stream.linear.gather [hbm4b:s16+s2], $0x320, $0x200038;
	[tilespmem:$0x19640] =	vst v63  }
0x8c: {  	_ =	strace $0x90000074  }
0x8d: {  	_ =	strace $0x80000075  }
0x8e: {  	_ =	swait.ge [sflag:s6], $0x320  }
0x8f: {  	[sflag:s6] =	ssyncset.done $0x0  }
0x90: {  	[sflag:s6] =	ssyncadd.s32 $0xFFFFFCE0  }
0x91: {  	_ =	strace $0x90000075  }
0x92: {  	_ =	strace $0x80000076  }
0x93: {  	[tilespmem:s8], [sflag:$0x5] =	stream.indirect.gather [hbm4b:s7+s5], $0x40, s2, s5, $0x2000b8;
	[tilespmem:$0x19640] =	vst v63  }
0x94: {  	_ =	swait.ge [sflag:s9], $0xC800  }
0x95: {  	[sflag:s9] =	ssyncset.done $0x0  }
0x96: {  	[sflag:s9] =	ssyncadd.s32 $0xFFFF3800  }
0x97: {  	_ =	strace $0x90000076  }
0x98: {  	_ =	strace $0x80000077  }
0x99: {  	[hbm4b:s17+s2] =	stream.linear.scatter [tilespmem:s8], [sflag:$0x3], $0xC800, $0x200038;
	[tilespmem:$0x19640] =	vst v63  }
0x9a: {  	_ =	strace $0x90000077  }
0x9b: {  	_ =	strace $0x80000078  }
0x9c: {  	_ =	swait.ge [sflag:s18], $0xC800  }
0x9d: {  	[sflag:s18] =	ssyncset.done $0x0  }
0x9e: {  	[sflag:s18] =	ssyncadd.s32 $0xFFFF3800  }
0x9f: {  	_ =	strace $0x90000078  }
0xa0: {  	_ =	strace $0x80000075  }
0xa1: {  	_ =	swait.ge [sflag:s12], $0x320  }
0xa2: {  	[sflag:s12] =	ssyncset.done $0x0  }
0xa3: {  	[sflag:s12] =	ssyncadd.s32 $0xFFFFFCE0  }
0xa4: {  	_ =	strace $0x90000075  }
0xa5: {  	_ =	strace $0x80000076  }
0xa6: {  	[tilespmem:s13], [sflag:$0x5] =	stream.indirect.gather [hbm4b:s7+s5], $0x40, s5, s5, $0x2000b8;
	[tilespmem:$0x19640] =	vst v63  }
0xa7: {  	_ =	swait.ge [sflag:s9], $0xC800  }
0xa8: {  	[sflag:s9] =	ssyncset.done $0x0  }
0xa9: {  	[sflag:s9] =	ssyncadd.s32 $0xFFFF3800  }
0xaa: {  	_ =	strace $0x90000076  }
0xab: {  	_ =	strace $0x80000077  }
0xac: {  	[hbm4b:s19+s2] =	stream.linear.scatter [tilespmem:s13], [sflag:$0x4], $0xC800, $0x200038;
	[tilespmem:$0x19640] =	vst v63  }
0xad: {  	_ =	strace $0x90000077  }
0xae: {  	_ =	strace $0x80000078  }
0xaf: {  	_ =	swait.ge [sflag:s15], $0xC800  }
0xb0: {  	[sflag:s15] =	ssyncset.done $0x0  }
0xb1: {  	[sflag:s15] =	ssyncadd.s32 $0xFFFF3800  }
.Ltmp1:
0xb2: {  	_ =	strace $0x90000078;
	(pc) =	sbr.rel @p0 .LBB2_1-.Ltmp1, $4  }
0xb3: {  	_ =	strace $0x80000079  }
0xb4: {  	_ =	swait.ge [sflag:s18], $0xC800  }
0xb5: {  	[sflag:s18] =	ssyncset.done $0x0  }
0xb6: {  	[sflag:s18] =	ssyncadd.s32 $0xFFFF3800  }
.LBB2_2:
0xb7: {  	_ =	strace $0x90000079  }
0xb8: {  	_ =	sfence.sel $0x180000  }
0xb9: {  	[bflag:$0x0] =	sbarrier.arrive $0xFFFF  }
0xba: {  	p0 =	sne.s32 s0, $0x0;
	_ =	strace $0x90000072  }
0xbb: {  	s0 =	sadd.s32 @!p0 $0x100000, s1;
	[bflag:$0x2] =	sbarrier.arrive $0xFFFF  }
0xbc: {  	[sflag:s0] =	ssyncadd.tile.s32 @!p0 $0x1;
	_ =	shalt  }
.Lfunc_end2:
_tile_overlayer_lowered:
.L_overlay_start_2:
0xbd: {  	(tag) =	ssettag $0x2  }
0xbe: {  	s0 =	rddreg [dreg:$0x0];
	s2 =	stileid.u32  }
0xbf: {  	s1 =	rddreg [dreg:$0x1];
	p0 =	sne.s32 s2, $0x0  }
0xc0: {  	s3 =	rddreg [dreg:$0x2];
	[bflag:$0x3] =	sbarrier.arrive $0xFFFF;
	s2 =	simm.s32 @!p0 $0x1C01  }
0xc1: {  	[timem:s3], [sflag:s2] =	dma.local @!p0 [hbm:s0], s1  }
0xc2: {  	s0 =	simm.s32 @!p0 $0x1  }
0xc3: {  	_ =	swait.ge @!p0 [sflag:s0], s1  }
0xc4: {  	s1 =	ssub.s32 @!p0 $0x0, s1;
	[sflag:s0] =	ssyncset.done @!p0 $0x0  }
0xc5: {  	[sflag:s0] =	ssyncadd.s32 @!p0 s1  }
0xc6: {  	[bflag:$0x3] =	sbarrier.arrive $0xFFFF  }
0xc7: {  	_ =	shalt  }

// kernel: kernel.34.cloned.1.call-start
scs
__scs_entry_jumppad:
0x0: {  	(pc) =	sbr.rel $0x88, $3  }
0x1: {  	(tag) =	ssettag $0x0;
	lr =	simm.s32 $0x1  }
0x2: {  	[smem:$0x3F9F] =	sst lr;
	_ =	strace $0xD0000000  }
0x3: {  	_ = 	snop  }
0x4: {  	_ = 	snop  }
0x5: {  	_ = 	snop  }
0x6: {  	_ = 	snop  }
0x7: {  	_ = 	snop  }
__scs_overlays_trampoline_lowered:
0x8: {  	[smem:$0x3FAE] =	sst s0  }
0x9: {  	[smem:$0x3FAF] =	sst s1  }
0xa: {  	[smem:$0x3FB0] =	sst s2  }
0xb: {  	[smem:$0x3FB1] =	sst s3  }
0xc: {  	[smem:$0x3FB2] =	sst s4  }
0xd: {  	[smem:$0x3FB3] =	sst s5  }
0xe: {  	[smem:$0x3FB4] =	sst s6  }
0xf: {  	[smem:$0x3FB5] =	sst s7  }
0x10: {  	[smem:$0x3FB6] =	sst s8  }
0x11: {  	[smem:$0x3FB7] =	sst s9;
	s0 =	simm.s32 @!p0 $0x0  }
0x12: {  	s1 =	sld [smem:$0x3F9D];
	s0 =	simm.s32 @p0 $0x1  }
0x13: {  	[smem:$0x3FB8] =	sst s0;
	s0 =	simm.s32 @!p1 $0x0  }
0x14: {  	s2 =	sld [smem:$0x3F9C];
	s0 =	simm.s32 @p1 $0x1  }
0x15: {  	[smem:$0x3FB9] =	sst s0;
	s0 =	simm.s32 @!p2 $0x0  }
0x16: {  	s3 =	sld [smem:$0x3FDB];
	s0 =	simm.s32 @p2 $0x1  }
0x17: {  	s4 =	simm.s32 $0x1BF5;
	[smem:$0x3FBB] =	sst s0  }
0x18: {  	s0 =	sld [smem:$0x3F9E];
	_ =	swait.ge [sflag:s4], $0x0  }
0x19: {  	s7 =	sld [smem:$0x3F9F]  }
0x1a: {  	s8 =	sadd.s32 $0xFFFFE003, lr  }
0x1b: {  	s9 =	sadd.s32 $0xFFFFFEF7, lr;
	s5 =	simm.s32 $0xFFFFFFFF;
	p2 =	slt.u32 s8, $0xFFFFF086  }
0x1c: {  	p1 =	slt.u32 s9, $0xF7A;
	s5 =	simm.s32 @!p2 $0x0  }
0x1d: {  	s5 =	simm.s32 @p1 $0x1;
	p0 =	seq.s32 s7, s2  }
0x1e: {  	s7 =	smul.u32 @!p0 $0xF7A, s2;
	p2 =	seq.s32 @!p0 s5, $0x0  }
0x1f: {  	s9 =	smul.u32 $0xF7A, s1;
	s8 =	simm.s32 @!p0 $0x1BF5;
	p2 =	por !p2, p0  }
0x20: {  	[sflag:s8] =	ssyncset.s32 @!p0 $0xFFFFF086;
	s6 =	sadd.s32 @!p0 s3, s7;
	s7 =	simm.s32 @!p0 $0x108  }
0x21: {  	s3 =	sadd.s32 s3, s9;
	s6 =	sadd.s32 @!p0 $0x88, s6;
	s7 =	simm.s32 @p2 $0x1082  }
0x22: {  	[simem:s7], [sflag:s8] =	dma.local @!p0 [hbm:s6], $0xF7A  }
0x23: {  	s9 =	sor.u32 $0xD0000000, s2;
	s6 =	simm.s32 $0x108;
	_ =	swait.ge @!p0 [sflag:s8], $0x0  }
0x24: {  	s3 =	sadd.s32 $0x88, s3;
	s6 =	simm.s32 @!p1 $0x1082;
	[sflag:s4] =	ssyncset.s32 $0xFFFFF086  }
0x25: {  	[simem:s6], [sflag:s4] =	dma.local [hbm:s3], $0xF7A  }
0x26: {  	[smem:$0x3F9F] =	sst s1;
	(tag) =	ssettag s2;
	_ =	strace s9  }
0x27: {  	s1 =	sld [smem:$0x3FAF]  }
0x28: {  	s2 =	sld [smem:$0x3FB0]  }
0x29: {  	s4 =	sld [smem:$0x3FB2]  }
0x2a: {  	p0 =	seq.s32 s5, $0x0;
	s5 =	sld [smem:$0x3FB3]  }
0x2b: {  	s6 =	sld [smem:$0x3FB4]  }
0x2c: {  	s7 =	sld [smem:$0x3FB5]  }
0x2d: {  	s3 =	simm.s32 $0x108;
	s8 =	sld [smem:$0x3FB6]  }
0x2e: {  	s3 =	simm.s32 @!p0 $0x1082;
	s9 =	sld [smem:$0x3FB7]  }
0x2f: {  	lr =	sadd.s32 s0, s3;
	s0 =	sld [smem:$0x3FAE]  }
0x30: {  	s3 =	sld [smem:$0x3FB1]  }
0x31: {  	[smem:$0x3FBA] =	sst s10  }
0x32: {  	s10 =	sld [smem:$0x3FB8];
	_ =	sdelay $0x3  }
0x33: {  	p0 =	seq.s32 s10, $0x1;
	s10 =	sld [smem:$0x3FBA];
	_ =	sdelay $0x3  }
0x34: {  	[smem:$0x3FBA] =	sst s10  }
0x35: {  	s10 =	sld [smem:$0x3FB9];
	_ =	sdelay $0x3  }
0x36: {  	p1 =	seq.s32 s10, $0x1;
	s10 =	sld [smem:$0x3FBA];
	_ =	sdelay $0x3  }
0x37: {  	[smem:$0x3FBA] =	sst s10  }
0x38: {  	s10 =	sld [smem:$0x3FBB]  }
0x39: {  	_ = 	snop;
	(pc) =	sbr.ind lr, $3  }
0x3a: {  	_ = 	snop  }
0x3b: {  	_ = 	snop  }
0x3c: {  	p2 =	seq.s32 s10, $0x1;
	s10 =	sld [smem:$0x3FBA]  }
0x3d: {  	_ =	shalt  }
0x3e: {  	_ =	shalt  }
0x3f: {  	_ =	shalt  }
0x40: {  	_ =	shalt  }
0x41: {  	_ =	shalt  }
0x42: {  	_ =	shalt  }
0x43: {  	_ =	shalt  }
0x44: {  	_ =	shalt  }
0x45: {  	_ =	shalt  }
0x46: {  	_ =	shalt  }
0x47: {  	_ =	shalt  }
0x48: {  	_ =	shalt  }
0x49: {  	_ =	shalt  }
0x4a: {  	_ =	shalt  }
0x4b: {  	_ =	shalt  }
0x4c: {  	_ =	shalt  }
0x4d: {  	_ =	shalt  }
0x4e: {  	_ =	shalt  }
0x4f: {  	_ =	shalt  }
0x50: {  	_ =	shalt  }
0x51: {  	_ =	shalt  }
0x52: {  	_ =	shalt  }
0x53: {  	_ =	shalt  }
0x54: {  	_ =	shalt  }
0x55: {  	_ =	shalt  }
0x56: {  	_ =	shalt  }
0x57: {  	_ =	shalt  }
0x58: {  	_ =	shalt  }
0x59: {  	_ =	shalt  }
0x5a: {  	_ =	shalt  }
0x5b: {  	_ =	shalt  }
0x5c: {  	_ =	shalt  }
0x5d: {  	_ =	shalt  }
0x5e: {  	_ =	shalt  }
0x5f: {  	_ =	shalt  }
0x60: {  	_ =	shalt  }
0x61: {  	_ =	shalt  }
0x62: {  	_ =	shalt  }
0x63: {  	_ =	shalt  }
0x64: {  	_ =	shalt  }
0x65: {  	_ =	shalt  }
0x66: {  	_ =	shalt  }
0x67: {  	_ =	shalt  }
0x68: {  	_ =	shalt  }
0x69: {  	_ =	shalt  }
0x6a: {  	_ =	shalt  }
0x6b: {  	_ =	shalt  }
0x6c: {  	_ =	shalt  }
0x6d: {  	_ =	shalt  }
0x6e: {  	_ =	shalt  }
0x6f: {  	_ =	shalt  }
0x70: {  	_ =	shalt  }
0x71: {  	_ =	shalt  }
0x72: {  	_ =	shalt  }
0x73: {  	_ =	shalt  }
0x74: {  	_ =	shalt  }
0x75: {  	_ =	shalt  }
0x76: {  	_ =	shalt  }
0x77: {  	_ =	shalt  }
0x78: {  	_ =	shalt  }
0x79: {  	_ =	shalt  }
0x7a: {  	_ =	shalt  }
0x7b: {  	_ =	shalt  }
0x7c: {  	_ =	shalt  }
0x7d: {  	_ =	shalt  }
0x7e: {  	_ =	shalt  }
0x7f: {  	_ =	shalt  }
0x80: {  	_ =	shalt  }
0x81: {  	_ =	shalt  }
0x82: {  	_ =	shalt  }
0x83: {  	_ =	shalt  }
0x84: {  	_ =	shalt  }
0x85: {  	_ =	shalt  }
0x86: {  	_ =	shalt  }
0x87: {  	_ =	shalt  }
.Lfunc_end0:
.L_simem_size_0:
called_computation.6_lowered:
.L_overlay_start_0:
0x88: {  	s2 =	sld [smem:$0x3FD9]  }
0x89: {  	s3 =	sld [smem:$0x3FFE];
	_ =	sdelay $0x1  }
0x8a: {  	s1 =	srdreg.scid  }
0x8b: {  	s0 =	sand.u32 $0x1, s1  }
0x8c: {  	s17 =	sshll.u32 s0, $0xA;
	s2 =	sadd.s32 s3, s2  }
0x8d: {  	s2 =	sadd.s32 s2, s17  }
0x8e: {  	[smem:$0x3FC6] =	sst s2  }
0x8f: {  	_ = 	snop  }
0x90: {  	(tm) =	ssettm $0x1  }
0x91: {  	s18 =	sld [smem:$0x3FFB];
	_ =	sdelay $0x3  }
0x92: {  	_ =	strace s18  }
0x93: {  	s2 =	sld [smem:$0x3FFC];
	_ =	sdelay $0x3  }
0x94: {  	_ =	strace s2  }
0x95: {  	s2 =	sld [smem:$0x3FFD];
	_ =	sdelay $0x3  }
0x96: {  	_ =	strace s2  }
0x97: {  	_ =	strace $0x8FFFFFFF  }
0x98: {  	s19 =	sld [smem:$0x3FDB];
	_ =	sdelay $0x1  }
0x99: {  	s20 =	simm.s32 $_scs_section_size  }
0x9a: {  	s4 =	simm.s32 $_size__tile_overlayer_lowered;
	s5 =	simm.s32 $_tile_overlayer_lowered  }
0x9b: {  	s6 =	simm.s32 $0x1BFF;
	s21 =	sshll.u32 s5, $0x1;
	s3 =	sadd.s32 s20, s19  }
0x9c: {  	s22 =	simm.s32 $0x0;
	s4 =	sshll.u32 s4, $0x1;
	s5 =	sadd.s32 s21, s3  }
0x9d: {  	[timem:s22], [sflag:s6] =	dma.local [hbm:s5], s4  }
0x9e: {  	_ =	swait.ge [sflag:s6], s4  }
0x9f: {  	s4 =	ssub.s32 $0x0, s4;
	[sflag:s6] =	ssyncset.done $0x0  }
0xa0: {  	[sflag:s6] =	ssyncadd.s32 s4;
	_ =	sdelay $0x1  }
0xa1: {  	s23 =	simm.s32 $0x1B8B  }
0xa2: {  	_ =	swait.ge [sflag:s23], $0x1  }
0xa3: {  	[sflag:s23] =	ssyncset.done $0x0  }
0xa4: {  	[sflag:s23] =	ssyncadd.s32 $0xFFFFFFFF  }
0xa5: {  	s4 =	sld [smem:$0x0]  }
0xa6: {  	s5 =	sand.u32 $0xFFFFFFFE, s1  }
0xa7: {  	p0 =	sne.s32 s1, s5  }
0xa8: {  	s5 =	sshll.u32 @p0 s5, $0xE  }
0xa9: {  	s5 =	sadd.s32 @p0 $0x11B8D, s5;
	s6 =	sshll.u32 @p0 s4, $0x11  }
0xaa: {  	s5 =	sor.u32 @p0 s6, s5  }
0xab: {  	[sflag:s5] =	ssyncadd.remote.s32 @p0 $0x1;
	_ =	sdelay $0x1  }
0xac: {  	s5 =	simm.s32 @p0 $0x1B8D  }
0xad: {  	_ =	swait.eq @p0 [sflag:s5], $0x1  }
0xae: {  	[sflag:s5] =	ssyncadd.s32 @p0 $0xFFFFFFFF  }
0xaf: {  	s6 =	sshll.u32 @!p0 s1, $0xE  }
0xb0: {  	s6 =	sor.u32 @!p0 $0x4000, s6;
	s5 =	simm.s32 @!p0 $0x1B8D  }
0xb1: {  	s4 =	sshll.u32 @!p0 s4, $0x11;
	s6 =	sadd.s32 @!p0 $0x11B8D, s6;
	_ =	swait.eq @!p0 [sflag:s5], $0x1  }
0xb2: {  	s4 =	sor.u32 @!p0 s4, s6;
	[sflag:s5] =	ssyncadd.s32 @!p0 $0xFFFFFFFF  }
0xb3: {  	s25 =	simm.s32 $0x1B8E;
	s24 =	sld [smem:$0x3FFE];
	[sflag:s4] =	ssyncadd.remote.s32 @!p0 $0x1  }
0xb4: {  	s26 =	simm.s32 $execute0_lowered;
	[smem:$0x3FD2] =	sst s25  }
0xb5: {  	s5 =	sshll.u32 s26, $0x1;
	_ =	strace $0x8000007B;
	[dreg:$0x1] =	wrdreg $0xFFFFFFFF  }
0xb6: {  	s28 =	simm.s32 $_size_execute0_lowered;
	s3 =	sadd.s32 s3, s5;
	[dreg:$0x0] =	wrdreg $0x0  }
0xb7: {  	s5 =	sshll.u32 s28, $0x1;
	[dreg:$0x2] =	wrdreg s3  }
0xb8: {  	[dreg:$0x3] =	wrdreg s5  }
0xb9: {  	[dreg:$0x4] =	wrdreg $0xC0  }
0xba: {  	_ =	task [dreg:s22], $0x5FFFF  }
0xbb: {  	[dreg:$0x1] =	wrdreg $0xFFFFFFFF  }
0xbc: {  	[dreg:$0x0] =	wrdreg $0x60  }
0xbd: {  	[dreg:$0x2] =	wrdreg s24  }
0xbe: {  	[dreg:$0x3] =	wrdreg $0xE  }
0xbf: {  	_ =	task.clear_ibuf [dreg:s22], $0x4FFFF;
	_ =	strace $0x9000007B  }
0xc0: {  	s29 =	simm.s32 $0xE;
	_ =	strace $0x80000084  }
0xc1: {  	_ =	swait.ge [sflag:s29], $0x1  }
0xc2: {  	[sflag:s29] =	ssyncadd.s32 $0xFFFFFFFF  }
0xc3: {  	_ =	strace $0x90000084  }
0xc4: {  	_ =	sfence  }
0xc5: {  	s30 =	sld [smem:$0x0];
	_ =	sdelay $0x2  }
0xc6: {  	s31 =	sshll.u32 s1, $0xD;
	s1 =	sshrl.u32 s1, $0x2  }
0xc7: {  	s4 =	sand.u32 $0x4000, s31;
	s1 =	sadd.s32 s1, s30  }
0xc8: {  	s0 =	sor.u32 s4, s0;
	s1 =	sshll.u32 s1, $0x11  }
0xc9: {  	s0 =	sor.u32 s1, s0  }
0xca: {  	s0 =	sadd.s32 $0x8F2B, s0  }
0xcb: {  	[sflag:s0] =	ssyncadd.remote.s32 $0x1  }
0xcc: {  	_ =	sfence.sel $0xFFFF  }
0xcd: {  	[dreg:$0x0] =	wrdreg $0xFFFFFFFF;
	(pc) =	sbr.abs _section_cstart, $3  }
0xce: {  	[dreg:$0x1] =	wrdreg $0xFFFFFFFF  }
0xcf: {  	_ =	task.clear_ibuf [dreg:s22], $0x2FFFF;
	_ =	strace $0x9FFFFFFF  }
0xd0: {  	(tm) =	ssettm $0x7FFFFFFF  }
0xd1: {  	_ =	shalt  }
tec
execute0_lowered:
.L_overlay_start_1:
0x0: {  	(tag) =	ssettag $0x1  }
0x1: {  	s0 =	srdreg.scid  }
0x2: {  	s20 =	sand.u32 $0x1, s0  }
0x3: {  	s0 =	stileid.u32;
	s1 =	sshll.u32 s20, $0x4  }
0x4: {  	s14 =	sor.u32 s0, s1  }
0x5: {  	s10 =	rddreg [dreg:$0x0];
	s2 =	simm.s32 $0x0;
	s3 =	smul.u32 $0x190, s14  }
0x6: {  	[smem:$0x7FF] =	sst s2;
	s4 =	smul.u32 $0xC80, s14  }
0x7: {  	s5 =	sadd.s32 $0xEE00, s10;
	s1 =	rddreg [dreg:$0x1];
	_ =	strace $0x8000007C  }
0x8: {  	_ =	strace $0x8000007D;
	s3 =	sadd.s32 s5, s3;
	s4 =	sshrl.u32 s4, $0x3  }
0x9: {  	[tilespmem:s2], [sflag:$0x1] =	stream.linear.gather [hbm4b:s3+s2], $0x320, $0x200038;
	[tilespmem:$0x19640] =	vst v63  }
0xa: {  	s16 =	sadd.s32 s5, s4;
	_ =	strace $0x9000007D  }
0xb: {  	s5 =	simm.s32 $0x320;
	s4 =	sadd.s32 $0x64, s16;
	_ =	strace $0x8000007E  }
0xc: {  	[tilespmem:s5], [sflag:$0x2] =	stream.linear.gather [hbm4b:s4+s2], $0x320, $0x200038;
	[tilespmem:$0x19640] =	vst v63  }
0xd: {  	_ =	strace $0x9000007E  }
0xe: {  	s6 =	simm.s32 $0x1;
	_ =	strace $0x8000007F  }
0xf: {  	_ =	swait.ge [sflag:s6], $0x320  }
0x10: {  	[sflag:s6] =	ssyncset.done $0x0  }
0x11: {  	[sflag:s6] =	ssyncadd.s32 $0xFFFFFCE0  }
0x12: {  	s8 =	simm.s32 $0x640;
	_ =	strace $0x9000007F  }
0x13: {  	s9 =	simm.s32 $0x5;
	s7 =	sadd.s32 $0x22800, s10;
	_ =	strace $0x80000080  }
0x14: {  	[tilespmem:s8], [sflag:$0x5] =	stream.indirect.gather [hbm4b:s7+s5], $0x40, s2, s5, $0x2000b8;
	[tilespmem:$0x19640] =	vst v63  }
0x15: {  	_ =	swait.ge [sflag:s9], $0xC800  }
0x16: {  	[sflag:s9] =	ssyncset.done $0x0  }
0x17: {  	s11 =	smul.u32 $0x6400, s14;
	[sflag:s9] =	ssyncadd.s32 $0xFFFF3800  }
0x18: {  	s15 =	sadd.s32 $0xBB2800, s10;
	_ =	strace $0x90000080  }
0x19: {  	s10 =	sadd.s32 s15, s11;
	_ =	strace $0x80000081  }
0x1a: {  	[hbm4b:s10+s2] =	stream.linear.scatter [tilespmem:s8], [sflag:$0x3], $0xC800, $0x200038;
	[tilespmem:$0x19640] =	vst v63  }
0x1b: {  	_ =	strace $0x90000081  }
0x1c: {  	s11 =	sadd.s32 $0xC8, s16;
	_ =	strace $0x8000007E  }
0x1d: {  	[tilespmem:s2], [sflag:$0x1] =	stream.linear.gather [hbm4b:s11+s2], $0x320, $0x200038;
	[tilespmem:$0x19640] =	vst v63  }
0x1e: {  	_ =	strace $0x9000007E  }
0x1f: {  	s12 =	simm.s32 $0x2;
	_ =	strace $0x8000007F  }
0x20: {  	_ =	swait.ge [sflag:s12], $0x320  }
0x21: {  	[sflag:s12] =	ssyncset.done $0x0  }
0x22: {  	[sflag:s12] =	ssyncadd.s32 $0xFFFFFCE0  }
0x23: {  	_ =	strace $0x9000007F  }
0x24: {  	s13 =	simm.s32 $0xCE40;
	_ =	strace $0x80000080  }
0x25: {  	[tilespmem:s13], [sflag:$0x5] =	stream.indirect.gather [hbm4b:s7+s5], $0x40, s5, s5, $0x2000b8;
	[tilespmem:$0x19640] =	vst v63  }
0x26: {  	s14 =	smul.u32 $0x32000, s14;
	_ =	swait.ge [sflag:s9], $0xC800  }
0x27: {  	[sflag:s9] =	ssyncset.done $0x0  }
0x28: {  	s14 =	sshrl.u32 s14, $0x3;
	[sflag:s9] =	ssyncadd.s32 $0xFFFF3800  }
0x29: {  	s19 =	sadd.s32 s15, s14;
	_ =	strace $0x90000080  }
0x2a: {  	s14 =	sadd.s32 $0x1900, s19;
	_ =	strace $0x80000081  }
0x2b: {  	[hbm4b:s14+s2] =	stream.linear.scatter [tilespmem:s13], [sflag:$0x4], $0xC800, $0x200038;
	[tilespmem:$0x19640] =	vst v63  }
0x2c: {  	_ =	strace $0x90000081  }
0x2d: {  	s15 =	simm.s32 $0x3;
	_ =	strace $0x80000082  }
0x2e: {  	_ =	swait.ge [sflag:s15], $0xC800  }
0x2f: {  	[sflag:s15] =	ssyncset.done $0x0  }
0x30: {  	[sflag:s15] =	ssyncadd.s32 $0xFFFF3800  }
0x31: {  	_ =	strace $0x90000082  }
0x32: {  	s16 =	sadd.s32 $0x12C, s16;
	_ =	strace $0x8000007E  }
0x33: {  	[tilespmem:s5], [sflag:$0x2] =	stream.linear.gather [hbm4b:s16+s2], $0x320, $0x200038;
	[tilespmem:$0x19640] =	vst v63  }
0x34: {  	_ =	strace $0x9000007E  }
0x35: {  	_ =	strace $0x8000007F  }
0x36: {  	_ =	swait.ge [sflag:s6], $0x320  }
0x37: {  	[sflag:s6] =	ssyncset.done $0x0  }
0x38: {  	[sflag:s6] =	ssyncadd.s32 $0xFFFFFCE0  }
0x39: {  	_ =	strace $0x9000007F  }
0x3a: {  	_ =	strace $0x80000080  }
0x3b: {  	[tilespmem:s8], [sflag:$0x5] =	stream.indirect.gather [hbm4b:s7+s5], $0x40, s2, s5, $0x2000b8;
	[tilespmem:$0x19640] =	vst v63  }
0x3c: {  	_ =	swait.ge [sflag:s9], $0xC800  }
0x3d: {  	[sflag:s9] =	ssyncset.done $0x0  }
0x3e: {  	[sflag:s9] =	ssyncadd.s32 $0xFFFF3800  }
0x3f: {  	_ =	strace $0x90000080  }
0x40: {  	s17 =	sadd.s32 $0x3200, s19;
	_ =	strace $0x80000081  }
0x41: {  	[hbm4b:s17+s2] =	stream.linear.scatter [tilespmem:s8], [sflag:$0x3], $0xC800, $0x200038;
	[tilespmem:$0x19640] =	vst v63  }
0x42: {  	_ =	strace $0x90000081  }
0x43: {  	s18 =	simm.s32 $0x4;
	_ =	strace $0x80000082  }
0x44: {  	_ =	swait.ge [sflag:s18], $0xC800  }
0x45: {  	[sflag:s18] =	ssyncset.done $0x0  }
0x46: {  	[sflag:s18] =	ssyncadd.s32 $0xFFFF3800  }
0x47: {  	_ =	strace $0x90000082  }
0x48: {  	_ =	strace $0x8000007F  }
0x49: {  	_ =	swait.ge [sflag:s12], $0x320  }
0x4a: {  	[sflag:s12] =	ssyncset.done $0x0  }
0x4b: {  	[sflag:s12] =	ssyncadd.s32 $0xFFFFFCE0  }
0x4c: {  	_ =	strace $0x9000007F  }
0x4d: {  	_ =	strace $0x80000080  }
0x4e: {  	[tilespmem:s13], [sflag:$0x5] =	stream.indirect.gather [hbm4b:s7+s5], $0x40, s5, s5, $0x2000b8;
	[tilespmem:$0x19640] =	vst v63  }
0x4f: {  	_ =	swait.ge [sflag:s9], $0xC800  }
0x50: {  	[sflag:s9] =	ssyncset.done $0x0  }
0x51: {  	[sflag:s9] =	ssyncadd.s32 $0xFFFF3800  }
0x52: {  	_ =	strace $0x90000080  }
0x53: {  	s19 =	sadd.s32 $0x4B00, s19;
	_ =	strace $0x80000081  }
0x54: {  	[hbm4b:s19+s2] =	stream.linear.scatter [tilespmem:s13], [sflag:$0x4], $0xC800, $0x200038;
	[tilespmem:$0x19640] =	vst v63  }
0x55: {  	s20 =	ssub.s32 $0x2, s20;
	_ =	strace $0x90000081  }
0x56: {  	s21 =	sshrl.u32 s20, $0x1;
	_ =	strace $0x80000082  }
0x57: {  	s20 =	ssub.s32 s20, s21;
	_ =	swait.ge [sflag:s15], $0xC800  }
0x58: {  	s20 =	smax.u32 s20, $0x1;
	[sflag:s15] =	ssyncset.done $0x0  }
0x59: {  	p0 =	sne.s32 s20, $0x1;
	[sflag:s15] =	ssyncadd.s32 $0xFFFF3800  }
.Ltmp0:
0x5a: {  	_ =	strace $0x90000082;
	(pc) =	sbr.rel @!p0 .LBB2_2-.Ltmp0, $4  }
0x5b: {  	_ =	strace $0x80000083  }
0x5c: {  	_ =	swait.ge [sflag:s18], $0xC800  }
0x5d: {  	[sflag:s18] =	ssyncset.done $0x0  }
0x5e: {  	s20 =	sadd.s32 $0xFFFFFFFF, s20;
	[sflag:s18] =	ssyncadd.s32 $0xFFFF3800  }
.LBB2_1:
0x5f: {  	p0 =	sne.s32 s20, $0x1;
	s20 =	sadd.s32 $0xFFFFFFFF, s20;
	_ =	strace $0x90000083  }
0x60: {  	_ =	strace $0x8000007D  }
0x61: {  	[tilespmem:s2], [sflag:$0x1] =	stream.linear.gather [hbm4b:s3+s2], $0x320, $0x200038;
	[tilespmem:$0x19640] =	vst v63  }
0x62: {  	_ =	strace $0x9000007D  }
0x63: {  	_ =	strace $0x8000007E  }
0x64: {  	[tilespmem:s5], [sflag:$0x2] =	stream.linear.gather [hbm4b:s4+s2], $0x320, $0x200038;
	[tilespmem:$0x19640] =	vst v63  }
0x65: {  	_ =	strace $0x9000007E  }
0x66: {  	_ =	strace $0x8000007F  }
0x67: {  	_ =	swait.ge [sflag:s6], $0x320  }
0x68: {  	[sflag:s6] =	ssyncset.done $0x0  }
0x69: {  	[sflag:s6] =	ssyncadd.s32 $0xFFFFFCE0  }
0x6a: {  	_ =	strace $0x9000007F  }
0x6b: {  	_ =	strace $0x80000080  }
0x6c: {  	[tilespmem:s8], [sflag:$0x5] =	stream.indirect.gather [hbm4b:s7+s5], $0x40, s2, s5, $0x2000b8;
	[tilespmem:$0x19640] =	vst v63  }
0x6d: {  	_ =	swait.ge [sflag:s9], $0xC800  }
0x6e: {  	[sflag:s9] =	ssyncset.done $0x0  }
0x6f: {  	[sflag:s9] =	ssyncadd.s32 $0xFFFF3800  }
0x70: {  	_ =	strace $0x90000080  }
0x71: {  	_ =	strace $0x80000081  }
0x72: {  	[hbm4b:s10+s2] =	stream.linear.scatter [tilespmem:s8], [sflag:$0x3], $0xC800, $0x200038;
	[tilespmem:$0x19640] =	vst v63  }
0x73: {  	_ =	strace $0x90000081  }
0x74: {  	_ =	strace $0x8000007E  }
0x75: {  	[tilespmem:s2], [sflag:$0x1] =	stream.linear.gather [hbm4b:s11+s2], $0x320, $0x200038;
	[tilespmem:$0x19640] =	vst v63  }
0x76: {  	_ =	strace $0x9000007E  }
0x77: {  	_ =	strace $0x8000007F  }
0x78: {  	_ =	swait.ge [sflag:s12], $0x320  }
0x79: {  	[sflag:s12] =	ssyncset.done $0x0  }
0x7a: {  	[sflag:s12] =	ssyncadd.s32 $0xFFFFFCE0  }
0x7b: {  	_ =	strace $0x9000007F  }
0x7c: {  	_ =	strace $0x80000080  }
0x7d: {  	[tilespmem:s13], [sflag:$0x5] =	stream.indirect.gather [hbm4b:s7+s5], $0x40, s5, s5, $0x2000b8;
	[tilespmem:$0x19640] =	vst v63  }
0x7e: {  	_ =	swait.ge [sflag:s9], $0xC800  }
0x7f: {  	[sflag:s9] =	ssyncset.done $0x0  }
0x80: {  	[sflag:s9] =	ssyncadd.s32 $0xFFFF3800  }
0x81: {  	_ =	strace $0x90000080  }
0x82: {  	_ =	strace $0x80000081  }
0x83: {  	[hbm4b:s14+s2] =	stream.linear.scatter [tilespmem:s13], [sflag:$0x4], $0xC800, $0x200038;
	[tilespmem:$0x19640] =	vst v63  }
0x84: {  	_ =	strace $0x90000081  }
0x85: {  	_ =	strace $0x80000082  }
0x86: {  	_ =	swait.ge [sflag:s15], $0xC800  }
0x87: {  	[sflag:s15] =	ssyncset.done $0x0  }
0x88: {  	[sflag:s15] =	ssyncadd.s32 $0xFFFF3800  }
0x89: {  	_ =	strace $0x90000082  }
0x8a: {  	_ =	strace $0x8000007E  }
0x8b: {  	[tilespmem:s5], [sflag:$0x2] =	stream.linear.gather [hbm4b:s16+s2], $0x320, $0x200038;
	[tilespmem:$0x19640] =	vst v63  }
0x8c: {  	_ =	strace $0x9000007E  }
0x8d: {  	_ =	strace $0x8000007F  }
0x8e: {  	_ =	swait.ge [sflag:s6], $0x320  }
0x8f: {  	[sflag:s6] =	ssyncset.done $0x0  }
0x90: {  	[sflag:s6] =	ssyncadd.s32 $0xFFFFFCE0  }
0x91: {  	_ =	strace $0x9000007F  }
0x92: {  	_ =	strace $0x80000080  }
0x93: {  	[tilespmem:s8], [sflag:$0x5] =	stream.indirect.gather [hbm4b:s7+s5], $0x40, s2, s5, $0x2000b8;
	[tilespmem:$0x19640] =	vst v63  }
0x94: {  	_ =	swait.ge [sflag:s9], $0xC800  }
0x95: {  	[sflag:s9] =	ssyncset.done $0x0  }
0x96: {  	[sflag:s9] =	ssyncadd.s32 $0xFFFF3800  }
0x97: {  	_ =	strace $0x90000080  }
0x98: {  	_ =	strace $0x80000081  }
0x99: {  	[hbm4b:s17+s2] =	stream.linear.scatter [tilespmem:s8], [sflag:$0x3], $0xC800, $0x200038;
	[tilespmem:$0x19640] =	vst v63  }
0x9a: {  	_ =	strace $0x90000081  }
0x9b: {  	_ =	strace $0x80000082  }
0x9c: {  	_ =	swait.ge [sflag:s18], $0xC800  }
0x9d: {  	[sflag:s18] =	ssyncset.done $0x0  }
0x9e: {  	[sflag:s18] =	ssyncadd.s32 $0xFFFF3800  }
0x9f: {  	_ =	strace $0x90000082  }
0xa0: {  	_ =	strace $0x8000007F  }
0xa1: {  	_ =	swait.ge [sflag:s12], $0x320  }
0xa2: {  	[sflag:s12] =	ssyncset.done $0x0  }
0xa3: {  	[sflag:s12] =	ssyncadd.s32 $0xFFFFFCE0  }
0xa4: {  	_ =	strace $0x9000007F  }
0xa5: {  	_ =	strace $0x80000080  }
0xa6: {  	[tilespmem:s13], [sflag:$0x5] =	stream.indirect.gather [hbm4b:s7+s5], $0x40, s5, s5, $0x2000b8;
	[tilespmem:$0x19640] =	vst v63  }
0xa7: {  	_ =	swait.ge [sflag:s9], $0xC800  }
0xa8: {  	[sflag:s9] =	ssyncset.done $0x0  }
0xa9: {  	[sflag:s9] =	ssyncadd.s32 $0xFFFF3800  }
0xaa: {  	_ =	strace $0x90000080  }
0xab: {  	_ =	strace $0x80000081  }
0xac: {  	[hbm4b:s19+s2] =	stream.linear.scatter [tilespmem:s13], [sflag:$0x4], $0xC800, $0x200038;
	[tilespmem:$0x19640] =	vst v63  }
0xad: {  	_ =	strace $0x90000081  }
0xae: {  	_ =	strace $0x80000082  }
0xaf: {  	_ =	swait.ge [sflag:s15], $0xC800  }
0xb0: {  	[sflag:s15] =	ssyncset.done $0x0  }
0xb1: {  	[sflag:s15] =	ssyncadd.s32 $0xFFFF3800  }
.Ltmp1:
0xb2: {  	_ =	strace $0x90000082;
	(pc) =	sbr.rel @p0 .LBB2_1-.Ltmp1, $4  }
0xb3: {  	_ =	strace $0x80000083  }
0xb4: {  	_ =	swait.ge [sflag:s18], $0xC800  }
0xb5: {  	[sflag:s18] =	ssyncset.done $0x0  }
0xb6: {  	[sflag:s18] =	ssyncadd.s32 $0xFFFF3800  }
.LBB2_2:
0xb7: {  	_ =	strace $0x90000083  }
0xb8: {  	_ =	sfence.sel $0x180000  }
0xb9: {  	[bflag:$0x0] =	sbarrier.arrive $0xFFFF  }
0xba: {  	p0 =	sne.s32 s0, $0x0;
	_ =	strace $0x9000007C  }
0xbb: {  	s0 =	sadd.s32 @!p0 $0x100000, s1;
	[bflag:$0x2] =	sbarrier.arrive $0xFFFF  }
0xbc: {  	[sflag:s0] =	ssyncadd.tile.s32 @!p0 $0x1;
	_ =	shalt  }
.Lfunc_end2:
_tile_overlayer_lowered:
.L_overlay_start_2:
0xbd: {  	(tag) =	ssettag $0x2  }
0xbe: {  	s0 =	rddreg [dreg:$0x0];
	s2 =	stileid.u32  }
0xbf: {  	s1 =	rddreg [dreg:$0x1];
	p0 =	sne.s32 s2, $0x0  }
0xc0: {  	s3 =	rddreg [dreg:$0x2];
	[bflag:$0x3] =	sbarrier.arrive $0xFFFF;
	s2 =	simm.s32 @!p0 $0x1C01  }
0xc1: {  	[timem:s3], [sflag:s2] =	dma.local @!p0 [hbm:s0], s1  }
0xc2: {  	s0 =	simm.s32 @!p0 $0x1  }
0xc3: {  	_ =	swait.ge @!p0 [sflag:s0], s1  }
0xc4: {  	s1 =	ssub.s32 @!p0 $0x0, s1;
	[sflag:s0] =	ssyncset.done @!p0 $0x0  }
0xc5: {  	[sflag:s0] =	ssyncadd.s32 @!p0 s1  }
0xc6: {  	[bflag:$0x3] =	sbarrier.arrive $0xFFFF  }
0xc7: {  	_ =	shalt  }

// kernel: kernel.37.cloned.1.call-start
scs
__scs_entry_jumppad:
0x0: {  	(pc) =	sbr.rel $0x88, $3  }
0x1: {  	(tag) =	ssettag $0x0;
	lr =	simm.s32 $0x1  }
0x2: {  	[smem:$0x3F9F] =	sst lr;
	_ =	strace $0xD0000000  }
0x3: {  	_ = 	snop  }
0x4: {  	_ = 	snop  }
0x5: {  	_ = 	snop  }
0x6: {  	_ = 	snop  }
0x7: {  	_ = 	snop  }
__scs_overlays_trampoline_lowered:
0x8: {  	[smem:$0x3FAE] =	sst s0  }
0x9: {  	[smem:$0x3FAF] =	sst s1  }
0xa: {  	[smem:$0x3FB0] =	sst s2  }
0xb: {  	[smem:$0x3FB1] =	sst s3  }
0xc: {  	[smem:$0x3FB2] =	sst s4  }
0xd: {  	[smem:$0x3FB3] =	sst s5  }
0xe: {  	[smem:$0x3FB4] =	sst s6  }
0xf: {  	[smem:$0x3FB5] =	sst s7  }
0x10: {  	[smem:$0x3FB6] =	sst s8  }
0x11: {  	[smem:$0x3FB7] =	sst s9;
	s0 =	simm.s32 @!p0 $0x0  }
0x12: {  	s1 =	sld [smem:$0x3F9D];
	s0 =	simm.s32 @p0 $0x1  }
0x13: {  	[smem:$0x3FB8] =	sst s0;
	s0 =	simm.s32 @!p1 $0x0  }
0x14: {  	s2 =	sld [smem:$0x3F9C];
	s0 =	simm.s32 @p1 $0x1  }
0x15: {  	[smem:$0x3FB9] =	sst s0;
	s0 =	simm.s32 @!p2 $0x0  }
0x16: {  	s3 =	sld [smem:$0x3FDB];
	s0 =	simm.s32 @p2 $0x1  }
0x17: {  	s4 =	simm.s32 $0x1BF5;
	[smem:$0x3FBB] =	sst s0  }
0x18: {  	s0 =	sld [smem:$0x3F9E];
	_ =	swait.ge [sflag:s4], $0x0  }
0x19: {  	s7 =	sld [smem:$0x3F9F]  }
0x1a: {  	s8 =	sadd.s32 $0xFFFFE003, lr  }
0x1b: {  	s9 =	sadd.s32 $0xFFFFFEF7, lr;
	s5 =	simm.s32 $0xFFFFFFFF;
	p2 =	slt.u32 s8, $0xFFFFF086  }
0x1c: {  	p1 =	slt.u32 s9, $0xF7A;
	s5 =	simm.s32 @!p2 $0x0  }
0x1d: {  	s5 =	simm.s32 @p1 $0x1;
	p0 =	seq.s32 s7, s2  }
0x1e: {  	s7 =	smul.u32 @!p0 $0xF7A, s2;
	p2 =	seq.s32 @!p0 s5, $0x0  }
0x1f: {  	s9 =	smul.u32 $0xF7A, s1;
	s8 =	simm.s32 @!p0 $0x1BF5;
	p2 =	por !p2, p0  }
0x20: {  	[sflag:s8] =	ssyncset.s32 @!p0 $0xFFFFF086;
	s6 =	sadd.s32 @!p0 s3, s7;
	s7 =	simm.s32 @!p0 $0x108  }
0x21: {  	s3 =	sadd.s32 s3, s9;
	s6 =	sadd.s32 @!p0 $0x88, s6;
	s7 =	simm.s32 @p2 $0x1082  }
0x22: {  	[simem:s7], [sflag:s8] =	dma.local @!p0 [hbm:s6], $0xF7A  }
0x23: {  	s9 =	sor.u32 $0xD0000000, s2;
	s6 =	simm.s32 $0x108;
	_ =	swait.ge @!p0 [sflag:s8], $0x0  }
0x24: {  	s3 =	sadd.s32 $0x88, s3;
	s6 =	simm.s32 @!p1 $0x1082;
	[sflag:s4] =	ssyncset.s32 $0xFFFFF086  }
0x25: {  	[simem:s6], [sflag:s4] =	dma.local [hbm:s3], $0xF7A  }
0x26: {  	[smem:$0x3F9F] =	sst s1;
	(tag) =	ssettag s2;
	_ =	strace s9  }
0x27: {  	s1 =	sld [smem:$0x3FAF]  }
0x28: {  	s2 =	sld [smem:$0x3FB0]  }
0x29: {  	s4 =	sld [smem:$0x3FB2]  }
0x2a: {  	p0 =	seq.s32 s5, $0x0;
	s5 =	sld [smem:$0x3FB3]  }
0x2b: {  	s6 =	sld [smem:$0x3FB4]  }
0x2c: {  	s7 =	sld [smem:$0x3FB5]  }
0x2d: {  	s3 =	simm.s32 $0x108;
	s8 =	sld [smem:$0x3FB6]  }
0x2e: {  	s3 =	simm.s32 @!p0 $0x1082;
	s9 =	sld [smem:$0x3FB7]  }
0x2f: {  	lr =	sadd.s32 s0, s3;
	s0 =	sld [smem:$0x3FAE]  }
0x30: {  	s3 =	sld [smem:$0x3FB1]  }
0x31: {  	[smem:$0x3FBA] =	sst s10  }
0x32: {  	s10 =	sld [smem:$0x3FB8];
	_ =	sdelay $0x3  }
0x33: {  	p0 =	seq.s32 s10, $0x1;
	s10 =	sld [smem:$0x3FBA];
	_ =	sdelay $0x3  }
0x34: {  	[smem:$0x3FBA] =	sst s10  }
0x35: {  	s10 =	sld [smem:$0x3FB9];
	_ =	sdelay $0x3  }
0x36: {  	p1 =	seq.s32 s10, $0x1;
	s10 =	sld [smem:$0x3FBA];
	_ =	sdelay $0x3  }
0x37: {  	[smem:$0x3FBA] =	sst s10  }
0x38: {  	s10 =	sld [smem:$0x3FBB]  }
0x39: {  	_ = 	snop;
	(pc) =	sbr.ind lr, $3  }
0x3a: {  	_ = 	snop  }
0x3b: {  	_ = 	snop  }
0x3c: {  	p2 =	seq.s32 s10, $0x1;
	s10 =	sld [smem:$0x3FBA]  }
0x3d: {  	_ =	shalt  }
0x3e: {  	_ =	shalt  }
0x3f: {  	_ =	shalt  }
0x40: {  	_ =	shalt  }
0x41: {  	_ =	shalt  }
0x42: {  	_ =	shalt  }
0x43: {  	_ =	shalt  }
0x44: {  	_ =	shalt  }
0x45: {  	_ =	shalt  }
0x46: {  	_ =	shalt  }
0x47: {  	_ =	shalt  }
0x48: {  	_ =	shalt  }
0x49: {  	_ =	shalt  }
0x4a: {  	_ =	shalt  }
0x4b: {  	_ =	shalt  }
0x4c: {  	_ =	shalt  }
0x4d: {  	_ =	shalt  }
0x4e: {  	_ =	shalt  }
0x4f: {  	_ =	shalt  }
0x50: {  	_ =	shalt  }
0x51: {  	_ =	shalt  }
0x52: {  	_ =	shalt  }
0x53: {  	_ =	shalt  }
0x54: {  	_ =	shalt  }
0x55: {  	_ =	shalt  }
0x56: {  	_ =	shalt  }
0x57: {  	_ =	shalt  }
0x58: {  	_ =	shalt  }
0x59: {  	_ =	shalt  }
0x5a: {  	_ =	shalt  }
0x5b: {  	_ =	shalt  }
0x5c: {  	_ =	shalt  }
0x5d: {  	_ =	shalt  }
0x5e: {  	_ =	shalt  }
0x5f: {  	_ =	shalt  }
0x60: {  	_ =	shalt  }
0x61: {  	_ =	shalt  }
0x62: {  	_ =	shalt  }
0x63: {  	_ =	shalt  }
0x64: {  	_ =	shalt  }
0x65: {  	_ =	shalt  }
0x66: {  	_ =	shalt  }
0x67: {  	_ =	shalt  }
0x68: {  	_ =	shalt  }
0x69: {  	_ =	shalt  }
0x6a: {  	_ =	shalt  }
0x6b: {  	_ =	shalt  }
0x6c: {  	_ =	shalt  }
0x6d: {  	_ =	shalt  }
0x6e: {  	_ =	shalt  }
0x6f: {  	_ =	shalt  }
0x70: {  	_ =	shalt  }
0x71: {  	_ =	shalt  }
0x72: {  	_ =	shalt  }
0x73: {  	_ =	shalt  }
0x74: {  	_ =	shalt  }
0x75: {  	_ =	shalt  }
0x76: {  	_ =	shalt  }
0x77: {  	_ =	shalt  }
0x78: {  	_ =	shalt  }
0x79: {  	_ =	shalt  }
0x7a: {  	_ =	shalt  }
0x7b: {  	_ =	shalt  }
0x7c: {  	_ =	shalt  }
0x7d: {  	_ =	shalt  }
0x7e: {  	_ =	shalt  }
0x7f: {  	_ =	shalt  }
0x80: {  	_ =	shalt  }
0x81: {  	_ =	shalt  }
0x82: {  	_ =	shalt  }
0x83: {  	_ =	shalt  }
0x84: {  	_ =	shalt  }
0x85: {  	_ =	shalt  }
0x86: {  	_ =	shalt  }
0x87: {  	_ =	shalt  }
.Lfunc_end0:
.L_simem_size_0:
called_computation.7_lowered:
.L_overlay_start_0:
0x88: {  	s2 =	sld [smem:$0x3FD9]  }
0x89: {  	s3 =	sld [smem:$0x3FFE];
	_ =	sdelay $0x1  }
0x8a: {  	s1 =	srdreg.scid  }
0x8b: {  	s0 =	sand.u32 $0x1, s1  }
0x8c: {  	s17 =	sshll.u32 s0, $0xA;
	s2 =	sadd.s32 s3, s2  }
0x8d: {  	s2 =	sadd.s32 s2, s17  }
0x8e: {  	[smem:$0x3FC6] =	sst s2  }
0x8f: {  	_ = 	snop  }
0x90: {  	(tm) =	ssettm $0x1  }
0x91: {  	s18 =	sld [smem:$0x3FFB];
	_ =	sdelay $0x3  }
0x92: {  	_ =	strace s18  }
0x93: {  	s2 =	sld [smem:$0x3FFC];
	_ =	sdelay $0x3  }
0x94: {  	_ =	strace s2  }
0x95: {  	s2 =	sld [smem:$0x3FFD];
	_ =	sdelay $0x3  }
0x96: {  	_ =	strace s2  }
0x97: {  	_ =	strace $0x8FFFFFFF  }
0x98: {  	s19 =	sld [smem:$0x3FDB];
	_ =	sdelay $0x1  }
0x99: {  	s20 =	simm.s32 $_scs_section_size  }
0x9a: {  	s4 =	simm.s32 $_size__tile_overlayer_lowered;
	s5 =	simm.s32 $_tile_overlayer_lowered  }
0x9b: {  	s6 =	simm.s32 $0x1BFF;
	s21 =	sshll.u32 s5, $0x1;
	s3 =	sadd.s32 s20, s19  }
0x9c: {  	s22 =	simm.s32 $0x0;
	s4 =	sshll.u32 s4, $0x1;
	s5 =	sadd.s32 s21, s3  }
0x9d: {  	[timem:s22], [sflag:s6] =	dma.local [hbm:s5], s4  }
0x9e: {  	_ =	swait.ge [sflag:s6], s4  }
0x9f: {  	s4 =	ssub.s32 $0x0, s4;
	[sflag:s6] =	ssyncset.done $0x0  }
0xa0: {  	[sflag:s6] =	ssyncadd.s32 s4;
	_ =	sdelay $0x1  }
0xa1: {  	s23 =	simm.s32 $0x1B8B  }
0xa2: {  	_ =	swait.ge [sflag:s23], $0x1  }
0xa3: {  	[sflag:s23] =	ssyncset.done $0x0  }
0xa4: {  	[sflag:s23] =	ssyncadd.s32 $0xFFFFFFFF  }
0xa5: {  	s4 =	sld [smem:$0x0]  }
0xa6: {  	s5 =	sand.u32 $0xFFFFFFFE, s1  }
0xa7: {  	p0 =	sne.s32 s1, s5  }
0xa8: {  	s5 =	sshll.u32 @p0 s5, $0xE  }
0xa9: {  	s5 =	sadd.s32 @p0 $0x11B8D, s5;
	s6 =	sshll.u32 @p0 s4, $0x11  }
0xaa: {  	s5 =	sor.u32 @p0 s6, s5  }
0xab: {  	[sflag:s5] =	ssyncadd.remote.s32 @p0 $0x1;
	_ =	sdelay $0x1  }
0xac: {  	s5 =	simm.s32 @p0 $0x1B8D  }
0xad: {  	_ =	swait.eq @p0 [sflag:s5], $0x1  }
0xae: {  	[sflag:s5] =	ssyncadd.s32 @p0 $0xFFFFFFFF  }
0xaf: {  	s6 =	sshll.u32 @!p0 s1, $0xE  }
0xb0: {  	s6 =	sor.u32 @!p0 $0x4000, s6;
	s5 =	simm.s32 @!p0 $0x1B8D  }
0xb1: {  	s4 =	sshll.u32 @!p0 s4, $0x11;
	s6 =	sadd.s32 @!p0 $0x11B8D, s6;
	_ =	swait.eq @!p0 [sflag:s5], $0x1  }
0xb2: {  	s4 =	sor.u32 @!p0 s4, s6;
	[sflag:s5] =	ssyncadd.s32 @!p0 $0xFFFFFFFF  }
0xb3: {  	s25 =	simm.s32 $0x1B8E;
	s24 =	sld [smem:$0x3FFE];
	[sflag:s4] =	ssyncadd.remote.s32 @!p0 $0x1  }
0xb4: {  	s26 =	simm.s32 $execute0_lowered;
	[smem:$0x3FD2] =	sst s25  }
0xb5: {  	s5 =	sshll.u32 s26, $0x1;
	_ =	strace $0x80000085;
	[dreg:$0x1] =	wrdreg $0xFFFFFFFF  }
0xb6: {  	s28 =	simm.s32 $_size_execute0_lowered;
	s3 =	sadd.s32 s3, s5;
	[dreg:$0x0] =	wrdreg $0x0  }
0xb7: {  	s5 =	sshll.u32 s28, $0x1;
	[dreg:$0x2] =	wrdreg s3  }
0xb8: {  	[dreg:$0x3] =	wrdreg s5  }
0xb9: {  	[dreg:$0x4] =	wrdreg $0xC0  }
0xba: {  	_ =	task [dreg:s22], $0x5FFFF  }
0xbb: {  	[dreg:$0x1] =	wrdreg $0xFFFFFFFF  }
0xbc: {  	[dreg:$0x0] =	wrdreg $0x60  }
0xbd: {  	[dreg:$0x2] =	wrdreg s24  }
0xbe: {  	[dreg:$0x3] =	wrdreg $0xF  }
0xbf: {  	_ =	task.clear_ibuf [dreg:s22], $0x4FFFF;
	_ =	strace $0x90000085  }
0xc0: {  	s29 =	simm.s32 $0xF;
	_ =	strace $0x8000008E  }
0xc1: {  	_ =	swait.ge [sflag:s29], $0x1  }
0xc2: {  	[sflag:s29] =	ssyncadd.s32 $0xFFFFFFFF  }
0xc3: {  	_ =	strace $0x9000008E  }
0xc4: {  	_ =	sfence  }
0xc5: {  	s30 =	sld [smem:$0x0];
	_ =	sdelay $0x2  }
0xc6: {  	s31 =	sshll.u32 s1, $0xD;
	s1 =	sshrl.u32 s1, $0x2  }
0xc7: {  	s4 =	sand.u32 $0x4000, s31;
	s1 =	sadd.s32 s1, s30  }
0xc8: {  	s0 =	sor.u32 s4, s0;
	s1 =	sshll.u32 s1, $0x11  }
0xc9: {  	s0 =	sor.u32 s1, s0  }
0xca: {  	s0 =	sadd.s32 $0x8F2B, s0  }
0xcb: {  	[sflag:s0] =	ssyncadd.remote.s32 $0x1  }
0xcc: {  	_ =	sfence.sel $0xFFFF  }
0xcd: {  	[dreg:$0x0] =	wrdreg $0xFFFFFFFF;
	(pc) =	sbr.abs _section_cstart, $3  }
0xce: {  	[dreg:$0x1] =	wrdreg $0xFFFFFFFF  }
0xcf: {  	_ =	task.clear_ibuf [dreg:s22], $0x2FFFF;
	_ =	strace $0x9FFFFFFF  }
0xd0: {  	(tm) =	ssettm $0x7FFFFFFF  }
0xd1: {  	_ =	shalt  }
tec
execute0_lowered:
.L_overlay_start_1:
0x0: {  	(tag) =	ssettag $0x1  }
0x1: {  	s0 =	srdreg.scid  }
0x2: {  	s20 =	sand.u32 $0x1, s0  }
0x3: {  	s0 =	stileid.u32;
	s1 =	sshll.u32 s20, $0x4  }
0x4: {  	s14 =	sor.u32 s0, s1  }
0x5: {  	s10 =	rddreg [dreg:$0x0];
	s2 =	simm.s32 $0x0;
	s3 =	smul.u32 $0x190, s14  }
0x6: {  	[smem:$0x7FF] =	sst s2;
	s4 =	smul.u32 $0xC80, s14  }
0x7: {  	s5 =	sadd.s32 $0x12000, s10;
	s1 =	rddreg [dreg:$0x1];
	_ =	strace $0x80000086  }
0x8: {  	_ =	strace $0x80000087;
	s3 =	sadd.s32 s5, s3;
	s4 =	sshrl.u32 s4, $0x3  }
0x9: {  	[tilespmem:s2], [sflag:$0x1] =	stream.linear.gather [hbm4b:s3+s2], $0x320, $0x200038;
	[tilespmem:$0x19640] =	vst v63  }
0xa: {  	s16 =	sadd.s32 s5, s4;
	_ =	strace $0x90000087  }
0xb: {  	s5 =	simm.s32 $0x320;
	s4 =	sadd.s32 $0x64, s16;
	_ =	strace $0x80000088  }
0xc: {  	[tilespmem:s5], [sflag:$0x2] =	stream.linear.gather [hbm4b:s4+s2], $0x320, $0x200038;
	[tilespmem:$0x19640] =	vst v63  }
0xd: {  	_ =	strace $0x90000088  }
0xe: {  	s6 =	simm.s32 $0x1;
	_ =	strace $0x80000089  }
0xf: {  	_ =	swait.ge [sflag:s6], $0x320  }
0x10: {  	[sflag:s6] =	ssyncset.done $0x0  }
0x11: {  	[sflag:s6] =	ssyncadd.s32 $0xFFFFFCE0  }
0x12: {  	s8 =	simm.s32 $0x640;
	_ =	strace $0x90000089  }
0x13: {  	s9 =	simm.s32 $0x5;
	s7 =	sadd.s32 $0x22800, s10;
	_ =	strace $0x8000008A  }
0x14: {  	[tilespmem:s8], [sflag:$0x5] =	stream.indirect.gather [hbm4b:s7+s5], $0x40, s2, s5, $0x2000b8;
	[tilespmem:$0x19640] =	vst v63  }
0x15: {  	_ =	swait.ge [sflag:s9], $0xC800  }
0x16: {  	[sflag:s9] =	ssyncset.done $0x0  }
0x17: {  	s11 =	smul.u32 $0x6400, s14;
	[sflag:s9] =	ssyncadd.s32 $0xFFFF3800  }
0x18: {  	s15 =	sadd.s32 $0xC7A800, s10;
	_ =	strace $0x9000008A  }
0x19: {  	s10 =	sadd.s32 s15, s11;
	_ =	strace $0x8000008B  }
0x1a: {  	[hbm4b:s10+s2] =	stream.linear.scatter [tilespmem:s8], [sflag:$0x3], $0xC800, $0x200038;
	[tilespmem:$0x19640] =	vst v63  }
0x1b: {  	_ =	strace $0x9000008B  }
0x1c: {  	s11 =	sadd.s32 $0xC8, s16;
	_ =	strace $0x80000088  }
0x1d: {  	[tilespmem:s2], [sflag:$0x1] =	stream.linear.gather [hbm4b:s11+s2], $0x320, $0x200038;
	[tilespmem:$0x19640] =	vst v63  }
0x1e: {  	_ =	strace $0x90000088  }
0x1f: {  	s12 =	simm.s32 $0x2;
	_ =	strace $0x80000089  }
0x20: {  	_ =	swait.ge [sflag:s12], $0x320  }
0x21: {  	[sflag:s12] =	ssyncset.done $0x0  }
0x22: {  	[sflag:s12] =	ssyncadd.s32 $0xFFFFFCE0  }
0x23: {  	_ =	strace $0x90000089  }
0x24: {  	s13 =	simm.s32 $0xCE40;
	_ =	strace $0x8000008A  }
0x25: {  	[tilespmem:s13], [sflag:$0x5] =	stream.indirect.gather [hbm4b:s7+s5], $0x40, s5, s5, $0x2000b8;
	[tilespmem:$0x19640] =	vst v63  }
0x26: {  	s14 =	smul.u32 $0x32000, s14;
	_ =	swait.ge [sflag:s9], $0xC800  }
0x27: {  	[sflag:s9] =	ssyncset.done $0x0  }
0x28: {  	s14 =	sshrl.u32 s14, $0x3;
	[sflag:s9] =	ssyncadd.s32 $0xFFFF3800  }
0x29: {  	s19 =	sadd.s32 s15, s14;
	_ =	strace $0x9000008A  }
0x2a: {  	s14 =	sadd.s32 $0x1900, s19;
	_ =	strace $0x8000008B  }
0x2b: {  	[hbm4b:s14+s2] =	stream.linear.scatter [tilespmem:s13], [sflag:$0x4], $0xC800, $0x200038;
	[tilespmem:$0x19640] =	vst v63  }
0x2c: {  	_ =	strace $0x9000008B  }
0x2d: {  	s15 =	simm.s32 $0x3;
	_ =	strace $0x8000008C  }
0x2e: {  	_ =	swait.ge [sflag:s15], $0xC800  }
0x2f: {  	[sflag:s15] =	ssyncset.done $0x0  }
0x30: {  	[sflag:s15] =	ssyncadd.s32 $0xFFFF3800  }
0x31: {  	_ =	strace $0x9000008C  }
0x32: {  	s16 =	sadd.s32 $0x12C, s16;
	_ =	strace $0x80000088  }
0x33: {  	[tilespmem:s5], [sflag:$0x2] =	stream.linear.gather [hbm4b:s16+s2], $0x320, $0x200038;
	[tilespmem:$0x19640] =	vst v63  }
0x34: {  	_ =	strace $0x90000088  }
0x35: {  	_ =	strace $0x80000089  }
0x36: {  	_ =	swait.ge [sflag:s6], $0x320  }
0x37: {  	[sflag:s6] =	ssyncset.done $0x0  }
0x38: {  	[sflag:s6] =	ssyncadd.s32 $0xFFFFFCE0  }
0x39: {  	_ =	strace $0x90000089  }
0x3a: {  	_ =	strace $0x8000008A  }
0x3b: {  	[tilespmem:s8], [sflag:$0x5] =	stream.indirect.gather [hbm4b:s7+s5], $0x40, s2, s5, $0x2000b8;
	[tilespmem:$0x19640] =	vst v63  }
0x3c: {  	_ =	swait.ge [sflag:s9], $0xC800  }
0x3d: {  	[sflag:s9] =	ssyncset.done $0x0  }
0x3e: {  	[sflag:s9] =	ssyncadd.s32 $0xFFFF3800  }
0x3f: {  	_ =	strace $0x9000008A  }
0x40: {  	s17 =	sadd.s32 $0x3200, s19;
	_ =	strace $0x8000008B  }
0x41: {  	[hbm4b:s17+s2] =	stream.linear.scatter [tilespmem:s8], [sflag:$0x3], $0xC800, $0x200038;
	[tilespmem:$0x19640] =	vst v63  }
0x42: {  	_ =	strace $0x9000008B  }
0x43: {  	s18 =	simm.s32 $0x4;
	_ =	strace $0x8000008C  }
0x44: {  	_ =	swait.ge [sflag:s18], $0xC800  }
0x45: {  	[sflag:s18] =	ssyncset.done $0x0  }
0x46: {  	[sflag:s18] =	ssyncadd.s32 $0xFFFF3800  }
0x47: {  	_ =	strace $0x9000008C  }
0x48: {  	_ =	strace $0x80000089  }
0x49: {  	_ =	swait.ge [sflag:s12], $0x320  }
0x4a: {  	[sflag:s12] =	ssyncset.done $0x0  }
0x4b: {  	[sflag:s12] =	ssyncadd.s32 $0xFFFFFCE0  }
0x4c: {  	_ =	strace $0x90000089  }
0x4d: {  	_ =	strace $0x8000008A  }
0x4e: {  	[tilespmem:s13], [sflag:$0x5] =	stream.indirect.gather [hbm4b:s7+s5], $0x40, s5, s5, $0x2000b8;
	[tilespmem:$0x19640] =	vst v63  }
0x4f: {  	_ =	swait.ge [sflag:s9], $0xC800  }
0x50: {  	[sflag:s9] =	ssyncset.done $0x0  }
0x51: {  	[sflag:s9] =	ssyncadd.s32 $0xFFFF3800  }
0x52: {  	_ =	strace $0x9000008A  }
0x53: {  	s19 =	sadd.s32 $0x4B00, s19;
	_ =	strace $0x8000008B  }
0x54: {  	[hbm4b:s19+s2] =	stream.linear.scatter [tilespmem:s13], [sflag:$0x4], $0xC800, $0x200038;
	[tilespmem:$0x19640] =	vst v63  }
0x55: {  	s20 =	ssub.s32 $0x2, s20;
	_ =	strace $0x9000008B  }
0x56: {  	s21 =	sshrl.u32 s20, $0x1;
	_ =	strace $0x8000008C  }
0x57: {  	s20 =	ssub.s32 s20, s21;
	_ =	swait.ge [sflag:s15], $0xC800  }
0x58: {  	s20 =	smax.u32 s20, $0x1;
	[sflag:s15] =	ssyncset.done $0x0  }
0x59: {  	p0 =	sne.s32 s20, $0x1;
	[sflag:s15] =	ssyncadd.s32 $0xFFFF3800  }
.Ltmp0:
0x5a: {  	_ =	strace $0x9000008C;
	(pc) =	sbr.rel @!p0 .LBB2_2-.Ltmp0, $4  }
0x5b: {  	_ =	strace $0x8000008D  }
0x5c: {  	_ =	swait.ge [sflag:s18], $0xC800  }
0x5d: {  	[sflag:s18] =	ssyncset.done $0x0  }
0x5e: {  	s20 =	sadd.s32 $0xFFFFFFFF, s20;
	[sflag:s18] =	ssyncadd.s32 $0xFFFF3800  }
.LBB2_1:
0x5f: {  	p0 =	sne.s32 s20, $0x1;
	s20 =	sadd.s32 $0xFFFFFFFF, s20;
	_ =	strace $0x9000008D  }
0x60: {  	_ =	strace $0x80000087  }
0x61: {  	[tilespmem:s2], [sflag:$0x1] =	stream.linear.gather [hbm4b:s3+s2], $0x320, $0x200038;
	[tilespmem:$0x19640] =	vst v63  }
0x62: {  	_ =	strace $0x90000087  }
0x63: {  	_ =	strace $0x80000088  }
0x64: {  	[tilespmem:s5], [sflag:$0x2] =	stream.linear.gather [hbm4b:s4+s2], $0x320, $0x200038;
	[tilespmem:$0x19640] =	vst v63  }
0x65: {  	_ =	strace $0x90000088  }
0x66: {  	_ =	strace $0x80000089  }
0x67: {  	_ =	swait.ge [sflag:s6], $0x320  }
0x68: {  	[sflag:s6] =	ssyncset.done $0x0  }
0x69: {  	[sflag:s6] =	ssyncadd.s32 $0xFFFFFCE0  }
0x6a: {  	_ =	strace $0x90000089  }
0x6b: {  	_ =	strace $0x8000008A  }
0x6c: {  	[tilespmem:s8], [sflag:$0x5] =	stream.indirect.gather [hbm4b:s7+s5], $0x40, s2, s5, $0x2000b8;
	[tilespmem:$0x19640] =	vst v63  }
0x6d: {  	_ =	swait.ge [sflag:s9], $0xC800  }
0x6e: {  	[sflag:s9] =	ssyncset.done $0x0  }
0x6f: {  	[sflag:s9] =	ssyncadd.s32 $0xFFFF3800  }
0x70: {  	_ =	strace $0x9000008A  }
0x71: {  	_ =	strace $0x8000008B  }
0x72: {  	[hbm4b:s10+s2] =	stream.linear.scatter [tilespmem:s8], [sflag:$0x3], $0xC800, $0x200038;
	[tilespmem:$0x19640] =	vst v63  }
0x73: {  	_ =	strace $0x9000008B  }
0x74: {  	_ =	strace $0x80000088  }
0x75: {  	[tilespmem:s2], [sflag:$0x1] =	stream.linear.gather [hbm4b:s11+s2], $0x320, $0x200038;
	[tilespmem:$0x19640] =	vst v63  }
0x76: {  	_ =	strace $0x90000088  }
0x77: {  	_ =	strace $0x80000089  }
0x78: {  	_ =	swait.ge [sflag:s12], $0x320  }
0x79: {  	[sflag:s12] =	ssyncset.done $0x0  }
0x7a: {  	[sflag:s12] =	ssyncadd.s32 $0xFFFFFCE0  }
0x7b: {  	_ =	strace $0x90000089  }
0x7c: {  	_ =	strace $0x8000008A  }
0x7d: {  	[tilespmem:s13], [sflag:$0x5] =	stream.indirect.gather [hbm4b:s7+s5], $0x40, s5, s5, $0x2000b8;
	[tilespmem:$0x19640] =	vst v63  }
0x7e: {  	_ =	swait.ge [sflag:s9], $0xC800  }
0x7f: {  	[sflag:s9] =	ssyncset.done $0x0  }
0x80: {  	[sflag:s9] =	ssyncadd.s32 $0xFFFF3800  }
0x81: {  	_ =	strace $0x9000008A  }
0x82: {  	_ =	strace $0x8000008B  }
0x83: {  	[hbm4b:s14+s2] =	stream.linear.scatter [tilespmem:s13], [sflag:$0x4], $0xC800, $0x200038;
	[tilespmem:$0x19640] =	vst v63  }
0x84: {  	_ =	strace $0x9000008B  }
0x85: {  	_ =	strace $0x8000008C  }
0x86: {  	_ =	swait.ge [sflag:s15], $0xC800  }
0x87: {  	[sflag:s15] =	ssyncset.done $0x0  }
0x88: {  	[sflag:s15] =	ssyncadd.s32 $0xFFFF3800  }
0x89: {  	_ =	strace $0x9000008C  }
0x8a: {  	_ =	strace $0x80000088  }
0x8b: {  	[tilespmem:s5], [sflag:$0x2] =	stream.linear.gather [hbm4b:s16+s2], $0x320, $0x200038;
	[tilespmem:$0x19640] =	vst v63  }
0x8c: {  	_ =	strace $0x90000088  }
0x8d: {  	_ =	strace $0x80000089  }
0x8e: {  	_ =	swait.ge [sflag:s6], $0x320  }
0x8f: {  	[sflag:s6] =	ssyncset.done $0x0  }
0x90: {  	[sflag:s6] =	ssyncadd.s32 $0xFFFFFCE0  }
0x91: {  	_ =	strace $0x90000089  }
0x92: {  	_ =	strace $0x8000008A  }
0x93: {  	[tilespmem:s8], [sflag:$0x5] =	stream.indirect.gather [hbm4b:s7+s5], $0x40, s2, s5, $0x2000b8;
	[tilespmem:$0x19640] =	vst v63  }
0x94: {  	_ =	swait.ge [sflag:s9], $0xC800  }
0x95: {  	[sflag:s9] =	ssyncset.done $0x0  }
0x96: {  	[sflag:s9] =	ssyncadd.s32 $0xFFFF3800  }
0x97: {  	_ =	strace $0x9000008A  }
0x98: {  	_ =	strace $0x8000008B  }
0x99: {  	[hbm4b:s17+s2] =	stream.linear.scatter [tilespmem:s8], [sflag:$0x3], $0xC800, $0x200038;
	[tilespmem:$0x19640] =	vst v63  }
0x9a: {  	_ =	strace $0x9000008B  }
0x9b: {  	_ =	strace $0x8000008C  }
0x9c: {  	_ =	swait.ge [sflag:s18], $0xC800  }
0x9d: {  	[sflag:s18] =	ssyncset.done $0x0  }
0x9e: {  	[sflag:s18] =	ssyncadd.s32 $0xFFFF3800  }
0x9f: {  	_ =	strace $0x9000008C  }
0xa0: {  	_ =	strace $0x80000089  }
0xa1: {  	_ =	swait.ge [sflag:s12], $0x320  }
0xa2: {  	[sflag:s12] =	ssyncset.done $0x0  }
0xa3: {  	[sflag:s12] =	ssyncadd.s32 $0xFFFFFCE0  }
0xa4: {  	_ =	strace $0x90000089  }
0xa5: {  	_ =	strace $0x8000008A  }
0xa6: {  	[tilespmem:s13], [sflag:$0x5] =	stream.indirect.gather [hbm4b:s7+s5], $0x40, s5, s5, $0x2000b8;
	[tilespmem:$0x19640] =	vst v63  }
0xa7: {  	_ =	swait.ge [sflag:s9], $0xC800  }
0xa8: {  	[sflag:s9] =	ssyncset.done $0x0  }
0xa9: {  	[sflag:s9] =	ssyncadd.s32 $0xFFFF3800  }
0xaa: {  	_ =	strace $0x9000008A  }
0xab: {  	_ =	strace $0x8000008B  }
0xac: {  	[hbm4b:s19+s2] =	stream.linear.scatter [tilespmem:s13], [sflag:$0x4], $0xC800, $0x200038;
	[tilespmem:$0x19640] =	vst v63  }
0xad: {  	_ =	strace $0x9000008B  }
0xae: {  	_ =	strace $0x8000008C  }
0xaf: {  	_ =	swait.ge [sflag:s15], $0xC800  }
0xb0: {  	[sflag:s15] =	ssyncset.done $0x0  }
0xb1: {  	[sflag:s15] =	ssyncadd.s32 $0xFFFF3800  }
.Ltmp1:
0xb2: {  	_ =	strace $0x9000008C;
	(pc) =	sbr.rel @p0 .LBB2_1-.Ltmp1, $4  }
0xb3: {  	_ =	strace $0x8000008D  }
0xb4: {  	_ =	swait.ge [sflag:s18], $0xC800  }
0xb5: {  	[sflag:s18] =	ssyncset.done $0x0  }
0xb6: {  	[sflag:s18] =	ssyncadd.s32 $0xFFFF3800  }
.LBB2_2:
0xb7: {  	_ =	strace $0x9000008D  }
0xb8: {  	_ =	sfence.sel $0x180000  }
0xb9: {  	[bflag:$0x0] =	sbarrier.arrive $0xFFFF  }
0xba: {  	p0 =	sne.s32 s0, $0x0;
	_ =	strace $0x90000086  }
0xbb: {  	s0 =	sadd.s32 @!p0 $0x100000, s1;
	[bflag:$0x2] =	sbarrier.arrive $0xFFFF  }
0xbc: {  	[sflag:s0] =	ssyncadd.tile.s32 @!p0 $0x1;
	_ =	shalt  }
.Lfunc_end2:
_tile_overlayer_lowered:
.L_overlay_start_2:
0xbd: {  	(tag) =	ssettag $0x2  }
0xbe: {  	s0 =	rddreg [dreg:$0x0];
	s2 =	stileid.u32  }
0xbf: {  	s1 =	rddreg [dreg:$0x1];
	p0 =	sne.s32 s2, $0x0  }
0xc0: {  	s3 =	rddreg [dreg:$0x2];
	[bflag:$0x3] =	sbarrier.arrive $0xFFFF;
	s2 =	simm.s32 @!p0 $0x1C01  }
0xc1: {  	[timem:s3], [sflag:s2] =	dma.local @!p0 [hbm:s0], s1  }
0xc2: {  	s0 =	simm.s32 @!p0 $0x1  }
0xc3: {  	_ =	swait.ge @!p0 [sflag:s0], s1  }
0xc4: {  	s1 =	ssub.s32 @!p0 $0x0, s1;
	[sflag:s0] =	ssyncset.done @!p0 $0x0  }
0xc5: {  	[sflag:s0] =	ssyncadd.s32 @!p0 s1  }
0xc6: {  	[bflag:$0x3] =	sbarrier.arrive $0xFFFF  }
0xc7: {  	_ =	shalt  }

// kernel: kernel.40.cloned.1.call-start
scs
__scs_entry_jumppad:
0x0: {  	(pc) =	sbr.rel $0x88, $3  }
0x1: {  	(tag) =	ssettag $0x0;
	lr =	simm.s32 $0x1  }
0x2: {  	[smem:$0x3F9F] =	sst lr;
	_ =	strace $0xD0000000  }
0x3: {  	_ = 	snop  }
0x4: {  	_ = 	snop  }
0x5: {  	_ = 	snop  }
0x6: {  	_ = 	snop  }
0x7: {  	_ = 	snop  }
__scs_overlays_trampoline_lowered:
0x8: {  	[smem:$0x3FAE] =	sst s0  }
0x9: {  	[smem:$0x3FAF] =	sst s1  }
0xa: {  	[smem:$0x3FB0] =	sst s2  }
0xb: {  	[smem:$0x3FB1] =	sst s3  }
0xc: {  	[smem:$0x3FB2] =	sst s4  }
0xd: {  	[smem:$0x3FB3] =	sst s5  }
0xe: {  	[smem:$0x3FB4] =	sst s6  }
0xf: {  	[smem:$0x3FB5] =	sst s7  }
0x10: {  	[smem:$0x3FB6] =	sst s8  }
0x11: {  	[smem:$0x3FB7] =	sst s9;
	s0 =	simm.s32 @!p0 $0x0  }
0x12: {  	s1 =	sld [smem:$0x3F9D];
	s0 =	simm.s32 @p0 $0x1  }
0x13: {  	[smem:$0x3FB8] =	sst s0;
	s0 =	simm.s32 @!p1 $0x0  }
0x14: {  	s2 =	sld [smem:$0x3F9C];
	s0 =	simm.s32 @p1 $0x1  }
0x15: {  	[smem:$0x3FB9] =	sst s0;
	s0 =	simm.s32 @!p2 $0x0  }
0x16: {  	s3 =	sld [smem:$0x3FDB];
	s0 =	simm.s32 @p2 $0x1  }
0x17: {  	s4 =	simm.s32 $0x1BF5;
	[smem:$0x3FBB] =	sst s0  }
0x18: {  	s0 =	sld [smem:$0x3F9E];
	_ =	swait.ge [sflag:s4], $0x0  }
0x19: {  	s7 =	sld [smem:$0x3F9F]  }
0x1a: {  	s8 =	sadd.s32 $0xFFFFE003, lr  }
0x1b: {  	s9 =	sadd.s32 $0xFFFFFEF7, lr;
	s5 =	simm.s32 $0xFFFFFFFF;
	p2 =	slt.u32 s8, $0xFFFFF086  }
0x1c: {  	p1 =	slt.u32 s9, $0xF7A;
	s5 =	simm.s32 @!p2 $0x0  }
0x1d: {  	s5 =	simm.s32 @p1 $0x1;
	p0 =	seq.s32 s7, s2  }
0x1e: {  	s7 =	smul.u32 @!p0 $0xF7A, s2;
	p2 =	seq.s32 @!p0 s5, $0x0  }
0x1f: {  	s9 =	smul.u32 $0xF7A, s1;
	s8 =	simm.s32 @!p0 $0x1BF5;
	p2 =	por !p2, p0  }
0x20: {  	[sflag:s8] =	ssyncset.s32 @!p0 $0xFFFFF086;
	s6 =	sadd.s32 @!p0 s3, s7;
	s7 =	simm.s32 @!p0 $0x108  }
0x21: {  	s3 =	sadd.s32 s3, s9;
	s6 =	sadd.s32 @!p0 $0x88, s6;
	s7 =	simm.s32 @p2 $0x1082  }
0x22: {  	[simem:s7], [sflag:s8] =	dma.local @!p0 [hbm:s6], $0xF7A  }
0x23: {  	s9 =	sor.u32 $0xD0000000, s2;
	s6 =	simm.s32 $0x108;
	_ =	swait.ge @!p0 [sflag:s8], $0x0  }
0x24: {  	s3 =	sadd.s32 $0x88, s3;
	s6 =	simm.s32 @!p1 $0x1082;
	[sflag:s4] =	ssyncset.s32 $0xFFFFF086  }
0x25: {  	[simem:s6], [sflag:s4] =	dma.local [hbm:s3], $0xF7A  }
0x26: {  	[smem:$0x3F9F] =	sst s1;
	(tag) =	ssettag s2;
	_ =	strace s9  }
0x27: {  	s1 =	sld [smem:$0x3FAF]  }
0x28: {  	s2 =	sld [smem:$0x3FB0]  }
0x29: {  	s4 =	sld [smem:$0x3FB2]  }
0x2a: {  	p0 =	seq.s32 s5, $0x0;
	s5 =	sld [smem:$0x3FB3]  }
0x2b: {  	s6 =	sld [smem:$0x3FB4]  }
0x2c: {  	s7 =	sld [smem:$0x3FB5]  }
0x2d: {  	s3 =	simm.s32 $0x108;
	s8 =	sld [smem:$0x3FB6]  }
0x2e: {  	s3 =	simm.s32 @!p0 $0x1082;
	s9 =	sld [smem:$0x3FB7]  }
0x2f: {  	lr =	sadd.s32 s0, s3;
	s0 =	sld [smem:$0x3FAE]  }
0x30: {  	s3 =	sld [smem:$0x3FB1]  }
0x31: {  	[smem:$0x3FBA] =	sst s10  }
0x32: {  	s10 =	sld [smem:$0x3FB8];
	_ =	sdelay $0x3  }
0x33: {  	p0 =	seq.s32 s10, $0x1;
	s10 =	sld [smem:$0x3FBA];
	_ =	sdelay $0x3  }
0x34: {  	[smem:$0x3FBA] =	sst s10  }
0x35: {  	s10 =	sld [smem:$0x3FB9];
	_ =	sdelay $0x3  }
0x36: {  	p1 =	seq.s32 s10, $0x1;
	s10 =	sld [smem:$0x3FBA];
	_ =	sdelay $0x3  }
0x37: {  	[smem:$0x3FBA] =	sst s10  }
0x38: {  	s10 =	sld [smem:$0x3FBB]  }
0x39: {  	_ = 	snop;
	(pc) =	sbr.ind lr, $3  }
0x3a: {  	_ = 	snop  }
0x3b: {  	_ = 	snop  }
0x3c: {  	p2 =	seq.s32 s10, $0x1;
	s10 =	sld [smem:$0x3FBA]  }
0x3d: {  	_ =	shalt  }
0x3e: {  	_ =	shalt  }
0x3f: {  	_ =	shalt  }
0x40: {  	_ =	shalt  }
0x41: {  	_ =	shalt  }
0x42: {  	_ =	shalt  }
0x43: {  	_ =	shalt  }
0x44: {  	_ =	shalt  }
0x45: {  	_ =	shalt  }
0x46: {  	_ =	shalt  }
0x47: {  	_ =	shalt  }
0x48: {  	_ =	shalt  }
0x49: {  	_ =	shalt  }
0x4a: {  	_ =	shalt  }
0x4b: {  	_ =	shalt  }
0x4c: {  	_ =	shalt  }
0x4d: {  	_ =	shalt  }
0x4e: {  	_ =	shalt  }
0x4f: {  	_ =	shalt  }
0x50: {  	_ =	shalt  }
0x51: {  	_ =	shalt  }
0x52: {  	_ =	shalt  }
0x53: {  	_ =	shalt  }
0x54: {  	_ =	shalt  }
0x55: {  	_ =	shalt  }
0x56: {  	_ =	shalt  }
0x57: {  	_ =	shalt  }
0x58: {  	_ =	shalt  }
0x59: {  	_ =	shalt  }
0x5a: {  	_ =	shalt  }
0x5b: {  	_ =	shalt  }
0x5c: {  	_ =	shalt  }
0x5d: {  	_ =	shalt  }
0x5e: {  	_ =	shalt  }
0x5f: {  	_ =	shalt  }
0x60: {  	_ =	shalt  }
0x61: {  	_ =	shalt  }
0x62: {  	_ =	shalt  }
0x63: {  	_ =	shalt  }
0x64: {  	_ =	shalt  }
0x65: {  	_ =	shalt  }
0x66: {  	_ =	shalt  }
0x67: {  	_ =	shalt  }
0x68: {  	_ =	shalt  }
0x69: {  	_ =	shalt  }
0x6a: {  	_ =	shalt  }
0x6b: {  	_ =	shalt  }
0x6c: {  	_ =	shalt  }
0x6d: {  	_ =	shalt  }
0x6e: {  	_ =	shalt  }
0x6f: {  	_ =	shalt  }
0x70: {  	_ =	shalt  }
0x71: {  	_ =	shalt  }
0x72: {  	_ =	shalt  }
0x73: {  	_ =	shalt  }
0x74: {  	_ =	shalt  }
0x75: {  	_ =	shalt  }
0x76: {  	_ =	shalt  }
0x77: {  	_ =	shalt  }
0x78: {  	_ =	shalt  }
0x79: {  	_ =	shalt  }
0x7a: {  	_ =	shalt  }
0x7b: {  	_ =	shalt  }
0x7c: {  	_ =	shalt  }
0x7d: {  	_ =	shalt  }
0x7e: {  	_ =	shalt  }
0x7f: {  	_ =	shalt  }
0x80: {  	_ =	shalt  }
0x81: {  	_ =	shalt  }
0x82: {  	_ =	shalt  }
0x83: {  	_ =	shalt  }
0x84: {  	_ =	shalt  }
0x85: {  	_ =	shalt  }
0x86: {  	_ =	shalt  }
0x87: {  	_ =	shalt  }
.Lfunc_end0:
.L_simem_size_0:
called_computation.8_lowered:
.L_overlay_start_0:
0x88: {  	s2 =	sld [smem:$0x3FD9]  }
0x89: {  	s3 =	sld [smem:$0x3FFE];
	_ =	sdelay $0x1  }
0x8a: {  	s1 =	srdreg.scid  }
0x8b: {  	s0 =	sand.u32 $0x1, s1  }
0x8c: {  	s17 =	sshll.u32 s0, $0xA;
	s2 =	sadd.s32 s3, s2  }
0x8d: {  	s2 =	sadd.s32 s2, s17  }
0x8e: {  	[smem:$0x3FC6] =	sst s2  }
0x8f: {  	_ = 	snop  }
0x90: {  	(tm) =	ssettm $0x1  }
0x91: {  	s18 =	sld [smem:$0x3FFB];
	_ =	sdelay $0x3  }
0x92: {  	_ =	strace s18  }
0x93: {  	s2 =	sld [smem:$0x3FFC];
	_ =	sdelay $0x3  }
0x94: {  	_ =	strace s2  }
0x95: {  	s2 =	sld [smem:$0x3FFD];
	_ =	sdelay $0x3  }
0x96: {  	_ =	strace s2  }
0x97: {  	_ =	strace $0x8FFFFFFF  }
0x98: {  	s19 =	sld [smem:$0x3FDB];
	_ =	sdelay $0x1  }
0x99: {  	s20 =	simm.s32 $_scs_section_size  }
0x9a: {  	s4 =	simm.s32 $_size__tile_overlayer_lowered;
	s5 =	simm.s32 $_tile_overlayer_lowered  }
0x9b: {  	s6 =	simm.s32 $0x1BFF;
	s21 =	sshll.u32 s5, $0x1;
	s3 =	sadd.s32 s20, s19  }
0x9c: {  	s22 =	simm.s32 $0x0;
	s4 =	sshll.u32 s4, $0x1;
	s5 =	sadd.s32 s21, s3  }
0x9d: {  	[timem:s22], [sflag:s6] =	dma.local [hbm:s5], s4  }
0x9e: {  	_ =	swait.ge [sflag:s6], s4  }
0x9f: {  	s4 =	ssub.s32 $0x0, s4;
	[sflag:s6] =	ssyncset.done $0x0  }
0xa0: {  	[sflag:s6] =	ssyncadd.s32 s4;
	_ =	sdelay $0x1  }
0xa1: {  	s23 =	simm.s32 $0x1B8B  }
0xa2: {  	_ =	swait.ge [sflag:s23], $0x1  }
0xa3: {  	[sflag:s23] =	ssyncset.done $0x0  }
0xa4: {  	[sflag:s23] =	ssyncadd.s32 $0xFFFFFFFF  }
0xa5: {  	s4 =	sld [smem:$0x0]  }
0xa6: {  	s5 =	sand.u32 $0xFFFFFFFE, s1  }
0xa7: {  	p0 =	sne.s32 s1, s5  }
0xa8: {  	s5 =	sshll.u32 @p0 s5, $0xE  }
0xa9: {  	s5 =	sadd.s32 @p0 $0x11B8D, s5;
	s6 =	sshll.u32 @p0 s4, $0x11  }
0xaa: {  	s5 =	sor.u32 @p0 s6, s5  }
0xab: {  	[sflag:s5] =	ssyncadd.remote.s32 @p0 $0x1;
	_ =	sdelay $0x1  }
0xac: {  	s5 =	simm.s32 @p0 $0x1B8D  }
0xad: {  	_ =	swait.eq @p0 [sflag:s5], $0x1  }
0xae: {  	[sflag:s5] =	ssyncadd.s32 @p0 $0xFFFFFFFF  }
0xaf: {  	s6 =	sshll.u32 @!p0 s1, $0xE  }
0xb0: {  	s6 =	sor.u32 @!p0 $0x4000, s6;
	s5 =	simm.s32 @!p0 $0x1B8D  }
0xb1: {  	s4 =	sshll.u32 @!p0 s4, $0x11;
	s6 =	sadd.s32 @!p0 $0x11B8D, s6;
	_ =	swait.eq @!p0 [sflag:s5], $0x1  }
0xb2: {  	s4 =	sor.u32 @!p0 s4, s6;
	[sflag:s5] =	ssyncadd.s32 @!p0 $0xFFFFFFFF  }
0xb3: {  	s25 =	simm.s32 $0x1B8E;
	s24 =	sld [smem:$0x3FFE];
	[sflag:s4] =	ssyncadd.remote.s32 @!p0 $0x1  }
0xb4: {  	s26 =	simm.s32 $execute0_lowered;
	[smem:$0x3FD2] =	sst s25  }
0xb5: {  	s5 =	sshll.u32 s26, $0x1;
	_ =	strace $0x8000008F;
	[dreg:$0x1] =	wrdreg $0xFFFFFFFF  }
0xb6: {  	s28 =	simm.s32 $_size_execute0_lowered;
	s3 =	sadd.s32 s3, s5;
	[dreg:$0x0] =	wrdreg $0x0  }
0xb7: {  	s5 =	sshll.u32 s28, $0x1;
	[dreg:$0x2] =	wrdreg s3  }
0xb8: {  	[dreg:$0x3] =	wrdreg s5  }
0xb9: {  	[dreg:$0x4] =	wrdreg $0xC0  }
0xba: {  	_ =	task [dreg:s22], $0x5FFFF  }
0xbb: {  	[dreg:$0x1] =	wrdreg $0xFFFFFFFF  }
0xbc: {  	[dreg:$0x0] =	wrdreg $0x60  }
0xbd: {  	[dreg:$0x2] =	wrdreg s24  }
0xbe: {  	[dreg:$0x3] =	wrdreg $0x10  }
0xbf: {  	_ =	task.clear_ibuf [dreg:s22], $0x4FFFF;
	_ =	strace $0x9000008F  }
0xc0: {  	s29 =	simm.s32 $0x10;
	_ =	strace $0x80000098  }
0xc1: {  	_ =	swait.ge [sflag:s29], $0x1  }
0xc2: {  	[sflag:s29] =	ssyncadd.s32 $0xFFFFFFFF  }
0xc3: {  	_ =	strace $0x90000098  }
0xc4: {  	_ =	sfence  }
0xc5: {  	s30 =	sld [smem:$0x0];
	_ =	sdelay $0x2  }
0xc6: {  	s31 =	sshll.u32 s1, $0xD;
	s1 =	sshrl.u32 s1, $0x2  }
0xc7: {  	s4 =	sand.u32 $0x4000, s31;
	s1 =	sadd.s32 s1, s30  }
0xc8: {  	s0 =	sor.u32 s4, s0;
	s1 =	sshll.u32 s1, $0x11  }
0xc9: {  	s0 =	sor.u32 s1, s0  }
0xca: {  	s0 =	sadd.s32 $0x8F2B, s0  }
0xcb: {  	[sflag:s0] =	ssyncadd.remote.s32 $0x1  }
0xcc: {  	_ =	sfence.sel $0xFFFF  }
0xcd: {  	[dreg:$0x0] =	wrdreg $0xFFFFFFFF;
	(pc) =	sbr.abs _section_cstart, $3  }
0xce: {  	[dreg:$0x1] =	wrdreg $0xFFFFFFFF  }
0xcf: {  	_ =	task.clear_ibuf [dreg:s22], $0x2FFFF;
	_ =	strace $0x9FFFFFFF  }
0xd0: {  	(tm) =	ssettm $0x7FFFFFFF  }
0xd1: {  	_ =	shalt  }
tec
execute0_lowered:
.L_overlay_start_1:
0x0: {  	(tag) =	ssettag $0x1  }
0x1: {  	s0 =	srdreg.scid  }
0x2: {  	s20 =	sand.u32 $0x1, s0  }
0x3: {  	s0 =	stileid.u32;
	s1 =	sshll.u32 s20, $0x4  }
0x4: {  	s14 =	sor.u32 s0, s1  }
0x5: {  	s10 =	rddreg [dreg:$0x0];
	s2 =	simm.s32 $0x0;
	s3 =	smul.u32 $0x190, s14  }
0x6: {  	[smem:$0x7FF] =	sst s2;
	s4 =	smul.u32 $0xC80, s14  }
0x7: {  	s5 =	sadd.s32 $0x15200, s10;
	s1 =	rddreg [dreg:$0x1];
	_ =	strace $0x80000090  }
0x8: {  	_ =	strace $0x80000091;
	s3 =	sadd.s32 s5, s3;
	s4 =	sshrl.u32 s4, $0x3  }
0x9: {  	[tilespmem:s2], [sflag:$0x1] =	stream.linear.gather [hbm4b:s3+s2], $0x320, $0x200038;
	[tilespmem:$0x19640] =	vst v63  }
0xa: {  	s16 =	sadd.s32 s5, s4;
	_ =	strace $0x90000091  }
0xb: {  	s5 =	simm.s32 $0x320;
	s4 =	sadd.s32 $0x64, s16;
	_ =	strace $0x80000092  }
0xc: {  	[tilespmem:s5], [sflag:$0x2] =	stream.linear.gather [hbm4b:s4+s2], $0x320, $0x200038;
	[tilespmem:$0x19640] =	vst v63  }
0xd: {  	_ =	strace $0x90000092  }
0xe: {  	s6 =	simm.s32 $0x1;
	_ =	strace $0x80000093  }
0xf: {  	_ =	swait.ge [sflag:s6], $0x320  }
0x10: {  	[sflag:s6] =	ssyncset.done $0x0  }
0x11: {  	[sflag:s6] =	ssyncadd.s32 $0xFFFFFCE0  }
0x12: {  	s8 =	simm.s32 $0x640;
	_ =	strace $0x90000093  }
0x13: {  	s9 =	simm.s32 $0x5;
	s7 =	sadd.s32 $0x22800, s10;
	_ =	strace $0x80000094  }
0x14: {  	[tilespmem:s8], [sflag:$0x5] =	stream.indirect.gather [hbm4b:s7+s5], $0x40, s2, s5, $0x2000b8;
	[tilespmem:$0x19640] =	vst v63  }
0x15: {  	_ =	swait.ge [sflag:s9], $0xC800  }
0x16: {  	[sflag:s9] =	ssyncset.done $0x0  }
0x17: {  	s11 =	smul.u32 $0x6400, s14;
	[sflag:s9] =	ssyncadd.s32 $0xFFFF3800  }
0x18: {  	s15 =	sadd.s32 $0xD42800, s10;
	_ =	strace $0x90000094  }
0x19: {  	s10 =	sadd.s32 s15, s11;
	_ =	strace $0x80000095  }
0x1a: {  	[hbm4b:s10+s2] =	stream.linear.scatter [tilespmem:s8], [sflag:$0x3], $0xC800, $0x200038;
	[tilespmem:$0x19640] =	vst v63  }
0x1b: {  	_ =	strace $0x90000095  }
0x1c: {  	s11 =	sadd.s32 $0xC8, s16;
	_ =	strace $0x80000092  }
0x1d: {  	[tilespmem:s2], [sflag:$0x1] =	stream.linear.gather [hbm4b:s11+s2], $0x320, $0x200038;
	[tilespmem:$0x19640] =	vst v63  }
0x1e: {  	_ =	strace $0x90000092  }
0x1f: {  	s12 =	simm.s32 $0x2;
	_ =	strace $0x80000093  }
0x20: {  	_ =	swait.ge [sflag:s12], $0x320  }
0x21: {  	[sflag:s12] =	ssyncset.done $0x0  }
0x22: {  	[sflag:s12] =	ssyncadd.s32 $0xFFFFFCE0  }
0x23: {  	_ =	strace $0x90000093  }
0x24: {  	s13 =	simm.s32 $0xCE40;
	_ =	strace $0x80000094  }
0x25: {  	[tilespmem:s13], [sflag:$0x5] =	stream.indirect.gather [hbm4b:s7+s5], $0x40, s5, s5, $0x2000b8;
	[tilespmem:$0x19640] =	vst v63  }
0x26: {  	s14 =	smul.u32 $0x32000, s14;
	_ =	swait.ge [sflag:s9], $0xC800  }
0x27: {  	[sflag:s9] =	ssyncset.done $0x0  }
0x28: {  	s14 =	sshrl.u32 s14, $0x3;
	[sflag:s9] =	ssyncadd.s32 $0xFFFF3800  }
0x29: {  	s19 =	sadd.s32 s15, s14;
	_ =	strace $0x90000094  }
0x2a: {  	s14 =	sadd.s32 $0x1900, s19;
	_ =	strace $0x80000095  }
0x2b: {  	[hbm4b:s14+s2] =	stream.linear.scatter [tilespmem:s13], [sflag:$0x4], $0xC800, $0x200038;
	[tilespmem:$0x19640] =	vst v63  }
0x2c: {  	_ =	strace $0x90000095  }
0x2d: {  	s15 =	simm.s32 $0x3;
	_ =	strace $0x80000096  }
0x2e: {  	_ =	swait.ge [sflag:s15], $0xC800  }
0x2f: {  	[sflag:s15] =	ssyncset.done $0x0  }
0x30: {  	[sflag:s15] =	ssyncadd.s32 $0xFFFF3800  }
0x31: {  	_ =	strace $0x90000096  }
0x32: {  	s16 =	sadd.s32 $0x12C, s16;
	_ =	strace $0x80000092  }
0x33: {  	[tilespmem:s5], [sflag:$0x2] =	stream.linear.gather [hbm4b:s16+s2], $0x320, $0x200038;
	[tilespmem:$0x19640] =	vst v63  }
0x34: {  	_ =	strace $0x90000092  }
0x35: {  	_ =	strace $0x80000093  }
0x36: {  	_ =	swait.ge [sflag:s6], $0x320  }
0x37: {  	[sflag:s6] =	ssyncset.done $0x0  }
0x38: {  	[sflag:s6] =	ssyncadd.s32 $0xFFFFFCE0  }
0x39: {  	_ =	strace $0x90000093  }
0x3a: {  	_ =	strace $0x80000094  }
0x3b: {  	[tilespmem:s8], [sflag:$0x5] =	stream.indirect.gather [hbm4b:s7+s5], $0x40, s2, s5, $0x2000b8;
	[tilespmem:$0x19640] =	vst v63  }
0x3c: {  	_ =	swait.ge [sflag:s9], $0xC800  }
0x3d: {  	[sflag:s9] =	ssyncset.done $0x0  }
0x3e: {  	[sflag:s9] =	ssyncadd.s32 $0xFFFF3800  }
0x3f: {  	_ =	strace $0x90000094  }
0x40: {  	s17 =	sadd.s32 $0x3200, s19;
	_ =	strace $0x80000095  }
0x41: {  	[hbm4b:s17+s2] =	stream.linear.scatter [tilespmem:s8], [sflag:$0x3], $0xC800, $0x200038;
	[tilespmem:$0x19640] =	vst v63  }
0x42: {  	_ =	strace $0x90000095  }
0x43: {  	s18 =	simm.s32 $0x4;
	_ =	strace $0x80000096  }
0x44: {  	_ =	swait.ge [sflag:s18], $0xC800  }
0x45: {  	[sflag:s18] =	ssyncset.done $0x0  }
0x46: {  	[sflag:s18] =	ssyncadd.s32 $0xFFFF3800  }
0x47: {  	_ =	strace $0x90000096  }
0x48: {  	_ =	strace $0x80000093  }
0x49: {  	_ =	swait.ge [sflag:s12], $0x320  }
0x4a: {  	[sflag:s12] =	ssyncset.done $0x0  }
0x4b: {  	[sflag:s12] =	ssyncadd.s32 $0xFFFFFCE0  }
0x4c: {  	_ =	strace $0x90000093  }
0x4d: {  	_ =	strace $0x80000094  }
0x4e: {  	[tilespmem:s13], [sflag:$0x5] =	stream.indirect.gather [hbm4b:s7+s5], $0x40, s5, s5, $0x2000b8;
	[tilespmem:$0x19640] =	vst v63  }
0x4f: {  	_ =	swait.ge [sflag:s9], $0xC800  }
0x50: {  	[sflag:s9] =	ssyncset.done $0x0  }
0x51: {  	[sflag:s9] =	ssyncadd.s32 $0xFFFF3800  }
0x52: {  	_ =	strace $0x90000094  }
0x53: {  	s19 =	sadd.s32 $0x4B00, s19;
	_ =	strace $0x80000095  }
0x54: {  	[hbm4b:s19+s2] =	stream.linear.scatter [tilespmem:s13], [sflag:$0x4], $0xC800, $0x200038;
	[tilespmem:$0x19640] =	vst v63  }
0x55: {  	s20 =	ssub.s32 $0x2, s20;
	_ =	strace $0x90000095  }
0x56: {  	s21 =	sshrl.u32 s20, $0x1;
	_ =	strace $0x80000096  }
0x57: {  	s20 =	ssub.s32 s20, s21;
	_ =	swait.ge [sflag:s15], $0xC800  }
0x58: {  	s20 =	smax.u32 s20, $0x1;
	[sflag:s15] =	ssyncset.done $0x0  }
0x59: {  	p0 =	sne.s32 s20, $0x1;
	[sflag:s15] =	ssyncadd.s32 $0xFFFF3800  }
.Ltmp0:
0x5a: {  	_ =	strace $0x90000096;
	(pc) =	sbr.rel @!p0 .LBB2_2-.Ltmp0, $4  }
0x5b: {  	_ =	strace $0x80000097  }
0x5c: {  	_ =	swait.ge [sflag:s18], $0xC800  }
0x5d: {  	[sflag:s18] =	ssyncset.done $0x0  }
0x5e: {  	s20 =	sadd.s32 $0xFFFFFFFF, s20;
	[sflag:s18] =	ssyncadd.s32 $0xFFFF3800  }
.LBB2_1:
0x5f: {  	p0 =	sne.s32 s20, $0x1;
	s20 =	sadd.s32 $0xFFFFFFFF, s20;
	_ =	strace $0x90000097  }
0x60: {  	_ =	strace $0x80000091  }
0x61: {  	[tilespmem:s2], [sflag:$0x1] =	stream.linear.gather [hbm4b:s3+s2], $0x320, $0x200038;
	[tilespmem:$0x19640] =	vst v63  }
0x62: {  	_ =	strace $0x90000091  }
0x63: {  	_ =	strace $0x80000092  }
0x64: {  	[tilespmem:s5], [sflag:$0x2] =	stream.linear.gather [hbm4b:s4+s2], $0x320, $0x200038;
	[tilespmem:$0x19640] =	vst v63  }
0x65: {  	_ =	strace $0x90000092  }
0x66: {  	_ =	strace $0x80000093  }
0x67: {  	_ =	swait.ge [sflag:s6], $0x320  }
0x68: {  	[sflag:s6] =	ssyncset.done $0x0  }
0x69: {  	[sflag:s6] =	ssyncadd.s32 $0xFFFFFCE0  }
0x6a: {  	_ =	strace $0x90000093  }
0x6b: {  	_ =	strace $0x80000094  }
0x6c: {  	[tilespmem:s8], [sflag:$0x5] =	stream.indirect.gather [hbm4b:s7+s5], $0x40, s2, s5, $0x2000b8;
	[tilespmem:$0x19640] =	vst v63  }
0x6d: {  	_ =	swait.ge [sflag:s9], $0xC800  }
0x6e: {  	[sflag:s9] =	ssyncset.done $0x0  }
0x6f: {  	[sflag:s9] =	ssyncadd.s32 $0xFFFF3800  }
0x70: {  	_ =	strace $0x90000094  }
0x71: {  	_ =	strace $0x80000095  }
0x72: {  	[hbm4b:s10+s2] =	stream.linear.scatter [tilespmem:s8], [sflag:$0x3], $0xC800, $0x200038;
	[tilespmem:$0x19640] =	vst v63  }
0x73: {  	_ =	strace $0x90000095  }
0x74: {  	_ =	strace $0x80000092  }
0x75: {  	[tilespmem:s2], [sflag:$0x1] =	stream.linear.gather [hbm4b:s11+s2], $0x320, $0x200038;
	[tilespmem:$0x19640] =	vst v63  }
0x76: {  	_ =	strace $0x90000092  }
0x77: {  	_ =	strace $0x80000093  }
0x78: {  	_ =	swait.ge [sflag:s12], $0x320  }
0x79: {  	[sflag:s12] =	ssyncset.done $0x0  }
0x7a: {  	[sflag:s12] =	ssyncadd.s32 $0xFFFFFCE0  }
0x7b: {  	_ =	strace $0x90000093  }
0x7c: {  	_ =	strace $0x80000094  }
0x7d: {  	[tilespmem:s13], [sflag:$0x5] =	stream.indirect.gather [hbm4b:s7+s5], $0x40, s5, s5, $0x2000b8;
	[tilespmem:$0x19640] =	vst v63  }
0x7e: {  	_ =	swait.ge [sflag:s9], $0xC800  }
0x7f: {  	[sflag:s9] =	ssyncset.done $0x0  }
0x80: {  	[sflag:s9] =	ssyncadd.s32 $0xFFFF3800  }
0x81: {  	_ =	strace $0x90000094  }
0x82: {  	_ =	strace $0x80000095  }
0x83: {  	[hbm4b:s14+s2] =	stream.linear.scatter [tilespmem:s13], [sflag:$0x4], $0xC800, $0x200038;
	[tilespmem:$0x19640] =	vst v63  }
0x84: {  	_ =	strace $0x90000095  }
0x85: {  	_ =	strace $0x80000096  }
0x86: {  	_ =	swait.ge [sflag:s15], $0xC800  }
0x87: {  	[sflag:s15] =	ssyncset.done $0x0  }
0x88: {  	[sflag:s15] =	ssyncadd.s32 $0xFFFF3800  }
0x89: {  	_ =	strace $0x90000096  }
0x8a: {  	_ =	strace $0x80000092  }
0x8b: {  	[tilespmem:s5], [sflag:$0x2] =	stream.linear.gather [hbm4b:s16+s2], $0x320, $0x200038;
	[tilespmem:$0x19640] =	vst v63  }
0x8c: {  	_ =	strace $0x90000092  }
0x8d: {  	_ =	strace $0x80000093  }
0x8e: {  	_ =	swait.ge [sflag:s6], $0x320  }
0x8f: {  	[sflag:s6] =	ssyncset.done $0x0  }
0x90: {  	[sflag:s6] =	ssyncadd.s32 $0xFFFFFCE0  }
0x91: {  	_ =	strace $0x90000093  }
0x92: {  	_ =	strace $0x80000094  }
0x93: {  	[tilespmem:s8], [sflag:$0x5] =	stream.indirect.gather [hbm4b:s7+s5], $0x40, s2, s5, $0x2000b8;
	[tilespmem:$0x19640] =	vst v63  }
0x94: {  	_ =	swait.ge [sflag:s9], $0xC800  }
0x95: {  	[sflag:s9] =	ssyncset.done $0x0  }
0x96: {  	[sflag:s9] =	ssyncadd.s32 $0xFFFF3800  }
0x97: {  	_ =	strace $0x90000094  }
0x98: {  	_ =	strace $0x80000095  }
0x99: {  	[hbm4b:s17+s2] =	stream.linear.scatter [tilespmem:s8], [sflag:$0x3], $0xC800, $0x200038;
	[tilespmem:$0x19640] =	vst v63  }
0x9a: {  	_ =	strace $0x90000095  }
0x9b: {  	_ =	strace $0x80000096  }
0x9c: {  	_ =	swait.ge [sflag:s18], $0xC800  }
0x9d: {  	[sflag:s18] =	ssyncset.done $0x0  }
0x9e: {  	[sflag:s18] =	ssyncadd.s32 $0xFFFF3800  }
0x9f: {  	_ =	strace $0x90000096  }
0xa0: {  	_ =	strace $0x80000093  }
0xa1: {  	_ =	swait.ge [sflag:s12], $0x320  }
0xa2: {  	[sflag:s12] =	ssyncset.done $0x0  }
0xa3: {  	[sflag:s12] =	ssyncadd.s32 $0xFFFFFCE0  }
0xa4: {  	_ =	strace $0x90000093  }
0xa5: {  	_ =	strace $0x80000094  }
0xa6: {  	[tilespmem:s13], [sflag:$0x5] =	stream.indirect.gather [hbm4b:s7+s5], $0x40, s5, s5, $0x2000b8;
	[tilespmem:$0x19640] =	vst v63  }
0xa7: {  	_ =	swait.ge [sflag:s9], $0xC800  }
0xa8: {  	[sflag:s9] =	ssyncset.done $0x0  }
0xa9: {  	[sflag:s9] =	ssyncadd.s32 $0xFFFF3800  }
0xaa: {  	_ =	strace $0x90000094  }
0xab: {  	_ =	strace $0x80000095  }
0xac: {  	[hbm4b:s19+s2] =	stream.linear.scatter [tilespmem:s13], [sflag:$0x4], $0xC800, $0x200038;
	[tilespmem:$0x19640] =	vst v63  }
0xad: {  	_ =	strace $0x90000095  }
0xae: {  	_ =	strace $0x80000096  }
0xaf: {  	_ =	swait.ge [sflag:s15], $0xC800  }
0xb0: {  	[sflag:s15] =	ssyncset.done $0x0  }
0xb1: {  	[sflag:s15] =	ssyncadd.s32 $0xFFFF3800  }
.Ltmp1:
0xb2: {  	_ =	strace $0x90000096;
	(pc) =	sbr.rel @p0 .LBB2_1-.Ltmp1, $4  }
0xb3: {  	_ =	strace $0x80000097  }
0xb4: {  	_ =	swait.ge [sflag:s18], $0xC800  }
0xb5: {  	[sflag:s18] =	ssyncset.done $0x0  }
0xb6: {  	[sflag:s18] =	ssyncadd.s32 $0xFFFF3800  }
.LBB2_2:
0xb7: {  	_ =	strace $0x90000097  }
0xb8: {  	_ =	sfence.sel $0x180000  }
0xb9: {  	[bflag:$0x0] =	sbarrier.arrive $0xFFFF  }
0xba: {  	p0 =	sne.s32 s0, $0x0;
	_ =	strace $0x90000090  }
0xbb: {  	s0 =	sadd.s32 @!p0 $0x100000, s1;
	[bflag:$0x2] =	sbarrier.arrive $0xFFFF  }
0xbc: {  	[sflag:s0] =	ssyncadd.tile.s32 @!p0 $0x1;
	_ =	shalt  }
.Lfunc_end2:
_tile_overlayer_lowered:
.L_overlay_start_2:
0xbd: {  	(tag) =	ssettag $0x2  }
0xbe: {  	s0 =	rddreg [dreg:$0x0];
	s2 =	stileid.u32  }
0xbf: {  	s1 =	rddreg [dreg:$0x1];
	p0 =	sne.s32 s2, $0x0  }
0xc0: {  	s3 =	rddreg [dreg:$0x2];
	[bflag:$0x3] =	sbarrier.arrive $0xFFFF;
	s2 =	simm.s32 @!p0 $0x1C01  }
0xc1: {  	[timem:s3], [sflag:s2] =	dma.local @!p0 [hbm:s0], s1  }
0xc2: {  	s0 =	simm.s32 @!p0 $0x1  }
0xc3: {  	_ =	swait.ge @!p0 [sflag:s0], s1  }
0xc4: {  	s1 =	ssub.s32 @!p0 $0x0, s1;
	[sflag:s0] =	ssyncset.done @!p0 $0x0  }
0xc5: {  	[sflag:s0] =	ssyncadd.s32 @!p0 s1  }
0xc6: {  	[bflag:$0x3] =	sbarrier.arrive $0xFFFF  }
0xc7: {  	_ =	shalt  }

</sc_bundles>
